<compile_context>
chip_gen: v7x
topology: tpu7x:2x2x1
jax: 0.10.2.dev20260603
libtpu: 0.0.44.dev20260713+nightly
codegen_flags: <defaults>
</compile_context>

<pallas_src>
import functools

import jax
import jax.numpy as jnp
from jax.experimental import pallas as pl
from jax.experimental.pallas import tpu as pltpu

RCUT = 1.0
BI = 256
BJ = 128
FAR = 1e6
K = 16
NN = 32

_HI = jax.lax.Precision.HIGHEST


def _desc_kernel(xi_ref, yi_ref, zi_ref, ni_ref, iid_ref,
                 xj_ref, yj_ref, zj_ref, jid_ref, meta_ref,
                 ww_ref, sg_ref, cen_ref, out_ref, a_ref,
                 *, n_tiles, n_feat, s_types):
    f32 = jnp.float32
    s2 = s_types * s_types
    bi = xi_ref.shape[1]

    first = (pl.program_id(0) == 0) & (pl.program_id(1) == 0)

    @pl.when(first)
    def _fit():
        rows = s2 * NN
        ridx = jax.lax.broadcasted_iota(jnp.int32, (rows, 1), 0)
        zrow = ridx // NN
        nrow = ridx - zrow * NN
        th = (nrow.astype(f32) + 0.5) * (jnp.pi / NN)
        dn = (jnp.cos(th) + 1.0) * (0.5 * RCUT)
        sgrow = jnp.zeros((rows, 1), f32)
        wwrow = jnp.zeros((rows, 1), f32)
        cenrow = jnp.zeros((rows, n_feat), f32)
        for z in range(s2):
            mz = (zrow == z).astype(f32)
            sgrow = sgrow + mz * sg_ref[z, 0]
            wwrow = wwrow + mz * ww_ref[z, 0]
            cenrow = cenrow + mz * cen_ref[z, :][None, :]
        arg = sgrow * (dn - cenrow)
        fcn = 0.5 * jnp.cos(dn * (jnp.pi / RCUT)) + 0.5
        ev = wwrow * fcn * jnp.exp(-(arg * arg))
        ki = jax.lax.broadcasted_iota(jnp.int32, (K, NN), 0)
        karr = ki.astype(f32)
        narr = jax.lax.broadcasted_iota(jnp.int32, (K, NN), 1).astype(f32)
        w = (2.0 / NN) * jnp.cos(karr * (narr + 0.5) * (jnp.pi / NN))
        w = w * jnp.where(ki == 0, 0.5, 1.0)
        for z in range(s2):
            ez = ev[z * NN:(z + 1) * NN, :]
            a_ref[z * K:(z + 1) * K, :] = jax.lax.dot_general(
                w, ez, (((1,), (0,)), ((), ())),
                preferred_element_type=f32, precision=_HI)

    xi = xi_ref[0]
    yi = yi_ref[0]
    zi = zi_ref[0]
    ni = ni_ref[0]
    irow = iid_ref[0]

    def jtile(jt, mk):
        sl = pl.ds(jt * BJ, BJ)
        xj = xj_ref[0, :, sl]
        yj = yj_ref[0, :, sl]
        zj = zj_ref[0, :, sl]
        jid = jid_ref[0, :, sl]

        dx = xi - xj
        dy = yi - yj
        dz = zi - zj
        d2 = dx * dx + dy * dy + dz * dz
        d = jnp.minimum(jnp.sqrt(d2), RCUT)
        valid = (d2 <= RCUT * RCUT) & (irow != jid)
        p = valid.astype(f32)

        x = 2.0 * (d / RCUT) - 1.0
        x2 = x + x
        um2 = p
        um1 = p * x
        cols = [jnp.sum(um2, axis=1, keepdims=True),
                jnp.sum(um1, axis=1, keepdims=True)]
        for _ in range(2, K):
            u = x2 * um1 - um2
            cols.append(jnp.sum(u, axis=1, keepdims=True))
            um2, um1 = um1, u
        return mk + jnp.concatenate(cols, axis=1)

    mparts = []
    for t in range(s_types):
        ts = meta_ref[0, 0, 0, t]
        te = meta_ref[0, 0, 0, s_types + t]
        mparts.append(jax.lax.fori_loop(
            ts, te, jtile, jnp.zeros((bi, K), f32)))

    g = jnp.zeros((bi, n_feat), f32)
    for u in range(s_types):
        mu = (ni == u).astype(f32)
        for t in range(s_types):
            az = a_ref[(s_types * u + t) * K:(s_types * u + t + 1) * K, :]
            g = g + mu * jax.lax.dot_general(
                mparts[t], az, (((1,), (0,)), ((), ())),
                preferred_element_type=f32, precision=_HI)
    out_ref[0] = g


def kernel(boxs, numbers, coords, nuww0, sigmas0, centres0):
    b, n = numbers.shape
    s2 = nuww0.shape[0]
    s = int(round(s2 ** 0.5))
    c_feat = centres0.shape[1]
    nt = n // BJ + s
    npad = nt * BJ

    xyz = coords.reshape(b, n, 3)
    x = xyz[:, :, 0]
    y = xyz[:, :, 1]
    z = xyz[:, :, 2]
    nb = numbers.astype(jnp.int32)
    bix = jnp.arange(b)[:, None]

    iord = jnp.argsort(x, axis=1)
    tk = lambda a, o: jnp.take_along_axis(a, o, axis=1)
    xi_s, yi_s, zi_s, ni_s = tk(x, iord), tk(y, iord), tk(z, iord), tk(nb, iord)

    nb_x = tk(nb, iord)
    jord = tk(iord, jnp.argsort(nb_x, axis=1, stable=True))
    ns = tk(nb, jord)
    xsj = tk(x, jord)
    cnt = jnp.sum(nb[:, :, None] == jnp.arange(s)[None, None, :], axis=1)
    tiles_per = (cnt + BJ - 1) // BJ
    toff = jnp.concatenate(
        [jnp.zeros((b, 1), jnp.int32),
         jnp.cumsum(tiles_per[:, :-1], axis=1) * BJ], axis=1)
    cumcnt = jnp.concatenate(
        [jnp.zeros((b, 1), jnp.int32), jnp.cumsum(cnt[:, :-1], axis=1)], axis=1)
    rank = jnp.arange(n)[None, :] - jnp.take_along_axis(cumcnt, ns, axis=1)
    dst = jnp.take_along_axis(toff, ns, axis=1) + rank

    def scatter(vals, fill, dtype):
        out = jnp.full((b, npad), fill, dtype)
        return out.at[bix, dst].set(vals.astype(dtype))

    xp = scatter(xsj, FAR, jnp.float32)
    yp = scatter(tk(y, jord), FAR, jnp.float32)
    zp = scatter(tk(z, jord), FAR, jnp.float32)
    jid = scatter(jord.astype(jnp.int32), -1, jnp.int32)

    nblk = n // BI
    xmin = xi_s[:, ::BI]
    xmax = xi_s[:, BI - 1::BI]
    lo_t, hi_t = [], []
    for t in range(s):
        mt = (ns == t)
        lo_cnt = jnp.sum(mt[:, None, :] & (xsj[:, None, :] < (xmin - RCUT)[:, :, None]),
                         axis=2)
        hi_cnt = jnp.sum(mt[:, None, :] & (xsj[:, None, :] <= (xmax + RCUT)[:, :, None]),
                         axis=2)
        lo_t.append((toff[:, t:t + 1] + lo_cnt) // BJ)
        hi_t.append((toff[:, t:t + 1] + hi_cnt + BJ - 1) // BJ)
    meta = jnp.stack(lo_t + hi_t, axis=2).astype(jnp.int32)

    col = lambda a: a[:, :, None]
    row = lambda a: a[:, None, :]

    grid = (b, nblk)
    ispec = pl.BlockSpec((1, BI, 1), lambda bi_, ii: (bi_, ii, 0))
    jspec = pl.BlockSpec((1, 1, npad), lambda bi_, ii: (bi_, 0, 0))
    lspec = pl.BlockSpec((1, 1, 1, 2 * s), lambda bi_, ii: (bi_, ii, 0, 0),
                         memory_space=pltpu.SMEM)
    tspec = pl.BlockSpec((s2, 1), lambda bi_, ii: (0, 0))
    cspec = pl.BlockSpec((s2, c_feat), lambda bi_, ii: (0, 0))
    ospec = pl.BlockSpec((1, BI, c_feat), lambda bi_, ii: (bi_, ii, 0))

    out = pl.pallas_call(
        functools.partial(_desc_kernel, n_tiles=nt, n_feat=c_feat, s_types=s),
        grid=grid,
        in_specs=[ispec, ispec, ispec, ispec, ispec,
                  jspec, jspec, jspec, jspec, lspec,
                  tspec, tspec, cspec],
        out_specs=ospec,
        out_shape=jax.ShapeDtypeStruct((b, n, c_feat), jnp.float32),
        scratch_shapes=[pltpu.VMEM((s2 * K, c_feat), jnp.float32)],
    )(col(xi_s), col(yi_s), col(zi_s), col(ni_s), col(iord.astype(jnp.int32)),
      row(xp), row(yp), row(zp), row(jid), meta[:, :, None, :],
      nuww0[:, None], sigmas0[:, None], centres0)

    inv = jnp.argsort(iord, axis=1)
    return jnp.take_along_axis(out, inv[:, :, None], axis=1)

# --- scband reference (transcript-rebuilt; emitter-appended) ---
"""Pipeline reference for scband-descriptor-3908420239890 (READ-ONLY COPY).

The authoritative reference and input builder live on the scoring server;
editing this copy changes nothing except your own understanding.
"""

import jax, jax.numpy as jnp
import numpy as np

B, N, S, C = 4, 2048, 4, 64
RCUT = 1.0


def setup_inputs(seed: int = 0):
    key = jax.random.key(seed)
    k1, k2, k3 = jax.random.split(key, 3)
    # NaN box triggers the non-periodic neighbor-search branch (torch.isnan(cell).any())
    boxs = jnp.full((B, 9), jnp.nan, dtype=jnp.float32)
    numbers = jax.random.randint(k1, (B, N), 0, S)
    coords = jax.random.normal(k2, (B, N * 3), dtype=jnp.float32)
    # RConv parameters (label_features = S*S = 16)
    nuww0 = jnp.full((S * S,), -0.05, dtype=jnp.float32)
    sigmas0 = jnp.full((S * S,), 4.0, dtype=jnp.float32)
    std = (2.0 / (S * S + C)) ** 0.5  # xavier_normal gain=1
    centres0 = jax.random.normal(k3, (S * S, C), dtype=jnp.float32) * std
    return {"boxs": boxs, "numbers": numbers, "coords": coords,
            "nuww0": nuww0, "sigmas0": sigmas0, "centres0": centres0}


def _neighbors(c):
    # find_neighbors_non_periodic: all ordered pairs (i, j), i != j, |c_i - c_j| <= rc
    d2 = jnp.sum((c[:, None, :] - c[None, :, :]) ** 2, axis=-1)
    d = jnp.sqrt(jnp.maximum(d2, 0.0))
    mask = (d <= RCUT) & (~jnp.eye(c.shape[0], dtype=bool))
    n = c.shape[0]
    rows, cols = jnp.where(mask, size=n * (n - 1), fill_value=0)
    valid = mask[rows, cols]
    return rows, cols, valid


def reference(boxs, numbers, coords, nuww0, sigmas0, centres0):
    zij_table = jnp.arange(S * S).reshape(S, S)
    outs = []
    for b in range(B):
        c = coords[b].reshape(-1, 3)
        rows, cols, valid = _neighbors(c)
        # pair_vec_distances = coords[j] - coords[i]
        vec = c[cols] - c[rows]
        dij = jnp.linalg.norm(vec, axis=1, keepdims=True)  # [M, 1]
        nb = numbers[b]
        zij = zij_table[nb[rows], nb[cols]]  # [M]
        # RConv forward: rij = dij.sum(dim=1, keepdim=True)
        rij = jnp.sum(dij, axis=1, keepdims=True)  # [M, 1]
        ww = nuww0[zij][:, None]
        sgm = sigmas0[zij][:, None]
        cc = centres0[zij]  # [M, C]
        alpha = (rij - cc) * sgm
        phi = ww * jnp.exp(-(alpha ** 2))  # [M, C]
        # cosine cutoff envelope
        fc = 0.5 * jnp.cos(dij * (jnp.pi / RCUT)) + 0.5
        phi = phi * fc
        phi = jnp.where(valid[:, None], phi, 0.0)
        # scatter-add pair features into per-atom descriptor G_i = sum_j phi(r_ij)
        G = jax.ops.segment_sum(phi, rows, num_segments=N)  # [N, C]
        outs.append(G)
    return jnp.stack(outs)  # [B, N, C]

if __name__ == "__main__":
    import jax
    _d = setup_inputs()
    print(jax.jit(kernel)(*tuple(_d.values())))

</pallas_src>

<mosaic_0001>
module attributes {stable_mosaic.version = 14 : i64} {
  func.func @_desc_kernel(%arg0: i32, %arg1: i32, %arg2: memref<1x256x1xf32, #tpu.memory_space<vmem>>, %arg3: memref<1x256x1xf32, #tpu.memory_space<vmem>>, %arg4: memref<1x256x1xf32, #tpu.memory_space<vmem>>, %arg5: memref<1x256x1xi32, #tpu.memory_space<vmem>>, %arg6: memref<1x256x1xi32, #tpu.memory_space<vmem>>, %arg7: memref<1x1x2560xf32, #tpu.memory_space<vmem>>, %arg8: memref<1x1x2560xf32, #tpu.memory_space<vmem>>, %arg9: memref<1x1x2560xf32, #tpu.memory_space<vmem>>, %arg10: memref<1x1x2560xi32, #tpu.memory_space<vmem>>, %arg11: memref<1x1x1x8xi32, #tpu.memory_space<smem>>, %arg12: memref<16x1xf32, #tpu.memory_space<vmem>>, %arg13: memref<16x1xf32, #tpu.memory_space<vmem>>, %arg14: memref<16x64xf32, #tpu.memory_space<vmem>>, %arg15: memref<1x256x64xf32, #tpu.memory_space<vmem>>, %arg16: memref<256x64xf32, #tpu.memory_space<vmem>>) attributes {dimension_semantics = [#tpu.dimension_semantics<arbitrary>, #tpu.dimension_semantics<arbitrary>], iteration_bounds = array<i64: 4, 8>, scalar_prefetch = 0 : i64, scratch_operands = 1 : i64, tpu.core_type = #tpu.core_type<tc>, window_params = [{transform_indices = @transform_0, window_bounds = array<i64: 1, 256, 1>}, {transform_indices = @transform_1, window_bounds = array<i64: 1, 256, 1>}, {transform_indices = @transform_2, window_bounds = array<i64: 1, 256, 1>}, {transform_indices = @transform_3, window_bounds = array<i64: 1, 256, 1>}, {transform_indices = @transform_4, window_bounds = array<i64: 1, 256, 1>}, {transform_indices = @transform_5, window_bounds = array<i64: 1, 1, 2560>}, {transform_indices = @transform_6, window_bounds = array<i64: 1, 1, 2560>}, {transform_indices = @transform_7, window_bounds = array<i64: 1, 1, 2560>}, {transform_indices = @transform_8, window_bounds = array<i64: 1, 1, 2560>}, {transform_indices = @transform_9, window_bounds = array<i64: 1, 1, 1, 8>}, {pipeline_mode = #tpu.pipeline_mode<synchronous>, transform_indices = @transform_10, window_bounds = array<i64: 16, 1>}, {pipeline_mode = #tpu.pipeline_mode<synchronous>, transform_indices = @transform_11, window_bounds = array<i64: 16, 1>}, {pipeline_mode = #tpu.pipeline_mode<synchronous>, transform_indices = @transform_12, window_bounds = array<i64: 16, 64>}, {transform_indices = @transform_13, window_bounds = array<i64: 1, 256, 64>}]} {
    %eq3A = arith.constant 0 : i32
    %eq3A_0 = arith.cmpi eq, %arg0, %eq3A : i32
    %eq3A_1 = arith.constant 0 : i32
    %eq3A_2 = arith.cmpi eq, %arg1, %eq3A_1 : i32
    %and3A = arith.andi %eq3A_0, %eq3A_2 : i1
    %convert_element_type3A = arith.extui %and3A : i1 to i32
    %cond3A = arith.constant 0 : i32
    %cond3A_3 = arith.cmpi ne, %convert_element_type3A, %cond3A : i32
    scf.if %cond3A_3 {
      %iota3A = tpu.iota {dimensions = array<i32: 0>} : vector<512x1xi32>
      %jit3A = arith.constant 32 : i32
      %div3A = vector.broadcast %jit3A : i32 to vector<512x1xi32>
      %div3A_266 = arith.divsi %iota3A, %div3A : vector<512x1xi32>
      %sign3A = arith.constant 0 : i32
      %sign3A_267 = vector.broadcast %sign3A : i32 to vector<512x1xi32>
      %sign3A_268 = arith.cmpi sgt, %iota3A, %sign3A_267 : vector<512x1xi32>
      %sign3A_269 = arith.extui %sign3A_268 : vector<512x1xi1> to vector<512x1xi32>
      %sign3A_270 = arith.constant 0 : i32
      %sign3A_271 = vector.broadcast %sign3A_270 : i32 to vector<512x1xi32>
      %sign3A_272 = arith.cmpi slt, %iota3A, %sign3A_271 : vector<512x1xi32>
      %sign3A_273 = arith.extui %sign3A_272 : vector<512x1xi1> to vector<512x1xi32>
      %sign3A_274 = arith.subi %sign3A_269, %sign3A_273 : vector<512x1xi32>
      %sign3A_275 = arith.constant 0 : i32
      %sign3A_276 = arith.cmpi sgt, %jit3A, %sign3A_275 : i32
      %sign3A_277 = arith.extui %sign3A_276 : i1 to i32
      %sign3A_278 = arith.constant 0 : i32
      %sign3A_279 = arith.cmpi slt, %jit3A, %sign3A_278 : i32
      %sign3A_280 = arith.extui %sign3A_279 : i1 to i32
      %sign3A_281 = arith.subi %sign3A_277, %sign3A_280 : i32
      %ne3A = vector.broadcast %sign3A_281 : i32 to vector<512x1xi32>
      %ne3A_282 = arith.cmpi ne, %sign3A_274, %ne3A : vector<512x1xi32>
      %rem3A = vector.broadcast %jit3A : i32 to vector<512x1xi32>
      %rem3A_283 = arith.remsi %iota3A, %rem3A : vector<512x1xi32>
      %ne3A_284 = arith.constant 0 : i32
      %ne3A_285 = vector.broadcast %ne3A_284 : i32 to vector<512x1xi32>
      %ne3A_286 = arith.cmpi ne, %rem3A_283, %ne3A_285 : vector<512x1xi32>
      %and3A_287 = arith.andi %ne3A_282, %ne3A_286 : vector<512x1xi1>
      %sub3A = arith.constant 1 : i32
      %sub3A_288 = vector.broadcast %sub3A : i32 to vector<512x1xi32>
      %sub3A_289 = arith.subi %div3A_266, %sub3A_288 : vector<512x1xi32>
      %select_n3A = arith.select %and3A_287, %sub3A_289, %div3A_266 : vector<512x1xi1>, vector<512x1xi32>
      %mul3A_290 = arith.constant 32 : i32
      %mul3A_291 = vector.broadcast %mul3A_290 : i32 to vector<512x1xi32>
      %mul3A_292 = arith.muli %select_n3A, %mul3A_291 : vector<512x1xi32>
      %sub3A_293 = arith.subi %iota3A, %mul3A_292 : vector<512x1xi32>
      %convert_element_type3A_294 = arith.sitofp %sub3A_293 : vector<512x1xi32> to vector<512x1xf32>
      %add3A_295 = arith.constant 5.000000e-01 : f32
      %add3A_296 = vector.broadcast %add3A_295 : f32 to vector<512x1xf32>
      %add3A_297 = arith.addf %convert_element_type3A_294, %add3A_296 : vector<512x1xf32>
      %mul3A_298 = arith.constant 0.0981747731 : f32
      %mul3A_299 = vector.broadcast %mul3A_298 : f32 to vector<512x1xf32>
      %mul3A_300 = arith.mulf %add3A_297, %mul3A_299 : vector<512x1xf32>
      %cos3A = math.cos %mul3A_300 : vector<512x1xf32>
      %add3A_301 = arith.constant 1.000000e+00 : f32
      %add3A_302 = vector.broadcast %add3A_301 : f32 to vector<512x1xf32>
      %add3A_303 = arith.addf %cos3A, %add3A_302 : vector<512x1xf32>
      %mul3A_304 = arith.constant 5.000000e-01 : f32
      %mul3A_305 = vector.broadcast %mul3A_304 : f32 to vector<512x1xf32>
      %mul3A_306 = arith.mulf %add3A_303, %mul3A_305 : vector<512x1xf32>
      %broadcast_in_dim3A_307 = arith.constant 0.000000e+00 : f32
      %broadcast_in_dim3A_308 = vector.broadcast %broadcast_in_dim3A_307 : f32 to vector<512x1xf32>
      %broadcast_in_dim3A_309 = arith.constant 0.000000e+00 : f32
      %broadcast_in_dim3A_310 = vector.broadcast %broadcast_in_dim3A_309 : f32 to vector<512x1xf32>
      %broadcast_in_dim3A_311 = arith.constant 0.000000e+00 : f32
      %broadcast_in_dim3A_312 = vector.broadcast %broadcast_in_dim3A_311 : f32 to vector<512x64xf32>
      %eq3A_313 = arith.constant 0 : i32
      %eq3A_314 = vector.broadcast %eq3A_313 : i32 to vector<512x1xi32>
      %eq3A_315 = arith.cmpi eq, %select_n3A, %eq3A_314 : vector<512x1xi32>
      %convert_element_type3A_316 = arith.extui %eq3A_315 : vector<512x1xi1> to vector<512x1xi32>
      %convert_element_type3A_317 = arith.sitofp %convert_element_type3A_316 : vector<512x1xi32> to vector<512x1xf32>
      %get3A_318 = arith.constant 0 : index
      %get3A_319 = arith.constant 0 : index
      %get3A_320 = vector.load %arg13[%get3A_318, %get3A_319] : memref<16x1xf32, #tpu.memory_space<vmem>>, vector<1x1xf32>
      %get3A_321 = vector.extract %get3A_320[0, 0] : f32 from vector<1x1xf32>
      %mul3A_322 = vector.broadcast %get3A_321 : f32 to vector<512x1xf32>
      %mul3A_323 = arith.mulf %convert_element_type3A_317, %mul3A_322 : vector<512x1xf32>
      %add3A_324 = arith.addf %broadcast_in_dim3A_308, %mul3A_323 : vector<512x1xf32>
      %get3A_325 = arith.constant 0 : index
      %get3A_326 = arith.constant 0 : index
      %get3A_327 = vector.load %arg12[%get3A_325, %get3A_326] : memref<16x1xf32, #tpu.memory_space<vmem>>, vector<1x1xf32>
      %get3A_328 = vector.extract %get3A_327[0, 0] : f32 from vector<1x1xf32>
      %mul3A_329 = vector.broadcast %get3A_328 : f32 to vector<512x1xf32>
      %mul3A_330 = arith.mulf %convert_element_type3A_317, %mul3A_329 : vector<512x1xf32>
      %add3A_331 = arith.addf %broadcast_in_dim3A_310, %mul3A_330 : vector<512x1xf32>
      %get3A_332 = arith.constant 0 : index
      %get3A_333 = arith.constant 0 : index
      %get3A_334 = vector.load %arg14[%get3A_332, %get3A_333] : memref<16x64xf32, #tpu.memory_space<vmem>>, vector<1x64xf32>
      %get3A_335 = vector.shape_cast %get3A_334 : vector<1x64xf32> to vector<64xf32>
      %broadcast_in_dim3A_336 = vector.shape_cast %get3A_335 : vector<64xf32> to vector<1x64xf32>
      %mul3A_337 = vector.broadcast %convert_element_type3A_317 : vector<512x1xf32> to vector<512x64xf32>
      %mul3A_338 = vector.broadcast %broadcast_in_dim3A_336 : vector<1x64xf32> to vector<512x64xf32>
      %mul3A_339 = arith.mulf %mul3A_337, %mul3A_338 : vector<512x64xf32>
      %add3A_340 = arith.addf %broadcast_in_dim3A_312, %mul3A_339 : vector<512x64xf32>
      %eq3A_341 = arith.constant 1 : i32
      %eq3A_342 = vector.broadcast %eq3A_341 : i32 to vector<512x1xi32>
      %eq3A_343 = arith.cmpi eq, %select_n3A, %eq3A_342 : vector<512x1xi32>
      %convert_element_type3A_344 = arith.extui %eq3A_343 : vector<512x1xi1> to vector<512x1xi32>
      %convert_element_type3A_345 = arith.sitofp %convert_element_type3A_344 : vector<512x1xi32> to vector<512x1xf32>
      %get3A_346 = arith.constant 1 : index
      %get3A_347 = arith.constant 0 : index
      %get3A_348 = vector.load %arg13[%get3A_346, %get3A_347] : memref<16x1xf32, #tpu.memory_space<vmem>>, vector<1x1xf32>
      %get3A_349 = vector.extract %get3A_348[0, 0] : f32 from vector<1x1xf32>
      %mul3A_350 = vector.broadcast %get3A_349 : f32 to vector<512x1xf32>
      %mul3A_351 = arith.mulf %convert_element_type3A_345, %mul3A_350 : vector<512x1xf32>
      %add3A_352 = arith.addf %add3A_324, %mul3A_351 : vector<512x1xf32>
      %get3A_353 = arith.constant 1 : index
      %get3A_354 = arith.constant 0 : index
      %get3A_355 = vector.load %arg12[%get3A_353, %get3A_354] : memref<16x1xf32, #tpu.memory_space<vmem>>, vector<1x1xf32>
      %get3A_356 = vector.extract %get3A_355[0, 0] : f32 from vector<1x1xf32>
      %mul3A_357 = vector.broadcast %get3A_356 : f32 to vector<512x1xf32>
      %mul3A_358 = arith.mulf %convert_element_type3A_345, %mul3A_357 : vector<512x1xf32>
      %add3A_359 = arith.addf %add3A_331, %mul3A_358 : vector<512x1xf32>
      %get3A_360 = arith.constant 1 : index
      %get3A_361 = arith.constant 0 : index
      %get3A_362 = vector.load %arg14[%get3A_360, %get3A_361] : memref<16x64xf32, #tpu.memory_space<vmem>>, vector<1x64xf32>
      %get3A_363 = vector.shape_cast %get3A_362 : vector<1x64xf32> to vector<64xf32>
      %broadcast_in_dim3A_364 = vector.shape_cast %get3A_363 : vector<64xf32> to vector<1x64xf32>
      %mul3A_365 = vector.broadcast %convert_element_type3A_345 : vector<512x1xf32> to vector<512x64xf32>
      %mul3A_366 = vector.broadcast %broadcast_in_dim3A_364 : vector<1x64xf32> to vector<512x64xf32>
      %mul3A_367 = arith.mulf %mul3A_365, %mul3A_366 : vector<512x64xf32>
      %add3A_368 = arith.addf %add3A_340, %mul3A_367 : vector<512x64xf32>
      %eq3A_369 = arith.constant 2 : i32
      %eq3A_370 = vector.broadcast %eq3A_369 : i32 to vector<512x1xi32>
      %eq3A_371 = arith.cmpi eq, %select_n3A, %eq3A_370 : vector<512x1xi32>
      %convert_element_type3A_372 = arith.extui %eq3A_371 : vector<512x1xi1> to vector<512x1xi32>
      %convert_element_type3A_373 = arith.sitofp %convert_element_type3A_372 : vector<512x1xi32> to vector<512x1xf32>
      %get3A_374 = arith.constant 2 : index
      %get3A_375 = arith.constant 0 : index
      %get3A_376 = vector.load %arg13[%get3A_374, %get3A_375] : memref<16x1xf32, #tpu.memory_space<vmem>>, vector<1x1xf32>
      %get3A_377 = vector.extract %get3A_376[0, 0] : f32 from vector<1x1xf32>
      %mul3A_378 = vector.broadcast %get3A_377 : f32 to vector<512x1xf32>
      %mul3A_379 = arith.mulf %convert_element_type3A_373, %mul3A_378 : vector<512x1xf32>
      %add3A_380 = arith.addf %add3A_352, %mul3A_379 : vector<512x1xf32>
      %get3A_381 = arith.constant 2 : index
      %get3A_382 = arith.constant 0 : index
      %get3A_383 = vector.load %arg12[%get3A_381, %get3A_382] : memref<16x1xf32, #tpu.memory_space<vmem>>, vector<1x1xf32>
      %get3A_384 = vector.extract %get3A_383[0, 0] : f32 from vector<1x1xf32>
      %mul3A_385 = vector.broadcast %get3A_384 : f32 to vector<512x1xf32>
      %mul3A_386 = arith.mulf %convert_element_type3A_373, %mul3A_385 : vector<512x1xf32>
      %add3A_387 = arith.addf %add3A_359, %mul3A_386 : vector<512x1xf32>
      %get3A_388 = arith.constant 2 : index
      %get3A_389 = arith.constant 0 : index
      %get3A_390 = vector.load %arg14[%get3A_388, %get3A_389] : memref<16x64xf32, #tpu.memory_space<vmem>>, vector<1x64xf32>
      %get3A_391 = vector.shape_cast %get3A_390 : vector<1x64xf32> to vector<64xf32>
      %broadcast_in_dim3A_392 = vector.shape_cast %get3A_391 : vector<64xf32> to vector<1x64xf32>
      %mul3A_393 = vector.broadcast %convert_element_type3A_373 : vector<512x1xf32> to vector<512x64xf32>
      %mul3A_394 = vector.broadcast %broadcast_in_dim3A_392 : vector<1x64xf32> to vector<512x64xf32>
      %mul3A_395 = arith.mulf %mul3A_393, %mul3A_394 : vector<512x64xf32>
      %add3A_396 = arith.addf %add3A_368, %mul3A_395 : vector<512x64xf32>
      %eq3A_397 = arith.constant 3 : i32
      %eq3A_398 = vector.broadcast %eq3A_397 : i32 to vector<512x1xi32>
      %eq3A_399 = arith.cmpi eq, %select_n3A, %eq3A_398 : vector<512x1xi32>
      %convert_element_type3A_400 = arith.extui %eq3A_399 : vector<512x1xi1> to vector<512x1xi32>
      %convert_element_type3A_401 = arith.sitofp %convert_element_type3A_400 : vector<512x1xi32> to vector<512x1xf32>
      %get3A_402 = arith.constant 3 : index
      %get3A_403 = arith.constant 0 : index
      %get3A_404 = vector.load %arg13[%get3A_402, %get3A_403] : memref<16x1xf32, #tpu.memory_space<vmem>>, vector<1x1xf32>
      %get3A_405 = vector.extract %get3A_404[0, 0] : f32 from vector<1x1xf32>
      %mul3A_406 = vector.broadcast %get3A_405 : f32 to vector<512x1xf32>
      %mul3A_407 = arith.mulf %convert_element_type3A_401, %mul3A_406 : vector<512x1xf32>
      %add3A_408 = arith.addf %add3A_380, %mul3A_407 : vector<512x1xf32>
      %get3A_409 = arith.constant 3 : index
      %get3A_410 = arith.constant 0 : index
      %get3A_411 = vector.load %arg12[%get3A_409, %get3A_410] : memref<16x1xf32, #tpu.memory_space<vmem>>, vector<1x1xf32>
      %get3A_412 = vector.extract %get3A_411[0, 0] : f32 from vector<1x1xf32>
      %mul3A_413 = vector.broadcast %get3A_412 : f32 to vector<512x1xf32>
      %mul3A_414 = arith.mulf %convert_element_type3A_401, %mul3A_413 : vector<512x1xf32>
      %add3A_415 = arith.addf %add3A_387, %mul3A_414 : vector<512x1xf32>
      %get3A_416 = arith.constant 3 : index
      %get3A_417 = arith.constant 0 : index
      %get3A_418 = vector.load %arg14[%get3A_416, %get3A_417] : memref<16x64xf32, #tpu.memory_space<vmem>>, vector<1x64xf32>
      %get3A_419 = vector.shape_cast %get3A_418 : vector<1x64xf32> to vector<64xf32>
      %broadcast_in_dim3A_420 = vector.shape_cast %get3A_419 : vector<64xf32> to vector<1x64xf32>
      %mul3A_421 = vector.broadcast %convert_element_type3A_401 : vector<512x1xf32> to vector<512x64xf32>
      %mul3A_422 = vector.broadcast %broadcast_in_dim3A_420 : vector<1x64xf32> to vector<512x64xf32>
      %mul3A_423 = arith.mulf %mul3A_421, %mul3A_422 : vector<512x64xf32>
      %add3A_424 = arith.addf %add3A_396, %mul3A_423 : vector<512x64xf32>
      %eq3A_425 = arith.constant 4 : i32
      %eq3A_426 = vector.broadcast %eq3A_425 : i32 to vector<512x1xi32>
      %eq3A_427 = arith.cmpi eq, %select_n3A, %eq3A_426 : vector<512x1xi32>
      %convert_element_type3A_428 = arith.extui %eq3A_427 : vector<512x1xi1> to vector<512x1xi32>
      %convert_element_type3A_429 = arith.sitofp %convert_element_type3A_428 : vector<512x1xi32> to vector<512x1xf32>
      %get3A_430 = arith.constant 4 : index
      %get3A_431 = arith.constant 0 : index
      %get3A_432 = vector.load %arg13[%get3A_430, %get3A_431] : memref<16x1xf32, #tpu.memory_space<vmem>>, vector<1x1xf32>
      %get3A_433 = vector.extract %get3A_432[0, 0] : f32 from vector<1x1xf32>
      %mul3A_434 = vector.broadcast %get3A_433 : f32 to vector<512x1xf32>
      %mul3A_435 = arith.mulf %convert_element_type3A_429, %mul3A_434 : vector<512x1xf32>
      %add3A_436 = arith.addf %add3A_408, %mul3A_435 : vector<512x1xf32>
      %get3A_437 = arith.constant 4 : index
      %get3A_438 = arith.constant 0 : index
      %get3A_439 = vector.load %arg12[%get3A_437, %get3A_438] : memref<16x1xf32, #tpu.memory_space<vmem>>, vector<1x1xf32>
      %get3A_440 = vector.extract %get3A_439[0, 0] : f32 from vector<1x1xf32>
      %mul3A_441 = vector.broadcast %get3A_440 : f32 to vector<512x1xf32>
      %mul3A_442 = arith.mulf %convert_element_type3A_429, %mul3A_441 : vector<512x1xf32>
      %add3A_443 = arith.addf %add3A_415, %mul3A_442 : vector<512x1xf32>
      %get3A_444 = arith.constant 4 : index
      %get3A_445 = arith.constant 0 : index
      %get3A_446 = vector.load %arg14[%get3A_444, %get3A_445] : memref<16x64xf32, #tpu.memory_space<vmem>>, vector<1x64xf32>
      %get3A_447 = vector.shape_cast %get3A_446 : vector<1x64xf32> to vector<64xf32>
      %broadcast_in_dim3A_448 = vector.shape_cast %get3A_447 : vector<64xf32> to vector<1x64xf32>
      %mul3A_449 = vector.broadcast %convert_element_type3A_429 : vector<512x1xf32> to vector<512x64xf32>
      %mul3A_450 = vector.broadcast %broadcast_in_dim3A_448 : vector<1x64xf32> to vector<512x64xf32>
      %mul3A_451 = arith.mulf %mul3A_449, %mul3A_450 : vector<512x64xf32>
      %add3A_452 = arith.addf %add3A_424, %mul3A_451 : vector<512x64xf32>
      %eq3A_453 = arith.constant 5 : i32
      %eq3A_454 = vector.broadcast %eq3A_453 : i32 to vector<512x1xi32>
      %eq3A_455 = arith.cmpi eq, %select_n3A, %eq3A_454 : vector<512x1xi32>
      %convert_element_type3A_456 = arith.extui %eq3A_455 : vector<512x1xi1> to vector<512x1xi32>
      %convert_element_type3A_457 = arith.sitofp %convert_element_type3A_456 : vector<512x1xi32> to vector<512x1xf32>
      %get3A_458 = arith.constant 5 : index
      %get3A_459 = arith.constant 0 : index
      %get3A_460 = vector.load %arg13[%get3A_458, %get3A_459] : memref<16x1xf32, #tpu.memory_space<vmem>>, vector<1x1xf32>
      %get3A_461 = vector.extract %get3A_460[0, 0] : f32 from vector<1x1xf32>
      %mul3A_462 = vector.broadcast %get3A_461 : f32 to vector<512x1xf32>
      %mul3A_463 = arith.mulf %convert_element_type3A_457, %mul3A_462 : vector<512x1xf32>
      %add3A_464 = arith.addf %add3A_436, %mul3A_463 : vector<512x1xf32>
      %get3A_465 = arith.constant 5 : index
      %get3A_466 = arith.constant 0 : index
      %get3A_467 = vector.load %arg12[%get3A_465, %get3A_466] : memref<16x1xf32, #tpu.memory_space<vmem>>, vector<1x1xf32>
      %get3A_468 = vector.extract %get3A_467[0, 0] : f32 from vector<1x1xf32>
      %mul3A_469 = vector.broadcast %get3A_468 : f32 to vector<512x1xf32>
      %mul3A_470 = arith.mulf %convert_element_type3A_457, %mul3A_469 : vector<512x1xf32>
      %add3A_471 = arith.addf %add3A_443, %mul3A_470 : vector<512x1xf32>
      %get3A_472 = arith.constant 5 : index
      %get3A_473 = arith.constant 0 : index
      %get3A_474 = vector.load %arg14[%get3A_472, %get3A_473] : memref<16x64xf32, #tpu.memory_space<vmem>>, vector<1x64xf32>
      %get3A_475 = vector.shape_cast %get3A_474 : vector<1x64xf32> to vector<64xf32>
      %broadcast_in_dim3A_476 = vector.shape_cast %get3A_475 : vector<64xf32> to vector<1x64xf32>
      %mul3A_477 = vector.broadcast %convert_element_type3A_457 : vector<512x1xf32> to vector<512x64xf32>
      %mul3A_478 = vector.broadcast %broadcast_in_dim3A_476 : vector<1x64xf32> to vector<512x64xf32>
      %mul3A_479 = arith.mulf %mul3A_477, %mul3A_478 : vector<512x64xf32>
      %add3A_480 = arith.addf %add3A_452, %mul3A_479 : vector<512x64xf32>
      %eq3A_481 = arith.constant 6 : i32
      %eq3A_482 = vector.broadcast %eq3A_481 : i32 to vector<512x1xi32>
      %eq3A_483 = arith.cmpi eq, %select_n3A, %eq3A_482 : vector<512x1xi32>
      %convert_element_type3A_484 = arith.extui %eq3A_483 : vector<512x1xi1> to vector<512x1xi32>
      %convert_element_type3A_485 = arith.sitofp %convert_element_type3A_484 : vector<512x1xi32> to vector<512x1xf32>
      %get3A_486 = arith.constant 6 : index
      %get3A_487 = arith.constant 0 : index
      %get3A_488 = vector.load %arg13[%get3A_486, %get3A_487] : memref<16x1xf32, #tpu.memory_space<vmem>>, vector<1x1xf32>
      %get3A_489 = vector.extract %get3A_488[0, 0] : f32 from vector<1x1xf32>
      %mul3A_490 = vector.broadcast %get3A_489 : f32 to vector<512x1xf32>
      %mul3A_491 = arith.mulf %convert_element_type3A_485, %mul3A_490 : vector<512x1xf32>
      %add3A_492 = arith.addf %add3A_464, %mul3A_491 : vector<512x1xf32>
      %get3A_493 = arith.constant 6 : index
      %get3A_494 = arith.constant 0 : index
      %get3A_495 = vector.load %arg12[%get3A_493, %get3A_494] : memref<16x1xf32, #tpu.memory_space<vmem>>, vector<1x1xf32>
      %get3A_496 = vector.extract %get3A_495[0, 0] : f32 from vector<1x1xf32>
      %mul3A_497 = vector.broadcast %get3A_496 : f32 to vector<512x1xf32>
      %mul3A_498 = arith.mulf %convert_element_type3A_485, %mul3A_497 : vector<512x1xf32>
      %add3A_499 = arith.addf %add3A_471, %mul3A_498 : vector<512x1xf32>
      %get3A_500 = arith.constant 6 : index
      %get3A_501 = arith.constant 0 : index
      %get3A_502 = vector.load %arg14[%get3A_500, %get3A_501] : memref<16x64xf32, #tpu.memory_space<vmem>>, vector<1x64xf32>
      %get3A_503 = vector.shape_cast %get3A_502 : vector<1x64xf32> to vector<64xf32>
      %broadcast_in_dim3A_504 = vector.shape_cast %get3A_503 : vector<64xf32> to vector<1x64xf32>
      %mul3A_505 = vector.broadcast %convert_element_type3A_485 : vector<512x1xf32> to vector<512x64xf32>
      %mul3A_506 = vector.broadcast %broadcast_in_dim3A_504 : vector<1x64xf32> to vector<512x64xf32>
      %mul3A_507 = arith.mulf %mul3A_505, %mul3A_506 : vector<512x64xf32>
      %add3A_508 = arith.addf %add3A_480, %mul3A_507 : vector<512x64xf32>
      %eq3A_509 = arith.constant 7 : i32
      %eq3A_510 = vector.broadcast %eq3A_509 : i32 to vector<512x1xi32>
      %eq3A_511 = arith.cmpi eq, %select_n3A, %eq3A_510 : vector<512x1xi32>
      %convert_element_type3A_512 = arith.extui %eq3A_511 : vector<512x1xi1> to vector<512x1xi32>
      %convert_element_type3A_513 = arith.sitofp %convert_element_type3A_512 : vector<512x1xi32> to vector<512x1xf32>
      %get3A_514 = arith.constant 7 : index
      %get3A_515 = arith.constant 0 : index
      %get3A_516 = vector.load %arg13[%get3A_514, %get3A_515] : memref<16x1xf32, #tpu.memory_space<vmem>>, vector<1x1xf32>
      %get3A_517 = vector.extract %get3A_516[0, 0] : f32 from vector<1x1xf32>
      %mul3A_518 = vector.broadcast %get3A_517 : f32 to vector<512x1xf32>
      %mul3A_519 = arith.mulf %convert_element_type3A_513, %mul3A_518 : vector<512x1xf32>
      %add3A_520 = arith.addf %add3A_492, %mul3A_519 : vector<512x1xf32>
      %get3A_521 = arith.constant 7 : index
      %get3A_522 = arith.constant 0 : index
      %get3A_523 = vector.load %arg12[%get3A_521, %get3A_522] : memref<16x1xf32, #tpu.memory_space<vmem>>, vector<1x1xf32>
      %get3A_524 = vector.extract %get3A_523[0, 0] : f32 from vector<1x1xf32>
      %mul3A_525 = vector.broadcast %get3A_524 : f32 to vector<512x1xf32>
      %mul3A_526 = arith.mulf %convert_element_type3A_513, %mul3A_525 : vector<512x1xf32>
      %add3A_527 = arith.addf %add3A_499, %mul3A_526 : vector<512x1xf32>
      %get3A_528 = arith.constant 7 : index
      %get3A_529 = arith.constant 0 : index
      %get3A_530 = vector.load %arg14[%get3A_528, %get3A_529] : memref<16x64xf32, #tpu.memory_space<vmem>>, vector<1x64xf32>
      %get3A_531 = vector.shape_cast %get3A_530 : vector<1x64xf32> to vector<64xf32>
      %broadcast_in_dim3A_532 = vector.shape_cast %get3A_531 : vector<64xf32> to vector<1x64xf32>
      %mul3A_533 = vector.broadcast %convert_element_type3A_513 : vector<512x1xf32> to vector<512x64xf32>
      %mul3A_534 = vector.broadcast %broadcast_in_dim3A_532 : vector<1x64xf32> to vector<512x64xf32>
      %mul3A_535 = arith.mulf %mul3A_533, %mul3A_534 : vector<512x64xf32>
      %add3A_536 = arith.addf %add3A_508, %mul3A_535 : vector<512x64xf32>
      %eq3A_537 = arith.constant 8 : i32
      %eq3A_538 = vector.broadcast %eq3A_537 : i32 to vector<512x1xi32>
      %eq3A_539 = arith.cmpi eq, %select_n3A, %eq3A_538 : vector<512x1xi32>
      %convert_element_type3A_540 = arith.extui %eq3A_539 : vector<512x1xi1> to vector<512x1xi32>
      %convert_element_type3A_541 = arith.sitofp %convert_element_type3A_540 : vector<512x1xi32> to vector<512x1xf32>
      %get3A_542 = arith.constant 8 : index
      %get3A_543 = arith.constant 0 : index
      %get3A_544 = vector.load %arg13[%get3A_542, %get3A_543] : memref<16x1xf32, #tpu.memory_space<vmem>>, vector<1x1xf32>
      %get3A_545 = vector.extract %get3A_544[0, 0] : f32 from vector<1x1xf32>
      %mul3A_546 = vector.broadcast %get3A_545 : f32 to vector<512x1xf32>
      %mul3A_547 = arith.mulf %convert_element_type3A_541, %mul3A_546 : vector<512x1xf32>
      %add3A_548 = arith.addf %add3A_520, %mul3A_547 : vector<512x1xf32>
      %get3A_549 = arith.constant 8 : index
      %get3A_550 = arith.constant 0 : index
      %get3A_551 = vector.load %arg12[%get3A_549, %get3A_550] : memref<16x1xf32, #tpu.memory_space<vmem>>, vector<1x1xf32>
      %get3A_552 = vector.extract %get3A_551[0, 0] : f32 from vector<1x1xf32>
      %mul3A_553 = vector.broadcast %get3A_552 : f32 to vector<512x1xf32>
      %mul3A_554 = arith.mulf %convert_element_type3A_541, %mul3A_553 : vector<512x1xf32>
      %add3A_555 = arith.addf %add3A_527, %mul3A_554 : vector<512x1xf32>
      %get3A_556 = arith.constant 8 : index
      %get3A_557 = arith.constant 0 : index
      %get3A_558 = vector.load %arg14[%get3A_556, %get3A_557] : memref<16x64xf32, #tpu.memory_space<vmem>>, vector<1x64xf32>
      %get3A_559 = vector.shape_cast %get3A_558 : vector<1x64xf32> to vector<64xf32>
      %broadcast_in_dim3A_560 = vector.shape_cast %get3A_559 : vector<64xf32> to vector<1x64xf32>
      %mul3A_561 = vector.broadcast %convert_element_type3A_541 : vector<512x1xf32> to vector<512x64xf32>
      %mul3A_562 = vector.broadcast %broadcast_in_dim3A_560 : vector<1x64xf32> to vector<512x64xf32>
      %mul3A_563 = arith.mulf %mul3A_561, %mul3A_562 : vector<512x64xf32>
      %add3A_564 = arith.addf %add3A_536, %mul3A_563 : vector<512x64xf32>
      %eq3A_565 = arith.constant 9 : i32
      %eq3A_566 = vector.broadcast %eq3A_565 : i32 to vector<512x1xi32>
      %eq3A_567 = arith.cmpi eq, %select_n3A, %eq3A_566 : vector<512x1xi32>
      %convert_element_type3A_568 = arith.extui %eq3A_567 : vector<512x1xi1> to vector<512x1xi32>
      %convert_element_type3A_569 = arith.sitofp %convert_element_type3A_568 : vector<512x1xi32> to vector<512x1xf32>
      %get3A_570 = arith.constant 9 : index
      %get3A_571 = arith.constant 0 : index
      %get3A_572 = vector.load %arg13[%get3A_570, %get3A_571] : memref<16x1xf32, #tpu.memory_space<vmem>>, vector<1x1xf32>
      %get3A_573 = vector.extract %get3A_572[0, 0] : f32 from vector<1x1xf32>
      %mul3A_574 = vector.broadcast %get3A_573 : f32 to vector<512x1xf32>
      %mul3A_575 = arith.mulf %convert_element_type3A_569, %mul3A_574 : vector<512x1xf32>
      %add3A_576 = arith.addf %add3A_548, %mul3A_575 : vector<512x1xf32>
      %get3A_577 = arith.constant 9 : index
      %get3A_578 = arith.constant 0 : index
      %get3A_579 = vector.load %arg12[%get3A_577, %get3A_578] : memref<16x1xf32, #tpu.memory_space<vmem>>, vector<1x1xf32>
      %get3A_580 = vector.extract %get3A_579[0, 0] : f32 from vector<1x1xf32>
      %mul3A_581 = vector.broadcast %get3A_580 : f32 to vector<512x1xf32>
      %mul3A_582 = arith.mulf %convert_element_type3A_569, %mul3A_581 : vector<512x1xf32>
      %add3A_583 = arith.addf %add3A_555, %mul3A_582 : vector<512x1xf32>
      %get3A_584 = arith.constant 9 : index
      %get3A_585 = arith.constant 0 : index
      %get3A_586 = vector.load %arg14[%get3A_584, %get3A_585] : memref<16x64xf32, #tpu.memory_space<vmem>>, vector<1x64xf32>
      %get3A_587 = vector.shape_cast %get3A_586 : vector<1x64xf32> to vector<64xf32>
      %broadcast_in_dim3A_588 = vector.shape_cast %get3A_587 : vector<64xf32> to vector<1x64xf32>
      %mul3A_589 = vector.broadcast %convert_element_type3A_569 : vector<512x1xf32> to vector<512x64xf32>
      %mul3A_590 = vector.broadcast %broadcast_in_dim3A_588 : vector<1x64xf32> to vector<512x64xf32>
      %mul3A_591 = arith.mulf %mul3A_589, %mul3A_590 : vector<512x64xf32>
      %add3A_592 = arith.addf %add3A_564, %mul3A_591 : vector<512x64xf32>
      %eq3A_593 = arith.constant 10 : i32
      %eq3A_594 = vector.broadcast %eq3A_593 : i32 to vector<512x1xi32>
      %eq3A_595 = arith.cmpi eq, %select_n3A, %eq3A_594 : vector<512x1xi32>
      %convert_element_type3A_596 = arith.extui %eq3A_595 : vector<512x1xi1> to vector<512x1xi32>
      %convert_element_type3A_597 = arith.sitofp %convert_element_type3A_596 : vector<512x1xi32> to vector<512x1xf32>
      %get3A_598 = arith.constant 10 : index
      %get3A_599 = arith.constant 0 : index
      %get3A_600 = vector.load %arg13[%get3A_598, %get3A_599] : memref<16x1xf32, #tpu.memory_space<vmem>>, vector<1x1xf32>
      %get3A_601 = vector.extract %get3A_600[0, 0] : f32 from vector<1x1xf32>
      %mul3A_602 = vector.broadcast %get3A_601 : f32 to vector<512x1xf32>
      %mul3A_603 = arith.mulf %convert_element_type3A_597, %mul3A_602 : vector<512x1xf32>
      %add3A_604 = arith.addf %add3A_576, %mul3A_603 : vector<512x1xf32>
      %get3A_605 = arith.constant 10 : index
      %get3A_606 = arith.constant 0 : index
      %get3A_607 = vector.load %arg12[%get3A_605, %get3A_606] : memref<16x1xf32, #tpu.memory_space<vmem>>, vector<1x1xf32>
      %get3A_608 = vector.extract %get3A_607[0, 0] : f32 from vector<1x1xf32>
      %mul3A_609 = vector.broadcast %get3A_608 : f32 to vector<512x1xf32>
      %mul3A_610 = arith.mulf %convert_element_type3A_597, %mul3A_609 : vector<512x1xf32>
      %add3A_611 = arith.addf %add3A_583, %mul3A_610 : vector<512x1xf32>
      %get3A_612 = arith.constant 10 : index
      %get3A_613 = arith.constant 0 : index
      %get3A_614 = vector.load %arg14[%get3A_612, %get3A_613] : memref<16x64xf32, #tpu.memory_space<vmem>>, vector<1x64xf32>
      %get3A_615 = vector.shape_cast %get3A_614 : vector<1x64xf32> to vector<64xf32>
      %broadcast_in_dim3A_616 = vector.shape_cast %get3A_615 : vector<64xf32> to vector<1x64xf32>
      %mul3A_617 = vector.broadcast %convert_element_type3A_597 : vector<512x1xf32> to vector<512x64xf32>
      %mul3A_618 = vector.broadcast %broadcast_in_dim3A_616 : vector<1x64xf32> to vector<512x64xf32>
      %mul3A_619 = arith.mulf %mul3A_617, %mul3A_618 : vector<512x64xf32>
      %add3A_620 = arith.addf %add3A_592, %mul3A_619 : vector<512x64xf32>
      %eq3A_621 = arith.constant 11 : i32
      %eq3A_622 = vector.broadcast %eq3A_621 : i32 to vector<512x1xi32>
      %eq3A_623 = arith.cmpi eq, %select_n3A, %eq3A_622 : vector<512x1xi32>
      %convert_element_type3A_624 = arith.extui %eq3A_623 : vector<512x1xi1> to vector<512x1xi32>
      %convert_element_type3A_625 = arith.sitofp %convert_element_type3A_624 : vector<512x1xi32> to vector<512x1xf32>
      %get3A_626 = arith.constant 11 : index
      %get3A_627 = arith.constant 0 : index
      %get3A_628 = vector.load %arg13[%get3A_626, %get3A_627] : memref<16x1xf32, #tpu.memory_space<vmem>>, vector<1x1xf32>
      %get3A_629 = vector.extract %get3A_628[0, 0] : f32 from vector<1x1xf32>
      %mul3A_630 = vector.broadcast %get3A_629 : f32 to vector<512x1xf32>
      %mul3A_631 = arith.mulf %convert_element_type3A_625, %mul3A_630 : vector<512x1xf32>
      %add3A_632 = arith.addf %add3A_604, %mul3A_631 : vector<512x1xf32>
      %get3A_633 = arith.constant 11 : index
      %get3A_634 = arith.constant 0 : index
      %get3A_635 = vector.load %arg12[%get3A_633, %get3A_634] : memref<16x1xf32, #tpu.memory_space<vmem>>, vector<1x1xf32>
      %get3A_636 = vector.extract %get3A_635[0, 0] : f32 from vector<1x1xf32>
      %mul3A_637 = vector.broadcast %get3A_636 : f32 to vector<512x1xf32>
      %mul3A_638 = arith.mulf %convert_element_type3A_625, %mul3A_637 : vector<512x1xf32>
      %add3A_639 = arith.addf %add3A_611, %mul3A_638 : vector<512x1xf32>
      %get3A_640 = arith.constant 11 : index
      %get3A_641 = arith.constant 0 : index
      %get3A_642 = vector.load %arg14[%get3A_640, %get3A_641] : memref<16x64xf32, #tpu.memory_space<vmem>>, vector<1x64xf32>
      %get3A_643 = vector.shape_cast %get3A_642 : vector<1x64xf32> to vector<64xf32>
      %broadcast_in_dim3A_644 = vector.shape_cast %get3A_643 : vector<64xf32> to vector<1x64xf32>
      %mul3A_645 = vector.broadcast %convert_element_type3A_625 : vector<512x1xf32> to vector<512x64xf32>
      %mul3A_646 = vector.broadcast %broadcast_in_dim3A_644 : vector<1x64xf32> to vector<512x64xf32>
      %mul3A_647 = arith.mulf %mul3A_645, %mul3A_646 : vector<512x64xf32>
      %add3A_648 = arith.addf %add3A_620, %mul3A_647 : vector<512x64xf32>
      %eq3A_649 = arith.constant 12 : i32
      %eq3A_650 = vector.broadcast %eq3A_649 : i32 to vector<512x1xi32>
      %eq3A_651 = arith.cmpi eq, %select_n3A, %eq3A_650 : vector<512x1xi32>
      %convert_element_type3A_652 = arith.extui %eq3A_651 : vector<512x1xi1> to vector<512x1xi32>
      %convert_element_type3A_653 = arith.sitofp %convert_element_type3A_652 : vector<512x1xi32> to vector<512x1xf32>
      %get3A_654 = arith.constant 12 : index
      %get3A_655 = arith.constant 0 : index
      %get3A_656 = vector.load %arg13[%get3A_654, %get3A_655] : memref<16x1xf32, #tpu.memory_space<vmem>>, vector<1x1xf32>
      %get3A_657 = vector.extract %get3A_656[0, 0] : f32 from vector<1x1xf32>
      %mul3A_658 = vector.broadcast %get3A_657 : f32 to vector<512x1xf32>
      %mul3A_659 = arith.mulf %convert_element_type3A_653, %mul3A_658 : vector<512x1xf32>
      %add3A_660 = arith.addf %add3A_632, %mul3A_659 : vector<512x1xf32>
      %get3A_661 = arith.constant 12 : index
      %get3A_662 = arith.constant 0 : index
      %get3A_663 = vector.load %arg12[%get3A_661, %get3A_662] : memref<16x1xf32, #tpu.memory_space<vmem>>, vector<1x1xf32>
      %get3A_664 = vector.extract %get3A_663[0, 0] : f32 from vector<1x1xf32>
      %mul3A_665 = vector.broadcast %get3A_664 : f32 to vector<512x1xf32>
      %mul3A_666 = arith.mulf %convert_element_type3A_653, %mul3A_665 : vector<512x1xf32>
      %add3A_667 = arith.addf %add3A_639, %mul3A_666 : vector<512x1xf32>
      %get3A_668 = arith.constant 12 : index
      %get3A_669 = arith.constant 0 : index
      %get3A_670 = vector.load %arg14[%get3A_668, %get3A_669] : memref<16x64xf32, #tpu.memory_space<vmem>>, vector<1x64xf32>
      %get3A_671 = vector.shape_cast %get3A_670 : vector<1x64xf32> to vector<64xf32>
      %broadcast_in_dim3A_672 = vector.shape_cast %get3A_671 : vector<64xf32> to vector<1x64xf32>
      %mul3A_673 = vector.broadcast %convert_element_type3A_653 : vector<512x1xf32> to vector<512x64xf32>
      %mul3A_674 = vector.broadcast %broadcast_in_dim3A_672 : vector<1x64xf32> to vector<512x64xf32>
      %mul3A_675 = arith.mulf %mul3A_673, %mul3A_674 : vector<512x64xf32>
      %add3A_676 = arith.addf %add3A_648, %mul3A_675 : vector<512x64xf32>
      %eq3A_677 = arith.constant 13 : i32
      %eq3A_678 = vector.broadcast %eq3A_677 : i32 to vector<512x1xi32>
      %eq3A_679 = arith.cmpi eq, %select_n3A, %eq3A_678 : vector<512x1xi32>
      %convert_element_type3A_680 = arith.extui %eq3A_679 : vector<512x1xi1> to vector<512x1xi32>
      %convert_element_type3A_681 = arith.sitofp %convert_element_type3A_680 : vector<512x1xi32> to vector<512x1xf32>
      %get3A_682 = arith.constant 13 : index
      %get3A_683 = arith.constant 0 : index
      %get3A_684 = vector.load %arg13[%get3A_682, %get3A_683] : memref<16x1xf32, #tpu.memory_space<vmem>>, vector<1x1xf32>
      %get3A_685 = vector.extract %get3A_684[0, 0] : f32 from vector<1x1xf32>
      %mul3A_686 = vector.broadcast %get3A_685 : f32 to vector<512x1xf32>
      %mul3A_687 = arith.mulf %convert_element_type3A_681, %mul3A_686 : vector<512x1xf32>
      %add3A_688 = arith.addf %add3A_660, %mul3A_687 : vector<512x1xf32>
      %get3A_689 = arith.constant 13 : index
      %get3A_690 = arith.constant 0 : index
      %get3A_691 = vector.load %arg12[%get3A_689, %get3A_690] : memref<16x1xf32, #tpu.memory_space<vmem>>, vector<1x1xf32>
      %get3A_692 = vector.extract %get3A_691[0, 0] : f32 from vector<1x1xf32>
      %mul3A_693 = vector.broadcast %get3A_692 : f32 to vector<512x1xf32>
      %mul3A_694 = arith.mulf %convert_element_type3A_681, %mul3A_693 : vector<512x1xf32>
      %add3A_695 = arith.addf %add3A_667, %mul3A_694 : vector<512x1xf32>
      %get3A_696 = arith.constant 13 : index
      %get3A_697 = arith.constant 0 : index
      %get3A_698 = vector.load %arg14[%get3A_696, %get3A_697] : memref<16x64xf32, #tpu.memory_space<vmem>>, vector<1x64xf32>
      %get3A_699 = vector.shape_cast %get3A_698 : vector<1x64xf32> to vector<64xf32>
      %broadcast_in_dim3A_700 = vector.shape_cast %get3A_699 : vector<64xf32> to vector<1x64xf32>
      %mul3A_701 = vector.broadcast %convert_element_type3A_681 : vector<512x1xf32> to vector<512x64xf32>
      %mul3A_702 = vector.broadcast %broadcast_in_dim3A_700 : vector<1x64xf32> to vector<512x64xf32>
      %mul3A_703 = arith.mulf %mul3A_701, %mul3A_702 : vector<512x64xf32>
      %add3A_704 = arith.addf %add3A_676, %mul3A_703 : vector<512x64xf32>
      %eq3A_705 = arith.constant 14 : i32
      %eq3A_706 = vector.broadcast %eq3A_705 : i32 to vector<512x1xi32>
      %eq3A_707 = arith.cmpi eq, %select_n3A, %eq3A_706 : vector<512x1xi32>
      %convert_element_type3A_708 = arith.extui %eq3A_707 : vector<512x1xi1> to vector<512x1xi32>
      %convert_element_type3A_709 = arith.sitofp %convert_element_type3A_708 : vector<512x1xi32> to vector<512x1xf32>
      %get3A_710 = arith.constant 14 : index
      %get3A_711 = arith.constant 0 : index
      %get3A_712 = vector.load %arg13[%get3A_710, %get3A_711] : memref<16x1xf32, #tpu.memory_space<vmem>>, vector<1x1xf32>
      %get3A_713 = vector.extract %get3A_712[0, 0] : f32 from vector<1x1xf32>
      %mul3A_714 = vector.broadcast %get3A_713 : f32 to vector<512x1xf32>
      %mul3A_715 = arith.mulf %convert_element_type3A_709, %mul3A_714 : vector<512x1xf32>
      %add3A_716 = arith.addf %add3A_688, %mul3A_715 : vector<512x1xf32>
      %get3A_717 = arith.constant 14 : index
      %get3A_718 = arith.constant 0 : index
      %get3A_719 = vector.load %arg12[%get3A_717, %get3A_718] : memref<16x1xf32, #tpu.memory_space<vmem>>, vector<1x1xf32>
      %get3A_720 = vector.extract %get3A_719[0, 0] : f32 from vector<1x1xf32>
      %mul3A_721 = vector.broadcast %get3A_720 : f32 to vector<512x1xf32>
      %mul3A_722 = arith.mulf %convert_element_type3A_709, %mul3A_721 : vector<512x1xf32>
      %add3A_723 = arith.addf %add3A_695, %mul3A_722 : vector<512x1xf32>
      %get3A_724 = arith.constant 14 : index
      %get3A_725 = arith.constant 0 : index
      %get3A_726 = vector.load %arg14[%get3A_724, %get3A_725] : memref<16x64xf32, #tpu.memory_space<vmem>>, vector<1x64xf32>
      %get3A_727 = vector.shape_cast %get3A_726 : vector<1x64xf32> to vector<64xf32>
      %broadcast_in_dim3A_728 = vector.shape_cast %get3A_727 : vector<64xf32> to vector<1x64xf32>
      %mul3A_729 = vector.broadcast %convert_element_type3A_709 : vector<512x1xf32> to vector<512x64xf32>
      %mul3A_730 = vector.broadcast %broadcast_in_dim3A_728 : vector<1x64xf32> to vector<512x64xf32>
      %mul3A_731 = arith.mulf %mul3A_729, %mul3A_730 : vector<512x64xf32>
      %add3A_732 = arith.addf %add3A_704, %mul3A_731 : vector<512x64xf32>
      %eq3A_733 = arith.constant 15 : i32
      %eq3A_734 = vector.broadcast %eq3A_733 : i32 to vector<512x1xi32>
      %eq3A_735 = arith.cmpi eq, %select_n3A, %eq3A_734 : vector<512x1xi32>
      %convert_element_type3A_736 = arith.extui %eq3A_735 : vector<512x1xi1> to vector<512x1xi32>
      %convert_element_type3A_737 = arith.sitofp %convert_element_type3A_736 : vector<512x1xi32> to vector<512x1xf32>
      %get3A_738 = arith.constant 15 : index
      %get3A_739 = arith.constant 0 : index
      %get3A_740 = vector.load %arg13[%get3A_738, %get3A_739] : memref<16x1xf32, #tpu.memory_space<vmem>>, vector<1x1xf32>
      %get3A_741 = vector.extract %get3A_740[0, 0] : f32 from vector<1x1xf32>
      %mul3A_742 = vector.broadcast %get3A_741 : f32 to vector<512x1xf32>
      %mul3A_743 = arith.mulf %convert_element_type3A_737, %mul3A_742 : vector<512x1xf32>
      %add3A_744 = arith.addf %add3A_716, %mul3A_743 : vector<512x1xf32>
      %get3A_745 = arith.constant 15 : index
      %get3A_746 = arith.constant 0 : index
      %get3A_747 = vector.load %arg12[%get3A_745, %get3A_746] : memref<16x1xf32, #tpu.memory_space<vmem>>, vector<1x1xf32>
      %get3A_748 = vector.extract %get3A_747[0, 0] : f32 from vector<1x1xf32>
      %mul3A_749 = vector.broadcast %get3A_748 : f32 to vector<512x1xf32>
      %mul3A_750 = arith.mulf %convert_element_type3A_737, %mul3A_749 : vector<512x1xf32>
      %add3A_751 = arith.addf %add3A_723, %mul3A_750 : vector<512x1xf32>
      %get3A_752 = arith.constant 15 : index
      %get3A_753 = arith.constant 0 : index
      %get3A_754 = vector.load %arg14[%get3A_752, %get3A_753] : memref<16x64xf32, #tpu.memory_space<vmem>>, vector<1x64xf32>
      %get3A_755 = vector.shape_cast %get3A_754 : vector<1x64xf32> to vector<64xf32>
      %broadcast_in_dim3A_756 = vector.shape_cast %get3A_755 : vector<64xf32> to vector<1x64xf32>
      %mul3A_757 = vector.broadcast %convert_element_type3A_737 : vector<512x1xf32> to vector<512x64xf32>
      %mul3A_758 = vector.broadcast %broadcast_in_dim3A_756 : vector<1x64xf32> to vector<512x64xf32>
      %mul3A_759 = arith.mulf %mul3A_757, %mul3A_758 : vector<512x64xf32>
      %add3A_760 = arith.addf %add3A_732, %mul3A_759 : vector<512x64xf32>
      %sub3A_761 = vector.broadcast %mul3A_306 : vector<512x1xf32> to vector<512x64xf32>
      %sub3A_762 = arith.subf %sub3A_761, %add3A_760 : vector<512x64xf32>
      %mul3A_763 = vector.broadcast %add3A_744 : vector<512x1xf32> to vector<512x64xf32>
      %mul3A_764 = arith.mulf %mul3A_763, %sub3A_762 : vector<512x64xf32>
      %mul3A_765 = arith.constant 3.14159274 : f32
      %mul3A_766 = vector.broadcast %mul3A_765 : f32 to vector<512x1xf32>
      %mul3A_767 = arith.mulf %mul3A_306, %mul3A_766 : vector<512x1xf32>
      %cos3A_768 = math.cos %mul3A_767 : vector<512x1xf32>
      %mul3A_769 = arith.constant 5.000000e-01 : f32
      %mul3A_770 = vector.broadcast %mul3A_769 : f32 to vector<512x1xf32>
      %mul3A_771 = arith.mulf %mul3A_770, %cos3A_768 : vector<512x1xf32>
      %add3A_772 = arith.constant 5.000000e-01 : f32
      %add3A_773 = vector.broadcast %add3A_772 : f32 to vector<512x1xf32>
      %add3A_774 = arith.addf %mul3A_771, %add3A_773 : vector<512x1xf32>
      %mul3A_775 = arith.mulf %add3A_751, %add3A_774 : vector<512x1xf32>
      %mul3A_776 = arith.mulf %mul3A_764, %mul3A_764 : vector<512x64xf32>
      %neg3A = arith.constant 0.000000e+00 : f32
      %neg3A_777 = vector.broadcast %neg3A : f32 to vector<512x64xf32>
      %neg3A_778 = arith.subf %neg3A_777, %mul3A_776 : vector<512x64xf32>
      %exp3A = math.exp %neg3A_778 : vector<512x64xf32>
      %mul3A_779 = vector.broadcast %mul3A_775 : vector<512x1xf32> to vector<512x64xf32>
      %mul3A_780 = arith.mulf %mul3A_779, %exp3A : vector<512x64xf32>
      %iota3A_781 = tpu.iota {dimensions = array<i32: 0>} : vector<16x32xi32>
      %convert_element_type3A_782 = arith.sitofp %iota3A_781 : vector<16x32xi32> to vector<16x32xf32>
      %iota3A_783 = tpu.iota {dimensions = array<i32: 1>} : vector<16x32xi32>
      %convert_element_type3A_784 = arith.sitofp %iota3A_783 : vector<16x32xi32> to vector<16x32xf32>
      %add3A_785 = arith.constant 5.000000e-01 : f32
      %add3A_786 = vector.broadcast %add3A_785 : f32 to vector<16x32xf32>
      %add3A_787 = arith.addf %convert_element_type3A_784, %add3A_786 : vector<16x32xf32>
      %mul3A_788 = arith.mulf %convert_element_type3A_782, %add3A_787 : vector<16x32xf32>
      %mul3A_789 = arith.constant 0.0981747731 : f32
      %mul3A_790 = vector.broadcast %mul3A_789 : f32 to vector<16x32xf32>
      %mul3A_791 = arith.mulf %mul3A_788, %mul3A_790 : vector<16x32xf32>
      %cos3A_792 = math.cos %mul3A_791 : vector<16x32xf32>
      %mul3A_793 = arith.constant 6.250000e-02 : f32
      %mul3A_794 = vector.broadcast %mul3A_793 : f32 to vector<16x32xf32>
      %mul3A_795 = arith.mulf %mul3A_794, %cos3A_792 : vector<16x32xf32>
      %eq3A_796 = arith.constant 0 : i32
      %eq3A_797 = vector.broadcast %eq3A_796 : i32 to vector<16x32xi32>
      %eq3A_798 = arith.cmpi eq, %iota3A_781, %eq3A_797 : vector<16x32xi32>
      %jit3A_799 = arith.constant 5.000000e-01 : f32
      %jit3A_800 = arith.constant 1.000000e+00 : f32
      %broadcast_in_dim3A_801 = vector.broadcast %jit3A_799 : f32 to vector<16x32xf32>
      %broadcast_in_dim3A_802 = vector.broadcast %jit3A_800 : f32 to vector<16x32xf32>
      %select_n3A_803 = arith.select %eq3A_798, %broadcast_in_dim3A_801, %broadcast_in_dim3A_802 : vector<16x32xi1>, vector<16x32xf32>
      %mul3A_804 = arith.mulf %mul3A_795, %select_n3A_803 : vector<16x32xf32>
      %slice3A = vector.extract_strided_slice %mul3A_780 {offsets = [0, 0], sizes = [32, 64], strides = [1, 1]} : vector<512x64xf32> to vector<32x64xf32>
      %dot_general3A_805 = arith.constant dense<0.000000e+00> : vector<16x64xf32>
      %dot_general3A_806 = tpu.matmul %mul3A_804, %slice3A, %dot_general3A_805 {dimension_numbers = #tpu.dot_dimension_numbers<[1], [0], [0], [1], [0, 0, 1, 1], [], []>, precision = #tpu.contract_precision<fp32>, transpose_lhs_hint = false} : vector<16x32xf32>, vector<32x64xf32>, vector<16x64xf32> -> vector<16x64xf32>
      %swap3A_807 = arith.constant 0 : index
      %swap3A_808 = arith.constant 0 : index
      %swap3A_809 = vector.load %arg16[%swap3A_807, %swap3A_808] : memref<256x64xf32, #tpu.memory_space<vmem>>, vector<16x64xf32>
      tpu.vector_store %arg16[%swap3A_807, %swap3A_808], %dot_general3A_806 {strides = array<i32>} : memref<256x64xf32, #tpu.memory_space<vmem>>, vector<16x64xf32>,
      %slice3A_810 = vector.extract_strided_slice %mul3A_780 {offsets = [32, 0], sizes = [32, 64], strides = [1, 1]} : vector<512x64xf32> to vector<32x64xf32>
      %dot_general3A_811 = arith.constant dense<0.000000e+00> : vector<16x64xf32>
      %dot_general3A_812 = tpu.matmul %mul3A_804, %slice3A_810, %dot_general3A_811 {dimension_numbers = #tpu.dot_dimension_numbers<[1], [0], [0], [1], [0, 0, 1, 1], [], []>, precision = #tpu.contract_precision<fp32>, transpose_lhs_hint = false} : vector<16x32xf32>, vector<32x64xf32>, vector<16x64xf32> -> vector<16x64xf32>
      %swap3A_813 = arith.constant 16 : index
      %swap3A_814 = arith.constant 0 : index
      %swap3A_815 = vector.load %arg16[%swap3A_813, %swap3A_814] : memref<256x64xf32, #tpu.memory_space<vmem>>, vector<16x64xf32>
      tpu.vector_store %arg16[%swap3A_813, %swap3A_814], %dot_general3A_812 {strides = array<i32>} : memref<256x64xf32, #tpu.memory_space<vmem>>, vector<16x64xf32>,
      %slice3A_816 = vector.extract_strided_slice %mul3A_780 {offsets = [64, 0], sizes = [32, 64], strides = [1, 1]} : vector<512x64xf32> to vector<32x64xf32>
      %dot_general3A_817 = arith.constant dense<0.000000e+00> : vector<16x64xf32>
      %dot_general3A_818 = tpu.matmul %mul3A_804, %slice3A_816, %dot_general3A_817 {dimension_numbers = #tpu.dot_dimension_numbers<[1], [0], [0], [1], [0, 0, 1, 1], [], []>, precision = #tpu.contract_precision<fp32>, transpose_lhs_hint = false} : vector<16x32xf32>, vector<32x64xf32>, vector<16x64xf32> -> vector<16x64xf32>
      %swap3A_819 = arith.constant 32 : index
      %swap3A_820 = arith.constant 0 : index
      %swap3A_821 = vector.load %arg16[%swap3A_819, %swap3A_820] : memref<256x64xf32, #tpu.memory_space<vmem>>, vector<16x64xf32>
      tpu.vector_store %arg16[%swap3A_819, %swap3A_820], %dot_general3A_818 {strides = array<i32>} : memref<256x64xf32, #tpu.memory_space<vmem>>, vector<16x64xf32>,
      %slice3A_822 = vector.extract_strided_slice %mul3A_780 {offsets = [96, 0], sizes = [32, 64], strides = [1, 1]} : vector<512x64xf32> to vector<32x64xf32>
      %dot_general3A_823 = arith.constant dense<0.000000e+00> : vector<16x64xf32>
      %dot_general3A_824 = tpu.matmul %mul3A_804, %slice3A_822, %dot_general3A_823 {dimension_numbers = #tpu.dot_dimension_numbers<[1], [0], [0], [1], [0, 0, 1, 1], [], []>, precision = #tpu.contract_precision<fp32>, transpose_lhs_hint = false} : vector<16x32xf32>, vector<32x64xf32>, vector<16x64xf32> -> vector<16x64xf32>
      %swap3A_825 = arith.constant 48 : index
      %swap3A_826 = arith.constant 0 : index
      %swap3A_827 = vector.load %arg16[%swap3A_825, %swap3A_826] : memref<256x64xf32, #tpu.memory_space<vmem>>, vector<16x64xf32>
      tpu.vector_store %arg16[%swap3A_825, %swap3A_826], %dot_general3A_824 {strides = array<i32>} : memref<256x64xf32, #tpu.memory_space<vmem>>, vector<16x64xf32>,
      %slice3A_828 = vector.extract_strided_slice %mul3A_780 {offsets = [128, 0], sizes = [32, 64], strides = [1, 1]} : vector<512x64xf32> to vector<32x64xf32>
      %dot_general3A_829 = arith.constant dense<0.000000e+00> : vector<16x64xf32>
      %dot_general3A_830 = tpu.matmul %mul3A_804, %slice3A_828, %dot_general3A_829 {dimension_numbers = #tpu.dot_dimension_numbers<[1], [0], [0], [1], [0, 0, 1, 1], [], []>, precision = #tpu.contract_precision<fp32>, transpose_lhs_hint = false} : vector<16x32xf32>, vector<32x64xf32>, vector<16x64xf32> -> vector<16x64xf32>
      %swap3A_831 = arith.constant 64 : index
      %swap3A_832 = arith.constant 0 : index
      %swap3A_833 = vector.load %arg16[%swap3A_831, %swap3A_832] : memref<256x64xf32, #tpu.memory_space<vmem>>, vector<16x64xf32>
      tpu.vector_store %arg16[%swap3A_831, %swap3A_832], %dot_general3A_830 {strides = array<i32>} : memref<256x64xf32, #tpu.memory_space<vmem>>, vector<16x64xf32>,
      %slice3A_834 = vector.extract_strided_slice %mul3A_780 {offsets = [160, 0], sizes = [32, 64], strides = [1, 1]} : vector<512x64xf32> to vector<32x64xf32>
      %dot_general3A_835 = arith.constant dense<0.000000e+00> : vector<16x64xf32>
      %dot_general3A_836 = tpu.matmul %mul3A_804, %slice3A_834, %dot_general3A_835 {dimension_numbers = #tpu.dot_dimension_numbers<[1], [0], [0], [1], [0, 0, 1, 1], [], []>, precision = #tpu.contract_precision<fp32>, transpose_lhs_hint = false} : vector<16x32xf32>, vector<32x64xf32>, vector<16x64xf32> -> vector<16x64xf32>
      %swap3A_837 = arith.constant 80 : index
      %swap3A_838 = arith.constant 0 : index
      %swap3A_839 = vector.load %arg16[%swap3A_837, %swap3A_838] : memref<256x64xf32, #tpu.memory_space<vmem>>, vector<16x64xf32>
      tpu.vector_store %arg16[%swap3A_837, %swap3A_838], %dot_general3A_836 {strides = array<i32>} : memref<256x64xf32, #tpu.memory_space<vmem>>, vector<16x64xf32>,
      %slice3A_840 = vector.extract_strided_slice %mul3A_780 {offsets = [192, 0], sizes = [32, 64], strides = [1, 1]} : vector<512x64xf32> to vector<32x64xf32>
      %dot_general3A_841 = arith.constant dense<0.000000e+00> : vector<16x64xf32>
      %dot_general3A_842 = tpu.matmul %mul3A_804, %slice3A_840, %dot_general3A_841 {dimension_numbers = #tpu.dot_dimension_numbers<[1], [0], [0], [1], [0, 0, 1, 1], [], []>, precision = #tpu.contract_precision<fp32>, transpose_lhs_hint = false} : vector<16x32xf32>, vector<32x64xf32>, vector<16x64xf32> -> vector<16x64xf32>
      %swap3A_843 = arith.constant 96 : index
      %swap3A_844 = arith.constant 0 : index
      %swap3A_845 = vector.load %arg16[%swap3A_843, %swap3A_844] : memref<256x64xf32, #tpu.memory_space<vmem>>, vector<16x64xf32>
      tpu.vector_store %arg16[%swap3A_843, %swap3A_844], %dot_general3A_842 {strides = array<i32>} : memref<256x64xf32, #tpu.memory_space<vmem>>, vector<16x64xf32>,
      %slice3A_846 = vector.extract_strided_slice %mul3A_780 {offsets = [224, 0], sizes = [32, 64], strides = [1, 1]} : vector<512x64xf32> to vector<32x64xf32>
      %dot_general3A_847 = arith.constant dense<0.000000e+00> : vector<16x64xf32>
      %dot_general3A_848 = tpu.matmul %mul3A_804, %slice3A_846, %dot_general3A_847 {dimension_numbers = #tpu.dot_dimension_numbers<[1], [0], [0], [1], [0, 0, 1, 1], [], []>, precision = #tpu.contract_precision<fp32>, transpose_lhs_hint = false} : vector<16x32xf32>, vector<32x64xf32>, vector<16x64xf32> -> vector<16x64xf32>
      %swap3A_849 = arith.constant 112 : index
      %swap3A_850 = arith.constant 0 : index
      %swap3A_851 = vector.load %arg16[%swap3A_849, %swap3A_850] : memref<256x64xf32, #tpu.memory_space<vmem>>, vector<16x64xf32>
      tpu.vector_store %arg16[%swap3A_849, %swap3A_850], %dot_general3A_848 {strides = array<i32>} : memref<256x64xf32, #tpu.memory_space<vmem>>, vector<16x64xf32>,
      %slice3A_852 = vector.extract_strided_slice %mul3A_780 {offsets = [256, 0], sizes = [32, 64], strides = [1, 1]} : vector<512x64xf32> to vector<32x64xf32>
      %dot_general3A_853 = arith.constant dense<0.000000e+00> : vector<16x64xf32>
      %dot_general3A_854 = tpu.matmul %mul3A_804, %slice3A_852, %dot_general3A_853 {dimension_numbers = #tpu.dot_dimension_numbers<[1], [0], [0], [1], [0, 0, 1, 1], [], []>, precision = #tpu.contract_precision<fp32>, transpose_lhs_hint = false} : vector<16x32xf32>, vector<32x64xf32>, vector<16x64xf32> -> vector<16x64xf32>
      %swap3A_855 = arith.constant 128 : index
      %swap3A_856 = arith.constant 0 : index
      %swap3A_857 = vector.load %arg16[%swap3A_855, %swap3A_856] : memref<256x64xf32, #tpu.memory_space<vmem>>, vector<16x64xf32>
      tpu.vector_store %arg16[%swap3A_855, %swap3A_856], %dot_general3A_854 {strides = array<i32>} : memref<256x64xf32, #tpu.memory_space<vmem>>, vector<16x64xf32>,
      %slice3A_858 = vector.extract_strided_slice %mul3A_780 {offsets = [288, 0], sizes = [32, 64], strides = [1, 1]} : vector<512x64xf32> to vector<32x64xf32>
      %dot_general3A_859 = arith.constant dense<0.000000e+00> : vector<16x64xf32>
      %dot_general3A_860 = tpu.matmul %mul3A_804, %slice3A_858, %dot_general3A_859 {dimension_numbers = #tpu.dot_dimension_numbers<[1], [0], [0], [1], [0, 0, 1, 1], [], []>, precision = #tpu.contract_precision<fp32>, transpose_lhs_hint = false} : vector<16x32xf32>, vector<32x64xf32>, vector<16x64xf32> -> vector<16x64xf32>
      %swap3A_861 = arith.constant 144 : index
      %swap3A_862 = arith.constant 0 : index
      %swap3A_863 = vector.load %arg16[%swap3A_861, %swap3A_862] : memref<256x64xf32, #tpu.memory_space<vmem>>, vector<16x64xf32>
      tpu.vector_store %arg16[%swap3A_861, %swap3A_862], %dot_general3A_860 {strides = array<i32>} : memref<256x64xf32, #tpu.memory_space<vmem>>, vector<16x64xf32>,
      %slice3A_864 = vector.extract_strided_slice %mul3A_780 {offsets = [320, 0], sizes = [32, 64], strides = [1, 1]} : vector<512x64xf32> to vector<32x64xf32>
      %dot_general3A_865 = arith.constant dense<0.000000e+00> : vector<16x64xf32>
      %dot_general3A_866 = tpu.matmul %mul3A_804, %slice3A_864, %dot_general3A_865 {dimension_numbers = #tpu.dot_dimension_numbers<[1], [0], [0], [1], [0, 0, 1, 1], [], []>, precision = #tpu.contract_precision<fp32>, transpose_lhs_hint = false} : vector<16x32xf32>, vector<32x64xf32>, vector<16x64xf32> -> vector<16x64xf32>
      %swap3A_867 = arith.constant 160 : index
      %swap3A_868 = arith.constant 0 : index
      %swap3A_869 = vector.load %arg16[%swap3A_867, %swap3A_868] : memref<256x64xf32, #tpu.memory_space<vmem>>, vector<16x64xf32>
      tpu.vector_store %arg16[%swap3A_867, %swap3A_868], %dot_general3A_866 {strides = array<i32>} : memref<256x64xf32, #tpu.memory_space<vmem>>, vector<16x64xf32>,
      %slice3A_870 = vector.extract_strided_slice %mul3A_780 {offsets = [352, 0], sizes = [32, 64], strides = [1, 1]} : vector<512x64xf32> to vector<32x64xf32>
      %dot_general3A_871 = arith.constant dense<0.000000e+00> : vector<16x64xf32>
      %dot_general3A_872 = tpu.matmul %mul3A_804, %slice3A_870, %dot_general3A_871 {dimension_numbers = #tpu.dot_dimension_numbers<[1], [0], [0], [1], [0, 0, 1, 1], [], []>, precision = #tpu.contract_precision<fp32>, transpose_lhs_hint = false} : vector<16x32xf32>, vector<32x64xf32>, vector<16x64xf32> -> vector<16x64xf32>
      %swap3A_873 = arith.constant 176 : index
      %swap3A_874 = arith.constant 0 : index
      %swap3A_875 = vector.load %arg16[%swap3A_873, %swap3A_874] : memref<256x64xf32, #tpu.memory_space<vmem>>, vector<16x64xf32>
      tpu.vector_store %arg16[%swap3A_873, %swap3A_874], %dot_general3A_872 {strides = array<i32>} : memref<256x64xf32, #tpu.memory_space<vmem>>, vector<16x64xf32>,
      %slice3A_876 = vector.extract_strided_slice %mul3A_780 {offsets = [384, 0], sizes = [32, 64], strides = [1, 1]} : vector<512x64xf32> to vector<32x64xf32>
      %dot_general3A_877 = arith.constant dense<0.000000e+00> : vector<16x64xf32>
      %dot_general3A_878 = tpu.matmul %mul3A_804, %slice3A_876, %dot_general3A_877 {dimension_numbers = #tpu.dot_dimension_numbers<[1], [0], [0], [1], [0, 0, 1, 1], [], []>, precision = #tpu.contract_precision<fp32>, transpose_lhs_hint = false} : vector<16x32xf32>, vector<32x64xf32>, vector<16x64xf32> -> vector<16x64xf32>
      %swap3A_879 = arith.constant 192 : index
      %swap3A_880 = arith.constant 0 : index
      %swap3A_881 = vector.load %arg16[%swap3A_879, %swap3A_880] : memref<256x64xf32, #tpu.memory_space<vmem>>, vector<16x64xf32>
      tpu.vector_store %arg16[%swap3A_879, %swap3A_880], %dot_general3A_878 {strides = array<i32>} : memref<256x64xf32, #tpu.memory_space<vmem>>, vector<16x64xf32>,
      %slice3A_882 = vector.extract_strided_slice %mul3A_780 {offsets = [416, 0], sizes = [32, 64], strides = [1, 1]} : vector<512x64xf32> to vector<32x64xf32>
      %dot_general3A_883 = arith.constant dense<0.000000e+00> : vector<16x64xf32>
      %dot_general3A_884 = tpu.matmul %mul3A_804, %slice3A_882, %dot_general3A_883 {dimension_numbers = #tpu.dot_dimension_numbers<[1], [0], [0], [1], [0, 0, 1, 1], [], []>, precision = #tpu.contract_precision<fp32>, transpose_lhs_hint = false} : vector<16x32xf32>, vector<32x64xf32>, vector<16x64xf32> -> vector<16x64xf32>
      %swap3A_885 = arith.constant 208 : index
      %swap3A_886 = arith.constant 0 : index
      %swap3A_887 = vector.load %arg16[%swap3A_885, %swap3A_886] : memref<256x64xf32, #tpu.memory_space<vmem>>, vector<16x64xf32>
      tpu.vector_store %arg16[%swap3A_885, %swap3A_886], %dot_general3A_884 {strides = array<i32>} : memref<256x64xf32, #tpu.memory_space<vmem>>, vector<16x64xf32>,
      %slice3A_888 = vector.extract_strided_slice %mul3A_780 {offsets = [448, 0], sizes = [32, 64], strides = [1, 1]} : vector<512x64xf32> to vector<32x64xf32>
      %dot_general3A_889 = arith.constant dense<0.000000e+00> : vector<16x64xf32>
      %dot_general3A_890 = tpu.matmul %mul3A_804, %slice3A_888, %dot_general3A_889 {dimension_numbers = #tpu.dot_dimension_numbers<[1], [0], [0], [1], [0, 0, 1, 1], [], []>, precision = #tpu.contract_precision<fp32>, transpose_lhs_hint = false} : vector<16x32xf32>, vector<32x64xf32>, vector<16x64xf32> -> vector<16x64xf32>
      %swap3A_891 = arith.constant 224 : index
      %swap3A_892 = arith.constant 0 : index
      %swap3A_893 = vector.load %arg16[%swap3A_891, %swap3A_892] : memref<256x64xf32, #tpu.memory_space<vmem>>, vector<16x64xf32>
      tpu.vector_store %arg16[%swap3A_891, %swap3A_892], %dot_general3A_890 {strides = array<i32>} : memref<256x64xf32, #tpu.memory_space<vmem>>, vector<16x64xf32>,
      %slice3A_894 = vector.extract_strided_slice %mul3A_780 {offsets = [480, 0], sizes = [32, 64], strides = [1, 1]} : vector<512x64xf32> to vector<32x64xf32>
      %dot_general3A_895 = arith.constant dense<0.000000e+00> : vector<16x64xf32>
      %dot_general3A_896 = tpu.matmul %mul3A_804, %slice3A_894, %dot_general3A_895 {dimension_numbers = #tpu.dot_dimension_numbers<[1], [0], [0], [1], [0, 0, 1, 1], [], []>, precision = #tpu.contract_precision<fp32>, transpose_lhs_hint = false} : vector<16x32xf32>, vector<32x64xf32>, vector<16x64xf32> -> vector<16x64xf32>
      %swap3A_897 = arith.constant 240 : index
      %swap3A_898 = arith.constant 0 : index
      %swap3A_899 = vector.load %arg16[%swap3A_897, %swap3A_898] : memref<256x64xf32, #tpu.memory_space<vmem>>, vector<16x64xf32>
      tpu.vector_store %arg16[%swap3A_897, %swap3A_898], %dot_general3A_896 {strides = array<i32>} : memref<256x64xf32, #tpu.memory_space<vmem>>, vector<16x64xf32>,
    } else {
    }
    %get3A = arith.constant 0 : index
    %get3A_4 = arith.constant 0 : index
    %get3A_5 = arith.constant 0 : index
    %get3A_6 = vector.load %arg2[%get3A, %get3A_4, %get3A_5] : memref<1x256x1xf32, #tpu.memory_space<vmem>>, vector<1x256x1xf32>
    %get3A_7 = vector.shape_cast %get3A_6 : vector<1x256x1xf32> to vector<256x1xf32>
    %get3A_8 = arith.constant 0 : index
    %get3A_9 = arith.constant 0 : index
    %get3A_10 = arith.constant 0 : index
    %get3A_11 = vector.load %arg3[%get3A_8, %get3A_9, %get3A_10] : memref<1x256x1xf32, #tpu.memory_space<vmem>>, vector<1x256x1xf32>
    %get3A_12 = vector.shape_cast %get3A_11 : vector<1x256x1xf32> to vector<256x1xf32>
    %get3A_13 = arith.constant 0 : index
    %get3A_14 = arith.constant 0 : index
    %get3A_15 = arith.constant 0 : index
    %get3A_16 = vector.load %arg4[%get3A_13, %get3A_14, %get3A_15] : memref<1x256x1xf32, #tpu.memory_space<vmem>>, vector<1x256x1xf32>
    %get3A_17 = vector.shape_cast %get3A_16 : vector<1x256x1xf32> to vector<256x1xf32>
    %get3A_18 = arith.constant 0 : index
    %get3A_19 = arith.constant 0 : index
    %get3A_20 = arith.constant 0 : index
    %get3A_21 = vector.load %arg5[%get3A_18, %get3A_19, %get3A_20] : memref<1x256x1xi32, #tpu.memory_space<vmem>>, vector<1x256x1xi32>
    %get3A_22 = vector.shape_cast %get3A_21 : vector<1x256x1xi32> to vector<256x1xi32>
    %get3A_23 = arith.constant 0 : index
    %get3A_24 = arith.constant 0 : index
    %get3A_25 = arith.constant 0 : index
    %get3A_26 = vector.load %arg6[%get3A_23, %get3A_24, %get3A_25] : memref<1x256x1xi32, #tpu.memory_space<vmem>>, vector<1x256x1xi32>
    %get3A_27 = vector.shape_cast %get3A_26 : vector<1x256x1xi32> to vector<256x1xi32>
    %get3A_28 = arith.constant 0 : index
    %get3A_29 = arith.constant 0 : index
    %get3A_30 = arith.constant 0 : index
    %get3A_31 = arith.constant 0 : index
    %get3A_32 = memref.load %arg11[%get3A_28, %get3A_29, %get3A_30, %get3A_31] : memref<1x1x1x8xi32, #tpu.memory_space<smem>>
    %get3A_33 = arith.constant 0 : index
    %get3A_34 = arith.constant 0 : index
    %get3A_35 = arith.constant 0 : index
    %get3A_36 = arith.constant 4 : index
    %get3A_37 = memref.load %arg11[%get3A_33, %get3A_34, %get3A_35, %get3A_36] : memref<1x1x1x8xi32, #tpu.memory_space<smem>>
    %broadcast_in_dim3A = arith.constant 0.000000e+00 : f32
    %broadcast_in_dim3A_38 = vector.broadcast %broadcast_in_dim3A : f32 to vector<256x16xf32>
    %while3A = arith.subi %get3A_37, %get3A_32 : i32
    %while3A_39 = arith.addi %get3A_32, %while3A : i32
    %while3A_40 = arith.constant 1 : i32
    %while3A_41 = arith.divsi %while3A, %while3A_40 : i32
    %while3A_42 = arith.muli %while3A_41, %while3A_40 : i32
    %while3A_43 = arith.addi %get3A_32, %while3A_42 : i32
    %while3A_44 = arith.constant 1 : i32
    %while3A_45 = scf.for %while3A_266 = %get3A_32 to %while3A_43 step %while3A_44 iter_args(%while3A_267 = %broadcast_in_dim3A_38) -> (vector<256x16xf32>)  : i32 {
      %mul3A_268 = arith.constant 128 : i32
      %mul3A_269 = arith.muli %while3A_266, %mul3A_268 : i32
      %get3A_270 = arith.constant 0 : index
      %get3A_271 = arith.constant 0 : index
      %get3A_272 = arith.index_cast %mul3A_269 : i32 to index
      %get3A_273 = vector.load %arg7[%get3A_270, %get3A_271, %get3A_272] : memref<1x1x2560xf32, #tpu.memory_space<vmem>>, vector<1x1x128xf32>
      %get3A_274 = vector.shape_cast %get3A_273 : vector<1x1x128xf32> to vector<1x128xf32>
      %get3A_275 = arith.constant 0 : index
      %get3A_276 = arith.constant 0 : index
      %get3A_277 = arith.index_cast %mul3A_269 : i32 to index
      %get3A_278 = vector.load %arg8[%get3A_275, %get3A_276, %get3A_277] : memref<1x1x2560xf32, #tpu.memory_space<vmem>>, vector<1x1x128xf32>
      %get3A_279 = vector.shape_cast %get3A_278 : vector<1x1x128xf32> to vector<1x128xf32>
      %get3A_280 = arith.constant 0 : index
      %get3A_281 = arith.constant 0 : index
      %get3A_282 = arith.index_cast %mul3A_269 : i32 to index
      %get3A_283 = vector.load %arg9[%get3A_280, %get3A_281, %get3A_282] : memref<1x1x2560xf32, #tpu.memory_space<vmem>>, vector<1x1x128xf32>
      %get3A_284 = vector.shape_cast %get3A_283 : vector<1x1x128xf32> to vector<1x128xf32>
      %get3A_285 = arith.constant 0 : index
      %get3A_286 = arith.constant 0 : index
      %get3A_287 = arith.index_cast %mul3A_269 : i32 to index
      %get3A_288 = vector.load %arg10[%get3A_285, %get3A_286, %get3A_287] : memref<1x1x2560xi32, #tpu.memory_space<vmem>>, vector<1x1x128xi32>
      %get3A_289 = vector.shape_cast %get3A_288 : vector<1x1x128xi32> to vector<1x128xi32>
      %sub3A = vector.broadcast %get3A_7 : vector<256x1xf32> to vector<256x128xf32>
      %sub3A_290 = vector.broadcast %get3A_274 : vector<1x128xf32> to vector<256x128xf32>
      %sub3A_291 = arith.subf %sub3A, %sub3A_290 : vector<256x128xf32>
      %sub3A_292 = vector.broadcast %get3A_12 : vector<256x1xf32> to vector<256x128xf32>
      %sub3A_293 = vector.broadcast %get3A_279 : vector<1x128xf32> to vector<256x128xf32>
      %sub3A_294 = arith.subf %sub3A_292, %sub3A_293 : vector<256x128xf32>
      %sub3A_295 = vector.broadcast %get3A_17 : vector<256x1xf32> to vector<256x128xf32>
      %sub3A_296 = vector.broadcast %get3A_284 : vector<1x128xf32> to vector<256x128xf32>
      %sub3A_297 = arith.subf %sub3A_295, %sub3A_296 : vector<256x128xf32>
      %mul3A_298 = arith.mulf %sub3A_291, %sub3A_291 : vector<256x128xf32>
      %mul3A_299 = arith.mulf %sub3A_294, %sub3A_294 : vector<256x128xf32>
      %add3A_300 = arith.addf %mul3A_298, %mul3A_299 : vector<256x128xf32>
      %mul3A_301 = arith.mulf %sub3A_297, %sub3A_297 : vector<256x128xf32>
      %add3A_302 = arith.addf %add3A_300, %mul3A_301 : vector<256x128xf32>
      %sqrt3A = math.sqrt %add3A_302 : vector<256x128xf32>
      %min3A = arith.constant 1.000000e+00 : f32
      %min3A_303 = vector.broadcast %min3A : f32 to vector<256x128xf32>
      %min3A_304 = arith.minimumf %sqrt3A, %min3A_303 : vector<256x128xf32>
      %le3A = arith.constant 1.000000e+00 : f32
      %le3A_305 = vector.broadcast %le3A : f32 to vector<256x128xf32>
      %le3A_306 = arith.cmpf ole, %add3A_302, %le3A_305 : vector<256x128xf32>
      %ne3A = vector.broadcast %get3A_27 : vector<256x1xi32> to vector<256x128xi32>
      %ne3A_307 = vector.broadcast %get3A_289 : vector<1x128xi32> to vector<256x128xi32>
      %ne3A_308 = arith.cmpi ne, %ne3A, %ne3A_307 : vector<256x128xi32>
      %and3A_309 = arith.andi %le3A_306, %ne3A_308 : vector<256x128xi1>
      %convert_element_type3A_310 = arith.extui %and3A_309 : vector<256x128xi1> to vector<256x128xi32>
      %convert_element_type3A_311 = arith.sitofp %convert_element_type3A_310 : vector<256x128xi32> to vector<256x128xf32>
      %div3A = arith.constant 1.000000e+00 : f32
      %div3A_312 = vector.broadcast %div3A : f32 to vector<256x128xf32>
      %div3A_313 = arith.divf %min3A_304, %div3A_312 : vector<256x128xf32>
      %mul3A_314 = arith.constant 2.000000e+00 : f32
      %mul3A_315 = vector.broadcast %mul3A_314 : f32 to vector<256x128xf32>
      %mul3A_316 = arith.mulf %mul3A_315, %div3A_313 : vector<256x128xf32>
      %sub3A_317 = arith.constant 1.000000e+00 : f32
      %sub3A_318 = vector.broadcast %sub3A_317 : f32 to vector<256x128xf32>
      %sub3A_319 = arith.subf %mul3A_316, %sub3A_318 : vector<256x128xf32>
      %add3A_320 = arith.addf %sub3A_319, %sub3A_319 : vector<256x128xf32>
      %mul3A_321 = arith.mulf %convert_element_type3A_311, %sub3A_319 : vector<256x128xf32>
      %reduce_sum3A = arith.constant dense<0.000000e+00> : vector<256xf32>
      %reduce_sum3A_322 = vector.multi_reduction <add>, %convert_element_type3A_311, %reduce_sum3A [1] : vector<256x128xf32> to vector<256xf32>
      %broadcast_in_dim3A_323 = vector.shape_cast %reduce_sum3A_322 : vector<256xf32> to vector<256x1xf32>
      %reduce_sum3A_324 = arith.constant dense<0.000000e+00> : vector<256xf32>
      %reduce_sum3A_325 = vector.multi_reduction <add>, %mul3A_321, %reduce_sum3A_324 [1] : vector<256x128xf32> to vector<256xf32>
      %broadcast_in_dim3A_326 = vector.shape_cast %reduce_sum3A_325 : vector<256xf32> to vector<256x1xf32>
      %mul3A_327 = arith.mulf %add3A_320, %mul3A_321 : vector<256x128xf32>
      %sub3A_328 = arith.subf %mul3A_327, %convert_element_type3A_311 : vector<256x128xf32>
      %reduce_sum3A_329 = arith.constant dense<0.000000e+00> : vector<256xf32>
      %reduce_sum3A_330 = vector.multi_reduction <add>, %sub3A_328, %reduce_sum3A_329 [1] : vector<256x128xf32> to vector<256xf32>
      %broadcast_in_dim3A_331 = vector.shape_cast %reduce_sum3A_330 : vector<256xf32> to vector<256x1xf32>
      %mul3A_332 = arith.mulf %add3A_320, %sub3A_328 : vector<256x128xf32>
      %sub3A_333 = arith.subf %mul3A_332, %mul3A_321 : vector<256x128xf32>
      %reduce_sum3A_334 = arith.constant dense<0.000000e+00> : vector<256xf32>
      %reduce_sum3A_335 = vector.multi_reduction <add>, %sub3A_333, %reduce_sum3A_334 [1] : vector<256x128xf32> to vector<256xf32>
      %broadcast_in_dim3A_336 = vector.shape_cast %reduce_sum3A_335 : vector<256xf32> to vector<256x1xf32>
      %mul3A_337 = arith.mulf %add3A_320, %sub3A_333 : vector<256x128xf32>
      %sub3A_338 = arith.subf %mul3A_337, %sub3A_328 : vector<256x128xf32>
      %reduce_sum3A_339 = arith.constant dense<0.000000e+00> : vector<256xf32>
      %reduce_sum3A_340 = vector.multi_reduction <add>, %sub3A_338, %reduce_sum3A_339 [1] : vector<256x128xf32> to vector<256xf32>
      %broadcast_in_dim3A_341 = vector.shape_cast %reduce_sum3A_340 : vector<256xf32> to vector<256x1xf32>
      %mul3A_342 = arith.mulf %add3A_320, %sub3A_338 : vector<256x128xf32>
      %sub3A_343 = arith.subf %mul3A_342, %sub3A_333 : vector<256x128xf32>
      %reduce_sum3A_344 = arith.constant dense<0.000000e+00> : vector<256xf32>
      %reduce_sum3A_345 = vector.multi_reduction <add>, %sub3A_343, %reduce_sum3A_344 [1] : vector<256x128xf32> to vector<256xf32>
      %broadcast_in_dim3A_346 = vector.shape_cast %reduce_sum3A_345 : vector<256xf32> to vector<256x1xf32>
      %mul3A_347 = arith.mulf %add3A_320, %sub3A_343 : vector<256x128xf32>
      %sub3A_348 = arith.subf %mul3A_347, %sub3A_338 : vector<256x128xf32>
      %reduce_sum3A_349 = arith.constant dense<0.000000e+00> : vector<256xf32>
      %reduce_sum3A_350 = vector.multi_reduction <add>, %sub3A_348, %reduce_sum3A_349 [1] : vector<256x128xf32> to vector<256xf32>
      %broadcast_in_dim3A_351 = vector.shape_cast %reduce_sum3A_350 : vector<256xf32> to vector<256x1xf32>
      %mul3A_352 = arith.mulf %add3A_320, %sub3A_348 : vector<256x128xf32>
      %sub3A_353 = arith.subf %mul3A_352, %sub3A_343 : vector<256x128xf32>
      %reduce_sum3A_354 = arith.constant dense<0.000000e+00> : vector<256xf32>
      %reduce_sum3A_355 = vector.multi_reduction <add>, %sub3A_353, %reduce_sum3A_354 [1] : vector<256x128xf32> to vector<256xf32>
      %broadcast_in_dim3A_356 = vector.shape_cast %reduce_sum3A_355 : vector<256xf32> to vector<256x1xf32>
      %mul3A_357 = arith.mulf %add3A_320, %sub3A_353 : vector<256x128xf32>
      %sub3A_358 = arith.subf %mul3A_357, %sub3A_348 : vector<256x128xf32>
      %reduce_sum3A_359 = arith.constant dense<0.000000e+00> : vector<256xf32>
      %reduce_sum3A_360 = vector.multi_reduction <add>, %sub3A_358, %reduce_sum3A_359 [1] : vector<256x128xf32> to vector<256xf32>
      %broadcast_in_dim3A_361 = vector.shape_cast %reduce_sum3A_360 : vector<256xf32> to vector<256x1xf32>
      %mul3A_362 = arith.mulf %add3A_320, %sub3A_358 : vector<256x128xf32>
      %sub3A_363 = arith.subf %mul3A_362, %sub3A_353 : vector<256x128xf32>
      %reduce_sum3A_364 = arith.constant dense<0.000000e+00> : vector<256xf32>
      %reduce_sum3A_365 = vector.multi_reduction <add>, %sub3A_363, %reduce_sum3A_364 [1] : vector<256x128xf32> to vector<256xf32>
      %broadcast_in_dim3A_366 = vector.shape_cast %reduce_sum3A_365 : vector<256xf32> to vector<256x1xf32>
      %mul3A_367 = arith.mulf %add3A_320, %sub3A_363 : vector<256x128xf32>
      %sub3A_368 = arith.subf %mul3A_367, %sub3A_358 : vector<256x128xf32>
      %reduce_sum3A_369 = arith.constant dense<0.000000e+00> : vector<256xf32>
      %reduce_sum3A_370 = vector.multi_reduction <add>, %sub3A_368, %reduce_sum3A_369 [1] : vector<256x128xf32> to vector<256xf32>
      %broadcast_in_dim3A_371 = vector.shape_cast %reduce_sum3A_370 : vector<256xf32> to vector<256x1xf32>
      %mul3A_372 = arith.mulf %add3A_320, %sub3A_368 : vector<256x128xf32>
      %sub3A_373 = arith.subf %mul3A_372, %sub3A_363 : vector<256x128xf32>
      %reduce_sum3A_374 = arith.constant dense<0.000000e+00> : vector<256xf32>
      %reduce_sum3A_375 = vector.multi_reduction <add>, %sub3A_373, %reduce_sum3A_374 [1] : vector<256x128xf32> to vector<256xf32>
      %broadcast_in_dim3A_376 = vector.shape_cast %reduce_sum3A_375 : vector<256xf32> to vector<256x1xf32>
      %mul3A_377 = arith.mulf %add3A_320, %sub3A_373 : vector<256x128xf32>
      %sub3A_378 = arith.subf %mul3A_377, %sub3A_368 : vector<256x128xf32>
      %reduce_sum3A_379 = arith.constant dense<0.000000e+00> : vector<256xf32>
      %reduce_sum3A_380 = vector.multi_reduction <add>, %sub3A_378, %reduce_sum3A_379 [1] : vector<256x128xf32> to vector<256xf32>
      %broadcast_in_dim3A_381 = vector.shape_cast %reduce_sum3A_380 : vector<256xf32> to vector<256x1xf32>
      %mul3A_382 = arith.mulf %add3A_320, %sub3A_378 : vector<256x128xf32>
      %sub3A_383 = arith.subf %mul3A_382, %sub3A_373 : vector<256x128xf32>
      %reduce_sum3A_384 = arith.constant dense<0.000000e+00> : vector<256xf32>
      %reduce_sum3A_385 = vector.multi_reduction <add>, %sub3A_383, %reduce_sum3A_384 [1] : vector<256x128xf32> to vector<256xf32>
      %broadcast_in_dim3A_386 = vector.shape_cast %reduce_sum3A_385 : vector<256xf32> to vector<256x1xf32>
      %mul3A_387 = arith.mulf %add3A_320, %sub3A_383 : vector<256x128xf32>
      %sub3A_388 = arith.subf %mul3A_387, %sub3A_378 : vector<256x128xf32>
      %reduce_sum3A_389 = arith.constant dense<0.000000e+00> : vector<256xf32>
      %reduce_sum3A_390 = vector.multi_reduction <add>, %sub3A_388, %reduce_sum3A_389 [1] : vector<256x128xf32> to vector<256xf32>
      %broadcast_in_dim3A_391 = vector.shape_cast %reduce_sum3A_390 : vector<256xf32> to vector<256x1xf32>
      %mul3A_392 = arith.mulf %add3A_320, %sub3A_388 : vector<256x128xf32>
      %sub3A_393 = arith.subf %mul3A_392, %sub3A_383 : vector<256x128xf32>
      %reduce_sum3A_394 = arith.constant dense<0.000000e+00> : vector<256xf32>
      %reduce_sum3A_395 = vector.multi_reduction <add>, %sub3A_393, %reduce_sum3A_394 [1] : vector<256x128xf32> to vector<256xf32>
      %broadcast_in_dim3A_396 = vector.shape_cast %reduce_sum3A_395 : vector<256xf32> to vector<256x1xf32>
      %concatenate3A = tpu.concatenate %broadcast_in_dim3A_323, %broadcast_in_dim3A_326, %broadcast_in_dim3A_331, %broadcast_in_dim3A_336, %broadcast_in_dim3A_341, %broadcast_in_dim3A_346, %broadcast_in_dim3A_351, %broadcast_in_dim3A_356, %broadcast_in_dim3A_361, %broadcast_in_dim3A_366, %broadcast_in_dim3A_371, %broadcast_in_dim3A_376, %broadcast_in_dim3A_381, %broadcast_in_dim3A_386, %broadcast_in_dim3A_391, %broadcast_in_dim3A_396 in 1 : vector<256x1xf32>, vector<256x1xf32>, vector<256x1xf32>, vector<256x1xf32>, vector<256x1xf32>, vector<256x1xf32>, vector<256x1xf32>, vector<256x1xf32>, vector<256x1xf32>, vector<256x1xf32>, vector<256x1xf32>, vector<256x1xf32>, vector<256x1xf32>, vector<256x1xf32>, vector<256x1xf32>, vector<256x1xf32> -> vector<256x16xf32>
      %add3A_397 = arith.addf %while3A_267, %concatenate3A : vector<256x16xf32>
      scf.yield %add3A_397 : vector<256x16xf32>
    }
    %while3A_46 = arith.constant 1 : i32
    %while3A_47 = scf.for %while3A_266 = %while3A_43 to %while3A_39 step %while3A_46 iter_args(%while3A_267 = %while3A_45) -> (vector<256x16xf32>)  : i32 {
      %mul3A_268 = arith.constant 128 : i32
      %mul3A_269 = arith.muli %while3A_266, %mul3A_268 : i32
      %get3A_270 = arith.constant 0 : index
      %get3A_271 = arith.constant 0 : index
      %get3A_272 = arith.index_cast %mul3A_269 : i32 to index
      %get3A_273 = vector.load %arg7[%get3A_270, %get3A_271, %get3A_272] : memref<1x1x2560xf32, #tpu.memory_space<vmem>>, vector<1x1x128xf32>
      %get3A_274 = vector.shape_cast %get3A_273 : vector<1x1x128xf32> to vector<1x128xf32>
      %get3A_275 = arith.constant 0 : index
      %get3A_276 = arith.constant 0 : index
      %get3A_277 = arith.index_cast %mul3A_269 : i32 to index
      %get3A_278 = vector.load %arg8[%get3A_275, %get3A_276, %get3A_277] : memref<1x1x2560xf32, #tpu.memory_space<vmem>>, vector<1x1x128xf32>
      %get3A_279 = vector.shape_cast %get3A_278 : vector<1x1x128xf32> to vector<1x128xf32>
      %get3A_280 = arith.constant 0 : index
      %get3A_281 = arith.constant 0 : index
      %get3A_282 = arith.index_cast %mul3A_269 : i32 to index
      %get3A_283 = vector.load %arg9[%get3A_280, %get3A_281, %get3A_282] : memref<1x1x2560xf32, #tpu.memory_space<vmem>>, vector<1x1x128xf32>
      %get3A_284 = vector.shape_cast %get3A_283 : vector<1x1x128xf32> to vector<1x128xf32>
      %get3A_285 = arith.constant 0 : index
      %get3A_286 = arith.constant 0 : index
      %get3A_287 = arith.index_cast %mul3A_269 : i32 to index
      %get3A_288 = vector.load %arg10[%get3A_285, %get3A_286, %get3A_287] : memref<1x1x2560xi32, #tpu.memory_space<vmem>>, vector<1x1x128xi32>
      %get3A_289 = vector.shape_cast %get3A_288 : vector<1x1x128xi32> to vector<1x128xi32>
      %sub3A = vector.broadcast %get3A_7 : vector<256x1xf32> to vector<256x128xf32>
      %sub3A_290 = vector.broadcast %get3A_274 : vector<1x128xf32> to vector<256x128xf32>
      %sub3A_291 = arith.subf %sub3A, %sub3A_290 : vector<256x128xf32>
      %sub3A_292 = vector.broadcast %get3A_12 : vector<256x1xf32> to vector<256x128xf32>
      %sub3A_293 = vector.broadcast %get3A_279 : vector<1x128xf32> to vector<256x128xf32>
      %sub3A_294 = arith.subf %sub3A_292, %sub3A_293 : vector<256x128xf32>
      %sub3A_295 = vector.broadcast %get3A_17 : vector<256x1xf32> to vector<256x128xf32>
      %sub3A_296 = vector.broadcast %get3A_284 : vector<1x128xf32> to vector<256x128xf32>
      %sub3A_297 = arith.subf %sub3A_295, %sub3A_296 : vector<256x128xf32>
      %mul3A_298 = arith.mulf %sub3A_291, %sub3A_291 : vector<256x128xf32>
      %mul3A_299 = arith.mulf %sub3A_294, %sub3A_294 : vector<256x128xf32>
      %add3A_300 = arith.addf %mul3A_298, %mul3A_299 : vector<256x128xf32>
      %mul3A_301 = arith.mulf %sub3A_297, %sub3A_297 : vector<256x128xf32>
      %add3A_302 = arith.addf %add3A_300, %mul3A_301 : vector<256x128xf32>
      %sqrt3A = math.sqrt %add3A_302 : vector<256x128xf32>
      %min3A = arith.constant 1.000000e+00 : f32
      %min3A_303 = vector.broadcast %min3A : f32 to vector<256x128xf32>
      %min3A_304 = arith.minimumf %sqrt3A, %min3A_303 : vector<256x128xf32>
      %le3A = arith.constant 1.000000e+00 : f32
      %le3A_305 = vector.broadcast %le3A : f32 to vector<256x128xf32>
      %le3A_306 = arith.cmpf ole, %add3A_302, %le3A_305 : vector<256x128xf32>
      %ne3A = vector.broadcast %get3A_27 : vector<256x1xi32> to vector<256x128xi32>
      %ne3A_307 = vector.broadcast %get3A_289 : vector<1x128xi32> to vector<256x128xi32>
      %ne3A_308 = arith.cmpi ne, %ne3A, %ne3A_307 : vector<256x128xi32>
      %and3A_309 = arith.andi %le3A_306, %ne3A_308 : vector<256x128xi1>
      %convert_element_type3A_310 = arith.extui %and3A_309 : vector<256x128xi1> to vector<256x128xi32>
      %convert_element_type3A_311 = arith.sitofp %convert_element_type3A_310 : vector<256x128xi32> to vector<256x128xf32>
      %div3A = arith.constant 1.000000e+00 : f32
      %div3A_312 = vector.broadcast %div3A : f32 to vector<256x128xf32>
      %div3A_313 = arith.divf %min3A_304, %div3A_312 : vector<256x128xf32>
      %mul3A_314 = arith.constant 2.000000e+00 : f32
      %mul3A_315 = vector.broadcast %mul3A_314 : f32 to vector<256x128xf32>
      %mul3A_316 = arith.mulf %mul3A_315, %div3A_313 : vector<256x128xf32>
      %sub3A_317 = arith.constant 1.000000e+00 : f32
      %sub3A_318 = vector.broadcast %sub3A_317 : f32 to vector<256x128xf32>
      %sub3A_319 = arith.subf %mul3A_316, %sub3A_318 : vector<256x128xf32>
      %add3A_320 = arith.addf %sub3A_319, %sub3A_319 : vector<256x128xf32>
      %mul3A_321 = arith.mulf %convert_element_type3A_311, %sub3A_319 : vector<256x128xf32>
      %reduce_sum3A = arith.constant dense<0.000000e+00> : vector<256xf32>
      %reduce_sum3A_322 = vector.multi_reduction <add>, %convert_element_type3A_311, %reduce_sum3A [1] : vector<256x128xf32> to vector<256xf32>
      %broadcast_in_dim3A_323 = vector.shape_cast %reduce_sum3A_322 : vector<256xf32> to vector<256x1xf32>
      %reduce_sum3A_324 = arith.constant dense<0.000000e+00> : vector<256xf32>
      %reduce_sum3A_325 = vector.multi_reduction <add>, %mul3A_321, %reduce_sum3A_324 [1] : vector<256x128xf32> to vector<256xf32>
      %broadcast_in_dim3A_326 = vector.shape_cast %reduce_sum3A_325 : vector<256xf32> to vector<256x1xf32>
      %mul3A_327 = arith.mulf %add3A_320, %mul3A_321 : vector<256x128xf32>
      %sub3A_328 = arith.subf %mul3A_327, %convert_element_type3A_311 : vector<256x128xf32>
      %reduce_sum3A_329 = arith.constant dense<0.000000e+00> : vector<256xf32>
      %reduce_sum3A_330 = vector.multi_reduction <add>, %sub3A_328, %reduce_sum3A_329 [1] : vector<256x128xf32> to vector<256xf32>
      %broadcast_in_dim3A_331 = vector.shape_cast %reduce_sum3A_330 : vector<256xf32> to vector<256x1xf32>
      %mul3A_332 = arith.mulf %add3A_320, %sub3A_328 : vector<256x128xf32>
      %sub3A_333 = arith.subf %mul3A_332, %mul3A_321 : vector<256x128xf32>
      %reduce_sum3A_334 = arith.constant dense<0.000000e+00> : vector<256xf32>
      %reduce_sum3A_335 = vector.multi_reduction <add>, %sub3A_333, %reduce_sum3A_334 [1] : vector<256x128xf32> to vector<256xf32>
      %broadcast_in_dim3A_336 = vector.shape_cast %reduce_sum3A_335 : vector<256xf32> to vector<256x1xf32>
      %mul3A_337 = arith.mulf %add3A_320, %sub3A_333 : vector<256x128xf32>
      %sub3A_338 = arith.subf %mul3A_337, %sub3A_328 : vector<256x128xf32>
      %reduce_sum3A_339 = arith.constant dense<0.000000e+00> : vector<256xf32>
      %reduce_sum3A_340 = vector.multi_reduction <add>, %sub3A_338, %reduce_sum3A_339 [1] : vector<256x128xf32> to vector<256xf32>
      %broadcast_in_dim3A_341 = vector.shape_cast %reduce_sum3A_340 : vector<256xf32> to vector<256x1xf32>
      %mul3A_342 = arith.mulf %add3A_320, %sub3A_338 : vector<256x128xf32>
      %sub3A_343 = arith.subf %mul3A_342, %sub3A_333 : vector<256x128xf32>
      %reduce_sum3A_344 = arith.constant dense<0.000000e+00> : vector<256xf32>
      %reduce_sum3A_345 = vector.multi_reduction <add>, %sub3A_343, %reduce_sum3A_344 [1] : vector<256x128xf32> to vector<256xf32>
      %broadcast_in_dim3A_346 = vector.shape_cast %reduce_sum3A_345 : vector<256xf32> to vector<256x1xf32>
      %mul3A_347 = arith.mulf %add3A_320, %sub3A_343 : vector<256x128xf32>
      %sub3A_348 = arith.subf %mul3A_347, %sub3A_338 : vector<256x128xf32>
      %reduce_sum3A_349 = arith.constant dense<0.000000e+00> : vector<256xf32>
      %reduce_sum3A_350 = vector.multi_reduction <add>, %sub3A_348, %reduce_sum3A_349 [1] : vector<256x128xf32> to vector<256xf32>
      %broadcast_in_dim3A_351 = vector.shape_cast %reduce_sum3A_350 : vector<256xf32> to vector<256x1xf32>
      %mul3A_352 = arith.mulf %add3A_320, %sub3A_348 : vector<256x128xf32>
      %sub3A_353 = arith.subf %mul3A_352, %sub3A_343 : vector<256x128xf32>
      %reduce_sum3A_354 = arith.constant dense<0.000000e+00> : vector<256xf32>
      %reduce_sum3A_355 = vector.multi_reduction <add>, %sub3A_353, %reduce_sum3A_354 [1] : vector<256x128xf32> to vector<256xf32>
      %broadcast_in_dim3A_356 = vector.shape_cast %reduce_sum3A_355 : vector<256xf32> to vector<256x1xf32>
      %mul3A_357 = arith.mulf %add3A_320, %sub3A_353 : vector<256x128xf32>
      %sub3A_358 = arith.subf %mul3A_357, %sub3A_348 : vector<256x128xf32>
      %reduce_sum3A_359 = arith.constant dense<0.000000e+00> : vector<256xf32>
      %reduce_sum3A_360 = vector.multi_reduction <add>, %sub3A_358, %reduce_sum3A_359 [1] : vector<256x128xf32> to vector<256xf32>
      %broadcast_in_dim3A_361 = vector.shape_cast %reduce_sum3A_360 : vector<256xf32> to vector<256x1xf32>
      %mul3A_362 = arith.mulf %add3A_320, %sub3A_358 : vector<256x128xf32>
      %sub3A_363 = arith.subf %mul3A_362, %sub3A_353 : vector<256x128xf32>
      %reduce_sum3A_364 = arith.constant dense<0.000000e+00> : vector<256xf32>
      %reduce_sum3A_365 = vector.multi_reduction <add>, %sub3A_363, %reduce_sum3A_364 [1] : vector<256x128xf32> to vector<256xf32>
      %broadcast_in_dim3A_366 = vector.shape_cast %reduce_sum3A_365 : vector<256xf32> to vector<256x1xf32>
      %mul3A_367 = arith.mulf %add3A_320, %sub3A_363 : vector<256x128xf32>
      %sub3A_368 = arith.subf %mul3A_367, %sub3A_358 : vector<256x128xf32>
      %reduce_sum3A_369 = arith.constant dense<0.000000e+00> : vector<256xf32>
      %reduce_sum3A_370 = vector.multi_reduction <add>, %sub3A_368, %reduce_sum3A_369 [1] : vector<256x128xf32> to vector<256xf32>
      %broadcast_in_dim3A_371 = vector.shape_cast %reduce_sum3A_370 : vector<256xf32> to vector<256x1xf32>
      %mul3A_372 = arith.mulf %add3A_320, %sub3A_368 : vector<256x128xf32>
      %sub3A_373 = arith.subf %mul3A_372, %sub3A_363 : vector<256x128xf32>
      %reduce_sum3A_374 = arith.constant dense<0.000000e+00> : vector<256xf32>
      %reduce_sum3A_375 = vector.multi_reduction <add>, %sub3A_373, %reduce_sum3A_374 [1] : vector<256x128xf32> to vector<256xf32>
      %broadcast_in_dim3A_376 = vector.shape_cast %reduce_sum3A_375 : vector<256xf32> to vector<256x1xf32>
      %mul3A_377 = arith.mulf %add3A_320, %sub3A_373 : vector<256x128xf32>
      %sub3A_378 = arith.subf %mul3A_377, %sub3A_368 : vector<256x128xf32>
      %reduce_sum3A_379 = arith.constant dense<0.000000e+00> : vector<256xf32>
      %reduce_sum3A_380 = vector.multi_reduction <add>, %sub3A_378, %reduce_sum3A_379 [1] : vector<256x128xf32> to vector<256xf32>
      %broadcast_in_dim3A_381 = vector.shape_cast %reduce_sum3A_380 : vector<256xf32> to vector<256x1xf32>
      %mul3A_382 = arith.mulf %add3A_320, %sub3A_378 : vector<256x128xf32>
      %sub3A_383 = arith.subf %mul3A_382, %sub3A_373 : vector<256x128xf32>
      %reduce_sum3A_384 = arith.constant dense<0.000000e+00> : vector<256xf32>
      %reduce_sum3A_385 = vector.multi_reduction <add>, %sub3A_383, %reduce_sum3A_384 [1] : vector<256x128xf32> to vector<256xf32>
      %broadcast_in_dim3A_386 = vector.shape_cast %reduce_sum3A_385 : vector<256xf32> to vector<256x1xf32>
      %mul3A_387 = arith.mulf %add3A_320, %sub3A_383 : vector<256x128xf32>
      %sub3A_388 = arith.subf %mul3A_387, %sub3A_378 : vector<256x128xf32>
      %reduce_sum3A_389 = arith.constant dense<0.000000e+00> : vector<256xf32>
      %reduce_sum3A_390 = vector.multi_reduction <add>, %sub3A_388, %reduce_sum3A_389 [1] : vector<256x128xf32> to vector<256xf32>
      %broadcast_in_dim3A_391 = vector.shape_cast %reduce_sum3A_390 : vector<256xf32> to vector<256x1xf32>
      %mul3A_392 = arith.mulf %add3A_320, %sub3A_388 : vector<256x128xf32>
      %sub3A_393 = arith.subf %mul3A_392, %sub3A_383 : vector<256x128xf32>
      %reduce_sum3A_394 = arith.constant dense<0.000000e+00> : vector<256xf32>
      %reduce_sum3A_395 = vector.multi_reduction <add>, %sub3A_393, %reduce_sum3A_394 [1] : vector<256x128xf32> to vector<256xf32>
      %broadcast_in_dim3A_396 = vector.shape_cast %reduce_sum3A_395 : vector<256xf32> to vector<256x1xf32>
      %concatenate3A = tpu.concatenate %broadcast_in_dim3A_323, %broadcast_in_dim3A_326, %broadcast_in_dim3A_331, %broadcast_in_dim3A_336, %broadcast_in_dim3A_341, %broadcast_in_dim3A_346, %broadcast_in_dim3A_351, %broadcast_in_dim3A_356, %broadcast_in_dim3A_361, %broadcast_in_dim3A_366, %broadcast_in_dim3A_371, %broadcast_in_dim3A_376, %broadcast_in_dim3A_381, %broadcast_in_dim3A_386, %broadcast_in_dim3A_391, %broadcast_in_dim3A_396 in 1 : vector<256x1xf32>, vector<256x1xf32>, vector<256x1xf32>, vector<256x1xf32>, vector<256x1xf32>, vector<256x1xf32>, vector<256x1xf32>, vector<256x1xf32>, vector<256x1xf32>, vector<256x1xf32>, vector<256x1xf32>, vector<256x1xf32>, vector<256x1xf32>, vector<256x1xf32>, vector<256x1xf32>, vector<256x1xf32> -> vector<256x16xf32>
      %add3A_397 = arith.addf %while3A_267, %concatenate3A : vector<256x16xf32>
      scf.yield %add3A_397 : vector<256x16xf32>
    }
    %get3A_48 = arith.constant 0 : index
    %get3A_49 = arith.constant 0 : index
    %get3A_50 = arith.constant 0 : index
    %get3A_51 = arith.constant 1 : index
    %get3A_52 = memref.load %arg11[%get3A_48, %get3A_49, %get3A_50, %get3A_51] : memref<1x1x1x8xi32, #tpu.memory_space<smem>>
    %get3A_53 = arith.constant 0 : index
    %get3A_54 = arith.constant 0 : index
    %get3A_55 = arith.constant 0 : index
    %get3A_56 = arith.constant 5 : index
    %get3A_57 = memref.load %arg11[%get3A_53, %get3A_54, %get3A_55, %get3A_56] : memref<1x1x1x8xi32, #tpu.memory_space<smem>>
    %broadcast_in_dim3A_58 = arith.constant 0.000000e+00 : f32
    %broadcast_in_dim3A_59 = vector.broadcast %broadcast_in_dim3A_58 : f32 to vector<256x16xf32>
    %while3A_60 = arith.subi %get3A_57, %get3A_52 : i32
    %while3A_61 = arith.addi %get3A_52, %while3A_60 : i32
    %while3A_62 = arith.constant 1 : i32
    %while3A_63 = arith.divsi %while3A_60, %while3A_62 : i32
    %while3A_64 = arith.muli %while3A_63, %while3A_62 : i32
    %while3A_65 = arith.addi %get3A_52, %while3A_64 : i32
    %while3A_66 = arith.constant 1 : i32
    %while3A_67 = scf.for %while3A_266 = %get3A_52 to %while3A_65 step %while3A_66 iter_args(%while3A_267 = %broadcast_in_dim3A_59) -> (vector<256x16xf32>)  : i32 {
      %mul3A_268 = arith.constant 128 : i32
      %mul3A_269 = arith.muli %while3A_266, %mul3A_268 : i32
      %get3A_270 = arith.constant 0 : index
      %get3A_271 = arith.constant 0 : index
      %get3A_272 = arith.index_cast %mul3A_269 : i32 to index
      %get3A_273 = vector.load %arg7[%get3A_270, %get3A_271, %get3A_272] : memref<1x1x2560xf32, #tpu.memory_space<vmem>>, vector<1x1x128xf32>
      %get3A_274 = vector.shape_cast %get3A_273 : vector<1x1x128xf32> to vector<1x128xf32>
      %get3A_275 = arith.constant 0 : index
      %get3A_276 = arith.constant 0 : index
      %get3A_277 = arith.index_cast %mul3A_269 : i32 to index
      %get3A_278 = vector.load %arg8[%get3A_275, %get3A_276, %get3A_277] : memref<1x1x2560xf32, #tpu.memory_space<vmem>>, vector<1x1x128xf32>
      %get3A_279 = vector.shape_cast %get3A_278 : vector<1x1x128xf32> to vector<1x128xf32>
      %get3A_280 = arith.constant 0 : index
      %get3A_281 = arith.constant 0 : index
      %get3A_282 = arith.index_cast %mul3A_269 : i32 to index
      %get3A_283 = vector.load %arg9[%get3A_280, %get3A_281, %get3A_282] : memref<1x1x2560xf32, #tpu.memory_space<vmem>>, vector<1x1x128xf32>
      %get3A_284 = vector.shape_cast %get3A_283 : vector<1x1x128xf32> to vector<1x128xf32>
      %get3A_285 = arith.constant 0 : index
      %get3A_286 = arith.constant 0 : index
      %get3A_287 = arith.index_cast %mul3A_269 : i32 to index
      %get3A_288 = vector.load %arg10[%get3A_285, %get3A_286, %get3A_287] : memref<1x1x2560xi32, #tpu.memory_space<vmem>>, vector<1x1x128xi32>
      %get3A_289 = vector.shape_cast %get3A_288 : vector<1x1x128xi32> to vector<1x128xi32>
      %sub3A = vector.broadcast %get3A_7 : vector<256x1xf32> to vector<256x128xf32>
      %sub3A_290 = vector.broadcast %get3A_274 : vector<1x128xf32> to vector<256x128xf32>
      %sub3A_291 = arith.subf %sub3A, %sub3A_290 : vector<256x128xf32>
      %sub3A_292 = vector.broadcast %get3A_12 : vector<256x1xf32> to vector<256x128xf32>
      %sub3A_293 = vector.broadcast %get3A_279 : vector<1x128xf32> to vector<256x128xf32>
      %sub3A_294 = arith.subf %sub3A_292, %sub3A_293 : vector<256x128xf32>
      %sub3A_295 = vector.broadcast %get3A_17 : vector<256x1xf32> to vector<256x128xf32>
      %sub3A_296 = vector.broadcast %get3A_284 : vector<1x128xf32> to vector<256x128xf32>
      %sub3A_297 = arith.subf %sub3A_295, %sub3A_296 : vector<256x128xf32>
      %mul3A_298 = arith.mulf %sub3A_291, %sub3A_291 : vector<256x128xf32>
      %mul3A_299 = arith.mulf %sub3A_294, %sub3A_294 : vector<256x128xf32>
      %add3A_300 = arith.addf %mul3A_298, %mul3A_299 : vector<256x128xf32>
      %mul3A_301 = arith.mulf %sub3A_297, %sub3A_297 : vector<256x128xf32>
      %add3A_302 = arith.addf %add3A_300, %mul3A_301 : vector<256x128xf32>
      %sqrt3A = math.sqrt %add3A_302 : vector<256x128xf32>
      %min3A = arith.constant 1.000000e+00 : f32
      %min3A_303 = vector.broadcast %min3A : f32 to vector<256x128xf32>
      %min3A_304 = arith.minimumf %sqrt3A, %min3A_303 : vector<256x128xf32>
      %le3A = arith.constant 1.000000e+00 : f32
      %le3A_305 = vector.broadcast %le3A : f32 to vector<256x128xf32>
      %le3A_306 = arith.cmpf ole, %add3A_302, %le3A_305 : vector<256x128xf32>
      %ne3A = vector.broadcast %get3A_27 : vector<256x1xi32> to vector<256x128xi32>
      %ne3A_307 = vector.broadcast %get3A_289 : vector<1x128xi32> to vector<256x128xi32>
      %ne3A_308 = arith.cmpi ne, %ne3A, %ne3A_307 : vector<256x128xi32>
      %and3A_309 = arith.andi %le3A_306, %ne3A_308 : vector<256x128xi1>
      %convert_element_type3A_310 = arith.extui %and3A_309 : vector<256x128xi1> to vector<256x128xi32>
      %convert_element_type3A_311 = arith.sitofp %convert_element_type3A_310 : vector<256x128xi32> to vector<256x128xf32>
      %div3A = arith.constant 1.000000e+00 : f32
      %div3A_312 = vector.broadcast %div3A : f32 to vector<256x128xf32>
      %div3A_313 = arith.divf %min3A_304, %div3A_312 : vector<256x128xf32>
      %mul3A_314 = arith.constant 2.000000e+00 : f32
      %mul3A_315 = vector.broadcast %mul3A_314 : f32 to vector<256x128xf32>
      %mul3A_316 = arith.mulf %mul3A_315, %div3A_313 : vector<256x128xf32>
      %sub3A_317 = arith.constant 1.000000e+00 : f32
      %sub3A_318 = vector.broadcast %sub3A_317 : f32 to vector<256x128xf32>
      %sub3A_319 = arith.subf %mul3A_316, %sub3A_318 : vector<256x128xf32>
      %add3A_320 = arith.addf %sub3A_319, %sub3A_319 : vector<256x128xf32>
      %mul3A_321 = arith.mulf %convert_element_type3A_311, %sub3A_319 : vector<256x128xf32>
      %reduce_sum3A = arith.constant dense<0.000000e+00> : vector<256xf32>
      %reduce_sum3A_322 = vector.multi_reduction <add>, %convert_element_type3A_311, %reduce_sum3A [1] : vector<256x128xf32> to vector<256xf32>
      %broadcast_in_dim3A_323 = vector.shape_cast %reduce_sum3A_322 : vector<256xf32> to vector<256x1xf32>
      %reduce_sum3A_324 = arith.constant dense<0.000000e+00> : vector<256xf32>
      %reduce_sum3A_325 = vector.multi_reduction <add>, %mul3A_321, %reduce_sum3A_324 [1] : vector<256x128xf32> to vector<256xf32>
      %broadcast_in_dim3A_326 = vector.shape_cast %reduce_sum3A_325 : vector<256xf32> to vector<256x1xf32>
      %mul3A_327 = arith.mulf %add3A_320, %mul3A_321 : vector<256x128xf32>
      %sub3A_328 = arith.subf %mul3A_327, %convert_element_type3A_311 : vector<256x128xf32>
      %reduce_sum3A_329 = arith.constant dense<0.000000e+00> : vector<256xf32>
      %reduce_sum3A_330 = vector.multi_reduction <add>, %sub3A_328, %reduce_sum3A_329 [1] : vector<256x128xf32> to vector<256xf32>
      %broadcast_in_dim3A_331 = vector.shape_cast %reduce_sum3A_330 : vector<256xf32> to vector<256x1xf32>
      %mul3A_332 = arith.mulf %add3A_320, %sub3A_328 : vector<256x128xf32>
      %sub3A_333 = arith.subf %mul3A_332, %mul3A_321 : vector<256x128xf32>
      %reduce_sum3A_334 = arith.constant dense<0.000000e+00> : vector<256xf32>
      %reduce_sum3A_335 = vector.multi_reduction <add>, %sub3A_333, %reduce_sum3A_334 [1] : vector<256x128xf32> to vector<256xf32>
      %broadcast_in_dim3A_336 = vector.shape_cast %reduce_sum3A_335 : vector<256xf32> to vector<256x1xf32>
      %mul3A_337 = arith.mulf %add3A_320, %sub3A_333 : vector<256x128xf32>
      %sub3A_338 = arith.subf %mul3A_337, %sub3A_328 : vector<256x128xf32>
      %reduce_sum3A_339 = arith.constant dense<0.000000e+00> : vector<256xf32>
      %reduce_sum3A_340 = vector.multi_reduction <add>, %sub3A_338, %reduce_sum3A_339 [1] : vector<256x128xf32> to vector<256xf32>
      %broadcast_in_dim3A_341 = vector.shape_cast %reduce_sum3A_340 : vector<256xf32> to vector<256x1xf32>
      %mul3A_342 = arith.mulf %add3A_320, %sub3A_338 : vector<256x128xf32>
      %sub3A_343 = arith.subf %mul3A_342, %sub3A_333 : vector<256x128xf32>
      %reduce_sum3A_344 = arith.constant dense<0.000000e+00> : vector<256xf32>
      %reduce_sum3A_345 = vector.multi_reduction <add>, %sub3A_343, %reduce_sum3A_344 [1] : vector<256x128xf32> to vector<256xf32>
      %broadcast_in_dim3A_346 = vector.shape_cast %reduce_sum3A_345 : vector<256xf32> to vector<256x1xf32>
      %mul3A_347 = arith.mulf %add3A_320, %sub3A_343 : vector<256x128xf32>
      %sub3A_348 = arith.subf %mul3A_347, %sub3A_338 : vector<256x128xf32>
      %reduce_sum3A_349 = arith.constant dense<0.000000e+00> : vector<256xf32>
      %reduce_sum3A_350 = vector.multi_reduction <add>, %sub3A_348, %reduce_sum3A_349 [1] : vector<256x128xf32> to vector<256xf32>
      %broadcast_in_dim3A_351 = vector.shape_cast %reduce_sum3A_350 : vector<256xf32> to vector<256x1xf32>
      %mul3A_352 = arith.mulf %add3A_320, %sub3A_348 : vector<256x128xf32>
      %sub3A_353 = arith.subf %mul3A_352, %sub3A_343 : vector<256x128xf32>
      %reduce_sum3A_354 = arith.constant dense<0.000000e+00> : vector<256xf32>
      %reduce_sum3A_355 = vector.multi_reduction <add>, %sub3A_353, %reduce_sum3A_354 [1] : vector<256x128xf32> to vector<256xf32>
      %broadcast_in_dim3A_356 = vector.shape_cast %reduce_sum3A_355 : vector<256xf32> to vector<256x1xf32>
      %mul3A_357 = arith.mulf %add3A_320, %sub3A_353 : vector<256x128xf32>
      %sub3A_358 = arith.subf %mul3A_357, %sub3A_348 : vector<256x128xf32>
      %reduce_sum3A_359 = arith.constant dense<0.000000e+00> : vector<256xf32>
      %reduce_sum3A_360 = vector.multi_reduction <add>, %sub3A_358, %reduce_sum3A_359 [1] : vector<256x128xf32> to vector<256xf32>
      %broadcast_in_dim3A_361 = vector.shape_cast %reduce_sum3A_360 : vector<256xf32> to vector<256x1xf32>
      %mul3A_362 = arith.mulf %add3A_320, %sub3A_358 : vector<256x128xf32>
      %sub3A_363 = arith.subf %mul3A_362, %sub3A_353 : vector<256x128xf32>
      %reduce_sum3A_364 = arith.constant dense<0.000000e+00> : vector<256xf32>
      %reduce_sum3A_365 = vector.multi_reduction <add>, %sub3A_363, %reduce_sum3A_364 [1] : vector<256x128xf32> to vector<256xf32>
      %broadcast_in_dim3A_366 = vector.shape_cast %reduce_sum3A_365 : vector<256xf32> to vector<256x1xf32>
      %mul3A_367 = arith.mulf %add3A_320, %sub3A_363 : vector<256x128xf32>
      %sub3A_368 = arith.subf %mul3A_367, %sub3A_358 : vector<256x128xf32>
      %reduce_sum3A_369 = arith.constant dense<0.000000e+00> : vector<256xf32>
      %reduce_sum3A_370 = vector.multi_reduction <add>, %sub3A_368, %reduce_sum3A_369 [1] : vector<256x128xf32> to vector<256xf32>
      %broadcast_in_dim3A_371 = vector.shape_cast %reduce_sum3A_370 : vector<256xf32> to vector<256x1xf32>
      %mul3A_372 = arith.mulf %add3A_320, %sub3A_368 : vector<256x128xf32>
      %sub3A_373 = arith.subf %mul3A_372, %sub3A_363 : vector<256x128xf32>
      %reduce_sum3A_374 = arith.constant dense<0.000000e+00> : vector<256xf32>
      %reduce_sum3A_375 = vector.multi_reduction <add>, %sub3A_373, %reduce_sum3A_374 [1] : vector<256x128xf32> to vector<256xf32>
      %broadcast_in_dim3A_376 = vector.shape_cast %reduce_sum3A_375 : vector<256xf32> to vector<256x1xf32>
      %mul3A_377 = arith.mulf %add3A_320, %sub3A_373 : vector<256x128xf32>
      %sub3A_378 = arith.subf %mul3A_377, %sub3A_368 : vector<256x128xf32>
      %reduce_sum3A_379 = arith.constant dense<0.000000e+00> : vector<256xf32>
      %reduce_sum3A_380 = vector.multi_reduction <add>, %sub3A_378, %reduce_sum3A_379 [1] : vector<256x128xf32> to vector<256xf32>
      %broadcast_in_dim3A_381 = vector.shape_cast %reduce_sum3A_380 : vector<256xf32> to vector<256x1xf32>
      %mul3A_382 = arith.mulf %add3A_320, %sub3A_378 : vector<256x128xf32>
      %sub3A_383 = arith.subf %mul3A_382, %sub3A_373 : vector<256x128xf32>
      %reduce_sum3A_384 = arith.constant dense<0.000000e+00> : vector<256xf32>
      %reduce_sum3A_385 = vector.multi_reduction <add>, %sub3A_383, %reduce_sum3A_384 [1] : vector<256x128xf32> to vector<256xf32>
      %broadcast_in_dim3A_386 = vector.shape_cast %reduce_sum3A_385 : vector<256xf32> to vector<256x1xf32>
      %mul3A_387 = arith.mulf %add3A_320, %sub3A_383 : vector<256x128xf32>
      %sub3A_388 = arith.subf %mul3A_387, %sub3A_378 : vector<256x128xf32>
      %reduce_sum3A_389 = arith.constant dense<0.000000e+00> : vector<256xf32>
      %reduce_sum3A_390 = vector.multi_reduction <add>, %sub3A_388, %reduce_sum3A_389 [1] : vector<256x128xf32> to vector<256xf32>
      %broadcast_in_dim3A_391 = vector.shape_cast %reduce_sum3A_390 : vector<256xf32> to vector<256x1xf32>
      %mul3A_392 = arith.mulf %add3A_320, %sub3A_388 : vector<256x128xf32>
      %sub3A_393 = arith.subf %mul3A_392, %sub3A_383 : vector<256x128xf32>
      %reduce_sum3A_394 = arith.constant dense<0.000000e+00> : vector<256xf32>
      %reduce_sum3A_395 = vector.multi_reduction <add>, %sub3A_393, %reduce_sum3A_394 [1] : vector<256x128xf32> to vector<256xf32>
      %broadcast_in_dim3A_396 = vector.shape_cast %reduce_sum3A_395 : vector<256xf32> to vector<256x1xf32>
      %concatenate3A = tpu.concatenate %broadcast_in_dim3A_323, %broadcast_in_dim3A_326, %broadcast_in_dim3A_331, %broadcast_in_dim3A_336, %broadcast_in_dim3A_341, %broadcast_in_dim3A_346, %broadcast_in_dim3A_351, %broadcast_in_dim3A_356, %broadcast_in_dim3A_361, %broadcast_in_dim3A_366, %broadcast_in_dim3A_371, %broadcast_in_dim3A_376, %broadcast_in_dim3A_381, %broadcast_in_dim3A_386, %broadcast_in_dim3A_391, %broadcast_in_dim3A_396 in 1 : vector<256x1xf32>, vector<256x1xf32>, vector<256x1xf32>, vector<256x1xf32>, vector<256x1xf32>, vector<256x1xf32>, vector<256x1xf32>, vector<256x1xf32>, vector<256x1xf32>, vector<256x1xf32>, vector<256x1xf32>, vector<256x1xf32>, vector<256x1xf32>, vector<256x1xf32>, vector<256x1xf32>, vector<256x1xf32> -> vector<256x16xf32>
      %add3A_397 = arith.addf %while3A_267, %concatenate3A : vector<256x16xf32>
      scf.yield %add3A_397 : vector<256x16xf32>
    }
    %while3A_68 = arith.constant 1 : i32
    %while3A_69 = scf.for %while3A_266 = %while3A_65 to %while3A_61 step %while3A_68 iter_args(%while3A_267 = %while3A_67) -> (vector<256x16xf32>)  : i32 {
      %mul3A_268 = arith.constant 128 : i32
      %mul3A_269 = arith.muli %while3A_266, %mul3A_268 : i32
      %get3A_270 = arith.constant 0 : index
      %get3A_271 = arith.constant 0 : index
      %get3A_272 = arith.index_cast %mul3A_269 : i32 to index
      %get3A_273 = vector.load %arg7[%get3A_270, %get3A_271, %get3A_272] : memref<1x1x2560xf32, #tpu.memory_space<vmem>>, vector<1x1x128xf32>
      %get3A_274 = vector.shape_cast %get3A_273 : vector<1x1x128xf32> to vector<1x128xf32>
      %get3A_275 = arith.constant 0 : index
      %get3A_276 = arith.constant 0 : index
      %get3A_277 = arith.index_cast %mul3A_269 : i32 to index
      %get3A_278 = vector.load %arg8[%get3A_275, %get3A_276, %get3A_277] : memref<1x1x2560xf32, #tpu.memory_space<vmem>>, vector<1x1x128xf32>
      %get3A_279 = vector.shape_cast %get3A_278 : vector<1x1x128xf32> to vector<1x128xf32>
      %get3A_280 = arith.constant 0 : index
      %get3A_281 = arith.constant 0 : index
      %get3A_282 = arith.index_cast %mul3A_269 : i32 to index
      %get3A_283 = vector.load %arg9[%get3A_280, %get3A_281, %get3A_282] : memref<1x1x2560xf32, #tpu.memory_space<vmem>>, vector<1x1x128xf32>
      %get3A_284 = vector.shape_cast %get3A_283 : vector<1x1x128xf32> to vector<1x128xf32>
      %get3A_285 = arith.constant 0 : index
      %get3A_286 = arith.constant 0 : index
      %get3A_287 = arith.index_cast %mul3A_269 : i32 to index
      %get3A_288 = vector.load %arg10[%get3A_285, %get3A_286, %get3A_287] : memref<1x1x2560xi32, #tpu.memory_space<vmem>>, vector<1x1x128xi32>
      %get3A_289 = vector.shape_cast %get3A_288 : vector<1x1x128xi32> to vector<1x128xi32>
      %sub3A = vector.broadcast %get3A_7 : vector<256x1xf32> to vector<256x128xf32>
      %sub3A_290 = vector.broadcast %get3A_274 : vector<1x128xf32> to vector<256x128xf32>
      %sub3A_291 = arith.subf %sub3A, %sub3A_290 : vector<256x128xf32>
      %sub3A_292 = vector.broadcast %get3A_12 : vector<256x1xf32> to vector<256x128xf32>
      %sub3A_293 = vector.broadcast %get3A_279 : vector<1x128xf32> to vector<256x128xf32>
      %sub3A_294 = arith.subf %sub3A_292, %sub3A_293 : vector<256x128xf32>
      %sub3A_295 = vector.broadcast %get3A_17 : vector<256x1xf32> to vector<256x128xf32>
      %sub3A_296 = vector.broadcast %get3A_284 : vector<1x128xf32> to vector<256x128xf32>
      %sub3A_297 = arith.subf %sub3A_295, %sub3A_296 : vector<256x128xf32>
      %mul3A_298 = arith.mulf %sub3A_291, %sub3A_291 : vector<256x128xf32>
      %mul3A_299 = arith.mulf %sub3A_294, %sub3A_294 : vector<256x128xf32>
      %add3A_300 = arith.addf %mul3A_298, %mul3A_299 : vector<256x128xf32>
      %mul3A_301 = arith.mulf %sub3A_297, %sub3A_297 : vector<256x128xf32>
      %add3A_302 = arith.addf %add3A_300, %mul3A_301 : vector<256x128xf32>
      %sqrt3A = math.sqrt %add3A_302 : vector<256x128xf32>
      %min3A = arith.constant 1.000000e+00 : f32
      %min3A_303 = vector.broadcast %min3A : f32 to vector<256x128xf32>
      %min3A_304 = arith.minimumf %sqrt3A, %min3A_303 : vector<256x128xf32>
      %le3A = arith.constant 1.000000e+00 : f32
      %le3A_305 = vector.broadcast %le3A : f32 to vector<256x128xf32>
      %le3A_306 = arith.cmpf ole, %add3A_302, %le3A_305 : vector<256x128xf32>
      %ne3A = vector.broadcast %get3A_27 : vector<256x1xi32> to vector<256x128xi32>
      %ne3A_307 = vector.broadcast %get3A_289 : vector<1x128xi32> to vector<256x128xi32>
      %ne3A_308 = arith.cmpi ne, %ne3A, %ne3A_307 : vector<256x128xi32>
      %and3A_309 = arith.andi %le3A_306, %ne3A_308 : vector<256x128xi1>
      %convert_element_type3A_310 = arith.extui %and3A_309 : vector<256x128xi1> to vector<256x128xi32>
      %convert_element_type3A_311 = arith.sitofp %convert_element_type3A_310 : vector<256x128xi32> to vector<256x128xf32>
      %div3A = arith.constant 1.000000e+00 : f32
      %div3A_312 = vector.broadcast %div3A : f32 to vector<256x128xf32>
      %div3A_313 = arith.divf %min3A_304, %div3A_312 : vector<256x128xf32>
      %mul3A_314 = arith.constant 2.000000e+00 : f32
      %mul3A_315 = vector.broadcast %mul3A_314 : f32 to vector<256x128xf32>
      %mul3A_316 = arith.mulf %mul3A_315, %div3A_313 : vector<256x128xf32>
      %sub3A_317 = arith.constant 1.000000e+00 : f32
      %sub3A_318 = vector.broadcast %sub3A_317 : f32 to vector<256x128xf32>
      %sub3A_319 = arith.subf %mul3A_316, %sub3A_318 : vector<256x128xf32>
      %add3A_320 = arith.addf %sub3A_319, %sub3A_319 : vector<256x128xf32>
      %mul3A_321 = arith.mulf %convert_element_type3A_311, %sub3A_319 : vector<256x128xf32>
      %reduce_sum3A = arith.constant dense<0.000000e+00> : vector<256xf32>
      %reduce_sum3A_322 = vector.multi_reduction <add>, %convert_element_type3A_311, %reduce_sum3A [1] : vector<256x128xf32> to vector<256xf32>
      %broadcast_in_dim3A_323 = vector.shape_cast %reduce_sum3A_322 : vector<256xf32> to vector<256x1xf32>
      %reduce_sum3A_324 = arith.constant dense<0.000000e+00> : vector<256xf32>
      %reduce_sum3A_325 = vector.multi_reduction <add>, %mul3A_321, %reduce_sum3A_324 [1] : vector<256x128xf32> to vector<256xf32>
      %broadcast_in_dim3A_326 = vector.shape_cast %reduce_sum3A_325 : vector<256xf32> to vector<256x1xf32>
      %mul3A_327 = arith.mulf %add3A_320, %mul3A_321 : vector<256x128xf32>
      %sub3A_328 = arith.subf %mul3A_327, %convert_element_type3A_311 : vector<256x128xf32>
      %reduce_sum3A_329 = arith.constant dense<0.000000e+00> : vector<256xf32>
      %reduce_sum3A_330 = vector.multi_reduction <add>, %sub3A_328, %reduce_sum3A_329 [1] : vector<256x128xf32> to vector<256xf32>
      %broadcast_in_dim3A_331 = vector.shape_cast %reduce_sum3A_330 : vector<256xf32> to vector<256x1xf32>
      %mul3A_332 = arith.mulf %add3A_320, %sub3A_328 : vector<256x128xf32>
      %sub3A_333 = arith.subf %mul3A_332, %mul3A_321 : vector<256x128xf32>
      %reduce_sum3A_334 = arith.constant dense<0.000000e+00> : vector<256xf32>
      %reduce_sum3A_335 = vector.multi_reduction <add>, %sub3A_333, %reduce_sum3A_334 [1] : vector<256x128xf32> to vector<256xf32>
      %broadcast_in_dim3A_336 = vector.shape_cast %reduce_sum3A_335 : vector<256xf32> to vector<256x1xf32>
      %mul3A_337 = arith.mulf %add3A_320, %sub3A_333 : vector<256x128xf32>
      %sub3A_338 = arith.subf %mul3A_337, %sub3A_328 : vector<256x128xf32>
      %reduce_sum3A_339 = arith.constant dense<0.000000e+00> : vector<256xf32>
      %reduce_sum3A_340 = vector.multi_reduction <add>, %sub3A_338, %reduce_sum3A_339 [1] : vector<256x128xf32> to vector<256xf32>
      %broadcast_in_dim3A_341 = vector.shape_cast %reduce_sum3A_340 : vector<256xf32> to vector<256x1xf32>
      %mul3A_342 = arith.mulf %add3A_320, %sub3A_338 : vector<256x128xf32>
      %sub3A_343 = arith.subf %mul3A_342, %sub3A_333 : vector<256x128xf32>
      %reduce_sum3A_344 = arith.constant dense<0.000000e+00> : vector<256xf32>
      %reduce_sum3A_345 = vector.multi_reduction <add>, %sub3A_343, %reduce_sum3A_344 [1] : vector<256x128xf32> to vector<256xf32>
      %broadcast_in_dim3A_346 = vector.shape_cast %reduce_sum3A_345 : vector<256xf32> to vector<256x1xf32>
      %mul3A_347 = arith.mulf %add3A_320, %sub3A_343 : vector<256x128xf32>
      %sub3A_348 = arith.subf %mul3A_347, %sub3A_338 : vector<256x128xf32>
      %reduce_sum3A_349 = arith.constant dense<0.000000e+00> : vector<256xf32>
      %reduce_sum3A_350 = vector.multi_reduction <add>, %sub3A_348, %reduce_sum3A_349 [1] : vector<256x128xf32> to vector<256xf32>
      %broadcast_in_dim3A_351 = vector.shape_cast %reduce_sum3A_350 : vector<256xf32> to vector<256x1xf32>
      %mul3A_352 = arith.mulf %add3A_320, %sub3A_348 : vector<256x128xf32>
      %sub3A_353 = arith.subf %mul3A_352, %sub3A_343 : vector<256x128xf32>
      %reduce_sum3A_354 = arith.constant dense<0.000000e+00> : vector<256xf32>
      %reduce_sum3A_355 = vector.multi_reduction <add>, %sub3A_353, %reduce_sum3A_354 [1] : vector<256x128xf32> to vector<256xf32>
      %broadcast_in_dim3A_356 = vector.shape_cast %reduce_sum3A_355 : vector<256xf32> to vector<256x1xf32>
      %mul3A_357 = arith.mulf %add3A_320, %sub3A_353 : vector<256x128xf32>
      %sub3A_358 = arith.subf %mul3A_357, %sub3A_348 : vector<256x128xf32>
      %reduce_sum3A_359 = arith.constant dense<0.000000e+00> : vector<256xf32>
      %reduce_sum3A_360 = vector.multi_reduction <add>, %sub3A_358, %reduce_sum3A_359 [1] : vector<256x128xf32> to vector<256xf32>
      %broadcast_in_dim3A_361 = vector.shape_cast %reduce_sum3A_360 : vector<256xf32> to vector<256x1xf32>
      %mul3A_362 = arith.mulf %add3A_320, %sub3A_358 : vector<256x128xf32>
      %sub3A_363 = arith.subf %mul3A_362, %sub3A_353 : vector<256x128xf32>
      %reduce_sum3A_364 = arith.constant dense<0.000000e+00> : vector<256xf32>
      %reduce_sum3A_365 = vector.multi_reduction <add>, %sub3A_363, %reduce_sum3A_364 [1] : vector<256x128xf32> to vector<256xf32>
      %broadcast_in_dim3A_366 = vector.shape_cast %reduce_sum3A_365 : vector<256xf32> to vector<256x1xf32>
      %mul3A_367 = arith.mulf %add3A_320, %sub3A_363 : vector<256x128xf32>
      %sub3A_368 = arith.subf %mul3A_367, %sub3A_358 : vector<256x128xf32>
      %reduce_sum3A_369 = arith.constant dense<0.000000e+00> : vector<256xf32>
      %reduce_sum3A_370 = vector.multi_reduction <add>, %sub3A_368, %reduce_sum3A_369 [1] : vector<256x128xf32> to vector<256xf32>
      %broadcast_in_dim3A_371 = vector.shape_cast %reduce_sum3A_370 : vector<256xf32> to vector<256x1xf32>
      %mul3A_372 = arith.mulf %add3A_320, %sub3A_368 : vector<256x128xf32>
      %sub3A_373 = arith.subf %mul3A_372, %sub3A_363 : vector<256x128xf32>
      %reduce_sum3A_374 = arith.constant dense<0.000000e+00> : vector<256xf32>
      %reduce_sum3A_375 = vector.multi_reduction <add>, %sub3A_373, %reduce_sum3A_374 [1] : vector<256x128xf32> to vector<256xf32>
      %broadcast_in_dim3A_376 = vector.shape_cast %reduce_sum3A_375 : vector<256xf32> to vector<256x1xf32>
      %mul3A_377 = arith.mulf %add3A_320, %sub3A_373 : vector<256x128xf32>
      %sub3A_378 = arith.subf %mul3A_377, %sub3A_368 : vector<256x128xf32>
      %reduce_sum3A_379 = arith.constant dense<0.000000e+00> : vector<256xf32>
      %reduce_sum3A_380 = vector.multi_reduction <add>, %sub3A_378, %reduce_sum3A_379 [1] : vector<256x128xf32> to vector<256xf32>
      %broadcast_in_dim3A_381 = vector.shape_cast %reduce_sum3A_380 : vector<256xf32> to vector<256x1xf32>
      %mul3A_382 = arith.mulf %add3A_320, %sub3A_378 : vector<256x128xf32>
      %sub3A_383 = arith.subf %mul3A_382, %sub3A_373 : vector<256x128xf32>
      %reduce_sum3A_384 = arith.constant dense<0.000000e+00> : vector<256xf32>
      %reduce_sum3A_385 = vector.multi_reduction <add>, %sub3A_383, %reduce_sum3A_384 [1] : vector<256x128xf32> to vector<256xf32>
      %broadcast_in_dim3A_386 = vector.shape_cast %reduce_sum3A_385 : vector<256xf32> to vector<256x1xf32>
      %mul3A_387 = arith.mulf %add3A_320, %sub3A_383 : vector<256x128xf32>
      %sub3A_388 = arith.subf %mul3A_387, %sub3A_378 : vector<256x128xf32>
      %reduce_sum3A_389 = arith.constant dense<0.000000e+00> : vector<256xf32>
      %reduce_sum3A_390 = vector.multi_reduction <add>, %sub3A_388, %reduce_sum3A_389 [1] : vector<256x128xf32> to vector<256xf32>
      %broadcast_in_dim3A_391 = vector.shape_cast %reduce_sum3A_390 : vector<256xf32> to vector<256x1xf32>
      %mul3A_392 = arith.mulf %add3A_320, %sub3A_388 : vector<256x128xf32>
      %sub3A_393 = arith.subf %mul3A_392, %sub3A_383 : vector<256x128xf32>
      %reduce_sum3A_394 = arith.constant dense<0.000000e+00> : vector<256xf32>
      %reduce_sum3A_395 = vector.multi_reduction <add>, %sub3A_393, %reduce_sum3A_394 [1] : vector<256x128xf32> to vector<256xf32>
      %broadcast_in_dim3A_396 = vector.shape_cast %reduce_sum3A_395 : vector<256xf32> to vector<256x1xf32>
      %concatenate3A = tpu.concatenate %broadcast_in_dim3A_323, %broadcast_in_dim3A_326, %broadcast_in_dim3A_331, %broadcast_in_dim3A_336, %broadcast_in_dim3A_341, %broadcast_in_dim3A_346, %broadcast_in_dim3A_351, %broadcast_in_dim3A_356, %broadcast_in_dim3A_361, %broadcast_in_dim3A_366, %broadcast_in_dim3A_371, %broadcast_in_dim3A_376, %broadcast_in_dim3A_381, %broadcast_in_dim3A_386, %broadcast_in_dim3A_391, %broadcast_in_dim3A_396 in 1 : vector<256x1xf32>, vector<256x1xf32>, vector<256x1xf32>, vector<256x1xf32>, vector<256x1xf32>, vector<256x1xf32>, vector<256x1xf32>, vector<256x1xf32>, vector<256x1xf32>, vector<256x1xf32>, vector<256x1xf32>, vector<256x1xf32>, vector<256x1xf32>, vector<256x1xf32>, vector<256x1xf32>, vector<256x1xf32> -> vector<256x16xf32>
      %add3A_397 = arith.addf %while3A_267, %concatenate3A : vector<256x16xf32>
      scf.yield %add3A_397 : vector<256x16xf32>
    }
    %get3A_70 = arith.constant 0 : index
    %get3A_71 = arith.constant 0 : index
    %get3A_72 = arith.constant 0 : index
    %get3A_73 = arith.constant 2 : index
    %get3A_74 = memref.load %arg11[%get3A_70, %get3A_71, %get3A_72, %get3A_73] : memref<1x1x1x8xi32, #tpu.memory_space<smem>>
    %get3A_75 = arith.constant 0 : index
    %get3A_76 = arith.constant 0 : index
    %get3A_77 = arith.constant 0 : index
    %get3A_78 = arith.constant 6 : index
    %get3A_79 = memref.load %arg11[%get3A_75, %get3A_76, %get3A_77, %get3A_78] : memref<1x1x1x8xi32, #tpu.memory_space<smem>>
    %broadcast_in_dim3A_80 = arith.constant 0.000000e+00 : f32
    %broadcast_in_dim3A_81 = vector.broadcast %broadcast_in_dim3A_80 : f32 to vector<256x16xf32>
    %while3A_82 = arith.subi %get3A_79, %get3A_74 : i32
    %while3A_83 = arith.addi %get3A_74, %while3A_82 : i32
    %while3A_84 = arith.constant 1 : i32
    %while3A_85 = arith.divsi %while3A_82, %while3A_84 : i32
    %while3A_86 = arith.muli %while3A_85, %while3A_84 : i32
    %while3A_87 = arith.addi %get3A_74, %while3A_86 : i32
    %while3A_88 = arith.constant 1 : i32
    %while3A_89 = scf.for %while3A_266 = %get3A_74 to %while3A_87 step %while3A_88 iter_args(%while3A_267 = %broadcast_in_dim3A_81) -> (vector<256x16xf32>)  : i32 {
      %mul3A_268 = arith.constant 128 : i32
      %mul3A_269 = arith.muli %while3A_266, %mul3A_268 : i32
      %get3A_270 = arith.constant 0 : index
      %get3A_271 = arith.constant 0 : index
      %get3A_272 = arith.index_cast %mul3A_269 : i32 to index
      %get3A_273 = vector.load %arg7[%get3A_270, %get3A_271, %get3A_272] : memref<1x1x2560xf32, #tpu.memory_space<vmem>>, vector<1x1x128xf32>
      %get3A_274 = vector.shape_cast %get3A_273 : vector<1x1x128xf32> to vector<1x128xf32>
      %get3A_275 = arith.constant 0 : index
      %get3A_276 = arith.constant 0 : index
      %get3A_277 = arith.index_cast %mul3A_269 : i32 to index
      %get3A_278 = vector.load %arg8[%get3A_275, %get3A_276, %get3A_277] : memref<1x1x2560xf32, #tpu.memory_space<vmem>>, vector<1x1x128xf32>
      %get3A_279 = vector.shape_cast %get3A_278 : vector<1x1x128xf32> to vector<1x128xf32>
      %get3A_280 = arith.constant 0 : index
      %get3A_281 = arith.constant 0 : index
      %get3A_282 = arith.index_cast %mul3A_269 : i32 to index
      %get3A_283 = vector.load %arg9[%get3A_280, %get3A_281, %get3A_282] : memref<1x1x2560xf32, #tpu.memory_space<vmem>>, vector<1x1x128xf32>
      %get3A_284 = vector.shape_cast %get3A_283 : vector<1x1x128xf32> to vector<1x128xf32>
      %get3A_285 = arith.constant 0 : index
      %get3A_286 = arith.constant 0 : index
      %get3A_287 = arith.index_cast %mul3A_269 : i32 to index
      %get3A_288 = vector.load %arg10[%get3A_285, %get3A_286, %get3A_287] : memref<1x1x2560xi32, #tpu.memory_space<vmem>>, vector<1x1x128xi32>
      %get3A_289 = vector.shape_cast %get3A_288 : vector<1x1x128xi32> to vector<1x128xi32>
      %sub3A = vector.broadcast %get3A_7 : vector<256x1xf32> to vector<256x128xf32>
      %sub3A_290 = vector.broadcast %get3A_274 : vector<1x128xf32> to vector<256x128xf32>
      %sub3A_291 = arith.subf %sub3A, %sub3A_290 : vector<256x128xf32>
      %sub3A_292 = vector.broadcast %get3A_12 : vector<256x1xf32> to vector<256x128xf32>
      %sub3A_293 = vector.broadcast %get3A_279 : vector<1x128xf32> to vector<256x128xf32>
      %sub3A_294 = arith.subf %sub3A_292, %sub3A_293 : vector<256x128xf32>
      %sub3A_295 = vector.broadcast %get3A_17 : vector<256x1xf32> to vector<256x128xf32>
      %sub3A_296 = vector.broadcast %get3A_284 : vector<1x128xf32> to vector<256x128xf32>
      %sub3A_297 = arith.subf %sub3A_295, %sub3A_296 : vector<256x128xf32>
      %mul3A_298 = arith.mulf %sub3A_291, %sub3A_291 : vector<256x128xf32>
      %mul3A_299 = arith.mulf %sub3A_294, %sub3A_294 : vector<256x128xf32>
      %add3A_300 = arith.addf %mul3A_298, %mul3A_299 : vector<256x128xf32>
      %mul3A_301 = arith.mulf %sub3A_297, %sub3A_297 : vector<256x128xf32>
      %add3A_302 = arith.addf %add3A_300, %mul3A_301 : vector<256x128xf32>
      %sqrt3A = math.sqrt %add3A_302 : vector<256x128xf32>
      %min3A = arith.constant 1.000000e+00 : f32
      %min3A_303 = vector.broadcast %min3A : f32 to vector<256x128xf32>
      %min3A_304 = arith.minimumf %sqrt3A, %min3A_303 : vector<256x128xf32>
      %le3A = arith.constant 1.000000e+00 : f32
      %le3A_305 = vector.broadcast %le3A : f32 to vector<256x128xf32>
      %le3A_306 = arith.cmpf ole, %add3A_302, %le3A_305 : vector<256x128xf32>
      %ne3A = vector.broadcast %get3A_27 : vector<256x1xi32> to vector<256x128xi32>
      %ne3A_307 = vector.broadcast %get3A_289 : vector<1x128xi32> to vector<256x128xi32>
      %ne3A_308 = arith.cmpi ne, %ne3A, %ne3A_307 : vector<256x128xi32>
      %and3A_309 = arith.andi %le3A_306, %ne3A_308 : vector<256x128xi1>
      %convert_element_type3A_310 = arith.extui %and3A_309 : vector<256x128xi1> to vector<256x128xi32>
      %convert_element_type3A_311 = arith.sitofp %convert_element_type3A_310 : vector<256x128xi32> to vector<256x128xf32>
      %div3A = arith.constant 1.000000e+00 : f32
      %div3A_312 = vector.broadcast %div3A : f32 to vector<256x128xf32>
      %div3A_313 = arith.divf %min3A_304, %div3A_312 : vector<256x128xf32>
      %mul3A_314 = arith.constant 2.000000e+00 : f32
      %mul3A_315 = vector.broadcast %mul3A_314 : f32 to vector<256x128xf32>
      %mul3A_316 = arith.mulf %mul3A_315, %div3A_313 : vector<256x128xf32>
      %sub3A_317 = arith.constant 1.000000e+00 : f32
      %sub3A_318 = vector.broadcast %sub3A_317 : f32 to vector<256x128xf32>
      %sub3A_319 = arith.subf %mul3A_316, %sub3A_318 : vector<256x128xf32>
      %add3A_320 = arith.addf %sub3A_319, %sub3A_319 : vector<256x128xf32>
      %mul3A_321 = arith.mulf %convert_element_type3A_311, %sub3A_319 : vector<256x128xf32>
      %reduce_sum3A = arith.constant dense<0.000000e+00> : vector<256xf32>
      %reduce_sum3A_322 = vector.multi_reduction <add>, %convert_element_type3A_311, %reduce_sum3A [1] : vector<256x128xf32> to vector<256xf32>
      %broadcast_in_dim3A_323 = vector.shape_cast %reduce_sum3A_322 : vector<256xf32> to vector<256x1xf32>
      %reduce_sum3A_324 = arith.constant dense<0.000000e+00> : vector<256xf32>
      %reduce_sum3A_325 = vector.multi_reduction <add>, %mul3A_321, %reduce_sum3A_324 [1] : vector<256x128xf32> to vector<256xf32>
      %broadcast_in_dim3A_326 = vector.shape_cast %reduce_sum3A_325 : vector<256xf32> to vector<256x1xf32>
      %mul3A_327 = arith.mulf %add3A_320, %mul3A_321 : vector<256x128xf32>
      %sub3A_328 = arith.subf %mul3A_327, %convert_element_type3A_311 : vector<256x128xf32>
      %reduce_sum3A_329 = arith.constant dense<0.000000e+00> : vector<256xf32>
      %reduce_sum3A_330 = vector.multi_reduction <add>, %sub3A_328, %reduce_sum3A_329 [1] : vector<256x128xf32> to vector<256xf32>
      %broadcast_in_dim3A_331 = vector.shape_cast %reduce_sum3A_330 : vector<256xf32> to vector<256x1xf32>
      %mul3A_332 = arith.mulf %add3A_320, %sub3A_328 : vector<256x128xf32>
      %sub3A_333 = arith.subf %mul3A_332, %mul3A_321 : vector<256x128xf32>
      %reduce_sum3A_334 = arith.constant dense<0.000000e+00> : vector<256xf32>
      %reduce_sum3A_335 = vector.multi_reduction <add>, %sub3A_333, %reduce_sum3A_334 [1] : vector<256x128xf32> to vector<256xf32>
      %broadcast_in_dim3A_336 = vector.shape_cast %reduce_sum3A_335 : vector<256xf32> to vector<256x1xf32>
      %mul3A_337 = arith.mulf %add3A_320, %sub3A_333 : vector<256x128xf32>
      %sub3A_338 = arith.subf %mul3A_337, %sub3A_328 : vector<256x128xf32>
      %reduce_sum3A_339 = arith.constant dense<0.000000e+00> : vector<256xf32>
      %reduce_sum3A_340 = vector.multi_reduction <add>, %sub3A_338, %reduce_sum3A_339 [1] : vector<256x128xf32> to vector<256xf32>
      %broadcast_in_dim3A_341 = vector.shape_cast %reduce_sum3A_340 : vector<256xf32> to vector<256x1xf32>
      %mul3A_342 = arith.mulf %add3A_320, %sub3A_338 : vector<256x128xf32>
      %sub3A_343 = arith.subf %mul3A_342, %sub3A_333 : vector<256x128xf32>
      %reduce_sum3A_344 = arith.constant dense<0.000000e+00> : vector<256xf32>
      %reduce_sum3A_345 = vector.multi_reduction <add>, %sub3A_343, %reduce_sum3A_344 [1] : vector<256x128xf32> to vector<256xf32>
      %broadcast_in_dim3A_346 = vector.shape_cast %reduce_sum3A_345 : vector<256xf32> to vector<256x1xf32>
      %mul3A_347 = arith.mulf %add3A_320, %sub3A_343 : vector<256x128xf32>
      %sub3A_348 = arith.subf %mul3A_347, %sub3A_338 : vector<256x128xf32>
      %reduce_sum3A_349 = arith.constant dense<0.000000e+00> : vector<256xf32>
      %reduce_sum3A_350 = vector.multi_reduction <add>, %sub3A_348, %reduce_sum3A_349 [1] : vector<256x128xf32> to vector<256xf32>
      %broadcast_in_dim3A_351 = vector.shape_cast %reduce_sum3A_350 : vector<256xf32> to vector<256x1xf32>
      %mul3A_352 = arith.mulf %add3A_320, %sub3A_348 : vector<256x128xf32>
      %sub3A_353 = arith.subf %mul3A_352, %sub3A_343 : vector<256x128xf32>
      %reduce_sum3A_354 = arith.constant dense<0.000000e+00> : vector<256xf32>
      %reduce_sum3A_355 = vector.multi_reduction <add>, %sub3A_353, %reduce_sum3A_354 [1] : vector<256x128xf32> to vector<256xf32>
      %broadcast_in_dim3A_356 = vector.shape_cast %reduce_sum3A_355 : vector<256xf32> to vector<256x1xf32>
      %mul3A_357 = arith.mulf %add3A_320, %sub3A_353 : vector<256x128xf32>
      %sub3A_358 = arith.subf %mul3A_357, %sub3A_348 : vector<256x128xf32>
      %reduce_sum3A_359 = arith.constant dense<0.000000e+00> : vector<256xf32>
      %reduce_sum3A_360 = vector.multi_reduction <add>, %sub3A_358, %reduce_sum3A_359 [1] : vector<256x128xf32> to vector<256xf32>
      %broadcast_in_dim3A_361 = vector.shape_cast %reduce_sum3A_360 : vector<256xf32> to vector<256x1xf32>
      %mul3A_362 = arith.mulf %add3A_320, %sub3A_358 : vector<256x128xf32>
      %sub3A_363 = arith.subf %mul3A_362, %sub3A_353 : vector<256x128xf32>
      %reduce_sum3A_364 = arith.constant dense<0.000000e+00> : vector<256xf32>
      %reduce_sum3A_365 = vector.multi_reduction <add>, %sub3A_363, %reduce_sum3A_364 [1] : vector<256x128xf32> to vector<256xf32>
      %broadcast_in_dim3A_366 = vector.shape_cast %reduce_sum3A_365 : vector<256xf32> to vector<256x1xf32>
      %mul3A_367 = arith.mulf %add3A_320, %sub3A_363 : vector<256x128xf32>
      %sub3A_368 = arith.subf %mul3A_367, %sub3A_358 : vector<256x128xf32>
      %reduce_sum3A_369 = arith.constant dense<0.000000e+00> : vector<256xf32>
      %reduce_sum3A_370 = vector.multi_reduction <add>, %sub3A_368, %reduce_sum3A_369 [1] : vector<256x128xf32> to vector<256xf32>
      %broadcast_in_dim3A_371 = vector.shape_cast %reduce_sum3A_370 : vector<256xf32> to vector<256x1xf32>
      %mul3A_372 = arith.mulf %add3A_320, %sub3A_368 : vector<256x128xf32>
      %sub3A_373 = arith.subf %mul3A_372, %sub3A_363 : vector<256x128xf32>
      %reduce_sum3A_374 = arith.constant dense<0.000000e+00> : vector<256xf32>
      %reduce_sum3A_375 = vector.multi_reduction <add>, %sub3A_373, %reduce_sum3A_374 [1] : vector<256x128xf32> to vector<256xf32>
      %broadcast_in_dim3A_376 = vector.shape_cast %reduce_sum3A_375 : vector<256xf32> to vector<256x1xf32>
      %mul3A_377 = arith.mulf %add3A_320, %sub3A_373 : vector<256x128xf32>
      %sub3A_378 = arith.subf %mul3A_377, %sub3A_368 : vector<256x128xf32>
      %reduce_sum3A_379 = arith.constant dense<0.000000e+00> : vector<256xf32>
      %reduce_sum3A_380 = vector.multi_reduction <add>, %sub3A_378, %reduce_sum3A_379 [1] : vector<256x128xf32> to vector<256xf32>
      %broadcast_in_dim3A_381 = vector.shape_cast %reduce_sum3A_380 : vector<256xf32> to vector<256x1xf32>
      %mul3A_382 = arith.mulf %add3A_320, %sub3A_378 : vector<256x128xf32>
      %sub3A_383 = arith.subf %mul3A_382, %sub3A_373 : vector<256x128xf32>
      %reduce_sum3A_384 = arith.constant dense<0.000000e+00> : vector<256xf32>
      %reduce_sum3A_385 = vector.multi_reduction <add>, %sub3A_383, %reduce_sum3A_384 [1] : vector<256x128xf32> to vector<256xf32>
      %broadcast_in_dim3A_386 = vector.shape_cast %reduce_sum3A_385 : vector<256xf32> to vector<256x1xf32>
      %mul3A_387 = arith.mulf %add3A_320, %sub3A_383 : vector<256x128xf32>
      %sub3A_388 = arith.subf %mul3A_387, %sub3A_378 : vector<256x128xf32>
      %reduce_sum3A_389 = arith.constant dense<0.000000e+00> : vector<256xf32>
      %reduce_sum3A_390 = vector.multi_reduction <add>, %sub3A_388, %reduce_sum3A_389 [1] : vector<256x128xf32> to vector<256xf32>
      %broadcast_in_dim3A_391 = vector.shape_cast %reduce_sum3A_390 : vector<256xf32> to vector<256x1xf32>
      %mul3A_392 = arith.mulf %add3A_320, %sub3A_388 : vector<256x128xf32>
      %sub3A_393 = arith.subf %mul3A_392, %sub3A_383 : vector<256x128xf32>
      %reduce_sum3A_394 = arith.constant dense<0.000000e+00> : vector<256xf32>
      %reduce_sum3A_395 = vector.multi_reduction <add>, %sub3A_393, %reduce_sum3A_394 [1] : vector<256x128xf32> to vector<256xf32>
      %broadcast_in_dim3A_396 = vector.shape_cast %reduce_sum3A_395 : vector<256xf32> to vector<256x1xf32>
      %concatenate3A = tpu.concatenate %broadcast_in_dim3A_323, %broadcast_in_dim3A_326, %broadcast_in_dim3A_331, %broadcast_in_dim3A_336, %broadcast_in_dim3A_341, %broadcast_in_dim3A_346, %broadcast_in_dim3A_351, %broadcast_in_dim3A_356, %broadcast_in_dim3A_361, %broadcast_in_dim3A_366, %broadcast_in_dim3A_371, %broadcast_in_dim3A_376, %broadcast_in_dim3A_381, %broadcast_in_dim3A_386, %broadcast_in_dim3A_391, %broadcast_in_dim3A_396 in 1 : vector<256x1xf32>, vector<256x1xf32>, vector<256x1xf32>, vector<256x1xf32>, vector<256x1xf32>, vector<256x1xf32>, vector<256x1xf32>, vector<256x1xf32>, vector<256x1xf32>, vector<256x1xf32>, vector<256x1xf32>, vector<256x1xf32>, vector<256x1xf32>, vector<256x1xf32>, vector<256x1xf32>, vector<256x1xf32> -> vector<256x16xf32>
      %add3A_397 = arith.addf %while3A_267, %concatenate3A : vector<256x16xf32>
      scf.yield %add3A_397 : vector<256x16xf32>
    }
    %while3A_90 = arith.constant 1 : i32
    %while3A_91 = scf.for %while3A_266 = %while3A_87 to %while3A_83 step %while3A_90 iter_args(%while3A_267 = %while3A_89) -> (vector<256x16xf32>)  : i32 {
      %mul3A_268 = arith.constant 128 : i32
      %mul3A_269 = arith.muli %while3A_266, %mul3A_268 : i32
      %get3A_270 = arith.constant 0 : index
      %get3A_271 = arith.constant 0 : index
      %get3A_272 = arith.index_cast %mul3A_269 : i32 to index
      %get3A_273 = vector.load %arg7[%get3A_270, %get3A_271, %get3A_272] : memref<1x1x2560xf32, #tpu.memory_space<vmem>>, vector<1x1x128xf32>
      %get3A_274 = vector.shape_cast %get3A_273 : vector<1x1x128xf32> to vector<1x128xf32>
      %get3A_275 = arith.constant 0 : index
      %get3A_276 = arith.constant 0 : index
      %get3A_277 = arith.index_cast %mul3A_269 : i32 to index
      %get3A_278 = vector.load %arg8[%get3A_275, %get3A_276, %get3A_277] : memref<1x1x2560xf32, #tpu.memory_space<vmem>>, vector<1x1x128xf32>
      %get3A_279 = vector.shape_cast %get3A_278 : vector<1x1x128xf32> to vector<1x128xf32>
      %get3A_280 = arith.constant 0 : index
      %get3A_281 = arith.constant 0 : index
      %get3A_282 = arith.index_cast %mul3A_269 : i32 to index
      %get3A_283 = vector.load %arg9[%get3A_280, %get3A_281, %get3A_282] : memref<1x1x2560xf32, #tpu.memory_space<vmem>>, vector<1x1x128xf32>
      %get3A_284 = vector.shape_cast %get3A_283 : vector<1x1x128xf32> to vector<1x128xf32>
      %get3A_285 = arith.constant 0 : index
      %get3A_286 = arith.constant 0 : index
      %get3A_287 = arith.index_cast %mul3A_269 : i32 to index
      %get3A_288 = vector.load %arg10[%get3A_285, %get3A_286, %get3A_287] : memref<1x1x2560xi32, #tpu.memory_space<vmem>>, vector<1x1x128xi32>
      %get3A_289 = vector.shape_cast %get3A_288 : vector<1x1x128xi32> to vector<1x128xi32>
      %sub3A = vector.broadcast %get3A_7 : vector<256x1xf32> to vector<256x128xf32>
      %sub3A_290 = vector.broadcast %get3A_274 : vector<1x128xf32> to vector<256x128xf32>
      %sub3A_291 = arith.subf %sub3A, %sub3A_290 : vector<256x128xf32>
      %sub3A_292 = vector.broadcast %get3A_12 : vector<256x1xf32> to vector<256x128xf32>
      %sub3A_293 = vector.broadcast %get3A_279 : vector<1x128xf32> to vector<256x128xf32>
      %sub3A_294 = arith.subf %sub3A_292, %sub3A_293 : vector<256x128xf32>
      %sub3A_295 = vector.broadcast %get3A_17 : vector<256x1xf32> to vector<256x128xf32>
      %sub3A_296 = vector.broadcast %get3A_284 : vector<1x128xf32> to vector<256x128xf32>
      %sub3A_297 = arith.subf %sub3A_295, %sub3A_296 : vector<256x128xf32>
      %mul3A_298 = arith.mulf %sub3A_291, %sub3A_291 : vector<256x128xf32>
      %mul3A_299 = arith.mulf %sub3A_294, %sub3A_294 : vector<256x128xf32>
      %add3A_300 = arith.addf %mul3A_298, %mul3A_299 : vector<256x128xf32>
      %mul3A_301 = arith.mulf %sub3A_297, %sub3A_297 : vector<256x128xf32>
      %add3A_302 = arith.addf %add3A_300, %mul3A_301 : vector<256x128xf32>
      %sqrt3A = math.sqrt %add3A_302 : vector<256x128xf32>
      %min3A = arith.constant 1.000000e+00 : f32
      %min3A_303 = vector.broadcast %min3A : f32 to vector<256x128xf32>
      %min3A_304 = arith.minimumf %sqrt3A, %min3A_303 : vector<256x128xf32>
      %le3A = arith.constant 1.000000e+00 : f32
      %le3A_305 = vector.broadcast %le3A : f32 to vector<256x128xf32>
      %le3A_306 = arith.cmpf ole, %add3A_302, %le3A_305 : vector<256x128xf32>
      %ne3A = vector.broadcast %get3A_27 : vector<256x1xi32> to vector<256x128xi32>
      %ne3A_307 = vector.broadcast %get3A_289 : vector<1x128xi32> to vector<256x128xi32>
      %ne3A_308 = arith.cmpi ne, %ne3A, %ne3A_307 : vector<256x128xi32>
      %and3A_309 = arith.andi %le3A_306, %ne3A_308 : vector<256x128xi1>
      %convert_element_type3A_310 = arith.extui %and3A_309 : vector<256x128xi1> to vector<256x128xi32>
      %convert_element_type3A_311 = arith.sitofp %convert_element_type3A_310 : vector<256x128xi32> to vector<256x128xf32>
      %div3A = arith.constant 1.000000e+00 : f32
      %div3A_312 = vector.broadcast %div3A : f32 to vector<256x128xf32>
      %div3A_313 = arith.divf %min3A_304, %div3A_312 : vector<256x128xf32>
      %mul3A_314 = arith.constant 2.000000e+00 : f32
      %mul3A_315 = vector.broadcast %mul3A_314 : f32 to vector<256x128xf32>
      %mul3A_316 = arith.mulf %mul3A_315, %div3A_313 : vector<256x128xf32>
      %sub3A_317 = arith.constant 1.000000e+00 : f32
      %sub3A_318 = vector.broadcast %sub3A_317 : f32 to vector<256x128xf32>
      %sub3A_319 = arith.subf %mul3A_316, %sub3A_318 : vector<256x128xf32>
      %add3A_320 = arith.addf %sub3A_319, %sub3A_319 : vector<256x128xf32>
      %mul3A_321 = arith.mulf %convert_element_type3A_311, %sub3A_319 : vector<256x128xf32>
      %reduce_sum3A = arith.constant dense<0.000000e+00> : vector<256xf32>
      %reduce_sum3A_322 = vector.multi_reduction <add>, %convert_element_type3A_311, %reduce_sum3A [1] : vector<256x128xf32> to vector<256xf32>
      %broadcast_in_dim3A_323 = vector.shape_cast %reduce_sum3A_322 : vector<256xf32> to vector<256x1xf32>
      %reduce_sum3A_324 = arith.constant dense<0.000000e+00> : vector<256xf32>
      %reduce_sum3A_325 = vector.multi_reduction <add>, %mul3A_321, %reduce_sum3A_324 [1] : vector<256x128xf32> to vector<256xf32>
      %broadcast_in_dim3A_326 = vector.shape_cast %reduce_sum3A_325 : vector<256xf32> to vector<256x1xf32>
      %mul3A_327 = arith.mulf %add3A_320, %mul3A_321 : vector<256x128xf32>
      %sub3A_328 = arith.subf %mul3A_327, %convert_element_type3A_311 : vector<256x128xf32>
      %reduce_sum3A_329 = arith.constant dense<0.000000e+00> : vector<256xf32>
      %reduce_sum3A_330 = vector.multi_reduction <add>, %sub3A_328, %reduce_sum3A_329 [1] : vector<256x128xf32> to vector<256xf32>
      %broadcast_in_dim3A_331 = vector.shape_cast %reduce_sum3A_330 : vector<256xf32> to vector<256x1xf32>
      %mul3A_332 = arith.mulf %add3A_320, %sub3A_328 : vector<256x128xf32>
      %sub3A_333 = arith.subf %mul3A_332, %mul3A_321 : vector<256x128xf32>
      %reduce_sum3A_334 = arith.constant dense<0.000000e+00> : vector<256xf32>
      %reduce_sum3A_335 = vector.multi_reduction <add>, %sub3A_333, %reduce_sum3A_334 [1] : vector<256x128xf32> to vector<256xf32>
      %broadcast_in_dim3A_336 = vector.shape_cast %reduce_sum3A_335 : vector<256xf32> to vector<256x1xf32>
      %mul3A_337 = arith.mulf %add3A_320, %sub3A_333 : vector<256x128xf32>
      %sub3A_338 = arith.subf %mul3A_337, %sub3A_328 : vector<256x128xf32>
      %reduce_sum3A_339 = arith.constant dense<0.000000e+00> : vector<256xf32>
      %reduce_sum3A_340 = vector.multi_reduction <add>, %sub3A_338, %reduce_sum3A_339 [1] : vector<256x128xf32> to vector<256xf32>
      %broadcast_in_dim3A_341 = vector.shape_cast %reduce_sum3A_340 : vector<256xf32> to vector<256x1xf32>
      %mul3A_342 = arith.mulf %add3A_320, %sub3A_338 : vector<256x128xf32>
      %sub3A_343 = arith.subf %mul3A_342, %sub3A_333 : vector<256x128xf32>
      %reduce_sum3A_344 = arith.constant dense<0.000000e+00> : vector<256xf32>
      %reduce_sum3A_345 = vector.multi_reduction <add>, %sub3A_343, %reduce_sum3A_344 [1] : vector<256x128xf32> to vector<256xf32>
      %broadcast_in_dim3A_346 = vector.shape_cast %reduce_sum3A_345 : vector<256xf32> to vector<256x1xf32>
      %mul3A_347 = arith.mulf %add3A_320, %sub3A_343 : vector<256x128xf32>
      %sub3A_348 = arith.subf %mul3A_347, %sub3A_338 : vector<256x128xf32>
      %reduce_sum3A_349 = arith.constant dense<0.000000e+00> : vector<256xf32>
      %reduce_sum3A_350 = vector.multi_reduction <add>, %sub3A_348, %reduce_sum3A_349 [1] : vector<256x128xf32> to vector<256xf32>
      %broadcast_in_dim3A_351 = vector.shape_cast %reduce_sum3A_350 : vector<256xf32> to vector<256x1xf32>
      %mul3A_352 = arith.mulf %add3A_320, %sub3A_348 : vector<256x128xf32>
      %sub3A_353 = arith.subf %mul3A_352, %sub3A_343 : vector<256x128xf32>
      %reduce_sum3A_354 = arith.constant dense<0.000000e+00> : vector<256xf32>
      %reduce_sum3A_355 = vector.multi_reduction <add>, %sub3A_353, %reduce_sum3A_354 [1] : vector<256x128xf32> to vector<256xf32>
      %broadcast_in_dim3A_356 = vector.shape_cast %reduce_sum3A_355 : vector<256xf32> to vector<256x1xf32>
      %mul3A_357 = arith.mulf %add3A_320, %sub3A_353 : vector<256x128xf32>
      %sub3A_358 = arith.subf %mul3A_357, %sub3A_348 : vector<256x128xf32>
      %reduce_sum3A_359 = arith.constant dense<0.000000e+00> : vector<256xf32>
      %reduce_sum3A_360 = vector.multi_reduction <add>, %sub3A_358, %reduce_sum3A_359 [1] : vector<256x128xf32> to vector<256xf32>
      %broadcast_in_dim3A_361 = vector.shape_cast %reduce_sum3A_360 : vector<256xf32> to vector<256x1xf32>
      %mul3A_362 = arith.mulf %add3A_320, %sub3A_358 : vector<256x128xf32>
      %sub3A_363 = arith.subf %mul3A_362, %sub3A_353 : vector<256x128xf32>
      %reduce_sum3A_364 = arith.constant dense<0.000000e+00> : vector<256xf32>
      %reduce_sum3A_365 = vector.multi_reduction <add>, %sub3A_363, %reduce_sum3A_364 [1] : vector<256x128xf32> to vector<256xf32>
      %broadcast_in_dim3A_366 = vector.shape_cast %reduce_sum3A_365 : vector<256xf32> to vector<256x1xf32>
      %mul3A_367 = arith.mulf %add3A_320, %sub3A_363 : vector<256x128xf32>
      %sub3A_368 = arith.subf %mul3A_367, %sub3A_358 : vector<256x128xf32>
      %reduce_sum3A_369 = arith.constant dense<0.000000e+00> : vector<256xf32>
      %reduce_sum3A_370 = vector.multi_reduction <add>, %sub3A_368, %reduce_sum3A_369 [1] : vector<256x128xf32> to vector<256xf32>
      %broadcast_in_dim3A_371 = vector.shape_cast %reduce_sum3A_370 : vector<256xf32> to vector<256x1xf32>
      %mul3A_372 = arith.mulf %add3A_320, %sub3A_368 : vector<256x128xf32>
      %sub3A_373 = arith.subf %mul3A_372, %sub3A_363 : vector<256x128xf32>
      %reduce_sum3A_374 = arith.constant dense<0.000000e+00> : vector<256xf32>
      %reduce_sum3A_375 = vector.multi_reduction <add>, %sub3A_373, %reduce_sum3A_374 [1] : vector<256x128xf32> to vector<256xf32>
      %broadcast_in_dim3A_376 = vector.shape_cast %reduce_sum3A_375 : vector<256xf32> to vector<256x1xf32>
      %mul3A_377 = arith.mulf %add3A_320, %sub3A_373 : vector<256x128xf32>
      %sub3A_378 = arith.subf %mul3A_377, %sub3A_368 : vector<256x128xf32>
      %reduce_sum3A_379 = arith.constant dense<0.000000e+00> : vector<256xf32>
      %reduce_sum3A_380 = vector.multi_reduction <add>, %sub3A_378, %reduce_sum3A_379 [1] : vector<256x128xf32> to vector<256xf32>
      %broadcast_in_dim3A_381 = vector.shape_cast %reduce_sum3A_380 : vector<256xf32> to vector<256x1xf32>
      %mul3A_382 = arith.mulf %add3A_320, %sub3A_378 : vector<256x128xf32>
      %sub3A_383 = arith.subf %mul3A_382, %sub3A_373 : vector<256x128xf32>
      %reduce_sum3A_384 = arith.constant dense<0.000000e+00> : vector<256xf32>
      %reduce_sum3A_385 = vector.multi_reduction <add>, %sub3A_383, %reduce_sum3A_384 [1] : vector<256x128xf32> to vector<256xf32>
      %broadcast_in_dim3A_386 = vector.shape_cast %reduce_sum3A_385 : vector<256xf32> to vector<256x1xf32>
      %mul3A_387 = arith.mulf %add3A_320, %sub3A_383 : vector<256x128xf32>
      %sub3A_388 = arith.subf %mul3A_387, %sub3A_378 : vector<256x128xf32>
      %reduce_sum3A_389 = arith.constant dense<0.000000e+00> : vector<256xf32>
      %reduce_sum3A_390 = vector.multi_reduction <add>, %sub3A_388, %reduce_sum3A_389 [1] : vector<256x128xf32> to vector<256xf32>
      %broadcast_in_dim3A_391 = vector.shape_cast %reduce_sum3A_390 : vector<256xf32> to vector<256x1xf32>
      %mul3A_392 = arith.mulf %add3A_320, %sub3A_388 : vector<256x128xf32>
      %sub3A_393 = arith.subf %mul3A_392, %sub3A_383 : vector<256x128xf32>
      %reduce_sum3A_394 = arith.constant dense<0.000000e+00> : vector<256xf32>
      %reduce_sum3A_395 = vector.multi_reduction <add>, %sub3A_393, %reduce_sum3A_394 [1] : vector<256x128xf32> to vector<256xf32>
      %broadcast_in_dim3A_396 = vector.shape_cast %reduce_sum3A_395 : vector<256xf32> to vector<256x1xf32>
      %concatenate3A = tpu.concatenate %broadcast_in_dim3A_323, %broadcast_in_dim3A_326, %broadcast_in_dim3A_331, %broadcast_in_dim3A_336, %broadcast_in_dim3A_341, %broadcast_in_dim3A_346, %broadcast_in_dim3A_351, %broadcast_in_dim3A_356, %broadcast_in_dim3A_361, %broadcast_in_dim3A_366, %broadcast_in_dim3A_371, %broadcast_in_dim3A_376, %broadcast_in_dim3A_381, %broadcast_in_dim3A_386, %broadcast_in_dim3A_391, %broadcast_in_dim3A_396 in 1 : vector<256x1xf32>, vector<256x1xf32>, vector<256x1xf32>, vector<256x1xf32>, vector<256x1xf32>, vector<256x1xf32>, vector<256x1xf32>, vector<256x1xf32>, vector<256x1xf32>, vector<256x1xf32>, vector<256x1xf32>, vector<256x1xf32>, vector<256x1xf32>, vector<256x1xf32>, vector<256x1xf32>, vector<256x1xf32> -> vector<256x16xf32>
      %add3A_397 = arith.addf %while3A_267, %concatenate3A : vector<256x16xf32>
      scf.yield %add3A_397 : vector<256x16xf32>
    }
    %get3A_92 = arith.constant 0 : index
    %get3A_93 = arith.constant 0 : index
    %get3A_94 = arith.constant 0 : index
    %get3A_95 = arith.constant 3 : index
    %get3A_96 = memref.load %arg11[%get3A_92, %get3A_93, %get3A_94, %get3A_95] : memref<1x1x1x8xi32, #tpu.memory_space<smem>>
    %get3A_97 = arith.constant 0 : index
    %get3A_98 = arith.constant 0 : index
    %get3A_99 = arith.constant 0 : index
    %get3A_100 = arith.constant 7 : index
    %get3A_101 = memref.load %arg11[%get3A_97, %get3A_98, %get3A_99, %get3A_100] : memref<1x1x1x8xi32, #tpu.memory_space<smem>>
    %broadcast_in_dim3A_102 = arith.constant 0.000000e+00 : f32
    %broadcast_in_dim3A_103 = vector.broadcast %broadcast_in_dim3A_102 : f32 to vector<256x16xf32>
    %while3A_104 = arith.subi %get3A_101, %get3A_96 : i32
    %while3A_105 = arith.addi %get3A_96, %while3A_104 : i32
    %while3A_106 = arith.constant 1 : i32
    %while3A_107 = arith.divsi %while3A_104, %while3A_106 : i32
    %while3A_108 = arith.muli %while3A_107, %while3A_106 : i32
    %while3A_109 = arith.addi %get3A_96, %while3A_108 : i32
    %while3A_110 = arith.constant 1 : i32
    %while3A_111 = scf.for %while3A_266 = %get3A_96 to %while3A_109 step %while3A_110 iter_args(%while3A_267 = %broadcast_in_dim3A_103) -> (vector<256x16xf32>)  : i32 {
      %mul3A_268 = arith.constant 128 : i32
      %mul3A_269 = arith.muli %while3A_266, %mul3A_268 : i32
      %get3A_270 = arith.constant 0 : index
      %get3A_271 = arith.constant 0 : index
      %get3A_272 = arith.index_cast %mul3A_269 : i32 to index
      %get3A_273 = vector.load %arg7[%get3A_270, %get3A_271, %get3A_272] : memref<1x1x2560xf32, #tpu.memory_space<vmem>>, vector<1x1x128xf32>
      %get3A_274 = vector.shape_cast %get3A_273 : vector<1x1x128xf32> to vector<1x128xf32>
      %get3A_275 = arith.constant 0 : index
      %get3A_276 = arith.constant 0 : index
      %get3A_277 = arith.index_cast %mul3A_269 : i32 to index
      %get3A_278 = vector.load %arg8[%get3A_275, %get3A_276, %get3A_277] : memref<1x1x2560xf32, #tpu.memory_space<vmem>>, vector<1x1x128xf32>
      %get3A_279 = vector.shape_cast %get3A_278 : vector<1x1x128xf32> to vector<1x128xf32>
      %get3A_280 = arith.constant 0 : index
      %get3A_281 = arith.constant 0 : index
      %get3A_282 = arith.index_cast %mul3A_269 : i32 to index
      %get3A_283 = vector.load %arg9[%get3A_280, %get3A_281, %get3A_282] : memref<1x1x2560xf32, #tpu.memory_space<vmem>>, vector<1x1x128xf32>
      %get3A_284 = vector.shape_cast %get3A_283 : vector<1x1x128xf32> to vector<1x128xf32>
      %get3A_285 = arith.constant 0 : index
      %get3A_286 = arith.constant 0 : index
      %get3A_287 = arith.index_cast %mul3A_269 : i32 to index
      %get3A_288 = vector.load %arg10[%get3A_285, %get3A_286, %get3A_287] : memref<1x1x2560xi32, #tpu.memory_space<vmem>>, vector<1x1x128xi32>
      %get3A_289 = vector.shape_cast %get3A_288 : vector<1x1x128xi32> to vector<1x128xi32>
      %sub3A = vector.broadcast %get3A_7 : vector<256x1xf32> to vector<256x128xf32>
      %sub3A_290 = vector.broadcast %get3A_274 : vector<1x128xf32> to vector<256x128xf32>
      %sub3A_291 = arith.subf %sub3A, %sub3A_290 : vector<256x128xf32>
      %sub3A_292 = vector.broadcast %get3A_12 : vector<256x1xf32> to vector<256x128xf32>
      %sub3A_293 = vector.broadcast %get3A_279 : vector<1x128xf32> to vector<256x128xf32>
      %sub3A_294 = arith.subf %sub3A_292, %sub3A_293 : vector<256x128xf32>
      %sub3A_295 = vector.broadcast %get3A_17 : vector<256x1xf32> to vector<256x128xf32>
      %sub3A_296 = vector.broadcast %get3A_284 : vector<1x128xf32> to vector<256x128xf32>
      %sub3A_297 = arith.subf %sub3A_295, %sub3A_296 : vector<256x128xf32>
      %mul3A_298 = arith.mulf %sub3A_291, %sub3A_291 : vector<256x128xf32>
      %mul3A_299 = arith.mulf %sub3A_294, %sub3A_294 : vector<256x128xf32>
      %add3A_300 = arith.addf %mul3A_298, %mul3A_299 : vector<256x128xf32>
      %mul3A_301 = arith.mulf %sub3A_297, %sub3A_297 : vector<256x128xf32>
      %add3A_302 = arith.addf %add3A_300, %mul3A_301 : vector<256x128xf32>
      %sqrt3A = math.sqrt %add3A_302 : vector<256x128xf32>
      %min3A = arith.constant 1.000000e+00 : f32
      %min3A_303 = vector.broadcast %min3A : f32 to vector<256x128xf32>
      %min3A_304 = arith.minimumf %sqrt3A, %min3A_303 : vector<256x128xf32>
      %le3A = arith.constant 1.000000e+00 : f32
      %le3A_305 = vector.broadcast %le3A : f32 to vector<256x128xf32>
      %le3A_306 = arith.cmpf ole, %add3A_302, %le3A_305 : vector<256x128xf32>
      %ne3A = vector.broadcast %get3A_27 : vector<256x1xi32> to vector<256x128xi32>
      %ne3A_307 = vector.broadcast %get3A_289 : vector<1x128xi32> to vector<256x128xi32>
      %ne3A_308 = arith.cmpi ne, %ne3A, %ne3A_307 : vector<256x128xi32>
      %and3A_309 = arith.andi %le3A_306, %ne3A_308 : vector<256x128xi1>
      %convert_element_type3A_310 = arith.extui %and3A_309 : vector<256x128xi1> to vector<256x128xi32>
      %convert_element_type3A_311 = arith.sitofp %convert_element_type3A_310 : vector<256x128xi32> to vector<256x128xf32>
      %div3A = arith.constant 1.000000e+00 : f32
      %div3A_312 = vector.broadcast %div3A : f32 to vector<256x128xf32>
      %div3A_313 = arith.divf %min3A_304, %div3A_312 : vector<256x128xf32>
      %mul3A_314 = arith.constant 2.000000e+00 : f32
      %mul3A_315 = vector.broadcast %mul3A_314 : f32 to vector<256x128xf32>
      %mul3A_316 = arith.mulf %mul3A_315, %div3A_313 : vector<256x128xf32>
      %sub3A_317 = arith.constant 1.000000e+00 : f32
      %sub3A_318 = vector.broadcast %sub3A_317 : f32 to vector<256x128xf32>
      %sub3A_319 = arith.subf %mul3A_316, %sub3A_318 : vector<256x128xf32>
      %add3A_320 = arith.addf %sub3A_319, %sub3A_319 : vector<256x128xf32>
      %mul3A_321 = arith.mulf %convert_element_type3A_311, %sub3A_319 : vector<256x128xf32>
      %reduce_sum3A = arith.constant dense<0.000000e+00> : vector<256xf32>
      %reduce_sum3A_322 = vector.multi_reduction <add>, %convert_element_type3A_311, %reduce_sum3A [1] : vector<256x128xf32> to vector<256xf32>
      %broadcast_in_dim3A_323 = vector.shape_cast %reduce_sum3A_322 : vector<256xf32> to vector<256x1xf32>
      %reduce_sum3A_324 = arith.constant dense<0.000000e+00> : vector<256xf32>
      %reduce_sum3A_325 = vector.multi_reduction <add>, %mul3A_321, %reduce_sum3A_324 [1] : vector<256x128xf32> to vector<256xf32>
      %broadcast_in_dim3A_326 = vector.shape_cast %reduce_sum3A_325 : vector<256xf32> to vector<256x1xf32>
      %mul3A_327 = arith.mulf %add3A_320, %mul3A_321 : vector<256x128xf32>
      %sub3A_328 = arith.subf %mul3A_327, %convert_element_type3A_311 : vector<256x128xf32>
      %reduce_sum3A_329 = arith.constant dense<0.000000e+00> : vector<256xf32>
      %reduce_sum3A_330 = vector.multi_reduction <add>, %sub3A_328, %reduce_sum3A_329 [1] : vector<256x128xf32> to vector<256xf32>
      %broadcast_in_dim3A_331 = vector.shape_cast %reduce_sum3A_330 : vector<256xf32> to vector<256x1xf32>
      %mul3A_332 = arith.mulf %add3A_320, %sub3A_328 : vector<256x128xf32>
      %sub3A_333 = arith.subf %mul3A_332, %mul3A_321 : vector<256x128xf32>
      %reduce_sum3A_334 = arith.constant dense<0.000000e+00> : vector<256xf32>
      %reduce_sum3A_335 = vector.multi_reduction <add>, %sub3A_333, %reduce_sum3A_334 [1] : vector<256x128xf32> to vector<256xf32>
      %broadcast_in_dim3A_336 = vector.shape_cast %reduce_sum3A_335 : vector<256xf32> to vector<256x1xf32>
      %mul3A_337 = arith.mulf %add3A_320, %sub3A_333 : vector<256x128xf32>
      %sub3A_338 = arith.subf %mul3A_337, %sub3A_328 : vector<256x128xf32>
      %reduce_sum3A_339 = arith.constant dense<0.000000e+00> : vector<256xf32>
      %reduce_sum3A_340 = vector.multi_reduction <add>, %sub3A_338, %reduce_sum3A_339 [1] : vector<256x128xf32> to vector<256xf32>
      %broadcast_in_dim3A_341 = vector.shape_cast %reduce_sum3A_340 : vector<256xf32> to vector<256x1xf32>
      %mul3A_342 = arith.mulf %add3A_320, %sub3A_338 : vector<256x128xf32>
      %sub3A_343 = arith.subf %mul3A_342, %sub3A_333 : vector<256x128xf32>
      %reduce_sum3A_344 = arith.constant dense<0.000000e+00> : vector<256xf32>
      %reduce_sum3A_345 = vector.multi_reduction <add>, %sub3A_343, %reduce_sum3A_344 [1] : vector<256x128xf32> to vector<256xf32>
      %broadcast_in_dim3A_346 = vector.shape_cast %reduce_sum3A_345 : vector<256xf32> to vector<256x1xf32>
      %mul3A_347 = arith.mulf %add3A_320, %sub3A_343 : vector<256x128xf32>
      %sub3A_348 = arith.subf %mul3A_347, %sub3A_338 : vector<256x128xf32>
      %reduce_sum3A_349 = arith.constant dense<0.000000e+00> : vector<256xf32>
      %reduce_sum3A_350 = vector.multi_reduction <add>, %sub3A_348, %reduce_sum3A_349 [1] : vector<256x128xf32> to vector<256xf32>
      %broadcast_in_dim3A_351 = vector.shape_cast %reduce_sum3A_350 : vector<256xf32> to vector<256x1xf32>
      %mul3A_352 = arith.mulf %add3A_320, %sub3A_348 : vector<256x128xf32>
      %sub3A_353 = arith.subf %mul3A_352, %sub3A_343 : vector<256x128xf32>
      %reduce_sum3A_354 = arith.constant dense<0.000000e+00> : vector<256xf32>
      %reduce_sum3A_355 = vector.multi_reduction <add>, %sub3A_353, %reduce_sum3A_354 [1] : vector<256x128xf32> to vector<256xf32>
      %broadcast_in_dim3A_356 = vector.shape_cast %reduce_sum3A_355 : vector<256xf32> to vector<256x1xf32>
      %mul3A_357 = arith.mulf %add3A_320, %sub3A_353 : vector<256x128xf32>
      %sub3A_358 = arith.subf %mul3A_357, %sub3A_348 : vector<256x128xf32>
      %reduce_sum3A_359 = arith.constant dense<0.000000e+00> : vector<256xf32>
      %reduce_sum3A_360 = vector.multi_reduction <add>, %sub3A_358, %reduce_sum3A_359 [1] : vector<256x128xf32> to vector<256xf32>
      %broadcast_in_dim3A_361 = vector.shape_cast %reduce_sum3A_360 : vector<256xf32> to vector<256x1xf32>
      %mul3A_362 = arith.mulf %add3A_320, %sub3A_358 : vector<256x128xf32>
      %sub3A_363 = arith.subf %mul3A_362, %sub3A_353 : vector<256x128xf32>
      %reduce_sum3A_364 = arith.constant dense<0.000000e+00> : vector<256xf32>
      %reduce_sum3A_365 = vector.multi_reduction <add>, %sub3A_363, %reduce_sum3A_364 [1] : vector<256x128xf32> to vector<256xf32>
      %broadcast_in_dim3A_366 = vector.shape_cast %reduce_sum3A_365 : vector<256xf32> to vector<256x1xf32>
      %mul3A_367 = arith.mulf %add3A_320, %sub3A_363 : vector<256x128xf32>
      %sub3A_368 = arith.subf %mul3A_367, %sub3A_358 : vector<256x128xf32>
      %reduce_sum3A_369 = arith.constant dense<0.000000e+00> : vector<256xf32>
      %reduce_sum3A_370 = vector.multi_reduction <add>, %sub3A_368, %reduce_sum3A_369 [1] : vector<256x128xf32> to vector<256xf32>
      %broadcast_in_dim3A_371 = vector.shape_cast %reduce_sum3A_370 : vector<256xf32> to vector<256x1xf32>
      %mul3A_372 = arith.mulf %add3A_320, %sub3A_368 : vector<256x128xf32>
      %sub3A_373 = arith.subf %mul3A_372, %sub3A_363 : vector<256x128xf32>
      %reduce_sum3A_374 = arith.constant dense<0.000000e+00> : vector<256xf32>
      %reduce_sum3A_375 = vector.multi_reduction <add>, %sub3A_373, %reduce_sum3A_374 [1] : vector<256x128xf32> to vector<256xf32>
      %broadcast_in_dim3A_376 = vector.shape_cast %reduce_sum3A_375 : vector<256xf32> to vector<256x1xf32>
      %mul3A_377 = arith.mulf %add3A_320, %sub3A_373 : vector<256x128xf32>
      %sub3A_378 = arith.subf %mul3A_377, %sub3A_368 : vector<256x128xf32>
      %reduce_sum3A_379 = arith.constant dense<0.000000e+00> : vector<256xf32>
      %reduce_sum3A_380 = vector.multi_reduction <add>, %sub3A_378, %reduce_sum3A_379 [1] : vector<256x128xf32> to vector<256xf32>
      %broadcast_in_dim3A_381 = vector.shape_cast %reduce_sum3A_380 : vector<256xf32> to vector<256x1xf32>
      %mul3A_382 = arith.mulf %add3A_320, %sub3A_378 : vector<256x128xf32>
      %sub3A_383 = arith.subf %mul3A_382, %sub3A_373 : vector<256x128xf32>
      %reduce_sum3A_384 = arith.constant dense<0.000000e+00> : vector<256xf32>
      %reduce_sum3A_385 = vector.multi_reduction <add>, %sub3A_383, %reduce_sum3A_384 [1] : vector<256x128xf32> to vector<256xf32>
      %broadcast_in_dim3A_386 = vector.shape_cast %reduce_sum3A_385 : vector<256xf32> to vector<256x1xf32>
      %mul3A_387 = arith.mulf %add3A_320, %sub3A_383 : vector<256x128xf32>
      %sub3A_388 = arith.subf %mul3A_387, %sub3A_378 : vector<256x128xf32>
      %reduce_sum3A_389 = arith.constant dense<0.000000e+00> : vector<256xf32>
      %reduce_sum3A_390 = vector.multi_reduction <add>, %sub3A_388, %reduce_sum3A_389 [1] : vector<256x128xf32> to vector<256xf32>
      %broadcast_in_dim3A_391 = vector.shape_cast %reduce_sum3A_390 : vector<256xf32> to vector<256x1xf32>
      %mul3A_392 = arith.mulf %add3A_320, %sub3A_388 : vector<256x128xf32>
      %sub3A_393 = arith.subf %mul3A_392, %sub3A_383 : vector<256x128xf32>
      %reduce_sum3A_394 = arith.constant dense<0.000000e+00> : vector<256xf32>
      %reduce_sum3A_395 = vector.multi_reduction <add>, %sub3A_393, %reduce_sum3A_394 [1] : vector<256x128xf32> to vector<256xf32>
      %broadcast_in_dim3A_396 = vector.shape_cast %reduce_sum3A_395 : vector<256xf32> to vector<256x1xf32>
      %concatenate3A = tpu.concatenate %broadcast_in_dim3A_323, %broadcast_in_dim3A_326, %broadcast_in_dim3A_331, %broadcast_in_dim3A_336, %broadcast_in_dim3A_341, %broadcast_in_dim3A_346, %broadcast_in_dim3A_351, %broadcast_in_dim3A_356, %broadcast_in_dim3A_361, %broadcast_in_dim3A_366, %broadcast_in_dim3A_371, %broadcast_in_dim3A_376, %broadcast_in_dim3A_381, %broadcast_in_dim3A_386, %broadcast_in_dim3A_391, %broadcast_in_dim3A_396 in 1 : vector<256x1xf32>, vector<256x1xf32>, vector<256x1xf32>, vector<256x1xf32>, vector<256x1xf32>, vector<256x1xf32>, vector<256x1xf32>, vector<256x1xf32>, vector<256x1xf32>, vector<256x1xf32>, vector<256x1xf32>, vector<256x1xf32>, vector<256x1xf32>, vector<256x1xf32>, vector<256x1xf32>, vector<256x1xf32> -> vector<256x16xf32>
      %add3A_397 = arith.addf %while3A_267, %concatenate3A : vector<256x16xf32>
      scf.yield %add3A_397 : vector<256x16xf32>
    }
    %while3A_112 = arith.constant 1 : i32
    %while3A_113 = scf.for %while3A_266 = %while3A_109 to %while3A_105 step %while3A_112 iter_args(%while3A_267 = %while3A_111) -> (vector<256x16xf32>)  : i32 {
      %mul3A_268 = arith.constant 128 : i32
      %mul3A_269 = arith.muli %while3A_266, %mul3A_268 : i32
      %get3A_270 = arith.constant 0 : index
      %get3A_271 = arith.constant 0 : index
      %get3A_272 = arith.index_cast %mul3A_269 : i32 to index
      %get3A_273 = vector.load %arg7[%get3A_270, %get3A_271, %get3A_272] : memref<1x1x2560xf32, #tpu.memory_space<vmem>>, vector<1x1x128xf32>
      %get3A_274 = vector.shape_cast %get3A_273 : vector<1x1x128xf32> to vector<1x128xf32>
      %get3A_275 = arith.constant 0 : index
      %get3A_276 = arith.constant 0 : index
      %get3A_277 = arith.index_cast %mul3A_269 : i32 to index
      %get3A_278 = vector.load %arg8[%get3A_275, %get3A_276, %get3A_277] : memref<1x1x2560xf32, #tpu.memory_space<vmem>>, vector<1x1x128xf32>
      %get3A_279 = vector.shape_cast %get3A_278 : vector<1x1x128xf32> to vector<1x128xf32>
      %get3A_280 = arith.constant 0 : index
      %get3A_281 = arith.constant 0 : index
      %get3A_282 = arith.index_cast %mul3A_269 : i32 to index
      %get3A_283 = vector.load %arg9[%get3A_280, %get3A_281, %get3A_282] : memref<1x1x2560xf32, #tpu.memory_space<vmem>>, vector<1x1x128xf32>
      %get3A_284 = vector.shape_cast %get3A_283 : vector<1x1x128xf32> to vector<1x128xf32>
      %get3A_285 = arith.constant 0 : index
      %get3A_286 = arith.constant 0 : index
      %get3A_287 = arith.index_cast %mul3A_269 : i32 to index
      %get3A_288 = vector.load %arg10[%get3A_285, %get3A_286, %get3A_287] : memref<1x1x2560xi32, #tpu.memory_space<vmem>>, vector<1x1x128xi32>
      %get3A_289 = vector.shape_cast %get3A_288 : vector<1x1x128xi32> to vector<1x128xi32>
      %sub3A = vector.broadcast %get3A_7 : vector<256x1xf32> to vector<256x128xf32>
      %sub3A_290 = vector.broadcast %get3A_274 : vector<1x128xf32> to vector<256x128xf32>
      %sub3A_291 = arith.subf %sub3A, %sub3A_290 : vector<256x128xf32>
      %sub3A_292 = vector.broadcast %get3A_12 : vector<256x1xf32> to vector<256x128xf32>
      %sub3A_293 = vector.broadcast %get3A_279 : vector<1x128xf32> to vector<256x128xf32>
      %sub3A_294 = arith.subf %sub3A_292, %sub3A_293 : vector<256x128xf32>
      %sub3A_295 = vector.broadcast %get3A_17 : vector<256x1xf32> to vector<256x128xf32>
      %sub3A_296 = vector.broadcast %get3A_284 : vector<1x128xf32> to vector<256x128xf32>
      %sub3A_297 = arith.subf %sub3A_295, %sub3A_296 : vector<256x128xf32>
      %mul3A_298 = arith.mulf %sub3A_291, %sub3A_291 : vector<256x128xf32>
      %mul3A_299 = arith.mulf %sub3A_294, %sub3A_294 : vector<256x128xf32>
      %add3A_300 = arith.addf %mul3A_298, %mul3A_299 : vector<256x128xf32>
      %mul3A_301 = arith.mulf %sub3A_297, %sub3A_297 : vector<256x128xf32>
      %add3A_302 = arith.addf %add3A_300, %mul3A_301 : vector<256x128xf32>
      %sqrt3A = math.sqrt %add3A_302 : vector<256x128xf32>
      %min3A = arith.constant 1.000000e+00 : f32
      %min3A_303 = vector.broadcast %min3A : f32 to vector<256x128xf32>
      %min3A_304 = arith.minimumf %sqrt3A, %min3A_303 : vector<256x128xf32>
      %le3A = arith.constant 1.000000e+00 : f32
      %le3A_305 = vector.broadcast %le3A : f32 to vector<256x128xf32>
      %le3A_306 = arith.cmpf ole, %add3A_302, %le3A_305 : vector<256x128xf32>
      %ne3A = vector.broadcast %get3A_27 : vector<256x1xi32> to vector<256x128xi32>
      %ne3A_307 = vector.broadcast %get3A_289 : vector<1x128xi32> to vector<256x128xi32>
      %ne3A_308 = arith.cmpi ne, %ne3A, %ne3A_307 : vector<256x128xi32>
      %and3A_309 = arith.andi %le3A_306, %ne3A_308 : vector<256x128xi1>
      %convert_element_type3A_310 = arith.extui %and3A_309 : vector<256x128xi1> to vector<256x128xi32>
      %convert_element_type3A_311 = arith.sitofp %convert_element_type3A_310 : vector<256x128xi32> to vector<256x128xf32>
      %div3A = arith.constant 1.000000e+00 : f32
      %div3A_312 = vector.broadcast %div3A : f32 to vector<256x128xf32>
      %div3A_313 = arith.divf %min3A_304, %div3A_312 : vector<256x128xf32>
      %mul3A_314 = arith.constant 2.000000e+00 : f32
      %mul3A_315 = vector.broadcast %mul3A_314 : f32 to vector<256x128xf32>
      %mul3A_316 = arith.mulf %mul3A_315, %div3A_313 : vector<256x128xf32>
      %sub3A_317 = arith.constant 1.000000e+00 : f32
      %sub3A_318 = vector.broadcast %sub3A_317 : f32 to vector<256x128xf32>
      %sub3A_319 = arith.subf %mul3A_316, %sub3A_318 : vector<256x128xf32>
      %add3A_320 = arith.addf %sub3A_319, %sub3A_319 : vector<256x128xf32>
      %mul3A_321 = arith.mulf %convert_element_type3A_311, %sub3A_319 : vector<256x128xf32>
      %reduce_sum3A = arith.constant dense<0.000000e+00> : vector<256xf32>
      %reduce_sum3A_322 = vector.multi_reduction <add>, %convert_element_type3A_311, %reduce_sum3A [1] : vector<256x128xf32> to vector<256xf32>
      %broadcast_in_dim3A_323 = vector.shape_cast %reduce_sum3A_322 : vector<256xf32> to vector<256x1xf32>
      %reduce_sum3A_324 = arith.constant dense<0.000000e+00> : vector<256xf32>
      %reduce_sum3A_325 = vector.multi_reduction <add>, %mul3A_321, %reduce_sum3A_324 [1] : vector<256x128xf32> to vector<256xf32>
      %broadcast_in_dim3A_326 = vector.shape_cast %reduce_sum3A_325 : vector<256xf32> to vector<256x1xf32>
      %mul3A_327 = arith.mulf %add3A_320, %mul3A_321 : vector<256x128xf32>
      %sub3A_328 = arith.subf %mul3A_327, %convert_element_type3A_311 : vector<256x128xf32>
      %reduce_sum3A_329 = arith.constant dense<0.000000e+00> : vector<256xf32>
      %reduce_sum3A_330 = vector.multi_reduction <add>, %sub3A_328, %reduce_sum3A_329 [1] : vector<256x128xf32> to vector<256xf32>
      %broadcast_in_dim3A_331 = vector.shape_cast %reduce_sum3A_330 : vector<256xf32> to vector<256x1xf32>
      %mul3A_332 = arith.mulf %add3A_320, %sub3A_328 : vector<256x128xf32>
      %sub3A_333 = arith.subf %mul3A_332, %mul3A_321 : vector<256x128xf32>
      %reduce_sum3A_334 = arith.constant dense<0.000000e+00> : vector<256xf32>
      %reduce_sum3A_335 = vector.multi_reduction <add>, %sub3A_333, %reduce_sum3A_334 [1] : vector<256x128xf32> to vector<256xf32>
      %broadcast_in_dim3A_336 = vector.shape_cast %reduce_sum3A_335 : vector<256xf32> to vector<256x1xf32>
      %mul3A_337 = arith.mulf %add3A_320, %sub3A_333 : vector<256x128xf32>
      %sub3A_338 = arith.subf %mul3A_337, %sub3A_328 : vector<256x128xf32>
      %reduce_sum3A_339 = arith.constant dense<0.000000e+00> : vector<256xf32>
      %reduce_sum3A_340 = vector.multi_reduction <add>, %sub3A_338, %reduce_sum3A_339 [1] : vector<256x128xf32> to vector<256xf32>
      %broadcast_in_dim3A_341 = vector.shape_cast %reduce_sum3A_340 : vector<256xf32> to vector<256x1xf32>
      %mul3A_342 = arith.mulf %add3A_320, %sub3A_338 : vector<256x128xf32>
      %sub3A_343 = arith.subf %mul3A_342, %sub3A_333 : vector<256x128xf32>
      %reduce_sum3A_344 = arith.constant dense<0.000000e+00> : vector<256xf32>
      %reduce_sum3A_345 = vector.multi_reduction <add>, %sub3A_343, %reduce_sum3A_344 [1] : vector<256x128xf32> to vector<256xf32>
      %broadcast_in_dim3A_346 = vector.shape_cast %reduce_sum3A_345 : vector<256xf32> to vector<256x1xf32>
      %mul3A_347 = arith.mulf %add3A_320, %sub3A_343 : vector<256x128xf32>
      %sub3A_348 = arith.subf %mul3A_347, %sub3A_338 : vector<256x128xf32>
      %reduce_sum3A_349 = arith.constant dense<0.000000e+00> : vector<256xf32>
      %reduce_sum3A_350 = vector.multi_reduction <add>, %sub3A_348, %reduce_sum3A_349 [1] : vector<256x128xf32> to vector<256xf32>
      %broadcast_in_dim3A_351 = vector.shape_cast %reduce_sum3A_350 : vector<256xf32> to vector<256x1xf32>
      %mul3A_352 = arith.mulf %add3A_320, %sub3A_348 : vector<256x128xf32>
      %sub3A_353 = arith.subf %mul3A_352, %sub3A_343 : vector<256x128xf32>
      %reduce_sum3A_354 = arith.constant dense<0.000000e+00> : vector<256xf32>
      %reduce_sum3A_355 = vector.multi_reduction <add>, %sub3A_353, %reduce_sum3A_354 [1] : vector<256x128xf32> to vector<256xf32>
      %broadcast_in_dim3A_356 = vector.shape_cast %reduce_sum3A_355 : vector<256xf32> to vector<256x1xf32>
      %mul3A_357 = arith.mulf %add3A_320, %sub3A_353 : vector<256x128xf32>
      %sub3A_358 = arith.subf %mul3A_357, %sub3A_348 : vector<256x128xf32>
      %reduce_sum3A_359 = arith.constant dense<0.000000e+00> : vector<256xf32>
      %reduce_sum3A_360 = vector.multi_reduction <add>, %sub3A_358, %reduce_sum3A_359 [1] : vector<256x128xf32> to vector<256xf32>
      %broadcast_in_dim3A_361 = vector.shape_cast %reduce_sum3A_360 : vector<256xf32> to vector<256x1xf32>
      %mul3A_362 = arith.mulf %add3A_320, %sub3A_358 : vector<256x128xf32>
      %sub3A_363 = arith.subf %mul3A_362, %sub3A_353 : vector<256x128xf32>
      %reduce_sum3A_364 = arith.constant dense<0.000000e+00> : vector<256xf32>
      %reduce_sum3A_365 = vector.multi_reduction <add>, %sub3A_363, %reduce_sum3A_364 [1] : vector<256x128xf32> to vector<256xf32>
      %broadcast_in_dim3A_366 = vector.shape_cast %reduce_sum3A_365 : vector<256xf32> to vector<256x1xf32>
      %mul3A_367 = arith.mulf %add3A_320, %sub3A_363 : vector<256x128xf32>
      %sub3A_368 = arith.subf %mul3A_367, %sub3A_358 : vector<256x128xf32>
      %reduce_sum3A_369 = arith.constant dense<0.000000e+00> : vector<256xf32>
      %reduce_sum3A_370 = vector.multi_reduction <add>, %sub3A_368, %reduce_sum3A_369 [1] : vector<256x128xf32> to vector<256xf32>
      %broadcast_in_dim3A_371 = vector.shape_cast %reduce_sum3A_370 : vector<256xf32> to vector<256x1xf32>
      %mul3A_372 = arith.mulf %add3A_320, %sub3A_368 : vector<256x128xf32>
      %sub3A_373 = arith.subf %mul3A_372, %sub3A_363 : vector<256x128xf32>
      %reduce_sum3A_374 = arith.constant dense<0.000000e+00> : vector<256xf32>
      %reduce_sum3A_375 = vector.multi_reduction <add>, %sub3A_373, %reduce_sum3A_374 [1] : vector<256x128xf32> to vector<256xf32>
      %broadcast_in_dim3A_376 = vector.shape_cast %reduce_sum3A_375 : vector<256xf32> to vector<256x1xf32>
      %mul3A_377 = arith.mulf %add3A_320, %sub3A_373 : vector<256x128xf32>
      %sub3A_378 = arith.subf %mul3A_377, %sub3A_368 : vector<256x128xf32>
      %reduce_sum3A_379 = arith.constant dense<0.000000e+00> : vector<256xf32>
      %reduce_sum3A_380 = vector.multi_reduction <add>, %sub3A_378, %reduce_sum3A_379 [1] : vector<256x128xf32> to vector<256xf32>
      %broadcast_in_dim3A_381 = vector.shape_cast %reduce_sum3A_380 : vector<256xf32> to vector<256x1xf32>
      %mul3A_382 = arith.mulf %add3A_320, %sub3A_378 : vector<256x128xf32>
      %sub3A_383 = arith.subf %mul3A_382, %sub3A_373 : vector<256x128xf32>
      %reduce_sum3A_384 = arith.constant dense<0.000000e+00> : vector<256xf32>
      %reduce_sum3A_385 = vector.multi_reduction <add>, %sub3A_383, %reduce_sum3A_384 [1] : vector<256x128xf32> to vector<256xf32>
      %broadcast_in_dim3A_386 = vector.shape_cast %reduce_sum3A_385 : vector<256xf32> to vector<256x1xf32>
      %mul3A_387 = arith.mulf %add3A_320, %sub3A_383 : vector<256x128xf32>
      %sub3A_388 = arith.subf %mul3A_387, %sub3A_378 : vector<256x128xf32>
      %reduce_sum3A_389 = arith.constant dense<0.000000e+00> : vector<256xf32>
      %reduce_sum3A_390 = vector.multi_reduction <add>, %sub3A_388, %reduce_sum3A_389 [1] : vector<256x128xf32> to vector<256xf32>
      %broadcast_in_dim3A_391 = vector.shape_cast %reduce_sum3A_390 : vector<256xf32> to vector<256x1xf32>
      %mul3A_392 = arith.mulf %add3A_320, %sub3A_388 : vector<256x128xf32>
      %sub3A_393 = arith.subf %mul3A_392, %sub3A_383 : vector<256x128xf32>
      %reduce_sum3A_394 = arith.constant dense<0.000000e+00> : vector<256xf32>
      %reduce_sum3A_395 = vector.multi_reduction <add>, %sub3A_393, %reduce_sum3A_394 [1] : vector<256x128xf32> to vector<256xf32>
      %broadcast_in_dim3A_396 = vector.shape_cast %reduce_sum3A_395 : vector<256xf32> to vector<256x1xf32>
      %concatenate3A = tpu.concatenate %broadcast_in_dim3A_323, %broadcast_in_dim3A_326, %broadcast_in_dim3A_331, %broadcast_in_dim3A_336, %broadcast_in_dim3A_341, %broadcast_in_dim3A_346, %broadcast_in_dim3A_351, %broadcast_in_dim3A_356, %broadcast_in_dim3A_361, %broadcast_in_dim3A_366, %broadcast_in_dim3A_371, %broadcast_in_dim3A_376, %broadcast_in_dim3A_381, %broadcast_in_dim3A_386, %broadcast_in_dim3A_391, %broadcast_in_dim3A_396 in 1 : vector<256x1xf32>, vector<256x1xf32>, vector<256x1xf32>, vector<256x1xf32>, vector<256x1xf32>, vector<256x1xf32>, vector<256x1xf32>, vector<256x1xf32>, vector<256x1xf32>, vector<256x1xf32>, vector<256x1xf32>, vector<256x1xf32>, vector<256x1xf32>, vector<256x1xf32>, vector<256x1xf32>, vector<256x1xf32> -> vector<256x16xf32>
      %add3A_397 = arith.addf %while3A_267, %concatenate3A : vector<256x16xf32>
      scf.yield %add3A_397 : vector<256x16xf32>
    }
    %broadcast_in_dim3A_114 = arith.constant 0.000000e+00 : f32
    %broadcast_in_dim3A_115 = vector.broadcast %broadcast_in_dim3A_114 : f32 to vector<256x64xf32>
    %eq3A_116 = arith.constant 0 : i32
    %eq3A_117 = vector.broadcast %eq3A_116 : i32 to vector<256x1xi32>
    %eq3A_118 = arith.cmpi eq, %get3A_22, %eq3A_117 : vector<256x1xi32>
    %convert_element_type3A_119 = arith.extui %eq3A_118 : vector<256x1xi1> to vector<256x1xi32>
    %convert_element_type3A_120 = arith.sitofp %convert_element_type3A_119 : vector<256x1xi32> to vector<256x1xf32>
    %get3A_121 = arith.constant 0 : index
    %get3A_122 = arith.constant 0 : index
    %get3A_123 = vector.load %arg16[%get3A_121, %get3A_122] : memref<256x64xf32, #tpu.memory_space<vmem>>, vector<16x64xf32>
    %dot_general3A = arith.constant dense<0.000000e+00> : vector<256x64xf32>
    %dot_general3A_124 = tpu.matmul %while3A_47, %get3A_123, %dot_general3A {dimension_numbers = #tpu.dot_dimension_numbers<[1], [0], [0], [1], [0, 0, 1, 1], [], []>, precision = #tpu.contract_precision<fp32>, transpose_lhs_hint = false} : vector<256x16xf32>, vector<16x64xf32>, vector<256x64xf32> -> vector<256x64xf32>
    %mul3A = vector.broadcast %convert_element_type3A_120 : vector<256x1xf32> to vector<256x64xf32>
    %mul3A_125 = arith.mulf %mul3A, %dot_general3A_124 : vector<256x64xf32>
    %add3A = arith.addf %broadcast_in_dim3A_115, %mul3A_125 : vector<256x64xf32>
    %get3A_126 = arith.constant 16 : index
    %get3A_127 = arith.constant 0 : index
    %get3A_128 = vector.load %arg16[%get3A_126, %get3A_127] : memref<256x64xf32, #tpu.memory_space<vmem>>, vector<16x64xf32>
    %dot_general3A_129 = arith.constant dense<0.000000e+00> : vector<256x64xf32>
    %dot_general3A_130 = tpu.matmul %while3A_69, %get3A_128, %dot_general3A_129 {dimension_numbers = #tpu.dot_dimension_numbers<[1], [0], [0], [1], [0, 0, 1, 1], [], []>, precision = #tpu.contract_precision<fp32>, transpose_lhs_hint = false} : vector<256x16xf32>, vector<16x64xf32>, vector<256x64xf32> -> vector<256x64xf32>
    %mul3A_131 = vector.broadcast %convert_element_type3A_120 : vector<256x1xf32> to vector<256x64xf32>
    %mul3A_132 = arith.mulf %mul3A_131, %dot_general3A_130 : vector<256x64xf32>
    %add3A_133 = arith.addf %add3A, %mul3A_132 : vector<256x64xf32>
    %get3A_134 = arith.constant 32 : index
    %get3A_135 = arith.constant 0 : index
    %get3A_136 = vector.load %arg16[%get3A_134, %get3A_135] : memref<256x64xf32, #tpu.memory_space<vmem>>, vector<16x64xf32>
    %dot_general3A_137 = arith.constant dense<0.000000e+00> : vector<256x64xf32>
    %dot_general3A_138 = tpu.matmul %while3A_91, %get3A_136, %dot_general3A_137 {dimension_numbers = #tpu.dot_dimension_numbers<[1], [0], [0], [1], [0, 0, 1, 1], [], []>, precision = #tpu.contract_precision<fp32>, transpose_lhs_hint = false} : vector<256x16xf32>, vector<16x64xf32>, vector<256x64xf32> -> vector<256x64xf32>
    %mul3A_139 = vector.broadcast %convert_element_type3A_120 : vector<256x1xf32> to vector<256x64xf32>
    %mul3A_140 = arith.mulf %mul3A_139, %dot_general3A_138 : vector<256x64xf32>
    %add3A_141 = arith.addf %add3A_133, %mul3A_140 : vector<256x64xf32>
    %get3A_142 = arith.constant 48 : index
    %get3A_143 = arith.constant 0 : index
    %get3A_144 = vector.load %arg16[%get3A_142, %get3A_143] : memref<256x64xf32, #tpu.memory_space<vmem>>, vector<16x64xf32>
    %dot_general3A_145 = arith.constant dense<0.000000e+00> : vector<256x64xf32>
    %dot_general3A_146 = tpu.matmul %while3A_113, %get3A_144, %dot_general3A_145 {dimension_numbers = #tpu.dot_dimension_numbers<[1], [0], [0], [1], [0, 0, 1, 1], [], []>, precision = #tpu.contract_precision<fp32>, transpose_lhs_hint = false} : vector<256x16xf32>, vector<16x64xf32>, vector<256x64xf32> -> vector<256x64xf32>
    %mul3A_147 = vector.broadcast %convert_element_type3A_120 : vector<256x1xf32> to vector<256x64xf32>
    %mul3A_148 = arith.mulf %mul3A_147, %dot_general3A_146 : vector<256x64xf32>
    %add3A_149 = arith.addf %add3A_141, %mul3A_148 : vector<256x64xf32>
    %eq3A_150 = arith.constant 1 : i32
    %eq3A_151 = vector.broadcast %eq3A_150 : i32 to vector<256x1xi32>
    %eq3A_152 = arith.cmpi eq, %get3A_22, %eq3A_151 : vector<256x1xi32>
    %convert_element_type3A_153 = arith.extui %eq3A_152 : vector<256x1xi1> to vector<256x1xi32>
    %convert_element_type3A_154 = arith.sitofp %convert_element_type3A_153 : vector<256x1xi32> to vector<256x1xf32>
    %get3A_155 = arith.constant 64 : index
    %get3A_156 = arith.constant 0 : index
    %get3A_157 = vector.load %arg16[%get3A_155, %get3A_156] : memref<256x64xf32, #tpu.memory_space<vmem>>, vector<16x64xf32>
    %dot_general3A_158 = arith.constant dense<0.000000e+00> : vector<256x64xf32>
    %dot_general3A_159 = tpu.matmul %while3A_47, %get3A_157, %dot_general3A_158 {dimension_numbers = #tpu.dot_dimension_numbers<[1], [0], [0], [1], [0, 0, 1, 1], [], []>, precision = #tpu.contract_precision<fp32>, transpose_lhs_hint = false} : vector<256x16xf32>, vector<16x64xf32>, vector<256x64xf32> -> vector<256x64xf32>
    %mul3A_160 = vector.broadcast %convert_element_type3A_154 : vector<256x1xf32> to vector<256x64xf32>
    %mul3A_161 = arith.mulf %mul3A_160, %dot_general3A_159 : vector<256x64xf32>
    %add3A_162 = arith.addf %add3A_149, %mul3A_161 : vector<256x64xf32>
    %get3A_163 = arith.constant 80 : index
    %get3A_164 = arith.constant 0 : index
    %get3A_165 = vector.load %arg16[%get3A_163, %get3A_164] : memref<256x64xf32, #tpu.memory_space<vmem>>, vector<16x64xf32>
    %dot_general3A_166 = arith.constant dense<0.000000e+00> : vector<256x64xf32>
    %dot_general3A_167 = tpu.matmul %while3A_69, %get3A_165, %dot_general3A_166 {dimension_numbers = #tpu.dot_dimension_numbers<[1], [0], [0], [1], [0, 0, 1, 1], [], []>, precision = #tpu.contract_precision<fp32>, transpose_lhs_hint = false} : vector<256x16xf32>, vector<16x64xf32>, vector<256x64xf32> -> vector<256x64xf32>
    %mul3A_168 = vector.broadcast %convert_element_type3A_154 : vector<256x1xf32> to vector<256x64xf32>
    %mul3A_169 = arith.mulf %mul3A_168, %dot_general3A_167 : vector<256x64xf32>
    %add3A_170 = arith.addf %add3A_162, %mul3A_169 : vector<256x64xf32>
    %get3A_171 = arith.constant 96 : index
    %get3A_172 = arith.constant 0 : index
    %get3A_173 = vector.load %arg16[%get3A_171, %get3A_172] : memref<256x64xf32, #tpu.memory_space<vmem>>, vector<16x64xf32>
    %dot_general3A_174 = arith.constant dense<0.000000e+00> : vector<256x64xf32>
    %dot_general3A_175 = tpu.matmul %while3A_91, %get3A_173, %dot_general3A_174 {dimension_numbers = #tpu.dot_dimension_numbers<[1], [0], [0], [1], [0, 0, 1, 1], [], []>, precision = #tpu.contract_precision<fp32>, transpose_lhs_hint = false} : vector<256x16xf32>, vector<16x64xf32>, vector<256x64xf32> -> vector<256x64xf32>
    %mul3A_176 = vector.broadcast %convert_element_type3A_154 : vector<256x1xf32> to vector<256x64xf32>
    %mul3A_177 = arith.mulf %mul3A_176, %dot_general3A_175 : vector<256x64xf32>
    %add3A_178 = arith.addf %add3A_170, %mul3A_177 : vector<256x64xf32>
    %get3A_179 = arith.constant 112 : index
    %get3A_180 = arith.constant 0 : index
    %get3A_181 = vector.load %arg16[%get3A_179, %get3A_180] : memref<256x64xf32, #tpu.memory_space<vmem>>, vector<16x64xf32>
    %dot_general3A_182 = arith.constant dense<0.000000e+00> : vector<256x64xf32>
    %dot_general3A_183 = tpu.matmul %while3A_113, %get3A_181, %dot_general3A_182 {dimension_numbers = #tpu.dot_dimension_numbers<[1], [0], [0], [1], [0, 0, 1, 1], [], []>, precision = #tpu.contract_precision<fp32>, transpose_lhs_hint = false} : vector<256x16xf32>, vector<16x64xf32>, vector<256x64xf32> -> vector<256x64xf32>
    %mul3A_184 = vector.broadcast %convert_element_type3A_154 : vector<256x1xf32> to vector<256x64xf32>
    %mul3A_185 = arith.mulf %mul3A_184, %dot_general3A_183 : vector<256x64xf32>
    %add3A_186 = arith.addf %add3A_178, %mul3A_185 : vector<256x64xf32>
    %eq3A_187 = arith.constant 2 : i32
    %eq3A_188 = vector.broadcast %eq3A_187 : i32 to vector<256x1xi32>
    %eq3A_189 = arith.cmpi eq, %get3A_22, %eq3A_188 : vector<256x1xi32>
    %convert_element_type3A_190 = arith.extui %eq3A_189 : vector<256x1xi1> to vector<256x1xi32>
    %convert_element_type3A_191 = arith.sitofp %convert_element_type3A_190 : vector<256x1xi32> to vector<256x1xf32>
    %get3A_192 = arith.constant 128 : index
    %get3A_193 = arith.constant 0 : index
    %get3A_194 = vector.load %arg16[%get3A_192, %get3A_193] : memref<256x64xf32, #tpu.memory_space<vmem>>, vector<16x64xf32>
    %dot_general3A_195 = arith.constant dense<0.000000e+00> : vector<256x64xf32>
    %dot_general3A_196 = tpu.matmul %while3A_47, %get3A_194, %dot_general3A_195 {dimension_numbers = #tpu.dot_dimension_numbers<[1], [0], [0], [1], [0, 0, 1, 1], [], []>, precision = #tpu.contract_precision<fp32>, transpose_lhs_hint = false} : vector<256x16xf32>, vector<16x64xf32>, vector<256x64xf32> -> vector<256x64xf32>
    %mul3A_197 = vector.broadcast %convert_element_type3A_191 : vector<256x1xf32> to vector<256x64xf32>
    %mul3A_198 = arith.mulf %mul3A_197, %dot_general3A_196 : vector<256x64xf32>
    %add3A_199 = arith.addf %add3A_186, %mul3A_198 : vector<256x64xf32>
    %get3A_200 = arith.constant 144 : index
    %get3A_201 = arith.constant 0 : index
    %get3A_202 = vector.load %arg16[%get3A_200, %get3A_201] : memref<256x64xf32, #tpu.memory_space<vmem>>, vector<16x64xf32>
    %dot_general3A_203 = arith.constant dense<0.000000e+00> : vector<256x64xf32>
    %dot_general3A_204 = tpu.matmul %while3A_69, %get3A_202, %dot_general3A_203 {dimension_numbers = #tpu.dot_dimension_numbers<[1], [0], [0], [1], [0, 0, 1, 1], [], []>, precision = #tpu.contract_precision<fp32>, transpose_lhs_hint = false} : vector<256x16xf32>, vector<16x64xf32>, vector<256x64xf32> -> vector<256x64xf32>
    %mul3A_205 = vector.broadcast %convert_element_type3A_191 : vector<256x1xf32> to vector<256x64xf32>
    %mul3A_206 = arith.mulf %mul3A_205, %dot_general3A_204 : vector<256x64xf32>
    %add3A_207 = arith.addf %add3A_199, %mul3A_206 : vector<256x64xf32>
    %get3A_208 = arith.constant 160 : index
    %get3A_209 = arith.constant 0 : index
    %get3A_210 = vector.load %arg16[%get3A_208, %get3A_209] : memref<256x64xf32, #tpu.memory_space<vmem>>, vector<16x64xf32>
    %dot_general3A_211 = arith.constant dense<0.000000e+00> : vector<256x64xf32>
    %dot_general3A_212 = tpu.matmul %while3A_91, %get3A_210, %dot_general3A_211 {dimension_numbers = #tpu.dot_dimension_numbers<[1], [0], [0], [1], [0, 0, 1, 1], [], []>, precision = #tpu.contract_precision<fp32>, transpose_lhs_hint = false} : vector<256x16xf32>, vector<16x64xf32>, vector<256x64xf32> -> vector<256x64xf32>
    %mul3A_213 = vector.broadcast %convert_element_type3A_191 : vector<256x1xf32> to vector<256x64xf32>
    %mul3A_214 = arith.mulf %mul3A_213, %dot_general3A_212 : vector<256x64xf32>
    %add3A_215 = arith.addf %add3A_207, %mul3A_214 : vector<256x64xf32>
    %get3A_216 = arith.constant 176 : index
    %get3A_217 = arith.constant 0 : index
    %get3A_218 = vector.load %arg16[%get3A_216, %get3A_217] : memref<256x64xf32, #tpu.memory_space<vmem>>, vector<16x64xf32>
    %dot_general3A_219 = arith.constant dense<0.000000e+00> : vector<256x64xf32>
    %dot_general3A_220 = tpu.matmul %while3A_113, %get3A_218, %dot_general3A_219 {dimension_numbers = #tpu.dot_dimension_numbers<[1], [0], [0], [1], [0, 0, 1, 1], [], []>, precision = #tpu.contract_precision<fp32>, transpose_lhs_hint = false} : vector<256x16xf32>, vector<16x64xf32>, vector<256x64xf32> -> vector<256x64xf32>
    %mul3A_221 = vector.broadcast %convert_element_type3A_191 : vector<256x1xf32> to vector<256x64xf32>
    %mul3A_222 = arith.mulf %mul3A_221, %dot_general3A_220 : vector<256x64xf32>
    %add3A_223 = arith.addf %add3A_215, %mul3A_222 : vector<256x64xf32>
    %eq3A_224 = arith.constant 3 : i32
    %eq3A_225 = vector.broadcast %eq3A_224 : i32 to vector<256x1xi32>
    %eq3A_226 = arith.cmpi eq, %get3A_22, %eq3A_225 : vector<256x1xi32>
    %convert_element_type3A_227 = arith.extui %eq3A_226 : vector<256x1xi1> to vector<256x1xi32>
    %convert_element_type3A_228 = arith.sitofp %convert_element_type3A_227 : vector<256x1xi32> to vector<256x1xf32>
    %get3A_229 = arith.constant 192 : index
    %get3A_230 = arith.constant 0 : index
    %get3A_231 = vector.load %arg16[%get3A_229, %get3A_230] : memref<256x64xf32, #tpu.memory_space<vmem>>, vector<16x64xf32>
    %dot_general3A_232 = arith.constant dense<0.000000e+00> : vector<256x64xf32>
    %dot_general3A_233 = tpu.matmul %while3A_47, %get3A_231, %dot_general3A_232 {dimension_numbers = #tpu.dot_dimension_numbers<[1], [0], [0], [1], [0, 0, 1, 1], [], []>, precision = #tpu.contract_precision<fp32>, transpose_lhs_hint = false} : vector<256x16xf32>, vector<16x64xf32>, vector<256x64xf32> -> vector<256x64xf32>
    %mul3A_234 = vector.broadcast %convert_element_type3A_228 : vector<256x1xf32> to vector<256x64xf32>
    %mul3A_235 = arith.mulf %mul3A_234, %dot_general3A_233 : vector<256x64xf32>
    %add3A_236 = arith.addf %add3A_223, %mul3A_235 : vector<256x64xf32>
    %get3A_237 = arith.constant 208 : index
    %get3A_238 = arith.constant 0 : index
    %get3A_239 = vector.load %arg16[%get3A_237, %get3A_238] : memref<256x64xf32, #tpu.memory_space<vmem>>, vector<16x64xf32>
    %dot_general3A_240 = arith.constant dense<0.000000e+00> : vector<256x64xf32>
    %dot_general3A_241 = tpu.matmul %while3A_69, %get3A_239, %dot_general3A_240 {dimension_numbers = #tpu.dot_dimension_numbers<[1], [0], [0], [1], [0, 0, 1, 1], [], []>, precision = #tpu.contract_precision<fp32>, transpose_lhs_hint = false} : vector<256x16xf32>, vector<16x64xf32>, vector<256x64xf32> -> vector<256x64xf32>
    %mul3A_242 = vector.broadcast %convert_element_type3A_228 : vector<256x1xf32> to vector<256x64xf32>
    %mul3A_243 = arith.mulf %mul3A_242, %dot_general3A_241 : vector<256x64xf32>
    %add3A_244 = arith.addf %add3A_236, %mul3A_243 : vector<256x64xf32>
    %get3A_245 = arith.constant 224 : index
    %get3A_246 = arith.constant 0 : index
    %get3A_247 = vector.load %arg16[%get3A_245, %get3A_246] : memref<256x64xf32, #tpu.memory_space<vmem>>, vector<16x64xf32>
    %dot_general3A_248 = arith.constant dense<0.000000e+00> : vector<256x64xf32>
    %dot_general3A_249 = tpu.matmul %while3A_91, %get3A_247, %dot_general3A_248 {dimension_numbers = #tpu.dot_dimension_numbers<[1], [0], [0], [1], [0, 0, 1, 1], [], []>, precision = #tpu.contract_precision<fp32>, transpose_lhs_hint = false} : vector<256x16xf32>, vector<16x64xf32>, vector<256x64xf32> -> vector<256x64xf32>
    %mul3A_250 = vector.broadcast %convert_element_type3A_228 : vector<256x1xf32> to vector<256x64xf32>
    %mul3A_251 = arith.mulf %mul3A_250, %dot_general3A_249 : vector<256x64xf32>
    %add3A_252 = arith.addf %add3A_244, %mul3A_251 : vector<256x64xf32>
    %get3A_253 = arith.constant 240 : index
    %get3A_254 = arith.constant 0 : index
    %get3A_255 = vector.load %arg16[%get3A_253, %get3A_254] : memref<256x64xf32, #tpu.memory_space<vmem>>, vector<16x64xf32>
    %dot_general3A_256 = arith.constant dense<0.000000e+00> : vector<256x64xf32>
    %dot_general3A_257 = tpu.matmul %while3A_113, %get3A_255, %dot_general3A_256 {dimension_numbers = #tpu.dot_dimension_numbers<[1], [0], [0], [1], [0, 0, 1, 1], [], []>, precision = #tpu.contract_precision<fp32>, transpose_lhs_hint = false} : vector<256x16xf32>, vector<16x64xf32>, vector<256x64xf32> -> vector<256x64xf32>
    %mul3A_258 = vector.broadcast %convert_element_type3A_228 : vector<256x1xf32> to vector<256x64xf32>
    %mul3A_259 = arith.mulf %mul3A_258, %dot_general3A_257 : vector<256x64xf32>
    %add3A_260 = arith.addf %add3A_252, %mul3A_259 : vector<256x64xf32>
    %swap3A = arith.constant 0 : index
    %swap3A_261 = arith.constant 0 : index
    %swap3A_262 = arith.constant 0 : index
    %swap3A_263 = vector.load %arg15[%swap3A, %swap3A_261, %swap3A_262] : memref<1x256x64xf32, #tpu.memory_space<vmem>>, vector<1x256x64xf32>
    %swap3A_264 = vector.shape_cast %swap3A_263 : vector<1x256x64xf32> to vector<256x64xf32>
    %swap3A_265 = vector.shape_cast %add3A_260 : vector<256x64xf32> to vector<1x256x64xf32>
    tpu.vector_store %arg15[%swap3A, %swap3A_261, %swap3A_262], %swap3A_265 {strides = array<i32>} : memref<1x256x64xf32, #tpu.memory_space<vmem>>, vector<1x256x64xf32>,
    return
  }
  func.func @transform_0(%arg0: i32, %arg1: i32) -> (i32, i32, i32) {
    %c0_i32 = arith.constant 0 : i32
    %c0_i32_0 = arith.constant 0 : i32
    return %arg0, %arg1, %c0_i32 : i32, i32, i32
  }
  func.func @transform_1(%arg0: i32, %arg1: i32) -> (i32, i32, i32) {
    %c0_i32 = arith.constant 0 : i32
    %c0_i32_0 = arith.constant 0 : i32
    return %arg0, %arg1, %c0_i32 : i32, i32, i32
  }
  func.func @transform_2(%arg0: i32, %arg1: i32) -> (i32, i32, i32) {
    %c0_i32 = arith.constant 0 : i32
    %c0_i32_0 = arith.constant 0 : i32
    return %arg0, %arg1, %c0_i32 : i32, i32, i32
  }
  func.func @transform_3(%arg0: i32, %arg1: i32) -> (i32, i32, i32) {
    %c0_i32 = arith.constant 0 : i32
    %c0_i32_0 = arith.constant 0 : i32
    return %arg0, %arg1, %c0_i32 : i32, i32, i32
  }
  func.func @transform_4(%arg0: i32, %arg1: i32) -> (i32, i32, i32) {
    %c0_i32 = arith.constant 0 : i32
    %c0_i32_0 = arith.constant 0 : i32
    return %arg0, %arg1, %c0_i32 : i32, i32, i32
  }
  func.func @transform_5(%arg0: i32, %arg1: i32) -> (i32, i32, i32) {
    %c0_i32 = arith.constant 0 : i32
    %c0_i32_0 = arith.constant 0 : i32
    %c0_i32_1 = arith.constant 0 : i32
    return %arg0, %c0_i32, %c0_i32_0 : i32, i32, i32
  }
  func.func @transform_6(%arg0: i32, %arg1: i32) -> (i32, i32, i32) {
    %c0_i32 = arith.constant 0 : i32
    %c0_i32_0 = arith.constant 0 : i32
    %c0_i32_1 = arith.constant 0 : i32
    return %arg0, %c0_i32, %c0_i32_0 : i32, i32, i32
  }
  func.func @transform_7(%arg0: i32, %arg1: i32) -> (i32, i32, i32) {
    %c0_i32 = arith.constant 0 : i32
    %c0_i32_0 = arith.constant 0 : i32
    %c0_i32_1 = arith.constant 0 : i32
    return %arg0, %c0_i32, %c0_i32_0 : i32, i32, i32
  }
  func.func @transform_8(%arg0: i32, %arg1: i32) -> (i32, i32, i32) {
    %c0_i32 = arith.constant 0 : i32
    %c0_i32_0 = arith.constant 0 : i32
    %c0_i32_1 = arith.constant 0 : i32
    return %arg0, %c0_i32, %c0_i32_0 : i32, i32, i32
  }
  func.func @transform_9(%arg0: i32, %arg1: i32) -> (i32, i32, i32, i32) {
    %c0_i32 = arith.constant 0 : i32
    %c0_i32_0 = arith.constant 0 : i32
    %c0_i32_1 = arith.constant 0 : i32
    return %arg0, %arg1, %c0_i32, %c0_i32_0 : i32, i32, i32, i32
  }
  func.func @transform_10(%arg0: i32, %arg1: i32) -> (i32, i32) {
    %c0_i32 = arith.constant 0 : i32
    %c0_i32_0 = arith.constant 0 : i32
    %c0_i32_1 = arith.constant 0 : i32
    return %c0_i32, %c0_i32_0 : i32, i32
  }
  func.func @transform_11(%arg0: i32, %arg1: i32) -> (i32, i32) {
    %c0_i32 = arith.constant 0 : i32
    %c0_i32_0 = arith.constant 0 : i32
    %c0_i32_1 = arith.constant 0 : i32
    return %c0_i32, %c0_i32_0 : i32, i32
  }
  func.func @transform_12(%arg0: i32, %arg1: i32) -> (i32, i32) {
    %c0_i32 = arith.constant 0 : i32
    %c0_i32_0 = arith.constant 0 : i32
    %c0_i32_1 = arith.constant 0 : i32
    return %c0_i32, %c0_i32_0 : i32, i32
  }
  func.func @transform_13(%arg0: i32, %arg1: i32) -> (i32, i32, i32) {
    %c0_i32 = arith.constant 0 : i32
    %c0_i32_0 = arith.constant 0 : i32
    return %arg0, %arg1, %c0_i32 : i32, i32, i32
  }
}

</mosaic_0001>

<sc_bundles>
// kernel: gather_offload_async_start.1
scs
__scs_entry_jumppad:
0x0: {  	(pc) =	sbr.rel $0x88, $3  }
0x1: {  	(tag) =	ssettag $0x0;
	lr =	simm.s32 $0x1  }
0x2: {  	[smem:$0x3F9C] =	sst lr;
	_ =	strace $0xD0000000  }
0x3: {  	_ = 	snop  }
0x4: {  	_ = 	snop  }
0x5: {  	_ = 	snop  }
0x6: {  	_ = 	snop  }
0x7: {  	_ = 	snop  }
__scs_overlays_trampoline_lowered:
0x8: {  	[smem:$0x3FAB] =	sst s0  }
0x9: {  	[smem:$0x3FAC] =	sst s1  }
0xa: {  	[smem:$0x3FAD] =	sst s2  }
0xb: {  	[smem:$0x3FAE] =	sst s3  }
0xc: {  	[smem:$0x3FAF] =	sst s4  }
0xd: {  	[smem:$0x3FB0] =	sst s5  }
0xe: {  	[smem:$0x3FB1] =	sst s6  }
0xf: {  	[smem:$0x3FB2] =	sst s7  }
0x10: {  	[smem:$0x3FB3] =	sst s8  }
0x11: {  	[smem:$0x3FB4] =	sst s9;
	s0 =	simm.s32 @!p0 $0x0  }
0x12: {  	s1 =	sld [smem:$0x3F9A];
	s0 =	simm.s32 @p0 $0x1  }
0x13: {  	[smem:$0x3FB5] =	sst s0;
	s0 =	simm.s32 @!p1 $0x0  }
0x14: {  	s2 =	sld [smem:$0x3F99];
	s0 =	simm.s32 @p1 $0x1  }
0x15: {  	[smem:$0x3FB6] =	sst s0;
	s0 =	simm.s32 @!p2 $0x0  }
0x16: {  	s3 =	sld [smem:$0x3FDB];
	s0 =	simm.s32 @p2 $0x1  }
0x17: {  	s4 =	simm.s32 $0x1BF5;
	[smem:$0x3FB8] =	sst s0  }
0x18: {  	s0 =	sld [smem:$0x3F9B];
	_ =	swait.ge [sflag:s4], $0x0  }
0x19: {  	s7 =	sld [smem:$0x3F9C]  }
0x1a: {  	s8 =	sadd.s32 $0xFFFFE003, lr  }
0x1b: {  	s9 =	sadd.s32 $0xFFFFFEF7, lr;
	s5 =	simm.s32 $0xFFFFFFFF;
	p2 =	slt.u32 s8, $0xFFFFF086  }
0x1c: {  	p1 =	slt.u32 s9, $0xF7A;
	s5 =	simm.s32 @!p2 $0x0  }
0x1d: {  	s5 =	simm.s32 @p1 $0x1;
	p0 =	seq.s32 s7, s2  }
0x1e: {  	s7 =	smul.u32 @!p0 $0xF7A, s2;
	p2 =	seq.s32 @!p0 s5, $0x0  }
0x1f: {  	s9 =	smul.u32 $0xF7A, s1;
	s8 =	simm.s32 @!p0 $0x1BF5;
	p2 =	por !p2, p0  }
0x20: {  	[sflag:s8] =	ssyncset.s32 @!p0 $0xFFFFF086;
	s6 =	sadd.s32 @!p0 s3, s7;
	s7 =	simm.s32 @!p0 $0x108  }
0x21: {  	s3 =	sadd.s32 s3, s9;
	s6 =	sadd.s32 @!p0 $0x88, s6;
	s7 =	simm.s32 @p2 $0x1082  }
0x22: {  	[simem:s7], [sflag:s8] =	dma.local @!p0 [hbm:s6], $0xF7A  }
0x23: {  	s9 =	sor.u32 $0xD0000000, s2;
	s6 =	simm.s32 $0x108;
	_ =	swait.ge @!p0 [sflag:s8], $0x0  }
0x24: {  	s3 =	sadd.s32 $0x88, s3;
	s6 =	simm.s32 @!p1 $0x1082;
	[sflag:s4] =	ssyncset.s32 $0xFFFFF086  }
0x25: {  	[simem:s6], [sflag:s4] =	dma.local [hbm:s3], $0xF7A  }
0x26: {  	[smem:$0x3F9C] =	sst s1;
	(tag) =	ssettag s2;
	_ =	strace s9  }
0x27: {  	s1 =	sld [smem:$0x3FAC]  }
0x28: {  	s2 =	sld [smem:$0x3FAD]  }
0x29: {  	s4 =	sld [smem:$0x3FAF]  }
0x2a: {  	p0 =	seq.s32 s5, $0x0;
	s5 =	sld [smem:$0x3FB0]  }
0x2b: {  	s6 =	sld [smem:$0x3FB1]  }
0x2c: {  	s7 =	sld [smem:$0x3FB2]  }
0x2d: {  	s3 =	simm.s32 $0x108;
	s8 =	sld [smem:$0x3FB3]  }
0x2e: {  	s3 =	simm.s32 @!p0 $0x1082;
	s9 =	sld [smem:$0x3FB4]  }
0x2f: {  	lr =	sadd.s32 s0, s3;
	s0 =	sld [smem:$0x3FAB]  }
0x30: {  	s3 =	sld [smem:$0x3FAE]  }
0x31: {  	[smem:$0x3FB7] =	sst s10  }
0x32: {  	s10 =	sld [smem:$0x3FB5];
	_ =	sdelay $0x3  }
0x33: {  	p0 =	seq.s32 s10, $0x1;
	s10 =	sld [smem:$0x3FB7];
	_ =	sdelay $0x3  }
0x34: {  	[smem:$0x3FB7] =	sst s10  }
0x35: {  	s10 =	sld [smem:$0x3FB6];
	_ =	sdelay $0x3  }
0x36: {  	p1 =	seq.s32 s10, $0x1;
	s10 =	sld [smem:$0x3FB7];
	_ =	sdelay $0x3  }
0x37: {  	[smem:$0x3FB7] =	sst s10  }
0x38: {  	s10 =	sld [smem:$0x3FB8]  }
0x39: {  	_ = 	snop;
	(pc) =	sbr.ind lr, $3  }
0x3a: {  	_ = 	snop  }
0x3b: {  	_ = 	snop  }
0x3c: {  	p2 =	seq.s32 s10, $0x1;
	s10 =	sld [smem:$0x3FB7]  }
0x3d: {  	_ =	shalt  }
0x3e: {  	_ =	shalt  }
0x3f: {  	_ =	shalt  }
0x40: {  	_ =	shalt  }
0x41: {  	_ =	shalt  }
0x42: {  	_ =	shalt  }
0x43: {  	_ =	shalt  }
0x44: {  	_ =	shalt  }
0x45: {  	_ =	shalt  }
0x46: {  	_ =	shalt  }
0x47: {  	_ =	shalt  }
0x48: {  	_ =	shalt  }
0x49: {  	_ =	shalt  }
0x4a: {  	_ =	shalt  }
0x4b: {  	_ =	shalt  }
0x4c: {  	_ =	shalt  }
0x4d: {  	_ =	shalt  }
0x4e: {  	_ =	shalt  }
0x4f: {  	_ =	shalt  }
0x50: {  	_ =	shalt  }
0x51: {  	_ =	shalt  }
0x52: {  	_ =	shalt  }
0x53: {  	_ =	shalt  }
0x54: {  	_ =	shalt  }
0x55: {  	_ =	shalt  }
0x56: {  	_ =	shalt  }
0x57: {  	_ =	shalt  }
0x58: {  	_ =	shalt  }
0x59: {  	_ =	shalt  }
0x5a: {  	_ =	shalt  }
0x5b: {  	_ =	shalt  }
0x5c: {  	_ =	shalt  }
0x5d: {  	_ =	shalt  }
0x5e: {  	_ =	shalt  }
0x5f: {  	_ =	shalt  }
0x60: {  	_ =	shalt  }
0x61: {  	_ =	shalt  }
0x62: {  	_ =	shalt  }
0x63: {  	_ =	shalt  }
0x64: {  	_ =	shalt  }
0x65: {  	_ =	shalt  }
0x66: {  	_ =	shalt  }
0x67: {  	_ =	shalt  }
0x68: {  	_ =	shalt  }
0x69: {  	_ =	shalt  }
0x6a: {  	_ =	shalt  }
0x6b: {  	_ =	shalt  }
0x6c: {  	_ =	shalt  }
0x6d: {  	_ =	shalt  }
0x6e: {  	_ =	shalt  }
0x6f: {  	_ =	shalt  }
0x70: {  	_ =	shalt  }
0x71: {  	_ =	shalt  }
0x72: {  	_ =	shalt  }
0x73: {  	_ =	shalt  }
0x74: {  	_ =	shalt  }
0x75: {  	_ =	shalt  }
0x76: {  	_ =	shalt  }
0x77: {  	_ =	shalt  }
0x78: {  	_ =	shalt  }
0x79: {  	_ =	shalt  }
0x7a: {  	_ =	shalt  }
0x7b: {  	_ =	shalt  }
0x7c: {  	_ =	shalt  }
0x7d: {  	_ =	shalt  }
0x7e: {  	_ =	shalt  }
0x7f: {  	_ =	shalt  }
0x80: {  	_ =	shalt  }
0x81: {  	_ =	shalt  }
0x82: {  	_ =	shalt  }
0x83: {  	_ =	shalt  }
0x84: {  	_ =	shalt  }
0x85: {  	_ =	shalt  }
0x86: {  	_ =	shalt  }
0x87: {  	_ =	shalt  }
.Lfunc_end0:
.L_simem_size_0:
called_computation.1_lowered:
.L_overlay_start_0:
0x88: {  	s2 =	sld [smem:$0x3FD9]  }
0x89: {  	s3 =	sld [smem:$0x3FFE];
	_ =	sdelay $0x1  }
0x8a: {  	s1 =	srdreg.scid  }
0x8b: {  	s0 =	sand.u32 $0x1, s1  }
0x8c: {  	s17 =	sshll.u32 s0, $0xA;
	s2 =	sadd.s32 s3, s2  }
0x8d: {  	s2 =	sadd.s32 s2, s17  }
0x8e: {  	[smem:$0x3FC3] =	sst s2  }
0x8f: {  	_ = 	snop  }
0x90: {  	(tm) =	ssettm $0x1  }
0x91: {  	s18 =	sld [smem:$0x3FFB];
	_ =	sdelay $0x3  }
0x92: {  	_ =	strace s18  }
0x93: {  	s2 =	sld [smem:$0x3FFC];
	_ =	sdelay $0x3  }
0x94: {  	_ =	strace s2  }
0x95: {  	s2 =	sld [smem:$0x3FFD];
	_ =	sdelay $0x3  }
0x96: {  	_ =	strace s2  }
0x97: {  	_ =	strace $0x8FFFFFFF  }
0x98: {  	s19 =	sld [smem:$0x3FDB];
	_ =	sdelay $0x1  }
0x99: {  	s20 =	simm.s32 $_scs_section_size  }
0x9a: {  	s4 =	simm.s32 $_size__tile_overlayer_lowered;
	s5 =	simm.s32 $_tile_overlayer_lowered  }
0x9b: {  	s6 =	simm.s32 $0x1BFF;
	s21 =	sshll.u32 s5, $0x1;
	s3 =	sadd.s32 s20, s19  }
0x9c: {  	s22 =	simm.s32 $0x0;
	s4 =	sshll.u32 s4, $0x1;
	s5 =	sadd.s32 s21, s3  }
0x9d: {  	[timem:s22], [sflag:s6] =	dma.local [hbm:s5], s4  }
0x9e: {  	_ =	swait.ge [sflag:s6], s4  }
0x9f: {  	s4 =	ssub.s32 $0x0, s4;
	[sflag:s6] =	ssyncset.done $0x0  }
0xa0: {  	[sflag:s6] =	ssyncadd.s32 s4;
	_ =	sdelay $0x1  }
0xa1: {  	s23 =	simm.s32 $0x1B8B  }
0xa2: {  	_ =	swait.ge [sflag:s23], $0x1  }
0xa3: {  	[sflag:s23] =	ssyncset.done $0x0  }
0xa4: {  	[sflag:s23] =	ssyncadd.s32 $0xFFFFFFFF  }
0xa5: {  	s4 =	sld [smem:$0x0]  }
0xa6: {  	s5 =	sand.u32 $0xFFFFFFFE, s1  }
0xa7: {  	p0 =	sne.s32 s1, s5  }
0xa8: {  	s5 =	sshll.u32 @p0 s5, $0xE  }
0xa9: {  	s5 =	sadd.s32 @p0 $0x11B8D, s5;
	s6 =	sshll.u32 @p0 s4, $0x11  }
0xaa: {  	s5 =	sor.u32 @p0 s6, s5  }
0xab: {  	[sflag:s5] =	ssyncadd.remote.s32 @p0 $0x1;
	_ =	sdelay $0x1  }
0xac: {  	s5 =	simm.s32 @p0 $0x1B8D  }
0xad: {  	_ =	swait.eq @p0 [sflag:s5], $0x1  }
0xae: {  	[sflag:s5] =	ssyncadd.s32 @p0 $0xFFFFFFFF  }
0xaf: {  	s6 =	sshll.u32 @!p0 s1, $0xE  }
0xb0: {  	s6 =	sor.u32 @!p0 $0x4000, s6;
	s5 =	simm.s32 @!p0 $0x1B8D  }
0xb1: {  	s4 =	sshll.u32 @!p0 s4, $0x11;
	s6 =	sadd.s32 @!p0 $0x11B8D, s6;
	_ =	swait.eq @!p0 [sflag:s5], $0x1  }
0xb2: {  	s4 =	sor.u32 @!p0 s4, s6;
	[sflag:s5] =	ssyncadd.s32 @!p0 $0xFFFFFFFF  }
0xb3: {  	s25 =	simm.s32 $0x1B8E;
	s24 =	sld [smem:$0x3FFE];
	[sflag:s4] =	ssyncadd.remote.s32 @!p0 $0x1  }
0xb4: {  	s26 =	simm.s32 $execute0_lowered;
	[smem:$0x3FD2] =	sst s25  }
0xb5: {  	s5 =	sshll.u32 s26, $0x1;
	_ =	strace $0x8000004F;
	[dreg:$0x1] =	wrdreg $0xFFFFFFFF  }
0xb6: {  	s28 =	simm.s32 $_size_execute0_lowered;
	s3 =	sadd.s32 s3, s5;
	[dreg:$0x0] =	wrdreg $0x0  }
0xb7: {  	s5 =	sshll.u32 s28, $0x1;
	[dreg:$0x2] =	wrdreg s3  }
0xb8: {  	[dreg:$0x3] =	wrdreg s5  }
0xb9: {  	[dreg:$0x4] =	wrdreg $0xC0  }
0xba: {  	_ =	task [dreg:s22], $0x5FFFF  }
0xbb: {  	[dreg:$0x1] =	wrdreg $0xFFFFFFFF  }
0xbc: {  	[dreg:$0x0] =	wrdreg $0x60  }
0xbd: {  	[dreg:$0x2] =	wrdreg s24  }
0xbe: {  	[dreg:$0x3] =	wrdreg $0xA  }
0xbf: {  	_ =	task.clear_ibuf [dreg:s22], $0x4FFFF;
	_ =	strace $0x9000004F  }
0xc0: {  	s29 =	simm.s32 $0xA;
	_ =	strace $0x80000051  }
0xc1: {  	_ =	swait.ge [sflag:s29], $0x1  }
0xc2: {  	[sflag:s29] =	ssyncadd.s32 $0xFFFFFFFF  }
0xc3: {  	_ =	strace $0x90000051  }
0xc4: {  	_ =	sfence  }
0xc5: {  	s30 =	sld [smem:$0x0];
	_ =	sdelay $0x2  }
0xc6: {  	s31 =	sshll.u32 s1, $0xD;
	s1 =	sshrl.u32 s1, $0x2  }
0xc7: {  	s4 =	sand.u32 $0x4000, s31;
	s1 =	sadd.s32 s1, s30  }
0xc8: {  	s0 =	sor.u32 s4, s0;
	s1 =	sshll.u32 s1, $0x11  }
0xc9: {  	s0 =	sor.u32 s1, s0  }
0xca: {  	s0 =	sadd.s32 $0x8F2B, s0  }
0xcb: {  	[sflag:s0] =	ssyncadd.remote.s32 $0x1  }
0xcc: {  	_ =	sfence.sel $0xFFFF  }
0xcd: {  	[dreg:$0x0] =	wrdreg $0xFFFFFFFF;
	(pc) =	sbr.abs _section_cstart, $3  }
0xce: {  	[dreg:$0x1] =	wrdreg $0xFFFFFFFF  }
0xcf: {  	_ =	task.clear_ibuf [dreg:s22], $0x2FFFF;
	_ =	strace $0x9FFFFFFF  }
0xd0: {  	(tm) =	ssettm $0x7FFFFFFF  }
0xd1: {  	_ =	shalt  }
tec
execute0_lowered:
.L_overlay_start_1:
0x0: {  	(tag) =	ssettag $0x1  }
0x1: {  	s0 =	srdreg.scid;
	s5 =	rddreg [dreg:$0x0]  }
0x2: {  	s1 =	stileid.u32;
	s6 =	simm.s32 $0x1;
	s9 =	simm.s32 $0x1  }
0x3: {  	s10 =	simm.s32 $0x3;
	s13 =	simm.s32 $0x0;
	s2 =	sshll.u32 s0, $0x7  }
0x4: {  	s12 =	simm.s32 $0x0;
	s3 =	sshll.u32 s1, $0x8;
	s2 =	sand.u32 $0x80, s2  }
0x5: {  	s0 =	rddreg [dreg:$0x1];
	_ =	strace $0x80000050;
	s2 =	sor.u32 s3, s2  }
0x6: {  	s4 =	sadd.s32 $0x1E00, s5;
	[sflag:s6] =	ssyncpa.u1 $0x0;
	s8 =	ssub.s32 $0x2000, s2  }
.Ltmp0:
0x7: {  	s3 =	sadd.s32 $0xC00, s5;
	s7 =	sand.u32 $0xF80, s8;
	(pc) =	sbr.rel .LBB2_1-.Ltmp0, $4  }
0x8: {  	s5 =	sadd.s32 $0x2600, s5;
	s11 =	smov.u32 s2;
	p0 =	sne.s32 s7, $0x0  }
0x9: {  	s8 =	sshrl.u32 s8, $0xC;
	s7 =	simm.s32 $0x2;
	s9 =	simm.s32 @!p0 $0x0  }
0xa: {  	[sflag:s7] =	ssyncpa.u1 $0x0;
	p0 =	por $0x0, $0x0;
	s8 =	sadd.s32 s9, s8  }
0xb: {  	vm0 =	vmmov $0xffff;
	[sflag:s10] =	ssyncpa.u1 $0x0;
	s10 =	simm.s32 $0x0;
	s9 =	sadd.s32 $0x1, s8  }
.LBB2_4:
0xc: {  	v5 =	vld.msk [tilespmem:s18+$0x0 ss:$0x1], $0xffff  }
0xd: {  	v6 =	vand.u32 $0x3, v1;
	v7 =	vshrl.u32 v1, $0x2  }
0xe: {  	v3 =	vor.u32 v4, v3;
	vm1 =	veq.s32 v1, $0x80000000;
	v53 =	vand.u32 $0x7FF, v7  }
0xf: {  	v2 =	vor.u32 v2, v3;
	v54 =	vsel vm1, $0xFFFFFFFF, v6;
	v1 =	vsel vm1, $0xFFFFFFFF, v53  }
0x10: {  	v6 =	vshll.u32 v54, $0x7;
	v3 =	vand.u32 $0xFFFFE000, v54;
	v55 =	vand.u32 $0x7F, v1  }
0x11: {  	v1 =	vshll.u32 v1, $0x2;
	v6 =	vand.u32 $0x180, v6;
	v56 =	vshrl.u32 v5, $0x2  }
0x12: {  	v1 =	vand.u32 $0xFFFFFE00, v1;
	vm1 =	veq.s32 v5, $0x80000000;
	v57 =	vand.u32 $0x7FF, v56  }
0x13: {  	v1 =	vadd.s32 v3, v1;
	v5 =	vand.u32 $0x3, v5;
	v3 =	vsel vm1, $0xFFFFFFFF, v57  }
0x14: {  	v1 =	vor.u32 v6, v1;
	v5 =	vsel vm1, $0xFFFFFFFF, v5;
	v58 =	vshll.u32 v3, $0x2  }
0x15: {  	v59 =	vshll.u32 v5, $0x7;
	v5 =	vand.u32 $0xFFFFE000, v5;
	v6 =	vand.u32 $0xFFFFFE00, v58  }
0x16: {  	v1 =	vor.u32 v55, v1;
	v61 =	vand.u32 $0x180, v59;
	v60 =	vadd.s32 v5, v6  }
0x17: {  	[tilespmem:s16], [sflag:$0x1] =	stream.indirect_vreg.gather [hbm4b:s3+s10], $0x1, v0, vm0, $0x4038;
	v62 =	vand.u32 $0x7F, v3;
	v63 =	vor.u32 v61, v60;
	[tilespmem:$0x200] =	vst v63  }
0x18: {  	(ifvalue) =	ssetifvalue $0x7FFFFFFF;
	v0 =	vor.u32 v62, v63  }
0x19: {  	[tilespmem:s15], [sflag:$0x1] =	stream.indirect_vreg.gather [hbm4b:s3+s10], $0x1, v2, vm0, $0x4038;
	[tilespmem:$0x200] =	vst v63  }
0x1a: {  	s29 =	sadd.s32 $0x10, s15;
	(ifvalue) =	ssetifvalue $0x7FFFFFFF  }
0x1b: {  	[tilespmem:s29], [sflag:$0x1] =	stream.indirect_vreg.gather [hbm4b:s3+s10], $0x1, v1, vm0, $0x4038;
	[tilespmem:$0x200] =	vst v63  }
0x1c: {  	s15 =	sadd.s32 $0x10, s29;
	(ifvalue) =	ssetifvalue $0x7FFFFFFF  }
0x1d: {  	[tilespmem:s15], [sflag:$0x1] =	stream.indirect_vreg.gather [hbm4b:s3+s10], $0x1, v0, vm0, $0x4038;
	[tilespmem:$0x200] =	vst v63  }
0x1e: {  	_ =	swait.ge [sflag:s6], $0x80  }
0x1f: {  	s30 =	sshrl.u32 s13, $0x3;
	[sflag:s6] =	ssyncset.done $0x0  }
0x20: {  	s31 =	sand.u32 $0x7, s13;
	s15 =	sadd.s32 s5, s30;
	[sflag:s6] =	ssyncadd.s32 $0xFFFFFF80  }
0x21: {  	[hbm4b:s15+s31] =	stream.linear.scatter [tilespmem:s14], [sflag:$0x3], $0x80, $0x38;
	[tilespmem:$0x200] =	vst v63  }
.LBB2_5:
0x22: {  	s15 =	sadd.s32 $0x1000, s11  }
0x23: {  	p2 =	sgt.s32 s15, $0x1FFF  }
0x24: {  	s15 =	smov.u32 @p2 s2;
	p2 =	sne.s32 s12, s9  }
.Ltmp1:
0x25: {  	p1 =	slt.u32 s12, $0x2;
	(pc) =	sbr.rel @!p2 .LBB2_6-.Ltmp1, $4  }
0x26: {  	s14 =	simm.s32 @!p1 $0x3  }
0x27: {  	s16 =	sadd.s32 $0x1, s12;
	_ =	swait.ge @!p1 [sflag:s14], $0x80  }
0x28: {  	s13 =	smov.u32 s11;
	p0 =	por !p0, !p0;
	[sflag:s14] =	ssyncset.done @!p1 $0x0  }
0x29: {  	s12 =	smov.u32 s16;
	s11 =	smov.u32 s15;
	[sflag:s14] =	ssyncadd.s32 @!p1 $0xFFFFFF80  }
.LBB2_1:
0x2a: {  	p1 =	sge.u32 s12, s8  }
0x2b: {  	s14 =	sxor.u32 @!p1 $0xFFFFFFFF, s12  }
0x2c: {  	s31 =	sadd.s32 $0xFFFFFFFF, s12;
	s15 =	sshrl.u32 @!p1 s11, $0x3;
	s14 =	sshll.u32 @!p1 s14, $0x7  }
0x2d: {  	s16 =	sand.u32 @!p1 $0x7, s11;
	s15 =	sadd.s32 @!p1 s4, s15;
	s14 =	sand.u32 @!p1 $0x80, s14  }
0x2e: {  	[tilespmem:s14], [sflag:$0x2] =	stream.linear.gather @!p1 [hbm4b:s15+s16], $0x80, $0x38;
	[tilespmem:$0x200] =	vst v63  }
0x2f: {  	p1 =	sge.u32 s31, s8  }
.Ltmp2:
0x30: {  	_ = 	snop;
	(pc) =	sbr.rel @p1 .LBB2_5-.Ltmp2, $1  }
0x31: {  	_ =	sdelay $0x3  }
0x32: {  	s14 =	simm.s32 $0x1  }
0x33: {  	_ =	swait.ge [sflag:s7], $0x80;
	s14 =	simm.s32 @!p0 $0x0  }
0x34: {  	[sflag:s7] =	ssyncset.done $0x0;
	s14 =	sshll.u32 s14, $0x7  }
0x35: {  	[sflag:s7] =	ssyncadd.s32 $0xFFFFFF80;
	(ifvalue) =	ssetifvalue $0x7FFFFFFF;
	v0 =	vld.msk [tilespmem:s14+$0x0 ss:$0x1], $0xffff;
	_ =	sdelay $0x4  }
0x36: {  	s15 =	sadd.s32 $0x10, s14;
	v2 =	vshrl.u32 v0, $0x2  }
0x37: {  	v1 =	vld.msk [tilespmem:s15+$0x0 ss:$0x1], $0xffff;
	vm1 =	veq.s32 v0, $0x80000000;
	v2 =	vand.u32 $0x7FF, v2  }
0x38: {  	v0 =	vand.u32 $0x3, v0;
	v2 =	vsel vm1, $0xFFFFFFFF, v2  }
0x39: {  	v0 =	vsel vm1, $0xFFFFFFFF, v0;
	v3 =	vshll.u32 v2, $0x2  }
0x3a: {  	v4 =	vand.u32 $0xFFFFE000, v0;
	v0 =	vshll.u32 v0, $0x7;
	v3 =	vand.u32 $0xFFFFFE00, v3  }
0x3b: {  	v0 =	vand.u32 $0x180, v0;
	v3 =	vadd.s32 v4, v3  }
0x3c: {  	v2 =	vand.u32 $0x7F, v2;
	v4 =	vshrl.u32 v1, $0x2;
	v0 =	vor.u32 v0, v3  }
0x3d: {  	vm1 =	veq.s32 v1, $0x80000000;
	v4 =	vand.u32 $0x7FF, v4;
	v0 =	vor.u32 v2, v0  }
0x3e: {  	s16 =	sshll.u32 s12, $0x7;
	s15 =	sadd.s32 $0x10, s15;
	v1 =	vand.u32 $0x3, v1;
	v3 =	vsel vm1, $0xFFFFFFFF, v4  }
0x3f: {  	s17 =	sand.u32 $0x80, s16;
	v2 =	vsel vm1, $0xFFFFFFFF, v1;
	v1 =	vld.msk [tilespmem:s15+$0x0 ss:$0x1], $0xffff;
	v4 =	vshll.u32 v3, $0x2  }
0x40: {  	s16 =	sor.u32 $0x100, s14;
	s14 =	sor.u32 $0x100, s17;
	s17 =	simm.s32 $0x30;
	v5 =	vshll.u32 v2, $0x7;
	v6 =	vand.u32 $0xFFFFE000, v2;
	v4 =	vand.u32 $0xFFFFFE00, v4  }
0x41: {  	s18 =	sadd.s32 $0x10, s15;
	(ifvalue) =	ssetifvalue $0x7FFFFFFF;
	s15 =	sadd.s32 $0x10, s16;
	v2 =	vand.u32 $0x7F, v3;
	v3 =	vadd.s32 v6, v4;
	v4 =	vand.u32 $0x180, v5  }
.LBB2_3:
0x42: {  	[tilespmem:s16], [sflag:$0x1] =	stream.indirect_vreg.gather [hbm4b:s3+s10], $0x1, v0, vm0, $0x4038;
	[tilespmem:$0x200] =	vst v63  }
0x43: {  	s17 =	sadd.s32 $0x10, s17  }
0x44: {  	v5 =	vand.u32 $0x3, v1;
	v6 =	vshrl.u32 v1, $0x2;
	v3 =	vor.u32 v4, v3;
	v0 =	vmovc v1;
	v1 =	vld.msk [tilespmem:s18+$0x0 ss:$0x1], $0xffff;
	p1 =	slt.u32 s17, $0x70  }
.Ltmp3:
0x45: {  	s16 =	smov.u32 s15;
	vm1 =	veq.s32 v0, $0x80000000;
	v4 =	vand.u32 $0x7FF, v6;
	v0 =	vor.u32 v2, v3;
	(pc) =	sbr.rel @p1 .LBB2_3-.Ltmp3, $4  }
0x46: {  	v3 =	vsel vm1, $0xFFFFFFFF, v5;
	v4 =	vsel vm1, $0xFFFFFFFF, v4  }
0x47: {  	v2 =	vand.u32 $0x7F, v4;
	v4 =	vshll.u32 v4, $0x2;
	v5 =	vshll.u32 v3, $0x7  }
0x48: {  	v3 =	vand.u32 $0xFFFFE000, v3;
	v4 =	vand.u32 $0xFFFFFE00, v4  }
0x49: {  	s18 =	sadd.s32 $0x10, s18;
	s15 =	sadd.s32 $0x10, s15;
	v3 =	vadd.s32 v3, v4;
	v4 =	vand.u32 $0x180, v5;
	(ifvalue) =	ssetifvalue $0x7FFFFFFF  }
.Ltmp4:
0x4a: {  	_ = 	snop;
	(pc) =	sbr.rel .LBB2_4-.Ltmp4, $1  }
0x4b: {  	_ =	sdelay $0x3  }
.LBB2_6:
0x4c: {  	_ =	sfence.sel $0x180000  }
0x4d: {  	s2 =	simm.s32 $0x2;
	[bflag:$0x0] =	sbarrier.arrive $0xFFFF  }
0x4e: {  	s30 =	simm.s32 $0x3;
	[sflag:s2] =	ssyncpa.u1 $0x1  }
0x4f: {  	s31 =	simm.s32 $0x1;
	[sflag:s30] =	ssyncpa.u1 $0x1  }
0x50: {  	[sflag:s31] =	ssyncpa.u1 $0x1  }
0x51: {  	p0 =	sne.s32 s1, $0x0;
	_ =	strace $0x90000050  }
0x52: {  	s0 =	sadd.s32 @!p0 $0x100000, s0;
	[bflag:$0x2] =	sbarrier.arrive $0xFFFF  }
0x53: {  	[sflag:s0] =	ssyncadd.tile.s32 @!p0 $0x1;
	_ =	shalt  }
.Lfunc_end2:
_tile_overlayer_lowered:
.L_overlay_start_2:
0x54: {  	(tag) =	ssettag $0x2  }
0x55: {  	s0 =	rddreg [dreg:$0x0];
	s2 =	stileid.u32  }
0x56: {  	s1 =	rddreg [dreg:$0x1];
	p0 =	sne.s32 s2, $0x0  }
0x57: {  	s3 =	rddreg [dreg:$0x2];
	[bflag:$0x3] =	sbarrier.arrive $0xFFFF;
	s2 =	simm.s32 @!p0 $0x1C01  }
0x58: {  	[timem:s3], [sflag:s2] =	dma.local @!p0 [hbm:s0], s1  }
0x59: {  	s0 =	simm.s32 @!p0 $0x1  }
0x5a: {  	_ =	swait.ge @!p0 [sflag:s0], s1  }
0x5b: {  	s1 =	ssub.s32 @!p0 $0x0, s1;
	[sflag:s0] =	ssyncset.done @!p0 $0x0  }
0x5c: {  	[sflag:s0] =	ssyncadd.s32 @!p0 s1  }
0x5d: {  	[bflag:$0x3] =	sbarrier.arrive $0xFFFF  }
0x5e: {  	_ =	shalt  }

// kernel: gather_offload_async_start.2
scs
__scs_entry_jumppad:
0x0: {  	(pc) =	sbr.rel $0x88, $3  }
0x1: {  	(tag) =	ssettag $0x0;
	lr =	simm.s32 $0x1  }
0x2: {  	[smem:$0x3F9C] =	sst lr;
	_ =	strace $0xD0000000  }
0x3: {  	_ = 	snop  }
0x4: {  	_ = 	snop  }
0x5: {  	_ = 	snop  }
0x6: {  	_ = 	snop  }
0x7: {  	_ = 	snop  }
__scs_overlays_trampoline_lowered:
0x8: {  	[smem:$0x3FAB] =	sst s0  }
0x9: {  	[smem:$0x3FAC] =	sst s1  }
0xa: {  	[smem:$0x3FAD] =	sst s2  }
0xb: {  	[smem:$0x3FAE] =	sst s3  }
0xc: {  	[smem:$0x3FAF] =	sst s4  }
0xd: {  	[smem:$0x3FB0] =	sst s5  }
0xe: {  	[smem:$0x3FB1] =	sst s6  }
0xf: {  	[smem:$0x3FB2] =	sst s7  }
0x10: {  	[smem:$0x3FB3] =	sst s8  }
0x11: {  	[smem:$0x3FB4] =	sst s9;
	s0 =	simm.s32 @!p0 $0x0  }
0x12: {  	s1 =	sld [smem:$0x3F9A];
	s0 =	simm.s32 @p0 $0x1  }
0x13: {  	[smem:$0x3FB5] =	sst s0;
	s0 =	simm.s32 @!p1 $0x0  }
0x14: {  	s2 =	sld [smem:$0x3F99];
	s0 =	simm.s32 @p1 $0x1  }
0x15: {  	[smem:$0x3FB6] =	sst s0;
	s0 =	simm.s32 @!p2 $0x0  }
0x16: {  	s3 =	sld [smem:$0x3FDB];
	s0 =	simm.s32 @p2 $0x1  }
0x17: {  	s4 =	simm.s32 $0x1BF5;
	[smem:$0x3FB8] =	sst s0  }
0x18: {  	s0 =	sld [smem:$0x3F9B];
	_ =	swait.ge [sflag:s4], $0x0  }
0x19: {  	s7 =	sld [smem:$0x3F9C]  }
0x1a: {  	s8 =	sadd.s32 $0xFFFFE003, lr  }
0x1b: {  	s9 =	sadd.s32 $0xFFFFFEF7, lr;
	s5 =	simm.s32 $0xFFFFFFFF;
	p2 =	slt.u32 s8, $0xFFFFF086  }
0x1c: {  	p1 =	slt.u32 s9, $0xF7A;
	s5 =	simm.s32 @!p2 $0x0  }
0x1d: {  	s5 =	simm.s32 @p1 $0x1;
	p0 =	seq.s32 s7, s2  }
0x1e: {  	s7 =	smul.u32 @!p0 $0xF7A, s2;
	p2 =	seq.s32 @!p0 s5, $0x0  }
0x1f: {  	s9 =	smul.u32 $0xF7A, s1;
	s8 =	simm.s32 @!p0 $0x1BF5;
	p2 =	por !p2, p0  }
0x20: {  	[sflag:s8] =	ssyncset.s32 @!p0 $0xFFFFF086;
	s6 =	sadd.s32 @!p0 s3, s7;
	s7 =	simm.s32 @!p0 $0x108  }
0x21: {  	s3 =	sadd.s32 s3, s9;
	s6 =	sadd.s32 @!p0 $0x88, s6;
	s7 =	simm.s32 @p2 $0x1082  }
0x22: {  	[simem:s7], [sflag:s8] =	dma.local @!p0 [hbm:s6], $0xF7A  }
0x23: {  	s9 =	sor.u32 $0xD0000000, s2;
	s6 =	simm.s32 $0x108;
	_ =	swait.ge @!p0 [sflag:s8], $0x0  }
0x24: {  	s3 =	sadd.s32 $0x88, s3;
	s6 =	simm.s32 @!p1 $0x1082;
	[sflag:s4] =	ssyncset.s32 $0xFFFFF086  }
0x25: {  	[simem:s6], [sflag:s4] =	dma.local [hbm:s3], $0xF7A  }
0x26: {  	[smem:$0x3F9C] =	sst s1;
	(tag) =	ssettag s2;
	_ =	strace s9  }
0x27: {  	s1 =	sld [smem:$0x3FAC]  }
0x28: {  	s2 =	sld [smem:$0x3FAD]  }
0x29: {  	s4 =	sld [smem:$0x3FAF]  }
0x2a: {  	p0 =	seq.s32 s5, $0x0;
	s5 =	sld [smem:$0x3FB0]  }
0x2b: {  	s6 =	sld [smem:$0x3FB1]  }
0x2c: {  	s7 =	sld [smem:$0x3FB2]  }
0x2d: {  	s3 =	simm.s32 $0x108;
	s8 =	sld [smem:$0x3FB3]  }
0x2e: {  	s3 =	simm.s32 @!p0 $0x1082;
	s9 =	sld [smem:$0x3FB4]  }
0x2f: {  	lr =	sadd.s32 s0, s3;
	s0 =	sld [smem:$0x3FAB]  }
0x30: {  	s3 =	sld [smem:$0x3FAE]  }
0x31: {  	[smem:$0x3FB7] =	sst s10  }
0x32: {  	s10 =	sld [smem:$0x3FB5];
	_ =	sdelay $0x3  }
0x33: {  	p0 =	seq.s32 s10, $0x1;
	s10 =	sld [smem:$0x3FB7];
	_ =	sdelay $0x3  }
0x34: {  	[smem:$0x3FB7] =	sst s10  }
0x35: {  	s10 =	sld [smem:$0x3FB6];
	_ =	sdelay $0x3  }
0x36: {  	p1 =	seq.s32 s10, $0x1;
	s10 =	sld [smem:$0x3FB7];
	_ =	sdelay $0x3  }
0x37: {  	[smem:$0x3FB7] =	sst s10  }
0x38: {  	s10 =	sld [smem:$0x3FB8]  }
0x39: {  	_ = 	snop;
	(pc) =	sbr.ind lr, $3  }
0x3a: {  	_ = 	snop  }
0x3b: {  	_ = 	snop  }
0x3c: {  	p2 =	seq.s32 s10, $0x1;
	s10 =	sld [smem:$0x3FB7]  }
0x3d: {  	_ =	shalt  }
0x3e: {  	_ =	shalt  }
0x3f: {  	_ =	shalt  }
0x40: {  	_ =	shalt  }
0x41: {  	_ =	shalt  }
0x42: {  	_ =	shalt  }
0x43: {  	_ =	shalt  }
0x44: {  	_ =	shalt  }
0x45: {  	_ =	shalt  }
0x46: {  	_ =	shalt  }
0x47: {  	_ =	shalt  }
0x48: {  	_ =	shalt  }
0x49: {  	_ =	shalt  }
0x4a: {  	_ =	shalt  }
0x4b: {  	_ =	shalt  }
0x4c: {  	_ =	shalt  }
0x4d: {  	_ =	shalt  }
0x4e: {  	_ =	shalt  }
0x4f: {  	_ =	shalt  }
0x50: {  	_ =	shalt  }
0x51: {  	_ =	shalt  }
0x52: {  	_ =	shalt  }
0x53: {  	_ =	shalt  }
0x54: {  	_ =	shalt  }
0x55: {  	_ =	shalt  }
0x56: {  	_ =	shalt  }
0x57: {  	_ =	shalt  }
0x58: {  	_ =	shalt  }
0x59: {  	_ =	shalt  }
0x5a: {  	_ =	shalt  }
0x5b: {  	_ =	shalt  }
0x5c: {  	_ =	shalt  }
0x5d: {  	_ =	shalt  }
0x5e: {  	_ =	shalt  }
0x5f: {  	_ =	shalt  }
0x60: {  	_ =	shalt  }
0x61: {  	_ =	shalt  }
0x62: {  	_ =	shalt  }
0x63: {  	_ =	shalt  }
0x64: {  	_ =	shalt  }
0x65: {  	_ =	shalt  }
0x66: {  	_ =	shalt  }
0x67: {  	_ =	shalt  }
0x68: {  	_ =	shalt  }
0x69: {  	_ =	shalt  }
0x6a: {  	_ =	shalt  }
0x6b: {  	_ =	shalt  }
0x6c: {  	_ =	shalt  }
0x6d: {  	_ =	shalt  }
0x6e: {  	_ =	shalt  }
0x6f: {  	_ =	shalt  }
0x70: {  	_ =	shalt  }
0x71: {  	_ =	shalt  }
0x72: {  	_ =	shalt  }
0x73: {  	_ =	shalt  }
0x74: {  	_ =	shalt  }
0x75: {  	_ =	shalt  }
0x76: {  	_ =	shalt  }
0x77: {  	_ =	shalt  }
0x78: {  	_ =	shalt  }
0x79: {  	_ =	shalt  }
0x7a: {  	_ =	shalt  }
0x7b: {  	_ =	shalt  }
0x7c: {  	_ =	shalt  }
0x7d: {  	_ =	shalt  }
0x7e: {  	_ =	shalt  }
0x7f: {  	_ =	shalt  }
0x80: {  	_ =	shalt  }
0x81: {  	_ =	shalt  }
0x82: {  	_ =	shalt  }
0x83: {  	_ =	shalt  }
0x84: {  	_ =	shalt  }
0x85: {  	_ =	shalt  }
0x86: {  	_ =	shalt  }
0x87: {  	_ =	shalt  }
.Lfunc_end0:
.L_simem_size_0:
called_computation.2_lowered:
.L_overlay_start_0:
0x88: {  	s2 =	sld [smem:$0x3FD9]  }
0x89: {  	s3 =	sld [smem:$0x3FFE];
	_ =	sdelay $0x1  }
0x8a: {  	s1 =	srdreg.scid  }
0x8b: {  	s0 =	sand.u32 $0x1, s1  }
0x8c: {  	s17 =	sshll.u32 s0, $0xA;
	s2 =	sadd.s32 s3, s2  }
0x8d: {  	s2 =	sadd.s32 s2, s17  }
0x8e: {  	[smem:$0x3FC3] =	sst s2  }
0x8f: {  	_ = 	snop  }
0x90: {  	(tm) =	ssettm $0x1  }
0x91: {  	s18 =	sld [smem:$0x3FFB];
	_ =	sdelay $0x3  }
0x92: {  	_ =	strace s18  }
0x93: {  	s2 =	sld [smem:$0x3FFC];
	_ =	sdelay $0x3  }
0x94: {  	_ =	strace s2  }
0x95: {  	s2 =	sld [smem:$0x3FFD];
	_ =	sdelay $0x3  }
0x96: {  	_ =	strace s2  }
0x97: {  	_ =	strace $0x8FFFFFFF  }
0x98: {  	s19 =	sld [smem:$0x3FDB];
	_ =	sdelay $0x1  }
0x99: {  	s20 =	simm.s32 $_scs_section_size  }
0x9a: {  	s4 =	simm.s32 $_size__tile_overlayer_lowered;
	s5 =	simm.s32 $_tile_overlayer_lowered  }
0x9b: {  	s6 =	simm.s32 $0x1BFF;
	s21 =	sshll.u32 s5, $0x1;
	s3 =	sadd.s32 s20, s19  }
0x9c: {  	s22 =	simm.s32 $0x0;
	s4 =	sshll.u32 s4, $0x1;
	s5 =	sadd.s32 s21, s3  }
0x9d: {  	[timem:s22], [sflag:s6] =	dma.local [hbm:s5], s4  }
0x9e: {  	_ =	swait.ge [sflag:s6], s4  }
0x9f: {  	s4 =	ssub.s32 $0x0, s4;
	[sflag:s6] =	ssyncset.done $0x0  }
0xa0: {  	[sflag:s6] =	ssyncadd.s32 s4;
	_ =	sdelay $0x1  }
0xa1: {  	s23 =	simm.s32 $0x1B8B  }
0xa2: {  	_ =	swait.ge [sflag:s23], $0x1  }
0xa3: {  	[sflag:s23] =	ssyncset.done $0x0  }
0xa4: {  	[sflag:s23] =	ssyncadd.s32 $0xFFFFFFFF  }
0xa5: {  	s4 =	sld [smem:$0x0]  }
0xa6: {  	s5 =	sand.u32 $0xFFFFFFFE, s1  }
0xa7: {  	p0 =	sne.s32 s1, s5  }
0xa8: {  	s5 =	sshll.u32 @p0 s5, $0xE  }
0xa9: {  	s5 =	sadd.s32 @p0 $0x11B8D, s5;
	s6 =	sshll.u32 @p0 s4, $0x11  }
0xaa: {  	s5 =	sor.u32 @p0 s6, s5  }
0xab: {  	[sflag:s5] =	ssyncadd.remote.s32 @p0 $0x1;
	_ =	sdelay $0x1  }
0xac: {  	s5 =	simm.s32 @p0 $0x1B8D  }
0xad: {  	_ =	swait.eq @p0 [sflag:s5], $0x1  }
0xae: {  	[sflag:s5] =	ssyncadd.s32 @p0 $0xFFFFFFFF  }
0xaf: {  	s6 =	sshll.u32 @!p0 s1, $0xE  }
0xb0: {  	s6 =	sor.u32 @!p0 $0x4000, s6;
	s5 =	simm.s32 @!p0 $0x1B8D  }
0xb1: {  	s4 =	sshll.u32 @!p0 s4, $0x11;
	s6 =	sadd.s32 @!p0 $0x11B8D, s6;
	_ =	swait.eq @!p0 [sflag:s5], $0x1  }
0xb2: {  	s4 =	sor.u32 @!p0 s4, s6;
	[sflag:s5] =	ssyncadd.s32 @!p0 $0xFFFFFFFF  }
0xb3: {  	s25 =	simm.s32 $0x1B8E;
	s24 =	sld [smem:$0x3FFE];
	[sflag:s4] =	ssyncadd.remote.s32 @!p0 $0x1  }
0xb4: {  	s26 =	simm.s32 $execute0_lowered;
	[smem:$0x3FD2] =	sst s25  }
0xb5: {  	s5 =	sshll.u32 s26, $0x1;
	_ =	strace $0x8000004C;
	[dreg:$0x1] =	wrdreg $0xFFFFFFFF  }
0xb6: {  	s28 =	simm.s32 $_size_execute0_lowered;
	s3 =	sadd.s32 s3, s5;
	[dreg:$0x0] =	wrdreg $0x0  }
0xb7: {  	s5 =	sshll.u32 s28, $0x1;
	[dreg:$0x2] =	wrdreg s3  }
0xb8: {  	[dreg:$0x3] =	wrdreg s5  }
0xb9: {  	[dreg:$0x4] =	wrdreg $0xC0  }
0xba: {  	_ =	task [dreg:s22], $0x5FFFF  }
0xbb: {  	[dreg:$0x1] =	wrdreg $0xFFFFFFFF  }
0xbc: {  	[dreg:$0x0] =	wrdreg $0x60  }
0xbd: {  	[dreg:$0x2] =	wrdreg s24  }
0xbe: {  	[dreg:$0x3] =	wrdreg $0x9  }
0xbf: {  	_ =	task.clear_ibuf [dreg:s22], $0x4FFFF;
	_ =	strace $0x9000004C  }
0xc0: {  	s29 =	simm.s32 $0x9;
	_ =	strace $0x8000004E  }
0xc1: {  	_ =	swait.ge [sflag:s29], $0x1  }
0xc2: {  	[sflag:s29] =	ssyncadd.s32 $0xFFFFFFFF  }
0xc3: {  	_ =	strace $0x9000004E  }
0xc4: {  	_ =	sfence  }
0xc5: {  	s30 =	sld [smem:$0x0];
	_ =	sdelay $0x2  }
0xc6: {  	s31 =	sshll.u32 s1, $0xD;
	s1 =	sshrl.u32 s1, $0x2  }
0xc7: {  	s4 =	sand.u32 $0x4000, s31;
	s1 =	sadd.s32 s1, s30  }
0xc8: {  	s0 =	sor.u32 s4, s0;
	s1 =	sshll.u32 s1, $0x11  }
0xc9: {  	s0 =	sor.u32 s1, s0  }
0xca: {  	s0 =	sadd.s32 $0x8F2B, s0  }
0xcb: {  	[sflag:s0] =	ssyncadd.remote.s32 $0x1  }
0xcc: {  	_ =	sfence.sel $0xFFFF  }
0xcd: {  	[dreg:$0x0] =	wrdreg $0xFFFFFFFF;
	(pc) =	sbr.abs _section_cstart, $3  }
0xce: {  	[dreg:$0x1] =	wrdreg $0xFFFFFFFF  }
0xcf: {  	_ =	task.clear_ibuf [dreg:s22], $0x2FFFF;
	_ =	strace $0x9FFFFFFF  }
0xd0: {  	(tm) =	ssettm $0x7FFFFFFF  }
0xd1: {  	_ =	shalt  }
tec
execute0_lowered:
.L_overlay_start_1:
0x0: {  	(tag) =	ssettag $0x1  }
0x1: {  	s0 =	srdreg.scid;
	s5 =	rddreg [dreg:$0x0]  }
0x2: {  	s1 =	stileid.u32;
	s6 =	simm.s32 $0x1;
	s9 =	simm.s32 $0x1  }
0x3: {  	s10 =	simm.s32 $0x3;
	s13 =	simm.s32 $0x0;
	s2 =	sshll.u32 s0, $0x7  }
0x4: {  	s12 =	simm.s32 $0x0;
	s3 =	sshll.u32 s1, $0x8;
	s2 =	sand.u32 $0x80, s2  }
0x5: {  	s0 =	rddreg [dreg:$0x1];
	_ =	strace $0x8000004D;
	s2 =	sor.u32 s3, s2  }
0x6: {  	s4 =	sadd.s32 $0x1E00, s5;
	[sflag:s6] =	ssyncpa.u1 $0x0;
	s8 =	ssub.s32 $0x2000, s2  }
.Ltmp0:
0x7: {  	s3 =	sadd.s32 $0x800, s5;
	s7 =	sand.u32 $0xF80, s8;
	(pc) =	sbr.rel .LBB2_1-.Ltmp0, $4  }
0x8: {  	s5 =	sadd.s32 $0x22A00, s5;
	s11 =	smov.u32 s2;
	p0 =	sne.s32 s7, $0x0  }
0x9: {  	s8 =	sshrl.u32 s8, $0xC;
	s7 =	simm.s32 $0x2;
	s9 =	simm.s32 @!p0 $0x0  }
0xa: {  	[sflag:s7] =	ssyncpa.u1 $0x0;
	p0 =	por $0x0, $0x0;
	s8 =	sadd.s32 s9, s8  }
0xb: {  	vm0 =	vmmov $0xffff;
	[sflag:s10] =	ssyncpa.u1 $0x0;
	s10 =	simm.s32 $0x0;
	s9 =	sadd.s32 $0x1, s8  }
.LBB2_4:
0xc: {  	v5 =	vld.msk [tilespmem:s18+$0x0 ss:$0x1], $0xffff  }
0xd: {  	v6 =	vand.u32 $0x3, v1;
	v7 =	vshrl.u32 v1, $0x2  }
0xe: {  	v3 =	vor.u32 v4, v3;
	vm1 =	veq.s32 v1, $0x80000000;
	v53 =	vand.u32 $0x7FF, v7  }
0xf: {  	v2 =	vor.u32 v2, v3;
	v54 =	vsel vm1, $0xFFFFFFFF, v6;
	v1 =	vsel vm1, $0xFFFFFFFF, v53  }
0x10: {  	v6 =	vshll.u32 v54, $0x7;
	v3 =	vand.u32 $0xFFFFE000, v54;
	v55 =	vand.u32 $0x7F, v1  }
0x11: {  	v1 =	vshll.u32 v1, $0x2;
	v6 =	vand.u32 $0x180, v6;
	v56 =	vshrl.u32 v5, $0x2  }
0x12: {  	v1 =	vand.u32 $0xFFFFFE00, v1;
	vm1 =	veq.s32 v5, $0x80000000;
	v57 =	vand.u32 $0x7FF, v56  }
0x13: {  	v1 =	vadd.s32 v3, v1;
	v5 =	vand.u32 $0x3, v5;
	v3 =	vsel vm1, $0xFFFFFFFF, v57  }
0x14: {  	v1 =	vor.u32 v6, v1;
	v5 =	vsel vm1, $0xFFFFFFFF, v5;
	v58 =	vshll.u32 v3, $0x2  }
0x15: {  	v59 =	vshll.u32 v5, $0x7;
	v5 =	vand.u32 $0xFFFFE000, v5;
	v6 =	vand.u32 $0xFFFFFE00, v58  }
0x16: {  	v1 =	vor.u32 v55, v1;
	v61 =	vand.u32 $0x180, v59;
	v60 =	vadd.s32 v5, v6  }
0x17: {  	[tilespmem:s16], [sflag:$0x1] =	stream.indirect_vreg.gather [hbm4b:s3+s10], $0x1, v0, vm0, $0x4038;
	v62 =	vand.u32 $0x7F, v3;
	v63 =	vor.u32 v61, v60;
	[tilespmem:$0x200] =	vst v63  }
0x18: {  	(ifvalue) =	ssetifvalue $0x7FFFFFFF;
	v0 =	vor.u32 v62, v63  }
0x19: {  	[tilespmem:s15], [sflag:$0x1] =	stream.indirect_vreg.gather [hbm4b:s3+s10], $0x1, v2, vm0, $0x4038;
	[tilespmem:$0x200] =	vst v63  }
0x1a: {  	s29 =	sadd.s32 $0x10, s15;
	(ifvalue) =	ssetifvalue $0x7FFFFFFF  }
0x1b: {  	[tilespmem:s29], [sflag:$0x1] =	stream.indirect_vreg.gather [hbm4b:s3+s10], $0x1, v1, vm0, $0x4038;
	[tilespmem:$0x200] =	vst v63  }
0x1c: {  	s15 =	sadd.s32 $0x10, s29;
	(ifvalue) =	ssetifvalue $0x7FFFFFFF  }
0x1d: {  	[tilespmem:s15], [sflag:$0x1] =	stream.indirect_vreg.gather [hbm4b:s3+s10], $0x1, v0, vm0, $0x4038;
	[tilespmem:$0x200] =	vst v63  }
0x1e: {  	_ =	swait.ge [sflag:s6], $0x80  }
0x1f: {  	s30 =	sshrl.u32 s13, $0x3;
	[sflag:s6] =	ssyncset.done $0x0  }
0x20: {  	s31 =	sand.u32 $0x7, s13;
	s15 =	sadd.s32 s5, s30;
	[sflag:s6] =	ssyncadd.s32 $0xFFFFFF80  }
0x21: {  	[hbm4b:s15+s31] =	stream.linear.scatter [tilespmem:s14], [sflag:$0x3], $0x80, $0x38;
	[tilespmem:$0x200] =	vst v63  }
.LBB2_5:
0x22: {  	s15 =	sadd.s32 $0x1000, s11  }
0x23: {  	p2 =	sgt.s32 s15, $0x1FFF  }
0x24: {  	s15 =	smov.u32 @p2 s2;
	p2 =	sne.s32 s12, s9  }
.Ltmp1:
0x25: {  	p1 =	slt.u32 s12, $0x2;
	(pc) =	sbr.rel @!p2 .LBB2_6-.Ltmp1, $4  }
0x26: {  	s14 =	simm.s32 @!p1 $0x3  }
0x27: {  	s16 =	sadd.s32 $0x1, s12;
	_ =	swait.ge @!p1 [sflag:s14], $0x80  }
0x28: {  	s13 =	smov.u32 s11;
	p0 =	por !p0, !p0;
	[sflag:s14] =	ssyncset.done @!p1 $0x0  }
0x29: {  	s12 =	smov.u32 s16;
	s11 =	smov.u32 s15;
	[sflag:s14] =	ssyncadd.s32 @!p1 $0xFFFFFF80  }
.LBB2_1:
0x2a: {  	p1 =	sge.u32 s12, s8  }
0x2b: {  	s14 =	sxor.u32 @!p1 $0xFFFFFFFF, s12  }
0x2c: {  	s31 =	sadd.s32 $0xFFFFFFFF, s12;
	s15 =	sshrl.u32 @!p1 s11, $0x3;
	s14 =	sshll.u32 @!p1 s14, $0x7  }
0x2d: {  	s16 =	sand.u32 @!p1 $0x7, s11;
	s15 =	sadd.s32 @!p1 s4, s15;
	s14 =	sand.u32 @!p1 $0x80, s14  }
0x2e: {  	[tilespmem:s14], [sflag:$0x2] =	stream.linear.gather @!p1 [hbm4b:s15+s16], $0x80, $0x38;
	[tilespmem:$0x200] =	vst v63  }
0x2f: {  	p1 =	sge.u32 s31, s8  }
.Ltmp2:
0x30: {  	_ = 	snop;
	(pc) =	sbr.rel @p1 .LBB2_5-.Ltmp2, $1  }
0x31: {  	_ =	sdelay $0x3  }
0x32: {  	s14 =	simm.s32 $0x1  }
0x33: {  	_ =	swait.ge [sflag:s7], $0x80;
	s14 =	simm.s32 @!p0 $0x0  }
0x34: {  	[sflag:s7] =	ssyncset.done $0x0;
	s14 =	sshll.u32 s14, $0x7  }
0x35: {  	[sflag:s7] =	ssyncadd.s32 $0xFFFFFF80;
	(ifvalue) =	ssetifvalue $0x7FFFFFFF;
	v0 =	vld.msk [tilespmem:s14+$0x0 ss:$0x1], $0xffff;
	_ =	sdelay $0x4  }
0x36: {  	s15 =	sadd.s32 $0x10, s14;
	v2 =	vshrl.u32 v0, $0x2  }
0x37: {  	v1 =	vld.msk [tilespmem:s15+$0x0 ss:$0x1], $0xffff;
	vm1 =	veq.s32 v0, $0x80000000;
	v2 =	vand.u32 $0x7FF, v2  }
0x38: {  	v0 =	vand.u32 $0x3, v0;
	v2 =	vsel vm1, $0xFFFFFFFF, v2  }
0x39: {  	v0 =	vsel vm1, $0xFFFFFFFF, v0;
	v3 =	vshll.u32 v2, $0x2  }
0x3a: {  	v4 =	vand.u32 $0xFFFFE000, v0;
	v0 =	vshll.u32 v0, $0x7;
	v3 =	vand.u32 $0xFFFFFE00, v3  }
0x3b: {  	v0 =	vand.u32 $0x180, v0;
	v3 =	vadd.s32 v4, v3  }
0x3c: {  	v2 =	vand.u32 $0x7F, v2;
	v4 =	vshrl.u32 v1, $0x2;
	v0 =	vor.u32 v0, v3  }
0x3d: {  	vm1 =	veq.s32 v1, $0x80000000;
	v4 =	vand.u32 $0x7FF, v4;
	v0 =	vor.u32 v2, v0  }
0x3e: {  	s16 =	sshll.u32 s12, $0x7;
	s15 =	sadd.s32 $0x10, s15;
	v1 =	vand.u32 $0x3, v1;
	v3 =	vsel vm1, $0xFFFFFFFF, v4  }
0x3f: {  	s17 =	sand.u32 $0x80, s16;
	v2 =	vsel vm1, $0xFFFFFFFF, v1;
	v1 =	vld.msk [tilespmem:s15+$0x0 ss:$0x1], $0xffff;
	v4 =	vshll.u32 v3, $0x2  }
0x40: {  	s16 =	sor.u32 $0x100, s14;
	s14 =	sor.u32 $0x100, s17;
	s17 =	simm.s32 $0x30;
	v5 =	vshll.u32 v2, $0x7;
	v6 =	vand.u32 $0xFFFFE000, v2;
	v4 =	vand.u32 $0xFFFFFE00, v4  }
0x41: {  	s18 =	sadd.s32 $0x10, s15;
	(ifvalue) =	ssetifvalue $0x7FFFFFFF;
	s15 =	sadd.s32 $0x10, s16;
	v2 =	vand.u32 $0x7F, v3;
	v3 =	vadd.s32 v6, v4;
	v4 =	vand.u32 $0x180, v5  }
.LBB2_3:
0x42: {  	[tilespmem:s16], [sflag:$0x1] =	stream.indirect_vreg.gather [hbm4b:s3+s10], $0x1, v0, vm0, $0x4038;
	[tilespmem:$0x200] =	vst v63  }
0x43: {  	s17 =	sadd.s32 $0x10, s17  }
0x44: {  	v5 =	vand.u32 $0x3, v1;
	v6 =	vshrl.u32 v1, $0x2;
	v3 =	vor.u32 v4, v3;
	v0 =	vmovc v1;
	v1 =	vld.msk [tilespmem:s18+$0x0 ss:$0x1], $0xffff;
	p1 =	slt.u32 s17, $0x70  }
.Ltmp3:
0x45: {  	s16 =	smov.u32 s15;
	vm1 =	veq.s32 v0, $0x80000000;
	v4 =	vand.u32 $0x7FF, v6;
	v0 =	vor.u32 v2, v3;
	(pc) =	sbr.rel @p1 .LBB2_3-.Ltmp3, $4  }
0x46: {  	v3 =	vsel vm1, $0xFFFFFFFF, v5;
	v4 =	vsel vm1, $0xFFFFFFFF, v4  }
0x47: {  	v2 =	vand.u32 $0x7F, v4;
	v4 =	vshll.u32 v4, $0x2;
	v5 =	vshll.u32 v3, $0x7  }
0x48: {  	v3 =	vand.u32 $0xFFFFE000, v3;
	v4 =	vand.u32 $0xFFFFFE00, v4  }
0x49: {  	s18 =	sadd.s32 $0x10, s18;
	s15 =	sadd.s32 $0x10, s15;
	v3 =	vadd.s32 v3, v4;
	v4 =	vand.u32 $0x180, v5;
	(ifvalue) =	ssetifvalue $0x7FFFFFFF  }
.Ltmp4:
0x4a: {  	_ = 	snop;
	(pc) =	sbr.rel .LBB2_4-.Ltmp4, $1  }
0x4b: {  	_ =	sdelay $0x3  }
.LBB2_6:
0x4c: {  	_ =	sfence.sel $0x180000  }
0x4d: {  	s2 =	simm.s32 $0x2;
	[bflag:$0x0] =	sbarrier.arrive $0xFFFF  }
0x4e: {  	s30 =	simm.s32 $0x3;
	[sflag:s2] =	ssyncpa.u1 $0x1  }
0x4f: {  	s31 =	simm.s32 $0x1;
	[sflag:s30] =	ssyncpa.u1 $0x1  }
0x50: {  	[sflag:s31] =	ssyncpa.u1 $0x1  }
0x51: {  	p0 =	sne.s32 s1, $0x0;
	_ =	strace $0x9000004D  }
0x52: {  	s0 =	sadd.s32 @!p0 $0x100000, s0;
	[bflag:$0x2] =	sbarrier.arrive $0xFFFF  }
0x53: {  	[sflag:s0] =	ssyncadd.tile.s32 @!p0 $0x1;
	_ =	shalt  }
.Lfunc_end2:
_tile_overlayer_lowered:
.L_overlay_start_2:
0x54: {  	(tag) =	ssettag $0x2  }
0x55: {  	s0 =	rddreg [dreg:$0x0];
	s2 =	stileid.u32  }
0x56: {  	s1 =	rddreg [dreg:$0x1];
	p0 =	sne.s32 s2, $0x0  }
0x57: {  	s3 =	rddreg [dreg:$0x2];
	[bflag:$0x3] =	sbarrier.arrive $0xFFFF;
	s2 =	simm.s32 @!p0 $0x1C01  }
0x58: {  	[timem:s3], [sflag:s2] =	dma.local @!p0 [hbm:s0], s1  }
0x59: {  	s0 =	simm.s32 @!p0 $0x1  }
0x5a: {  	_ =	swait.ge @!p0 [sflag:s0], s1  }
0x5b: {  	s1 =	ssub.s32 @!p0 $0x0, s1;
	[sflag:s0] =	ssyncset.done @!p0 $0x0  }
0x5c: {  	[sflag:s0] =	ssyncadd.s32 @!p0 s1  }
0x5d: {  	[bflag:$0x3] =	sbarrier.arrive $0xFFFF  }
0x5e: {  	_ =	shalt  }

// kernel: gather_offload_async_start.3
scs
__scs_entry_jumppad:
0x0: {  	(pc) =	sbr.rel $0x88, $3  }
0x1: {  	(tag) =	ssettag $0x0;
	lr =	simm.s32 $0x1  }
0x2: {  	[smem:$0x3F9C] =	sst lr;
	_ =	strace $0xD0000000  }
0x3: {  	_ = 	snop  }
0x4: {  	_ = 	snop  }
0x5: {  	_ = 	snop  }
0x6: {  	_ = 	snop  }
0x7: {  	_ = 	snop  }
__scs_overlays_trampoline_lowered:
0x8: {  	[smem:$0x3FAB] =	sst s0  }
0x9: {  	[smem:$0x3FAC] =	sst s1  }
0xa: {  	[smem:$0x3FAD] =	sst s2  }
0xb: {  	[smem:$0x3FAE] =	sst s3  }
0xc: {  	[smem:$0x3FAF] =	sst s4  }
0xd: {  	[smem:$0x3FB0] =	sst s5  }
0xe: {  	[smem:$0x3FB1] =	sst s6  }
0xf: {  	[smem:$0x3FB2] =	sst s7  }
0x10: {  	[smem:$0x3FB3] =	sst s8  }
0x11: {  	[smem:$0x3FB4] =	sst s9;
	s0 =	simm.s32 @!p0 $0x0  }
0x12: {  	s1 =	sld [smem:$0x3F9A];
	s0 =	simm.s32 @p0 $0x1  }
0x13: {  	[smem:$0x3FB5] =	sst s0;
	s0 =	simm.s32 @!p1 $0x0  }
0x14: {  	s2 =	sld [smem:$0x3F99];
	s0 =	simm.s32 @p1 $0x1  }
0x15: {  	[smem:$0x3FB6] =	sst s0;
	s0 =	simm.s32 @!p2 $0x0  }
0x16: {  	s3 =	sld [smem:$0x3FDB];
	s0 =	simm.s32 @p2 $0x1  }
0x17: {  	s4 =	simm.s32 $0x1BF5;
	[smem:$0x3FB8] =	sst s0  }
0x18: {  	s0 =	sld [smem:$0x3F9B];
	_ =	swait.ge [sflag:s4], $0x0  }
0x19: {  	s7 =	sld [smem:$0x3F9C]  }
0x1a: {  	s8 =	sadd.s32 $0xFFFFE003, lr  }
0x1b: {  	s9 =	sadd.s32 $0xFFFFFEF7, lr;
	s5 =	simm.s32 $0xFFFFFFFF;
	p2 =	slt.u32 s8, $0xFFFFF086  }
0x1c: {  	p1 =	slt.u32 s9, $0xF7A;
	s5 =	simm.s32 @!p2 $0x0  }
0x1d: {  	s5 =	simm.s32 @p1 $0x1;
	p0 =	seq.s32 s7, s2  }
0x1e: {  	s7 =	smul.u32 @!p0 $0xF7A, s2;
	p2 =	seq.s32 @!p0 s5, $0x0  }
0x1f: {  	s9 =	smul.u32 $0xF7A, s1;
	s8 =	simm.s32 @!p0 $0x1BF5;
	p2 =	por !p2, p0  }
0x20: {  	[sflag:s8] =	ssyncset.s32 @!p0 $0xFFFFF086;
	s6 =	sadd.s32 @!p0 s3, s7;
	s7 =	simm.s32 @!p0 $0x108  }
0x21: {  	s3 =	sadd.s32 s3, s9;
	s6 =	sadd.s32 @!p0 $0x88, s6;
	s7 =	simm.s32 @p2 $0x1082  }
0x22: {  	[simem:s7], [sflag:s8] =	dma.local @!p0 [hbm:s6], $0xF7A  }
0x23: {  	s9 =	sor.u32 $0xD0000000, s2;
	s6 =	simm.s32 $0x108;
	_ =	swait.ge @!p0 [sflag:s8], $0x0  }
0x24: {  	s3 =	sadd.s32 $0x88, s3;
	s6 =	simm.s32 @!p1 $0x1082;
	[sflag:s4] =	ssyncset.s32 $0xFFFFF086  }
0x25: {  	[simem:s6], [sflag:s4] =	dma.local [hbm:s3], $0xF7A  }
0x26: {  	[smem:$0x3F9C] =	sst s1;
	(tag) =	ssettag s2;
	_ =	strace s9  }
0x27: {  	s1 =	sld [smem:$0x3FAC]  }
0x28: {  	s2 =	sld [smem:$0x3FAD]  }
0x29: {  	s4 =	sld [smem:$0x3FAF]  }
0x2a: {  	p0 =	seq.s32 s5, $0x0;
	s5 =	sld [smem:$0x3FB0]  }
0x2b: {  	s6 =	sld [smem:$0x3FB1]  }
0x2c: {  	s7 =	sld [smem:$0x3FB2]  }
0x2d: {  	s3 =	simm.s32 $0x108;
	s8 =	sld [smem:$0x3FB3]  }
0x2e: {  	s3 =	simm.s32 @!p0 $0x1082;
	s9 =	sld [smem:$0x3FB4]  }
0x2f: {  	lr =	sadd.s32 s0, s3;
	s0 =	sld [smem:$0x3FAB]  }
0x30: {  	s3 =	sld [smem:$0x3FAE]  }
0x31: {  	[smem:$0x3FB7] =	sst s10  }
0x32: {  	s10 =	sld [smem:$0x3FB5];
	_ =	sdelay $0x3  }
0x33: {  	p0 =	seq.s32 s10, $0x1;
	s10 =	sld [smem:$0x3FB7];
	_ =	sdelay $0x3  }
0x34: {  	[smem:$0x3FB7] =	sst s10  }
0x35: {  	s10 =	sld [smem:$0x3FB6];
	_ =	sdelay $0x3  }
0x36: {  	p1 =	seq.s32 s10, $0x1;
	s10 =	sld [smem:$0x3FB7];
	_ =	sdelay $0x3  }
0x37: {  	[smem:$0x3FB7] =	sst s10  }
0x38: {  	s10 =	sld [smem:$0x3FB8]  }
0x39: {  	_ = 	snop;
	(pc) =	sbr.ind lr, $3  }
0x3a: {  	_ = 	snop  }
0x3b: {  	_ = 	snop  }
0x3c: {  	p2 =	seq.s32 s10, $0x1;
	s10 =	sld [smem:$0x3FB7]  }
0x3d: {  	_ =	shalt  }
0x3e: {  	_ =	shalt  }
0x3f: {  	_ =	shalt  }
0x40: {  	_ =	shalt  }
0x41: {  	_ =	shalt  }
0x42: {  	_ =	shalt  }
0x43: {  	_ =	shalt  }
0x44: {  	_ =	shalt  }
0x45: {  	_ =	shalt  }
0x46: {  	_ =	shalt  }
0x47: {  	_ =	shalt  }
0x48: {  	_ =	shalt  }
0x49: {  	_ =	shalt  }
0x4a: {  	_ =	shalt  }
0x4b: {  	_ =	shalt  }
0x4c: {  	_ =	shalt  }
0x4d: {  	_ =	shalt  }
0x4e: {  	_ =	shalt  }
0x4f: {  	_ =	shalt  }
0x50: {  	_ =	shalt  }
0x51: {  	_ =	shalt  }
0x52: {  	_ =	shalt  }
0x53: {  	_ =	shalt  }
0x54: {  	_ =	shalt  }
0x55: {  	_ =	shalt  }
0x56: {  	_ =	shalt  }
0x57: {  	_ =	shalt  }
0x58: {  	_ =	shalt  }
0x59: {  	_ =	shalt  }
0x5a: {  	_ =	shalt  }
0x5b: {  	_ =	shalt  }
0x5c: {  	_ =	shalt  }
0x5d: {  	_ =	shalt  }
0x5e: {  	_ =	shalt  }
0x5f: {  	_ =	shalt  }
0x60: {  	_ =	shalt  }
0x61: {  	_ =	shalt  }
0x62: {  	_ =	shalt  }
0x63: {  	_ =	shalt  }
0x64: {  	_ =	shalt  }
0x65: {  	_ =	shalt  }
0x66: {  	_ =	shalt  }
0x67: {  	_ =	shalt  }
0x68: {  	_ =	shalt  }
0x69: {  	_ =	shalt  }
0x6a: {  	_ =	shalt  }
0x6b: {  	_ =	shalt  }
0x6c: {  	_ =	shalt  }
0x6d: {  	_ =	shalt  }
0x6e: {  	_ =	shalt  }
0x6f: {  	_ =	shalt  }
0x70: {  	_ =	shalt  }
0x71: {  	_ =	shalt  }
0x72: {  	_ =	shalt  }
0x73: {  	_ =	shalt  }
0x74: {  	_ =	shalt  }
0x75: {  	_ =	shalt  }
0x76: {  	_ =	shalt  }
0x77: {  	_ =	shalt  }
0x78: {  	_ =	shalt  }
0x79: {  	_ =	shalt  }
0x7a: {  	_ =	shalt  }
0x7b: {  	_ =	shalt  }
0x7c: {  	_ =	shalt  }
0x7d: {  	_ =	shalt  }
0x7e: {  	_ =	shalt  }
0x7f: {  	_ =	shalt  }
0x80: {  	_ =	shalt  }
0x81: {  	_ =	shalt  }
0x82: {  	_ =	shalt  }
0x83: {  	_ =	shalt  }
0x84: {  	_ =	shalt  }
0x85: {  	_ =	shalt  }
0x86: {  	_ =	shalt  }
0x87: {  	_ =	shalt  }
.Lfunc_end0:
.L_simem_size_0:
called_computation.3_lowered:
.L_overlay_start_0:
0x88: {  	s2 =	sld [smem:$0x3FD9]  }
0x89: {  	s3 =	sld [smem:$0x3FFE];
	_ =	sdelay $0x1  }
0x8a: {  	s1 =	srdreg.scid  }
0x8b: {  	s0 =	sand.u32 $0x1, s1  }
0x8c: {  	s17 =	sshll.u32 s0, $0xA;
	s2 =	sadd.s32 s3, s2  }
0x8d: {  	s2 =	sadd.s32 s2, s17  }
0x8e: {  	[smem:$0x3FC3] =	sst s2  }
0x8f: {  	_ = 	snop  }
0x90: {  	s2 =	sld [smem:$0x3FD0];
	(tm) =	ssettm $0x1  }
0x91: {  	s18 =	sld [smem:$0x3FFB];
	_ =	sdelay $0x3  }
0x92: {  	_ =	strace s18  }
0x93: {  	s3 =	sld [smem:$0x3FFC];
	_ =	sdelay $0x3  }
0x94: {  	_ =	strace s3  }
0x95: {  	s3 =	sld [smem:$0x3FFD];
	_ =	sdelay $0x3  }
0x96: {  	_ =	strace s3  }
0x97: {  	_ =	strace $0x8FFFFFFF  }
0x98: {  	s19 =	sld [smem:$0x3FDB];
	_ =	sdelay $0x1  }
0x99: {  	s4 =	simm.s32 $_scs_section_size  }
0x9a: {  	s5 =	simm.s32 $_size__tile_overlayer_lowered;
	s6 =	simm.s32 $_tile_overlayer_lowered  }
0x9b: {  	s22 =	simm.s32 $0x1BFF;
	s21 =	sshll.u32 s6, $0x1;
	s3 =	sadd.s32 s4, s19  }
0x9c: {  	s7 =	simm.s32 $0x0;
	s20 =	sshll.u32 s5, $0x1;
	s5 =	sadd.s32 s21, s3  }
0x9d: {  	[timem:s7], [sflag:s22] =	dma.local [hbm:s5], s20  }
0x9e: {  	_ =	swait.ge [sflag:s22], s20  }
0x9f: {  	s4 =	ssub.s32 $0x0, s20;
	[sflag:s22] =	ssyncset.done $0x0  }
0xa0: {  	[sflag:s22] =	ssyncadd.s32 s4;
	_ =	sdelay $0x1  }
0xa1: {  	s23 =	simm.s32 $0x1B8B  }
0xa2: {  	_ =	swait.ge [sflag:s23], $0x1  }
0xa3: {  	[sflag:s23] =	ssyncset.done $0x0  }
0xa4: {  	s25 =	simm.s32 $0x1B8E;
	s24 =	sld [smem:$0x3FFE];
	[sflag:s23] =	ssyncadd.s32 $0xFFFFFFFF  }
0xa5: {  	s26 =	simm.s32 $execute0_lowered;
	[smem:$0x3FD2] =	sst s25  }
0xa6: {  	s5 =	sshll.u32 s26, $0x1;
	_ =	strace $0x80000049;
	[dreg:$0x1] =	wrdreg $0xFFFFFFFF  }
0xa7: {  	s28 =	simm.s32 $_size_execute0_lowered;
	s3 =	sadd.s32 s3, s5;
	[dreg:$0x0] =	wrdreg $0x0  }
0xa8: {  	s5 =	sshll.u32 s28, $0x1;
	[dreg:$0x2] =	wrdreg s3  }
0xa9: {  	[dreg:$0x3] =	wrdreg s5  }
0xaa: {  	[dreg:$0x4] =	wrdreg $0xC0  }
0xab: {  	_ =	task [dreg:s7], $0x5FFFF  }
0xac: {  	[dreg:$0x1] =	wrdreg $0xFFFFFFFF  }
0xad: {  	[dreg:$0x0] =	wrdreg $0x60  }
0xae: {  	[dreg:$0x2] =	wrdreg s2  }
0xaf: {  	[dreg:$0x3] =	wrdreg s24  }
0xb0: {  	[dreg:$0x4] =	wrdreg $0xA  }
0xb1: {  	_ =	task.clear_ibuf [dreg:s7], $0x5FFFF;
	_ =	strace $0x90000049  }
0xb2: {  	s29 =	simm.s32 $0xA;
	_ =	strace $0x8000004B  }
0xb3: {  	_ =	swait.ge [sflag:s29], $0x1  }
0xb4: {  	[sflag:s29] =	ssyncadd.s32 $0xFFFFFFFF  }
0xb5: {  	_ =	strace $0x9000004B  }
0xb6: {  	_ =	sfence  }
0xb7: {  	s30 =	sld [smem:$0x0];
	_ =	sdelay $0x2  }
0xb8: {  	s31 =	sshll.u32 s1, $0xD;
	s1 =	sshrl.u32 s1, $0x2  }
0xb9: {  	s3 =	sand.u32 $0x4000, s31;
	s1 =	sadd.s32 s1, s30  }
0xba: {  	s0 =	sor.u32 s3, s0;
	s1 =	sshll.u32 s1, $0x11  }
0xbb: {  	s0 =	sor.u32 s1, s0  }
0xbc: {  	s0 =	sadd.s32 $0x8F2B, s0  }
0xbd: {  	[sflag:s0] =	ssyncadd.remote.s32 $0x1  }
0xbe: {  	_ =	sfence.sel $0xFFFF  }
0xbf: {  	[dreg:$0x0] =	wrdreg $0xFFFFFFFF;
	(pc) =	sbr.abs _section_cstart, $3  }
0xc0: {  	[dreg:$0x1] =	wrdreg $0xFFFFFFFF  }
0xc1: {  	_ =	task.clear_ibuf [dreg:s7], $0x2FFFF;
	_ =	strace $0x9FFFFFFF  }
0xc2: {  	(tm) =	ssettm $0x7FFFFFFF  }
0xc3: {  	_ =	shalt  }
tec
execute0_lowered:
.L_overlay_start_1:
0x0: {  	(tag) =	ssettag $0x1  }
0x1: {  	s1 =	srdreg.scid;
	s2 =	rddreg [dreg:$0x0]  }
0x2: {  	s0 =	stileid.u32;
	s5 =	rddreg [dreg:$0x1];
	s6 =	simm.s32 $0x1  }
0x3: {  	s9 =	simm.s32 $0x1;
	s10 =	simm.s32 $0x3;
	s1 =	sshll.u32 s1, $0x7  }
0x4: {  	s13 =	simm.s32 $0x0;
	s3 =	sshll.u32 s0, $0x8;
	s4 =	sand.u32 $0x80, s1  }
0x5: {  	s12 =	simm.s32 $0x0;
	s1 =	rddreg [dreg:$0x2];
	s3 =	sor.u32 s3, s4  }
0x6: {  	_ =	strace $0x8000004A;
	s4 =	sadd.s32 $0x1E00, s5;
	s8 =	ssub.s32 $0x2000, s3  }
.Ltmp0:
0x7: {  	s5 =	sadd.s32 $0x2600, s5;
	s7 =	sand.u32 $0xF80, s8;
	(pc) =	sbr.rel .LBB2_1-.Ltmp0, $4  }
0x8: {  	[sflag:s6] =	ssyncpa.u1 $0x0;
	s11 =	smov.u32 s3;
	p0 =	sne.s32 s7, $0x0  }
0x9: {  	s8 =	sshrl.u32 s8, $0xC;
	s7 =	simm.s32 $0x2;
	s9 =	simm.s32 @!p0 $0x0  }
0xa: {  	[sflag:s7] =	ssyncpa.u1 $0x0;
	p0 =	por $0x0, $0x0;
	s8 =	sadd.s32 s9, s8  }
0xb: {  	vm0 =	vmmov $0xffff;
	[sflag:s10] =	ssyncpa.u1 $0x0;
	s10 =	simm.s32 $0x0;
	s9 =	sadd.s32 $0x1, s8  }
.LBB2_4:
0xc: {  	v5 =	vld.msk [tilespmem:s18+$0x0 ss:$0x1], $0xffff  }
0xd: {  	v6 =	vand.u32 $0x3, v1;
	v7 =	vshrl.u32 v1, $0x2  }
0xe: {  	v3 =	vor.u32 v4, v3;
	vm1 =	veq.s32 v1, $0x80000000;
	v53 =	vand.u32 $0x7FF, v7  }
0xf: {  	v2 =	vor.u32 v2, v3;
	v54 =	vsel vm1, $0xFFFFFFFF, v6;
	v1 =	vsel vm1, $0xFFFFFFFF, v53  }
0x10: {  	v6 =	vshll.u32 v54, $0x7;
	v3 =	vand.u32 $0xFFFFE000, v54;
	v55 =	vand.u32 $0x7F, v1  }
0x11: {  	v1 =	vshll.u32 v1, $0x2;
	v6 =	vand.u32 $0x180, v6;
	v56 =	vshrl.u32 v5, $0x2  }
0x12: {  	v1 =	vand.u32 $0xFFFFFE00, v1;
	vm1 =	veq.s32 v5, $0x80000000;
	v57 =	vand.u32 $0x7FF, v56  }
0x13: {  	v1 =	vadd.s32 v3, v1;
	v5 =	vand.u32 $0x3, v5;
	v3 =	vsel vm1, $0xFFFFFFFF, v57  }
0x14: {  	v1 =	vor.u32 v6, v1;
	v5 =	vsel vm1, $0xFFFFFFFF, v5;
	v58 =	vshll.u32 v3, $0x2  }
0x15: {  	v59 =	vshll.u32 v5, $0x7;
	v5 =	vand.u32 $0xFFFFE000, v5;
	v6 =	vand.u32 $0xFFFFFE00, v58  }
0x16: {  	v1 =	vor.u32 v55, v1;
	v61 =	vand.u32 $0x180, v59;
	v60 =	vadd.s32 v5, v6  }
0x17: {  	[tilespmem:s16], [sflag:$0x1] =	stream.indirect_vreg.gather [hbm4b:s2+s10], $0x1, v0, vm0, $0x4038;
	v62 =	vand.u32 $0x7F, v3;
	v63 =	vor.u32 v61, v60;
	[tilespmem:$0x200] =	vst v63  }
0x18: {  	(ifvalue) =	ssetifvalue $0x7FFFFFFF;
	v0 =	vor.u32 v62, v63  }
0x19: {  	[tilespmem:s15], [sflag:$0x1] =	stream.indirect_vreg.gather [hbm4b:s2+s10], $0x1, v2, vm0, $0x4038;
	[tilespmem:$0x200] =	vst v63  }
0x1a: {  	s29 =	sadd.s32 $0x10, s15;
	(ifvalue) =	ssetifvalue $0x7FFFFFFF  }
0x1b: {  	[tilespmem:s29], [sflag:$0x1] =	stream.indirect_vreg.gather [hbm4b:s2+s10], $0x1, v1, vm0, $0x4038;
	[tilespmem:$0x200] =	vst v63  }
0x1c: {  	s15 =	sadd.s32 $0x10, s29;
	(ifvalue) =	ssetifvalue $0x7FFFFFFF  }
0x1d: {  	[tilespmem:s15], [sflag:$0x1] =	stream.indirect_vreg.gather [hbm4b:s2+s10], $0x1, v0, vm0, $0x4038;
	[tilespmem:$0x200] =	vst v63  }
0x1e: {  	_ =	swait.ge [sflag:s6], $0x80  }
0x1f: {  	s30 =	sshrl.u32 s13, $0x3;
	[sflag:s6] =	ssyncset.done $0x0  }
0x20: {  	s31 =	sand.u32 $0x7, s13;
	s15 =	sadd.s32 s5, s30;
	[sflag:s6] =	ssyncadd.s32 $0xFFFFFF80  }
0x21: {  	[hbm4b:s15+s31] =	stream.linear.scatter [tilespmem:s14], [sflag:$0x3], $0x80, $0x38;
	[tilespmem:$0x200] =	vst v63  }
.LBB2_5:
0x22: {  	s15 =	sadd.s32 $0x1000, s11  }
0x23: {  	p2 =	sgt.s32 s15, $0x1FFF  }
0x24: {  	s15 =	smov.u32 @p2 s3;
	p2 =	sne.s32 s12, s9  }
.Ltmp1:
0x25: {  	p1 =	slt.u32 s12, $0x2;
	(pc) =	sbr.rel @!p2 .LBB2_6-.Ltmp1, $4  }
0x26: {  	s14 =	simm.s32 @!p1 $0x3  }
0x27: {  	s16 =	sadd.s32 $0x1, s12;
	_ =	swait.ge @!p1 [sflag:s14], $0x80  }
0x28: {  	s13 =	smov.u32 s11;
	p0 =	por !p0, !p0;
	[sflag:s14] =	ssyncset.done @!p1 $0x0  }
0x29: {  	s12 =	smov.u32 s16;
	s11 =	smov.u32 s15;
	[sflag:s14] =	ssyncadd.s32 @!p1 $0xFFFFFF80  }
.LBB2_1:
0x2a: {  	p1 =	sge.u32 s12, s8  }
0x2b: {  	s14 =	sxor.u32 @!p1 $0xFFFFFFFF, s12  }
0x2c: {  	s31 =	sadd.s32 $0xFFFFFFFF, s12;
	s15 =	sshrl.u32 @!p1 s11, $0x3;
	s14 =	sshll.u32 @!p1 s14, $0x7  }
0x2d: {  	s16 =	sand.u32 @!p1 $0x7, s11;
	s15 =	sadd.s32 @!p1 s4, s15;
	s14 =	sand.u32 @!p1 $0x80, s14  }
0x2e: {  	[tilespmem:s14], [sflag:$0x2] =	stream.linear.gather @!p1 [hbm4b:s15+s16], $0x80, $0x38;
	[tilespmem:$0x200] =	vst v63  }
0x2f: {  	p1 =	sge.u32 s31, s8  }
.Ltmp2:
0x30: {  	_ = 	snop;
	(pc) =	sbr.rel @p1 .LBB2_5-.Ltmp2, $1  }
0x31: {  	_ =	sdelay $0x3  }
0x32: {  	s14 =	simm.s32 $0x1  }
0x33: {  	_ =	swait.ge [sflag:s7], $0x80;
	s14 =	simm.s32 @!p0 $0x0  }
0x34: {  	[sflag:s7] =	ssyncset.done $0x0;
	s14 =	sshll.u32 s14, $0x7  }
0x35: {  	[sflag:s7] =	ssyncadd.s32 $0xFFFFFF80;
	(ifvalue) =	ssetifvalue $0x7FFFFFFF;
	v0 =	vld.msk [tilespmem:s14+$0x0 ss:$0x1], $0xffff;
	_ =	sdelay $0x4  }
0x36: {  	s15 =	sadd.s32 $0x10, s14;
	v2 =	vshrl.u32 v0, $0x2  }
0x37: {  	v1 =	vld.msk [tilespmem:s15+$0x0 ss:$0x1], $0xffff;
	vm1 =	veq.s32 v0, $0x80000000;
	v2 =	vand.u32 $0x7FF, v2  }
0x38: {  	v0 =	vand.u32 $0x3, v0;
	v2 =	vsel vm1, $0xFFFFFFFF, v2  }
0x39: {  	v0 =	vsel vm1, $0xFFFFFFFF, v0;
	v3 =	vshll.u32 v2, $0x2  }
0x3a: {  	v4 =	vand.u32 $0xFFFFE000, v0;
	v0 =	vshll.u32 v0, $0x7;
	v3 =	vand.u32 $0xFFFFFE00, v3  }
0x3b: {  	v0 =	vand.u32 $0x180, v0;
	v3 =	vadd.s32 v4, v3  }
0x3c: {  	v2 =	vand.u32 $0x7F, v2;
	v4 =	vshrl.u32 v1, $0x2;
	v0 =	vor.u32 v0, v3  }
0x3d: {  	vm1 =	veq.s32 v1, $0x80000000;
	v4 =	vand.u32 $0x7FF, v4;
	v0 =	vor.u32 v2, v0  }
0x3e: {  	s16 =	sshll.u32 s12, $0x7;
	s15 =	sadd.s32 $0x10, s15;
	v1 =	vand.u32 $0x3, v1;
	v3 =	vsel vm1, $0xFFFFFFFF, v4  }
0x3f: {  	s17 =	sand.u32 $0x80, s16;
	v2 =	vsel vm1, $0xFFFFFFFF, v1;
	v1 =	vld.msk [tilespmem:s15+$0x0 ss:$0x1], $0xffff;
	v4 =	vshll.u32 v3, $0x2  }
0x40: {  	s16 =	sor.u32 $0x100, s14;
	s14 =	sor.u32 $0x100, s17;
	s17 =	simm.s32 $0x30;
	v5 =	vshll.u32 v2, $0x7;
	v6 =	vand.u32 $0xFFFFE000, v2;
	v4 =	vand.u32 $0xFFFFFE00, v4  }
0x41: {  	s18 =	sadd.s32 $0x10, s15;
	(ifvalue) =	ssetifvalue $0x7FFFFFFF;
	s15 =	sadd.s32 $0x10, s16;
	v2 =	vand.u32 $0x7F, v3;
	v3 =	vadd.s32 v6, v4;
	v4 =	vand.u32 $0x180, v5  }
.LBB2_3:
0x42: {  	[tilespmem:s16], [sflag:$0x1] =	stream.indirect_vreg.gather [hbm4b:s2+s10], $0x1, v0, vm0, $0x4038;
	[tilespmem:$0x200] =	vst v63  }
0x43: {  	s17 =	sadd.s32 $0x10, s17  }
0x44: {  	v5 =	vand.u32 $0x3, v1;
	v6 =	vshrl.u32 v1, $0x2;
	v3 =	vor.u32 v4, v3;
	v0 =	vmovc v1;
	v1 =	vld.msk [tilespmem:s18+$0x0 ss:$0x1], $0xffff;
	p1 =	slt.u32 s17, $0x70  }
.Ltmp3:
0x45: {  	s16 =	smov.u32 s15;
	vm1 =	veq.s32 v0, $0x80000000;
	v4 =	vand.u32 $0x7FF, v6;
	v0 =	vor.u32 v2, v3;
	(pc) =	sbr.rel @p1 .LBB2_3-.Ltmp3, $4  }
0x46: {  	v3 =	vsel vm1, $0xFFFFFFFF, v5;
	v4 =	vsel vm1, $0xFFFFFFFF, v4  }
0x47: {  	v2 =	vand.u32 $0x7F, v4;
	v4 =	vshll.u32 v4, $0x2;
	v5 =	vshll.u32 v3, $0x7  }
0x48: {  	v3 =	vand.u32 $0xFFFFE000, v3;
	v4 =	vand.u32 $0xFFFFFE00, v4  }
0x49: {  	s18 =	sadd.s32 $0x10, s18;
	s15 =	sadd.s32 $0x10, s15;
	v3 =	vadd.s32 v3, v4;
	v4 =	vand.u32 $0x180, v5;
	(ifvalue) =	ssetifvalue $0x7FFFFFFF  }
.Ltmp4:
0x4a: {  	_ = 	snop;
	(pc) =	sbr.rel .LBB2_4-.Ltmp4, $1  }
0x4b: {  	_ =	sdelay $0x3  }
.LBB2_6:
0x4c: {  	_ =	sfence.sel $0x180000  }
0x4d: {  	s2 =	simm.s32 $0x2;
	[bflag:$0x0] =	sbarrier.arrive $0xFFFF  }
0x4e: {  	s30 =	simm.s32 $0x3;
	[sflag:s2] =	ssyncpa.u1 $0x1  }
0x4f: {  	s31 =	simm.s32 $0x1;
	[sflag:s30] =	ssyncpa.u1 $0x1  }
0x50: {  	[sflag:s31] =	ssyncpa.u1 $0x1  }
0x51: {  	p0 =	sne.s32 s0, $0x0;
	_ =	strace $0x9000004A  }
0x52: {  	s0 =	sadd.s32 @!p0 $0x100000, s1;
	[bflag:$0x2] =	sbarrier.arrive $0xFFFF  }
0x53: {  	[sflag:s0] =	ssyncadd.tile.s32 @!p0 $0x1;
	_ =	shalt  }
.Lfunc_end2:
_tile_overlayer_lowered:
.L_overlay_start_2:
0x54: {  	(tag) =	ssettag $0x2  }
0x55: {  	s0 =	rddreg [dreg:$0x0];
	s2 =	stileid.u32  }
0x56: {  	s1 =	rddreg [dreg:$0x1];
	p0 =	sne.s32 s2, $0x0  }
0x57: {  	s3 =	rddreg [dreg:$0x2];
	[bflag:$0x3] =	sbarrier.arrive $0xFFFF;
	s2 =	simm.s32 @!p0 $0x1C01  }
0x58: {  	[timem:s3], [sflag:s2] =	dma.local @!p0 [hbm:s0], s1  }
0x59: {  	s0 =	simm.s32 @!p0 $0x1  }
0x5a: {  	_ =	swait.ge @!p0 [sflag:s0], s1  }
0x5b: {  	s1 =	ssub.s32 @!p0 $0x0, s1;
	[sflag:s0] =	ssyncset.done @!p0 $0x0  }
0x5c: {  	[sflag:s0] =	ssyncadd.s32 @!p0 s1  }
0x5d: {  	[bflag:$0x3] =	sbarrier.arrive $0xFFFF  }
0x5e: {  	_ =	shalt  }

// kernel: gather_offload_async_start.4
scs
__scs_entry_jumppad:
0x0: {  	(pc) =	sbr.rel $0x88, $3  }
0x1: {  	(tag) =	ssettag $0x0;
	lr =	simm.s32 $0x1  }
0x2: {  	[smem:$0x3F9C] =	sst lr;
	_ =	strace $0xD0000000  }
0x3: {  	_ = 	snop  }
0x4: {  	_ = 	snop  }
0x5: {  	_ = 	snop  }
0x6: {  	_ = 	snop  }
0x7: {  	_ = 	snop  }
__scs_overlays_trampoline_lowered:
0x8: {  	[smem:$0x3FAB] =	sst s0  }
0x9: {  	[smem:$0x3FAC] =	sst s1  }
0xa: {  	[smem:$0x3FAD] =	sst s2  }
0xb: {  	[smem:$0x3FAE] =	sst s3  }
0xc: {  	[smem:$0x3FAF] =	sst s4  }
0xd: {  	[smem:$0x3FB0] =	sst s5  }
0xe: {  	[smem:$0x3FB1] =	sst s6  }
0xf: {  	[smem:$0x3FB2] =	sst s7  }
0x10: {  	[smem:$0x3FB3] =	sst s8  }
0x11: {  	[smem:$0x3FB4] =	sst s9;
	s0 =	simm.s32 @!p0 $0x0  }
0x12: {  	s1 =	sld [smem:$0x3F9A];
	s0 =	simm.s32 @p0 $0x1  }
0x13: {  	[smem:$0x3FB5] =	sst s0;
	s0 =	simm.s32 @!p1 $0x0  }
0x14: {  	s2 =	sld [smem:$0x3F99];
	s0 =	simm.s32 @p1 $0x1  }
0x15: {  	[smem:$0x3FB6] =	sst s0;
	s0 =	simm.s32 @!p2 $0x0  }
0x16: {  	s3 =	sld [smem:$0x3FDB];
	s0 =	simm.s32 @p2 $0x1  }
0x17: {  	s4 =	simm.s32 $0x1BF5;
	[smem:$0x3FB8] =	sst s0  }
0x18: {  	s0 =	sld [smem:$0x3F9B];
	_ =	swait.ge [sflag:s4], $0x0  }
0x19: {  	s7 =	sld [smem:$0x3F9C]  }
0x1a: {  	s8 =	sadd.s32 $0xFFFFE003, lr  }
0x1b: {  	s9 =	sadd.s32 $0xFFFFFEF7, lr;
	s5 =	simm.s32 $0xFFFFFFFF;
	p2 =	slt.u32 s8, $0xFFFFF086  }
0x1c: {  	p1 =	slt.u32 s9, $0xF7A;
	s5 =	simm.s32 @!p2 $0x0  }
0x1d: {  	s5 =	simm.s32 @p1 $0x1;
	p0 =	seq.s32 s7, s2  }
0x1e: {  	s7 =	smul.u32 @!p0 $0xF7A, s2;
	p2 =	seq.s32 @!p0 s5, $0x0  }
0x1f: {  	s9 =	smul.u32 $0xF7A, s1;
	s8 =	simm.s32 @!p0 $0x1BF5;
	p2 =	por !p2, p0  }
0x20: {  	[sflag:s8] =	ssyncset.s32 @!p0 $0xFFFFF086;
	s6 =	sadd.s32 @!p0 s3, s7;
	s7 =	simm.s32 @!p0 $0x108  }
0x21: {  	s3 =	sadd.s32 s3, s9;
	s6 =	sadd.s32 @!p0 $0x88, s6;
	s7 =	simm.s32 @p2 $0x1082  }
0x22: {  	[simem:s7], [sflag:s8] =	dma.local @!p0 [hbm:s6], $0xF7A  }
0x23: {  	s9 =	sor.u32 $0xD0000000, s2;
	s6 =	simm.s32 $0x108;
	_ =	swait.ge @!p0 [sflag:s8], $0x0  }
0x24: {  	s3 =	sadd.s32 $0x88, s3;
	s6 =	simm.s32 @!p1 $0x1082;
	[sflag:s4] =	ssyncset.s32 $0xFFFFF086  }
0x25: {  	[simem:s6], [sflag:s4] =	dma.local [hbm:s3], $0xF7A  }
0x26: {  	[smem:$0x3F9C] =	sst s1;
	(tag) =	ssettag s2;
	_ =	strace s9  }
0x27: {  	s1 =	sld [smem:$0x3FAC]  }
0x28: {  	s2 =	sld [smem:$0x3FAD]  }
0x29: {  	s4 =	sld [smem:$0x3FAF]  }
0x2a: {  	p0 =	seq.s32 s5, $0x0;
	s5 =	sld [smem:$0x3FB0]  }
0x2b: {  	s6 =	sld [smem:$0x3FB1]  }
0x2c: {  	s7 =	sld [smem:$0x3FB2]  }
0x2d: {  	s3 =	simm.s32 $0x108;
	s8 =	sld [smem:$0x3FB3]  }
0x2e: {  	s3 =	simm.s32 @!p0 $0x1082;
	s9 =	sld [smem:$0x3FB4]  }
0x2f: {  	lr =	sadd.s32 s0, s3;
	s0 =	sld [smem:$0x3FAB]  }
0x30: {  	s3 =	sld [smem:$0x3FAE]  }
0x31: {  	[smem:$0x3FB7] =	sst s10  }
0x32: {  	s10 =	sld [smem:$0x3FB5];
	_ =	sdelay $0x3  }
0x33: {  	p0 =	seq.s32 s10, $0x1;
	s10 =	sld [smem:$0x3FB7];
	_ =	sdelay $0x3  }
0x34: {  	[smem:$0x3FB7] =	sst s10  }
0x35: {  	s10 =	sld [smem:$0x3FB6];
	_ =	sdelay $0x3  }
0x36: {  	p1 =	seq.s32 s10, $0x1;
	s10 =	sld [smem:$0x3FB7];
	_ =	sdelay $0x3  }
0x37: {  	[smem:$0x3FB7] =	sst s10  }
0x38: {  	s10 =	sld [smem:$0x3FB8]  }
0x39: {  	_ = 	snop;
	(pc) =	sbr.ind lr, $3  }
0x3a: {  	_ = 	snop  }
0x3b: {  	_ = 	snop  }
0x3c: {  	p2 =	seq.s32 s10, $0x1;
	s10 =	sld [smem:$0x3FB7]  }
0x3d: {  	_ =	shalt  }
0x3e: {  	_ =	shalt  }
0x3f: {  	_ =	shalt  }
0x40: {  	_ =	shalt  }
0x41: {  	_ =	shalt  }
0x42: {  	_ =	shalt  }
0x43: {  	_ =	shalt  }
0x44: {  	_ =	shalt  }
0x45: {  	_ =	shalt  }
0x46: {  	_ =	shalt  }
0x47: {  	_ =	shalt  }
0x48: {  	_ =	shalt  }
0x49: {  	_ =	shalt  }
0x4a: {  	_ =	shalt  }
0x4b: {  	_ =	shalt  }
0x4c: {  	_ =	shalt  }
0x4d: {  	_ =	shalt  }
0x4e: {  	_ =	shalt  }
0x4f: {  	_ =	shalt  }
0x50: {  	_ =	shalt  }
0x51: {  	_ =	shalt  }
0x52: {  	_ =	shalt  }
0x53: {  	_ =	shalt  }
0x54: {  	_ =	shalt  }
0x55: {  	_ =	shalt  }
0x56: {  	_ =	shalt  }
0x57: {  	_ =	shalt  }
0x58: {  	_ =	shalt  }
0x59: {  	_ =	shalt  }
0x5a: {  	_ =	shalt  }
0x5b: {  	_ =	shalt  }
0x5c: {  	_ =	shalt  }
0x5d: {  	_ =	shalt  }
0x5e: {  	_ =	shalt  }
0x5f: {  	_ =	shalt  }
0x60: {  	_ =	shalt  }
0x61: {  	_ =	shalt  }
0x62: {  	_ =	shalt  }
0x63: {  	_ =	shalt  }
0x64: {  	_ =	shalt  }
0x65: {  	_ =	shalt  }
0x66: {  	_ =	shalt  }
0x67: {  	_ =	shalt  }
0x68: {  	_ =	shalt  }
0x69: {  	_ =	shalt  }
0x6a: {  	_ =	shalt  }
0x6b: {  	_ =	shalt  }
0x6c: {  	_ =	shalt  }
0x6d: {  	_ =	shalt  }
0x6e: {  	_ =	shalt  }
0x6f: {  	_ =	shalt  }
0x70: {  	_ =	shalt  }
0x71: {  	_ =	shalt  }
0x72: {  	_ =	shalt  }
0x73: {  	_ =	shalt  }
0x74: {  	_ =	shalt  }
0x75: {  	_ =	shalt  }
0x76: {  	_ =	shalt  }
0x77: {  	_ =	shalt  }
0x78: {  	_ =	shalt  }
0x79: {  	_ =	shalt  }
0x7a: {  	_ =	shalt  }
0x7b: {  	_ =	shalt  }
0x7c: {  	_ =	shalt  }
0x7d: {  	_ =	shalt  }
0x7e: {  	_ =	shalt  }
0x7f: {  	_ =	shalt  }
0x80: {  	_ =	shalt  }
0x81: {  	_ =	shalt  }
0x82: {  	_ =	shalt  }
0x83: {  	_ =	shalt  }
0x84: {  	_ =	shalt  }
0x85: {  	_ =	shalt  }
0x86: {  	_ =	shalt  }
0x87: {  	_ =	shalt  }
.Lfunc_end0:
.L_simem_size_0:
called_computation.4_lowered:
.L_overlay_start_0:
0x88: {  	s2 =	sld [smem:$0x3FD9]  }
0x89: {  	s3 =	sld [smem:$0x3FFE];
	_ =	sdelay $0x1  }
0x8a: {  	s1 =	srdreg.scid  }
0x8b: {  	s0 =	sand.u32 $0x1, s1  }
0x8c: {  	s17 =	sshll.u32 s0, $0xA;
	s2 =	sadd.s32 s3, s2  }
0x8d: {  	s2 =	sadd.s32 s2, s17  }
0x8e: {  	[smem:$0x3FC3] =	sst s2  }
0x8f: {  	_ = 	snop  }
0x90: {  	s2 =	sld [smem:$0x3FC9];
	(tm) =	ssettm $0x1  }
0x91: {  	s18 =	sld [smem:$0x3FFB];
	_ =	sdelay $0x3  }
0x92: {  	_ =	strace s18  }
0x93: {  	s3 =	sld [smem:$0x3FFC];
	_ =	sdelay $0x3  }
0x94: {  	_ =	strace s3  }
0x95: {  	s3 =	sld [smem:$0x3FFD];
	_ =	sdelay $0x3  }
0x96: {  	_ =	strace s3  }
0x97: {  	_ =	strace $0x8FFFFFFF  }
0x98: {  	s19 =	sld [smem:$0x3FDB];
	_ =	sdelay $0x1  }
0x99: {  	s4 =	simm.s32 $_scs_section_size  }
0x9a: {  	s5 =	simm.s32 $_size__tile_overlayer_lowered;
	s6 =	simm.s32 $_tile_overlayer_lowered  }
0x9b: {  	s22 =	simm.s32 $0x1BFF;
	s21 =	sshll.u32 s6, $0x1;
	s3 =	sadd.s32 s4, s19  }
0x9c: {  	s7 =	simm.s32 $0x0;
	s20 =	sshll.u32 s5, $0x1;
	s5 =	sadd.s32 s21, s3  }
0x9d: {  	[timem:s7], [sflag:s22] =	dma.local [hbm:s5], s20  }
0x9e: {  	_ =	swait.ge [sflag:s22], s20  }
0x9f: {  	s4 =	ssub.s32 $0x0, s20;
	[sflag:s22] =	ssyncset.done $0x0  }
0xa0: {  	[sflag:s22] =	ssyncadd.s32 s4;
	_ =	sdelay $0x1  }
0xa1: {  	s23 =	simm.s32 $0x1B8B  }
0xa2: {  	_ =	swait.ge [sflag:s23], $0x1  }
0xa3: {  	[sflag:s23] =	ssyncset.done $0x0  }
0xa4: {  	s25 =	simm.s32 $0x1B8E;
	s24 =	sld [smem:$0x3FFE];
	[sflag:s23] =	ssyncadd.s32 $0xFFFFFFFF  }
0xa5: {  	s26 =	simm.s32 $execute0_lowered;
	[smem:$0x3FD2] =	sst s25  }
0xa6: {  	s5 =	sshll.u32 s26, $0x1;
	_ =	strace $0x80000046;
	[dreg:$0x1] =	wrdreg $0xFFFFFFFF  }
0xa7: {  	s28 =	simm.s32 $_size_execute0_lowered;
	s3 =	sadd.s32 s3, s5;
	[dreg:$0x0] =	wrdreg $0x0  }
0xa8: {  	s5 =	sshll.u32 s28, $0x1;
	[dreg:$0x2] =	wrdreg s3  }
0xa9: {  	[dreg:$0x3] =	wrdreg s5  }
0xaa: {  	[dreg:$0x4] =	wrdreg $0xC0  }
0xab: {  	_ =	task [dreg:s7], $0x5FFFF  }
0xac: {  	[dreg:$0x1] =	wrdreg $0xFFFFFFFF  }
0xad: {  	[dreg:$0x0] =	wrdreg $0x60  }
0xae: {  	[dreg:$0x2] =	wrdreg s2  }
0xaf: {  	[dreg:$0x3] =	wrdreg s24  }
0xb0: {  	[dreg:$0x4] =	wrdreg $0x9  }
0xb1: {  	_ =	task.clear_ibuf [dreg:s7], $0x5FFFF;
	_ =	strace $0x90000046  }
0xb2: {  	s29 =	simm.s32 $0x9;
	_ =	strace $0x80000048  }
0xb3: {  	_ =	swait.ge [sflag:s29], $0x1  }
0xb4: {  	[sflag:s29] =	ssyncadd.s32 $0xFFFFFFFF  }
0xb5: {  	_ =	strace $0x90000048  }
0xb6: {  	_ =	sfence  }
0xb7: {  	s30 =	sld [smem:$0x0];
	_ =	sdelay $0x2  }
0xb8: {  	s31 =	sshll.u32 s1, $0xD;
	s1 =	sshrl.u32 s1, $0x2  }
0xb9: {  	s3 =	sand.u32 $0x4000, s31;
	s1 =	sadd.s32 s1, s30  }
0xba: {  	s0 =	sor.u32 s3, s0;
	s1 =	sshll.u32 s1, $0x11  }
0xbb: {  	s0 =	sor.u32 s1, s0  }
0xbc: {  	s0 =	sadd.s32 $0x8F2B, s0  }
0xbd: {  	[sflag:s0] =	ssyncadd.remote.s32 $0x1  }
0xbe: {  	_ =	sfence.sel $0xFFFF  }
0xbf: {  	[dreg:$0x0] =	wrdreg $0xFFFFFFFF;
	(pc) =	sbr.abs _section_cstart, $3  }
0xc0: {  	[dreg:$0x1] =	wrdreg $0xFFFFFFFF  }
0xc1: {  	_ =	task.clear_ibuf [dreg:s7], $0x2FFFF;
	_ =	strace $0x9FFFFFFF  }
0xc2: {  	(tm) =	ssettm $0x7FFFFFFF  }
0xc3: {  	_ =	shalt  }
tec
execute0_lowered:
.L_overlay_start_1:
0x0: {  	(tag) =	ssettag $0x1  }
0x1: {  	s1 =	srdreg.scid;
	s2 =	rddreg [dreg:$0x0]  }
0x2: {  	s0 =	stileid.u32;
	s5 =	rddreg [dreg:$0x1];
	s6 =	simm.s32 $0x1  }
0x3: {  	s9 =	simm.s32 $0x1;
	s10 =	simm.s32 $0x3;
	s1 =	sshll.u32 s1, $0x7  }
0x4: {  	s13 =	simm.s32 $0x0;
	s3 =	sshll.u32 s0, $0x8;
	s4 =	sand.u32 $0x80, s1  }
0x5: {  	s12 =	simm.s32 $0x0;
	s1 =	rddreg [dreg:$0x2];
	s3 =	sor.u32 s3, s4  }
0x6: {  	_ =	strace $0x80000047;
	s4 =	sadd.s32 $0x1E00, s5;
	s8 =	ssub.s32 $0x2000, s3  }
.Ltmp0:
0x7: {  	s5 =	sadd.s32 $0x2600, s5;
	s7 =	sand.u32 $0xF80, s8;
	(pc) =	sbr.rel .LBB2_1-.Ltmp0, $4  }
0x8: {  	[sflag:s6] =	ssyncpa.u1 $0x0;
	s11 =	smov.u32 s3;
	p0 =	sne.s32 s7, $0x0  }
0x9: {  	s8 =	sshrl.u32 s8, $0xC;
	s7 =	simm.s32 $0x2;
	s9 =	simm.s32 @!p0 $0x0  }
0xa: {  	[sflag:s7] =	ssyncpa.u1 $0x0;
	p0 =	por $0x0, $0x0;
	s8 =	sadd.s32 s9, s8  }
0xb: {  	vm0 =	vmmov $0xffff;
	[sflag:s10] =	ssyncpa.u1 $0x0;
	s10 =	simm.s32 $0x0;
	s9 =	sadd.s32 $0x1, s8  }
.LBB2_4:
0xc: {  	v5 =	vld.msk [tilespmem:s18+$0x0 ss:$0x1], $0xffff  }
0xd: {  	v6 =	vand.u32 $0x3, v1;
	v7 =	vshrl.u32 v1, $0x2  }
0xe: {  	v3 =	vor.u32 v4, v3;
	vm1 =	veq.s32 v1, $0x80000000;
	v53 =	vand.u32 $0x7FF, v7  }
0xf: {  	v2 =	vor.u32 v2, v3;
	v54 =	vsel vm1, $0xFFFFFFFF, v6;
	v1 =	vsel vm1, $0xFFFFFFFF, v53  }
0x10: {  	v6 =	vshll.u32 v54, $0x7;
	v3 =	vand.u32 $0xFFFFE000, v54;
	v55 =	vand.u32 $0x7F, v1  }
0x11: {  	v1 =	vshll.u32 v1, $0x2;
	v6 =	vand.u32 $0x180, v6;
	v56 =	vshrl.u32 v5, $0x2  }
0x12: {  	v1 =	vand.u32 $0xFFFFFE00, v1;
	vm1 =	veq.s32 v5, $0x80000000;
	v57 =	vand.u32 $0x7FF, v56  }
0x13: {  	v1 =	vadd.s32 v3, v1;
	v5 =	vand.u32 $0x3, v5;
	v3 =	vsel vm1, $0xFFFFFFFF, v57  }
0x14: {  	v1 =	vor.u32 v6, v1;
	v5 =	vsel vm1, $0xFFFFFFFF, v5;
	v58 =	vshll.u32 v3, $0x2  }
0x15: {  	v59 =	vshll.u32 v5, $0x7;
	v5 =	vand.u32 $0xFFFFE000, v5;
	v6 =	vand.u32 $0xFFFFFE00, v58  }
0x16: {  	v1 =	vor.u32 v55, v1;
	v61 =	vand.u32 $0x180, v59;
	v60 =	vadd.s32 v5, v6  }
0x17: {  	[tilespmem:s16], [sflag:$0x1] =	stream.indirect_vreg.gather [hbm4b:s2+s10], $0x1, v0, vm0, $0x4038;
	v62 =	vand.u32 $0x7F, v3;
	v63 =	vor.u32 v61, v60;
	[tilespmem:$0x200] =	vst v63  }
0x18: {  	(ifvalue) =	ssetifvalue $0x7FFFFFFF;
	v0 =	vor.u32 v62, v63  }
0x19: {  	[tilespmem:s15], [sflag:$0x1] =	stream.indirect_vreg.gather [hbm4b:s2+s10], $0x1, v2, vm0, $0x4038;
	[tilespmem:$0x200] =	vst v63  }
0x1a: {  	s29 =	sadd.s32 $0x10, s15;
	(ifvalue) =	ssetifvalue $0x7FFFFFFF  }
0x1b: {  	[tilespmem:s29], [sflag:$0x1] =	stream.indirect_vreg.gather [hbm4b:s2+s10], $0x1, v1, vm0, $0x4038;
	[tilespmem:$0x200] =	vst v63  }
0x1c: {  	s15 =	sadd.s32 $0x10, s29;
	(ifvalue) =	ssetifvalue $0x7FFFFFFF  }
0x1d: {  	[tilespmem:s15], [sflag:$0x1] =	stream.indirect_vreg.gather [hbm4b:s2+s10], $0x1, v0, vm0, $0x4038;
	[tilespmem:$0x200] =	vst v63  }
0x1e: {  	_ =	swait.ge [sflag:s6], $0x80  }
0x1f: {  	s30 =	sshrl.u32 s13, $0x3;
	[sflag:s6] =	ssyncset.done $0x0  }
0x20: {  	s31 =	sand.u32 $0x7, s13;
	s15 =	sadd.s32 s5, s30;
	[sflag:s6] =	ssyncadd.s32 $0xFFFFFF80  }
0x21: {  	[hbm4b:s15+s31] =	stream.linear.scatter [tilespmem:s14], [sflag:$0x3], $0x80, $0x38;
	[tilespmem:$0x200] =	vst v63  }
.LBB2_5:
0x22: {  	s15 =	sadd.s32 $0x1000, s11  }
0x23: {  	p2 =	sgt.s32 s15, $0x1FFF  }
0x24: {  	s15 =	smov.u32 @p2 s3;
	p2 =	sne.s32 s12, s9  }
.Ltmp1:
0x25: {  	p1 =	slt.u32 s12, $0x2;
	(pc) =	sbr.rel @!p2 .LBB2_6-.Ltmp1, $4  }
0x26: {  	s14 =	simm.s32 @!p1 $0x3  }
0x27: {  	s16 =	sadd.s32 $0x1, s12;
	_ =	swait.ge @!p1 [sflag:s14], $0x80  }
0x28: {  	s13 =	smov.u32 s11;
	p0 =	por !p0, !p0;
	[sflag:s14] =	ssyncset.done @!p1 $0x0  }
0x29: {  	s12 =	smov.u32 s16;
	s11 =	smov.u32 s15;
	[sflag:s14] =	ssyncadd.s32 @!p1 $0xFFFFFF80  }
.LBB2_1:
0x2a: {  	p1 =	sge.u32 s12, s8  }
0x2b: {  	s14 =	sxor.u32 @!p1 $0xFFFFFFFF, s12  }
0x2c: {  	s31 =	sadd.s32 $0xFFFFFFFF, s12;
	s15 =	sshrl.u32 @!p1 s11, $0x3;
	s14 =	sshll.u32 @!p1 s14, $0x7  }
0x2d: {  	s16 =	sand.u32 @!p1 $0x7, s11;
	s15 =	sadd.s32 @!p1 s4, s15;
	s14 =	sand.u32 @!p1 $0x80, s14  }
0x2e: {  	[tilespmem:s14], [sflag:$0x2] =	stream.linear.gather @!p1 [hbm4b:s15+s16], $0x80, $0x38;
	[tilespmem:$0x200] =	vst v63  }
0x2f: {  	p1 =	sge.u32 s31, s8  }
.Ltmp2:
0x30: {  	_ = 	snop;
	(pc) =	sbr.rel @p1 .LBB2_5-.Ltmp2, $1  }
0x31: {  	_ =	sdelay $0x3  }
0x32: {  	s14 =	simm.s32 $0x1  }
0x33: {  	_ =	swait.ge [sflag:s7], $0x80;
	s14 =	simm.s32 @!p0 $0x0  }
0x34: {  	[sflag:s7] =	ssyncset.done $0x0;
	s14 =	sshll.u32 s14, $0x7  }
0x35: {  	[sflag:s7] =	ssyncadd.s32 $0xFFFFFF80;
	(ifvalue) =	ssetifvalue $0x7FFFFFFF;
	v0 =	vld.msk [tilespmem:s14+$0x0 ss:$0x1], $0xffff;
	_ =	sdelay $0x4  }
0x36: {  	s15 =	sadd.s32 $0x10, s14;
	v2 =	vshrl.u32 v0, $0x2  }
0x37: {  	v1 =	vld.msk [tilespmem:s15+$0x0 ss:$0x1], $0xffff;
	vm1 =	veq.s32 v0, $0x80000000;
	v2 =	vand.u32 $0x7FF, v2  }
0x38: {  	v0 =	vand.u32 $0x3, v0;
	v2 =	vsel vm1, $0xFFFFFFFF, v2  }
0x39: {  	v0 =	vsel vm1, $0xFFFFFFFF, v0;
	v3 =	vshll.u32 v2, $0x2  }
0x3a: {  	v4 =	vand.u32 $0xFFFFE000, v0;
	v0 =	vshll.u32 v0, $0x7;
	v3 =	vand.u32 $0xFFFFFE00, v3  }
0x3b: {  	v0 =	vand.u32 $0x180, v0;
	v3 =	vadd.s32 v4, v3  }
0x3c: {  	v2 =	vand.u32 $0x7F, v2;
	v4 =	vshrl.u32 v1, $0x2;
	v0 =	vor.u32 v0, v3  }
0x3d: {  	vm1 =	veq.s32 v1, $0x80000000;
	v4 =	vand.u32 $0x7FF, v4;
	v0 =	vor.u32 v2, v0  }
0x3e: {  	s16 =	sshll.u32 s12, $0x7;
	s15 =	sadd.s32 $0x10, s15;
	v1 =	vand.u32 $0x3, v1;
	v3 =	vsel vm1, $0xFFFFFFFF, v4  }
0x3f: {  	s17 =	sand.u32 $0x80, s16;
	v2 =	vsel vm1, $0xFFFFFFFF, v1;
	v1 =	vld.msk [tilespmem:s15+$0x0 ss:$0x1], $0xffff;
	v4 =	vshll.u32 v3, $0x2  }
0x40: {  	s16 =	sor.u32 $0x100, s14;
	s14 =	sor.u32 $0x100, s17;
	s17 =	simm.s32 $0x30;
	v5 =	vshll.u32 v2, $0x7;
	v6 =	vand.u32 $0xFFFFE000, v2;
	v4 =	vand.u32 $0xFFFFFE00, v4  }
0x41: {  	s18 =	sadd.s32 $0x10, s15;
	(ifvalue) =	ssetifvalue $0x7FFFFFFF;
	s15 =	sadd.s32 $0x10, s16;
	v2 =	vand.u32 $0x7F, v3;
	v3 =	vadd.s32 v6, v4;
	v4 =	vand.u32 $0x180, v5  }
.LBB2_3:
0x42: {  	[tilespmem:s16], [sflag:$0x1] =	stream.indirect_vreg.gather [hbm4b:s2+s10], $0x1, v0, vm0, $0x4038;
	[tilespmem:$0x200] =	vst v63  }
0x43: {  	s17 =	sadd.s32 $0x10, s17  }
0x44: {  	v5 =	vand.u32 $0x3, v1;
	v6 =	vshrl.u32 v1, $0x2;
	v3 =	vor.u32 v4, v3;
	v0 =	vmovc v1;
	v1 =	vld.msk [tilespmem:s18+$0x0 ss:$0x1], $0xffff;
	p1 =	slt.u32 s17, $0x70  }
.Ltmp3:
0x45: {  	s16 =	smov.u32 s15;
	vm1 =	veq.s32 v0, $0x80000000;
	v4 =	vand.u32 $0x7FF, v6;
	v0 =	vor.u32 v2, v3;
	(pc) =	sbr.rel @p1 .LBB2_3-.Ltmp3, $4  }
0x46: {  	v3 =	vsel vm1, $0xFFFFFFFF, v5;
	v4 =	vsel vm1, $0xFFFFFFFF, v4  }
0x47: {  	v2 =	vand.u32 $0x7F, v4;
	v4 =	vshll.u32 v4, $0x2;
	v5 =	vshll.u32 v3, $0x7  }
0x48: {  	v3 =	vand.u32 $0xFFFFE000, v3;
	v4 =	vand.u32 $0xFFFFFE00, v4  }
0x49: {  	s18 =	sadd.s32 $0x10, s18;
	s15 =	sadd.s32 $0x10, s15;
	v3 =	vadd.s32 v3, v4;
	v4 =	vand.u32 $0x180, v5;
	(ifvalue) =	ssetifvalue $0x7FFFFFFF  }
.Ltmp4:
0x4a: {  	_ = 	snop;
	(pc) =	sbr.rel .LBB2_4-.Ltmp4, $1  }
0x4b: {  	_ =	sdelay $0x3  }
.LBB2_6:
0x4c: {  	_ =	sfence.sel $0x180000  }
0x4d: {  	s2 =	simm.s32 $0x2;
	[bflag:$0x0] =	sbarrier.arrive $0xFFFF  }
0x4e: {  	s30 =	simm.s32 $0x3;
	[sflag:s2] =	ssyncpa.u1 $0x1  }
0x4f: {  	s31 =	simm.s32 $0x1;
	[sflag:s30] =	ssyncpa.u1 $0x1  }
0x50: {  	[sflag:s31] =	ssyncpa.u1 $0x1  }
0x51: {  	p0 =	sne.s32 s0, $0x0;
	_ =	strace $0x90000047  }
0x52: {  	s0 =	sadd.s32 @!p0 $0x100000, s1;
	[bflag:$0x2] =	sbarrier.arrive $0xFFFF  }
0x53: {  	[sflag:s0] =	ssyncadd.tile.s32 @!p0 $0x1;
	_ =	shalt  }
.Lfunc_end2:
_tile_overlayer_lowered:
.L_overlay_start_2:
0x54: {  	(tag) =	ssettag $0x2  }
0x55: {  	s0 =	rddreg [dreg:$0x0];
	s2 =	stileid.u32  }
0x56: {  	s1 =	rddreg [dreg:$0x1];
	p0 =	sne.s32 s2, $0x0  }
0x57: {  	s3 =	rddreg [dreg:$0x2];
	[bflag:$0x3] =	sbarrier.arrive $0xFFFF;
	s2 =	simm.s32 @!p0 $0x1C01  }
0x58: {  	[timem:s3], [sflag:s2] =	dma.local @!p0 [hbm:s0], s1  }
0x59: {  	s0 =	simm.s32 @!p0 $0x1  }
0x5a: {  	_ =	swait.ge @!p0 [sflag:s0], s1  }
0x5b: {  	s1 =	ssub.s32 @!p0 $0x0, s1;
	[sflag:s0] =	ssyncset.done @!p0 $0x0  }
0x5c: {  	[sflag:s0] =	ssyncadd.s32 @!p0 s1  }
0x5d: {  	[bflag:$0x3] =	sbarrier.arrive $0xFFFF  }
0x5e: {  	_ =	shalt  }

// kernel: gather_offload_async_start.5
scs
__scs_entry_jumppad:
0x0: {  	(pc) =	sbr.rel $0x88, $3  }
0x1: {  	(tag) =	ssettag $0x0;
	lr =	simm.s32 $0x1  }
0x2: {  	[smem:$0x3F9C] =	sst lr;
	_ =	strace $0xD0000000  }
0x3: {  	_ = 	snop  }
0x4: {  	_ = 	snop  }
0x5: {  	_ = 	snop  }
0x6: {  	_ = 	snop  }
0x7: {  	_ = 	snop  }
__scs_overlays_trampoline_lowered:
0x8: {  	[smem:$0x3FAB] =	sst s0  }
0x9: {  	[smem:$0x3FAC] =	sst s1  }
0xa: {  	[smem:$0x3FAD] =	sst s2  }
0xb: {  	[smem:$0x3FAE] =	sst s3  }
0xc: {  	[smem:$0x3FAF] =	sst s4  }
0xd: {  	[smem:$0x3FB0] =	sst s5  }
0xe: {  	[smem:$0x3FB1] =	sst s6  }
0xf: {  	[smem:$0x3FB2] =	sst s7  }
0x10: {  	[smem:$0x3FB3] =	sst s8  }
0x11: {  	[smem:$0x3FB4] =	sst s9;
	s0 =	simm.s32 @!p0 $0x0  }
0x12: {  	s1 =	sld [smem:$0x3F9A];
	s0 =	simm.s32 @p0 $0x1  }
0x13: {  	[smem:$0x3FB5] =	sst s0;
	s0 =	simm.s32 @!p1 $0x0  }
0x14: {  	s2 =	sld [smem:$0x3F99];
	s0 =	simm.s32 @p1 $0x1  }
0x15: {  	[smem:$0x3FB6] =	sst s0;
	s0 =	simm.s32 @!p2 $0x0  }
0x16: {  	s3 =	sld [smem:$0x3FDB];
	s0 =	simm.s32 @p2 $0x1  }
0x17: {  	s4 =	simm.s32 $0x1BF5;
	[smem:$0x3FB8] =	sst s0  }
0x18: {  	s0 =	sld [smem:$0x3F9B];
	_ =	swait.ge [sflag:s4], $0x0  }
0x19: {  	s7 =	sld [smem:$0x3F9C]  }
0x1a: {  	s8 =	sadd.s32 $0xFFFFE003, lr  }
0x1b: {  	s9 =	sadd.s32 $0xFFFFFEF7, lr;
	s5 =	simm.s32 $0xFFFFFFFF;
	p2 =	slt.u32 s8, $0xFFFFF086  }
0x1c: {  	p1 =	slt.u32 s9, $0xF7A;
	s5 =	simm.s32 @!p2 $0x0  }
0x1d: {  	s5 =	simm.s32 @p1 $0x1;
	p0 =	seq.s32 s7, s2  }
0x1e: {  	s7 =	smul.u32 @!p0 $0xF7A, s2;
	p2 =	seq.s32 @!p0 s5, $0x0  }
0x1f: {  	s9 =	smul.u32 $0xF7A, s1;
	s8 =	simm.s32 @!p0 $0x1BF5;
	p2 =	por !p2, p0  }
0x20: {  	[sflag:s8] =	ssyncset.s32 @!p0 $0xFFFFF086;
	s6 =	sadd.s32 @!p0 s3, s7;
	s7 =	simm.s32 @!p0 $0x108  }
0x21: {  	s3 =	sadd.s32 s3, s9;
	s6 =	sadd.s32 @!p0 $0x88, s6;
	s7 =	simm.s32 @p2 $0x1082  }
0x22: {  	[simem:s7], [sflag:s8] =	dma.local @!p0 [hbm:s6], $0xF7A  }
0x23: {  	s9 =	sor.u32 $0xD0000000, s2;
	s6 =	simm.s32 $0x108;
	_ =	swait.ge @!p0 [sflag:s8], $0x0  }
0x24: {  	s3 =	sadd.s32 $0x88, s3;
	s6 =	simm.s32 @!p1 $0x1082;
	[sflag:s4] =	ssyncset.s32 $0xFFFFF086  }
0x25: {  	[simem:s6], [sflag:s4] =	dma.local [hbm:s3], $0xF7A  }
0x26: {  	[smem:$0x3F9C] =	sst s1;
	(tag) =	ssettag s2;
	_ =	strace s9  }
0x27: {  	s1 =	sld [smem:$0x3FAC]  }
0x28: {  	s2 =	sld [smem:$0x3FAD]  }
0x29: {  	s4 =	sld [smem:$0x3FAF]  }
0x2a: {  	p0 =	seq.s32 s5, $0x0;
	s5 =	sld [smem:$0x3FB0]  }
0x2b: {  	s6 =	sld [smem:$0x3FB1]  }
0x2c: {  	s7 =	sld [smem:$0x3FB2]  }
0x2d: {  	s3 =	simm.s32 $0x108;
	s8 =	sld [smem:$0x3FB3]  }
0x2e: {  	s3 =	simm.s32 @!p0 $0x1082;
	s9 =	sld [smem:$0x3FB4]  }
0x2f: {  	lr =	sadd.s32 s0, s3;
	s0 =	sld [smem:$0x3FAB]  }
0x30: {  	s3 =	sld [smem:$0x3FAE]  }
0x31: {  	[smem:$0x3FB7] =	sst s10  }
0x32: {  	s10 =	sld [smem:$0x3FB5];
	_ =	sdelay $0x3  }
0x33: {  	p0 =	seq.s32 s10, $0x1;
	s10 =	sld [smem:$0x3FB7];
	_ =	sdelay $0x3  }
0x34: {  	[smem:$0x3FB7] =	sst s10  }
0x35: {  	s10 =	sld [smem:$0x3FB6];
	_ =	sdelay $0x3  }
0x36: {  	p1 =	seq.s32 s10, $0x1;
	s10 =	sld [smem:$0x3FB7];
	_ =	sdelay $0x3  }
0x37: {  	[smem:$0x3FB7] =	sst s10  }
0x38: {  	s10 =	sld [smem:$0x3FB8]  }
0x39: {  	_ = 	snop;
	(pc) =	sbr.ind lr, $3  }
0x3a: {  	_ = 	snop  }
0x3b: {  	_ = 	snop  }
0x3c: {  	p2 =	seq.s32 s10, $0x1;
	s10 =	sld [smem:$0x3FB7]  }
0x3d: {  	_ =	shalt  }
0x3e: {  	_ =	shalt  }
0x3f: {  	_ =	shalt  }
0x40: {  	_ =	shalt  }
0x41: {  	_ =	shalt  }
0x42: {  	_ =	shalt  }
0x43: {  	_ =	shalt  }
0x44: {  	_ =	shalt  }
0x45: {  	_ =	shalt  }
0x46: {  	_ =	shalt  }
0x47: {  	_ =	shalt  }
0x48: {  	_ =	shalt  }
0x49: {  	_ =	shalt  }
0x4a: {  	_ =	shalt  }
0x4b: {  	_ =	shalt  }
0x4c: {  	_ =	shalt  }
0x4d: {  	_ =	shalt  }
0x4e: {  	_ =	shalt  }
0x4f: {  	_ =	shalt  }
0x50: {  	_ =	shalt  }
0x51: {  	_ =	shalt  }
0x52: {  	_ =	shalt  }
0x53: {  	_ =	shalt  }
0x54: {  	_ =	shalt  }
0x55: {  	_ =	shalt  }
0x56: {  	_ =	shalt  }
0x57: {  	_ =	shalt  }
0x58: {  	_ =	shalt  }
0x59: {  	_ =	shalt  }
0x5a: {  	_ =	shalt  }
0x5b: {  	_ =	shalt  }
0x5c: {  	_ =	shalt  }
0x5d: {  	_ =	shalt  }
0x5e: {  	_ =	shalt  }
0x5f: {  	_ =	shalt  }
0x60: {  	_ =	shalt  }
0x61: {  	_ =	shalt  }
0x62: {  	_ =	shalt  }
0x63: {  	_ =	shalt  }
0x64: {  	_ =	shalt  }
0x65: {  	_ =	shalt  }
0x66: {  	_ =	shalt  }
0x67: {  	_ =	shalt  }
0x68: {  	_ =	shalt  }
0x69: {  	_ =	shalt  }
0x6a: {  	_ =	shalt  }
0x6b: {  	_ =	shalt  }
0x6c: {  	_ =	shalt  }
0x6d: {  	_ =	shalt  }
0x6e: {  	_ =	shalt  }
0x6f: {  	_ =	shalt  }
0x70: {  	_ =	shalt  }
0x71: {  	_ =	shalt  }
0x72: {  	_ =	shalt  }
0x73: {  	_ =	shalt  }
0x74: {  	_ =	shalt  }
0x75: {  	_ =	shalt  }
0x76: {  	_ =	shalt  }
0x77: {  	_ =	shalt  }
0x78: {  	_ =	shalt  }
0x79: {  	_ =	shalt  }
0x7a: {  	_ =	shalt  }
0x7b: {  	_ =	shalt  }
0x7c: {  	_ =	shalt  }
0x7d: {  	_ =	shalt  }
0x7e: {  	_ =	shalt  }
0x7f: {  	_ =	shalt  }
0x80: {  	_ =	shalt  }
0x81: {  	_ =	shalt  }
0x82: {  	_ =	shalt  }
0x83: {  	_ =	shalt  }
0x84: {  	_ =	shalt  }
0x85: {  	_ =	shalt  }
0x86: {  	_ =	shalt  }
0x87: {  	_ =	shalt  }
.Lfunc_end0:
.L_simem_size_0:
called_computation.5_lowered:
.L_overlay_start_0:
0x88: {  	s2 =	sld [smem:$0x3FD9]  }
0x89: {  	s3 =	sld [smem:$0x3FFE];
	_ =	sdelay $0x1  }
0x8a: {  	s1 =	srdreg.scid  }
0x8b: {  	s0 =	sand.u32 $0x1, s1  }
0x8c: {  	s16 =	sshll.u32 s0, $0xA;
	s2 =	sadd.s32 s3, s2  }
0x8d: {  	s2 =	sadd.s32 s2, s16  }
0x8e: {  	[smem:$0x3FC3] =	sst s2  }
0x8f: {  	_ = 	snop  }
0x90: {  	(tm) =	ssettm $0x1  }
0x91: {  	s17 =	sld [smem:$0x3FFB];
	_ =	sdelay $0x3  }
0x92: {  	_ =	strace s17  }
0x93: {  	s2 =	sld [smem:$0x3FFC];
	_ =	sdelay $0x3  }
0x94: {  	_ =	strace s2  }
0x95: {  	s2 =	sld [smem:$0x3FFD];
	_ =	sdelay $0x3  }
0x96: {  	_ =	strace s2  }
0x97: {  	_ =	strace $0x8FFFFFFF  }
0x98: {  	s18 =	sld [smem:$0x3FDB];
	_ =	sdelay $0x1  }
0x99: {  	s19 =	simm.s32 $_scs_section_size  }
0x9a: {  	s4 =	simm.s32 $_size__tile_overlayer_lowered;
	s5 =	simm.s32 $_tile_overlayer_lowered  }
0x9b: {  	s22 =	simm.s32 $0x1BFF;
	s21 =	sshll.u32 s5, $0x1;
	s2 =	sadd.s32 s19, s18  }
0x9c: {  	s6 =	simm.s32 $0x0;
	s20 =	sshll.u32 s4, $0x1;
	s4 =	sadd.s32 s21, s2  }
0x9d: {  	[timem:s6], [sflag:s22] =	dma.local [hbm:s4], s20  }
0x9e: {  	_ =	swait.ge [sflag:s22], s20  }
0x9f: {  	s3 =	ssub.s32 $0x0, s20;
	[sflag:s22] =	ssyncset.done $0x0  }
0xa0: {  	[sflag:s22] =	ssyncadd.s32 s3;
	_ =	sdelay $0x1  }
0xa1: {  	s23 =	simm.s32 $0x1B8B  }
0xa2: {  	_ =	swait.ge [sflag:s23], $0x1  }
0xa3: {  	[sflag:s23] =	ssyncset.done $0x0  }
0xa4: {  	s25 =	simm.s32 $0x1B8E;
	s24 =	sld [smem:$0x3FFE];
	[sflag:s23] =	ssyncadd.s32 $0xFFFFFFFF  }
0xa5: {  	s26 =	simm.s32 $execute0_lowered;
	[smem:$0x3FD2] =	sst s25  }
0xa6: {  	s4 =	sshll.u32 s26, $0x1;
	_ =	strace $0x80000052;
	[dreg:$0x1] =	wrdreg $0xFFFFFFFF  }
0xa7: {  	s28 =	simm.s32 $_size_execute0_lowered;
	s2 =	sadd.s32 s2, s4;
	[dreg:$0x0] =	wrdreg $0x0  }
0xa8: {  	s4 =	sshll.u32 s28, $0x1;
	[dreg:$0x2] =	wrdreg s2  }
0xa9: {  	[dreg:$0x3] =	wrdreg s4  }
0xaa: {  	[dreg:$0x4] =	wrdreg $0xC0  }
0xab: {  	_ =	task [dreg:s6], $0x5FFFF  }
0xac: {  	[dreg:$0x1] =	wrdreg $0xFFFFFFFF  }
0xad: {  	[dreg:$0x0] =	wrdreg $0x60  }
0xae: {  	[dreg:$0x2] =	wrdreg s24  }
0xaf: {  	[dreg:$0x3] =	wrdreg $0x9  }
0xb0: {  	_ =	task.clear_ibuf [dreg:s6], $0x4FFFF;
	_ =	strace $0x90000052  }
0xb1: {  	s29 =	simm.s32 $0x9;
	_ =	strace $0x80000054  }
0xb2: {  	_ =	swait.ge [sflag:s29], $0x1  }
0xb3: {  	[sflag:s29] =	ssyncadd.s32 $0xFFFFFFFF  }
0xb4: {  	_ =	strace $0x90000054  }
0xb5: {  	_ =	sfence  }
0xb6: {  	s30 =	sld [smem:$0x0];
	_ =	sdelay $0x2  }
0xb7: {  	s31 =	sshll.u32 s1, $0xD;
	s1 =	sshrl.u32 s1, $0x2  }
0xb8: {  	s3 =	sand.u32 $0x4000, s31;
	s1 =	sadd.s32 s1, s30  }
0xb9: {  	s0 =	sor.u32 s3, s0;
	s1 =	sshll.u32 s1, $0x11  }
0xba: {  	s0 =	sor.u32 s1, s0  }
0xbb: {  	s0 =	sadd.s32 $0x8F2B, s0  }
0xbc: {  	[sflag:s0] =	ssyncadd.remote.s32 $0x1  }
0xbd: {  	_ =	sfence.sel $0xFFFF  }
0xbe: {  	[dreg:$0x0] =	wrdreg $0xFFFFFFFF;
	(pc) =	sbr.abs _section_cstart, $3  }
0xbf: {  	[dreg:$0x1] =	wrdreg $0xFFFFFFFF  }
0xc0: {  	_ =	task.clear_ibuf [dreg:s6], $0x2FFFF;
	_ =	strace $0x9FFFFFFF  }
0xc1: {  	(tm) =	ssettm $0x7FFFFFFF  }
tec
execute0_lowered:
.L_overlay_start_1:
0x0: {  	(tag) =	ssettag $0x1  }
0x1: {  	s0 =	srdreg.scid;
	s5 =	rddreg [dreg:$0x0]  }
0x2: {  	s1 =	stileid.u32;
	s6 =	simm.s32 $0x1;
	s9 =	simm.s32 $0x1  }
0x3: {  	s10 =	simm.s32 $0x3;
	s13 =	simm.s32 $0x0;
	s2 =	sshll.u32 s0, $0x7  }
0x4: {  	s12 =	simm.s32 $0x0;
	s3 =	sshll.u32 s1, $0x8;
	s2 =	sand.u32 $0x80, s2  }
0x5: {  	s0 =	rddreg [dreg:$0x1];
	_ =	strace $0x80000053;
	s2 =	sor.u32 s3, s2  }
0x6: {  	s4 =	sadd.s32 $0x1E00, s5;
	[sflag:s6] =	ssyncpa.u1 $0x0;
	s8 =	ssub.s32 $0x2000, s2  }
.Ltmp0:
0x7: {  	s3 =	sadd.s32 $0x1000, s5;
	s7 =	sand.u32 $0xF80, s8;
	(pc) =	sbr.rel .LBB2_1-.Ltmp0, $4  }
0x8: {  	s5 =	sadd.s32 $0x2600, s5;
	s11 =	smov.u32 s2;
	p0 =	sne.s32 s7, $0x0  }
0x9: {  	s8 =	sshrl.u32 s8, $0xC;
	s7 =	simm.s32 $0x2;
	s9 =	simm.s32 @!p0 $0x0  }
0xa: {  	[sflag:s7] =	ssyncpa.u1 $0x0;
	p0 =	por $0x0, $0x0;
	s8 =	sadd.s32 s9, s8  }
0xb: {  	vm0 =	vmmov $0xffff;
	[sflag:s10] =	ssyncpa.u1 $0x0;
	s10 =	simm.s32 $0x0;
	s9 =	sadd.s32 $0x1, s8  }
.LBB2_4:
0xc: {  	v5 =	vld.msk [tilespmem:s18+$0x0 ss:$0x1], $0xffff  }
0xd: {  	v6 =	vand.u32 $0x3, v1;
	v7 =	vshrl.u32 v1, $0x2  }
0xe: {  	v3 =	vor.u32 v4, v3;
	vm1 =	veq.s32 v1, $0x80000000;
	v53 =	vand.u32 $0x7FF, v7  }
0xf: {  	v2 =	vor.u32 v2, v3;
	v54 =	vsel vm1, $0xFFFFFFFF, v6;
	v1 =	vsel vm1, $0xFFFFFFFF, v53  }
0x10: {  	v6 =	vshll.u32 v54, $0x7;
	v3 =	vand.u32 $0xFFFFE000, v54;
	v55 =	vand.u32 $0x7F, v1  }
0x11: {  	v1 =	vshll.u32 v1, $0x2;
	v6 =	vand.u32 $0x180, v6;
	v56 =	vshrl.u32 v5, $0x2  }
0x12: {  	v1 =	vand.u32 $0xFFFFFE00, v1;
	vm1 =	veq.s32 v5, $0x80000000;
	v57 =	vand.u32 $0x7FF, v56  }
0x13: {  	v1 =	vadd.s32 v3, v1;
	v5 =	vand.u32 $0x3, v5;
	v3 =	vsel vm1, $0xFFFFFFFF, v57  }
0x14: {  	v1 =	vor.u32 v6, v1;
	v5 =	vsel vm1, $0xFFFFFFFF, v5;
	v58 =	vshll.u32 v3, $0x2  }
0x15: {  	v59 =	vshll.u32 v5, $0x7;
	v5 =	vand.u32 $0xFFFFE000, v5;
	v6 =	vand.u32 $0xFFFFFE00, v58  }
0x16: {  	v1 =	vor.u32 v55, v1;
	v61 =	vand.u32 $0x180, v59;
	v60 =	vadd.s32 v5, v6  }
0x17: {  	[tilespmem:s16], [sflag:$0x1] =	stream.indirect_vreg.gather [hbm4b:s3+s10], $0x1, v0, vm0, $0x4038;
	v62 =	vand.u32 $0x7F, v3;
	v63 =	vor.u32 v61, v60;
	[tilespmem:$0x200] =	vst v63  }
0x18: {  	(ifvalue) =	ssetifvalue $0x7FFFFFFF;
	v0 =	vor.u32 v62, v63  }
0x19: {  	[tilespmem:s15], [sflag:$0x1] =	stream.indirect_vreg.gather [hbm4b:s3+s10], $0x1, v2, vm0, $0x4038;
	[tilespmem:$0x200] =	vst v63  }
0x1a: {  	s29 =	sadd.s32 $0x10, s15;
	(ifvalue) =	ssetifvalue $0x7FFFFFFF  }
0x1b: {  	[tilespmem:s29], [sflag:$0x1] =	stream.indirect_vreg.gather [hbm4b:s3+s10], $0x1, v1, vm0, $0x4038;
	[tilespmem:$0x200] =	vst v63  }
0x1c: {  	s15 =	sadd.s32 $0x10, s29;
	(ifvalue) =	ssetifvalue $0x7FFFFFFF  }
0x1d: {  	[tilespmem:s15], [sflag:$0x1] =	stream.indirect_vreg.gather [hbm4b:s3+s10], $0x1, v0, vm0, $0x4038;
	[tilespmem:$0x200] =	vst v63  }
0x1e: {  	_ =	swait.ge [sflag:s6], $0x80  }
0x1f: {  	s30 =	sshrl.u32 s13, $0x3;
	[sflag:s6] =	ssyncset.done $0x0  }
0x20: {  	s31 =	sand.u32 $0x7, s13;
	s15 =	sadd.s32 s5, s30;
	[sflag:s6] =	ssyncadd.s32 $0xFFFFFF80  }
0x21: {  	[hbm4b:s15+s31] =	stream.linear.scatter [tilespmem:s14], [sflag:$0x3], $0x80, $0x38;
	[tilespmem:$0x200] =	vst v63  }
.LBB2_5:
0x22: {  	s15 =	sadd.s32 $0x1000, s11  }
0x23: {  	p2 =	sgt.s32 s15, $0x1FFF  }
0x24: {  	s15 =	smov.u32 @p2 s2;
	p2 =	sne.s32 s12, s9  }
.Ltmp1:
0x25: {  	p1 =	slt.u32 s12, $0x2;
	(pc) =	sbr.rel @!p2 .LBB2_6-.Ltmp1, $4  }
0x26: {  	s14 =	simm.s32 @!p1 $0x3  }
0x27: {  	s16 =	sadd.s32 $0x1, s12;
	_ =	swait.ge @!p1 [sflag:s14], $0x80  }
0x28: {  	s13 =	smov.u32 s11;
	p0 =	por !p0, !p0;
	[sflag:s14] =	ssyncset.done @!p1 $0x0  }
0x29: {  	s12 =	smov.u32 s16;
	s11 =	smov.u32 s15;
	[sflag:s14] =	ssyncadd.s32 @!p1 $0xFFFFFF80  }
.LBB2_1:
0x2a: {  	p1 =	sge.u32 s12, s8  }
0x2b: {  	s14 =	sxor.u32 @!p1 $0xFFFFFFFF, s12  }
0x2c: {  	s31 =	sadd.s32 $0xFFFFFFFF, s12;
	s15 =	sshrl.u32 @!p1 s11, $0x3;
	s14 =	sshll.u32 @!p1 s14, $0x7  }
0x2d: {  	s16 =	sand.u32 @!p1 $0x7, s11;
	s15 =	sadd.s32 @!p1 s4, s15;
	s14 =	sand.u32 @!p1 $0x80, s14  }
0x2e: {  	[tilespmem:s14], [sflag:$0x2] =	stream.linear.gather @!p1 [hbm4b:s15+s16], $0x80, $0x38;
	[tilespmem:$0x200] =	vst v63  }
0x2f: {  	p1 =	sge.u32 s31, s8  }
.Ltmp2:
0x30: {  	_ = 	snop;
	(pc) =	sbr.rel @p1 .LBB2_5-.Ltmp2, $1  }
0x31: {  	_ =	sdelay $0x3  }
0x32: {  	s14 =	simm.s32 $0x1  }
0x33: {  	_ =	swait.ge [sflag:s7], $0x80;
	s14 =	simm.s32 @!p0 $0x0  }
0x34: {  	[sflag:s7] =	ssyncset.done $0x0;
	s14 =	sshll.u32 s14, $0x7  }
0x35: {  	[sflag:s7] =	ssyncadd.s32 $0xFFFFFF80;
	(ifvalue) =	ssetifvalue $0x7FFFFFFF;
	v0 =	vld.msk [tilespmem:s14+$0x0 ss:$0x1], $0xffff;
	_ =	sdelay $0x4  }
0x36: {  	s15 =	sadd.s32 $0x10, s14;
	v2 =	vshrl.u32 v0, $0x2  }
0x37: {  	v1 =	vld.msk [tilespmem:s15+$0x0 ss:$0x1], $0xffff;
	vm1 =	veq.s32 v0, $0x80000000;
	v2 =	vand.u32 $0x7FF, v2  }
0x38: {  	v0 =	vand.u32 $0x3, v0;
	v2 =	vsel vm1, $0xFFFFFFFF, v2  }
0x39: {  	v0 =	vsel vm1, $0xFFFFFFFF, v0;
	v3 =	vshll.u32 v2, $0x2  }
0x3a: {  	v4 =	vand.u32 $0xFFFFE000, v0;
	v0 =	vshll.u32 v0, $0x7;
	v3 =	vand.u32 $0xFFFFFE00, v3  }
0x3b: {  	v0 =	vand.u32 $0x180, v0;
	v3 =	vadd.s32 v4, v3  }
0x3c: {  	v2 =	vand.u32 $0x7F, v2;
	v4 =	vshrl.u32 v1, $0x2;
	v0 =	vor.u32 v0, v3  }
0x3d: {  	vm1 =	veq.s32 v1, $0x80000000;
	v4 =	vand.u32 $0x7FF, v4;
	v0 =	vor.u32 v2, v0  }
0x3e: {  	s16 =	sshll.u32 s12, $0x7;
	s15 =	sadd.s32 $0x10, s15;
	v1 =	vand.u32 $0x3, v1;
	v3 =	vsel vm1, $0xFFFFFFFF, v4  }
0x3f: {  	s17 =	sand.u32 $0x80, s16;
	v2 =	vsel vm1, $0xFFFFFFFF, v1;
	v1 =	vld.msk [tilespmem:s15+$0x0 ss:$0x1], $0xffff;
	v4 =	vshll.u32 v3, $0x2  }
0x40: {  	s16 =	sor.u32 $0x100, s14;
	s14 =	sor.u32 $0x100, s17;
	s17 =	simm.s32 $0x30;
	v5 =	vshll.u32 v2, $0x7;
	v6 =	vand.u32 $0xFFFFE000, v2;
	v4 =	vand.u32 $0xFFFFFE00, v4  }
0x41: {  	s18 =	sadd.s32 $0x10, s15;
	(ifvalue) =	ssetifvalue $0x7FFFFFFF;
	s15 =	sadd.s32 $0x10, s16;
	v2 =	vand.u32 $0x7F, v3;
	v3 =	vadd.s32 v6, v4;
	v4 =	vand.u32 $0x180, v5  }
.LBB2_3:
0x42: {  	[tilespmem:s16], [sflag:$0x1] =	stream.indirect_vreg.gather [hbm4b:s3+s10], $0x1, v0, vm0, $0x4038;
	[tilespmem:$0x200] =	vst v63  }
0x43: {  	s17 =	sadd.s32 $0x10, s17  }
0x44: {  	v5 =	vand.u32 $0x3, v1;
	v6 =	vshrl.u32 v1, $0x2;
	v3 =	vor.u32 v4, v3;
	v0 =	vmovc v1;
	v1 =	vld.msk [tilespmem:s18+$0x0 ss:$0x1], $0xffff;
	p1 =	slt.u32 s17, $0x70  }
.Ltmp3:
0x45: {  	s16 =	smov.u32 s15;
	vm1 =	veq.s32 v0, $0x80000000;
	v4 =	vand.u32 $0x7FF, v6;
	v0 =	vor.u32 v2, v3;
	(pc) =	sbr.rel @p1 .LBB2_3-.Ltmp3, $4  }
0x46: {  	v3 =	vsel vm1, $0xFFFFFFFF, v5;
	v4 =	vsel vm1, $0xFFFFFFFF, v4  }
0x47: {  	v2 =	vand.u32 $0x7F, v4;
	v4 =	vshll.u32 v4, $0x2;
	v5 =	vshll.u32 v3, $0x7  }
0x48: {  	v3 =	vand.u32 $0xFFFFE000, v3;
	v4 =	vand.u32 $0xFFFFFE00, v4  }
0x49: {  	s18 =	sadd.s32 $0x10, s18;
	s15 =	sadd.s32 $0x10, s15;
	v3 =	vadd.s32 v3, v4;
	v4 =	vand.u32 $0x180, v5;
	(ifvalue) =	ssetifvalue $0x7FFFFFFF  }
.Ltmp4:
0x4a: {  	_ = 	snop;
	(pc) =	sbr.rel .LBB2_4-.Ltmp4, $1  }
0x4b: {  	_ =	sdelay $0x3  }
.LBB2_6:
0x4c: {  	_ =	sfence.sel $0x180000  }
0x4d: {  	s2 =	simm.s32 $0x2;
	[bflag:$0x0] =	sbarrier.arrive $0xFFFF  }
0x4e: {  	s30 =	simm.s32 $0x3;
	[sflag:s2] =	ssyncpa.u1 $0x1  }
0x4f: {  	s31 =	simm.s32 $0x1;
	[sflag:s30] =	ssyncpa.u1 $0x1  }
0x50: {  	[sflag:s31] =	ssyncpa.u1 $0x1  }
0x51: {  	p0 =	sne.s32 s1, $0x0;
	_ =	strace $0x90000053  }
0x52: {  	s0 =	sadd.s32 @!p0 $0x100000, s0;
	[bflag:$0x2] =	sbarrier.arrive $0xFFFF  }
0x53: {  	[sflag:s0] =	ssyncadd.tile.s32 @!p0 $0x1;
	_ =	shalt  }
.Lfunc_end2:
_tile_overlayer_lowered:
.L_overlay_start_2:
0x54: {  	(tag) =	ssettag $0x2  }
0x55: {  	s0 =	rddreg [dreg:$0x0];
	s2 =	stileid.u32  }
0x56: {  	s1 =	rddreg [dreg:$0x1];
	p0 =	sne.s32 s2, $0x0  }
0x57: {  	s3 =	rddreg [dreg:$0x2];
	[bflag:$0x3] =	sbarrier.arrive $0xFFFF;
	s2 =	simm.s32 @!p0 $0x1C01  }
0x58: {  	[timem:s3], [sflag:s2] =	dma.local @!p0 [hbm:s0], s1  }
0x59: {  	s0 =	simm.s32 @!p0 $0x1  }
0x5a: {  	_ =	swait.ge @!p0 [sflag:s0], s1  }
0x5b: {  	s1 =	ssub.s32 @!p0 $0x0, s1;
	[sflag:s0] =	ssyncset.done @!p0 $0x0  }
0x5c: {  	[sflag:s0] =	ssyncadd.s32 @!p0 s1  }
0x5d: {  	[bflag:$0x3] =	sbarrier.arrive $0xFFFF  }
0x5e: {  	_ =	shalt  }

// kernel: gather_offload_async_start.6
scs
__scs_entry_jumppad:
0x0: {  	(pc) =	sbr.rel $0x88, $3  }
0x1: {  	(tag) =	ssettag $0x0;
	lr =	simm.s32 $0x1  }
0x2: {  	[smem:$0x3F9C] =	sst lr;
	_ =	strace $0xD0000000  }
0x3: {  	_ = 	snop  }
0x4: {  	_ = 	snop  }
0x5: {  	_ = 	snop  }
0x6: {  	_ = 	snop  }
0x7: {  	_ = 	snop  }
__scs_overlays_trampoline_lowered:
0x8: {  	[smem:$0x3FAB] =	sst s0  }
0x9: {  	[smem:$0x3FAC] =	sst s1  }
0xa: {  	[smem:$0x3FAD] =	sst s2  }
0xb: {  	[smem:$0x3FAE] =	sst s3  }
0xc: {  	[smem:$0x3FAF] =	sst s4  }
0xd: {  	[smem:$0x3FB0] =	sst s5  }
0xe: {  	[smem:$0x3FB1] =	sst s6  }
0xf: {  	[smem:$0x3FB2] =	sst s7  }
0x10: {  	[smem:$0x3FB3] =	sst s8  }
0x11: {  	[smem:$0x3FB4] =	sst s9;
	s0 =	simm.s32 @!p0 $0x0  }
0x12: {  	s1 =	sld [smem:$0x3F9A];
	s0 =	simm.s32 @p0 $0x1  }
0x13: {  	[smem:$0x3FB5] =	sst s0;
	s0 =	simm.s32 @!p1 $0x0  }
0x14: {  	s2 =	sld [smem:$0x3F99];
	s0 =	simm.s32 @p1 $0x1  }
0x15: {  	[smem:$0x3FB6] =	sst s0;
	s0 =	simm.s32 @!p2 $0x0  }
0x16: {  	s3 =	sld [smem:$0x3FDB];
	s0 =	simm.s32 @p2 $0x1  }
0x17: {  	s4 =	simm.s32 $0x1BF5;
	[smem:$0x3FB8] =	sst s0  }
0x18: {  	s0 =	sld [smem:$0x3F9B];
	_ =	swait.ge [sflag:s4], $0x0  }
0x19: {  	s7 =	sld [smem:$0x3F9C]  }
0x1a: {  	s8 =	sadd.s32 $0xFFFFE003, lr  }
0x1b: {  	s9 =	sadd.s32 $0xFFFFFEF7, lr;
	s5 =	simm.s32 $0xFFFFFFFF;
	p2 =	slt.u32 s8, $0xFFFFF086  }
0x1c: {  	p1 =	slt.u32 s9, $0xF7A;
	s5 =	simm.s32 @!p2 $0x0  }
0x1d: {  	s5 =	simm.s32 @p1 $0x1;
	p0 =	seq.s32 s7, s2  }
0x1e: {  	s7 =	smul.u32 @!p0 $0xF7A, s2;
	p2 =	seq.s32 @!p0 s5, $0x0  }
0x1f: {  	s9 =	smul.u32 $0xF7A, s1;
	s8 =	simm.s32 @!p0 $0x1BF5;
	p2 =	por !p2, p0  }
0x20: {  	[sflag:s8] =	ssyncset.s32 @!p0 $0xFFFFF086;
	s6 =	sadd.s32 @!p0 s3, s7;
	s7 =	simm.s32 @!p0 $0x108  }
0x21: {  	s3 =	sadd.s32 s3, s9;
	s6 =	sadd.s32 @!p0 $0x88, s6;
	s7 =	simm.s32 @p2 $0x1082  }
0x22: {  	[simem:s7], [sflag:s8] =	dma.local @!p0 [hbm:s6], $0xF7A  }
0x23: {  	s9 =	sor.u32 $0xD0000000, s2;
	s6 =	simm.s32 $0x108;
	_ =	swait.ge @!p0 [sflag:s8], $0x0  }
0x24: {  	s3 =	sadd.s32 $0x88, s3;
	s6 =	simm.s32 @!p1 $0x1082;
	[sflag:s4] =	ssyncset.s32 $0xFFFFF086  }
0x25: {  	[simem:s6], [sflag:s4] =	dma.local [hbm:s3], $0xF7A  }
0x26: {  	[smem:$0x3F9C] =	sst s1;
	(tag) =	ssettag s2;
	_ =	strace s9  }
0x27: {  	s1 =	sld [smem:$0x3FAC]  }
0x28: {  	s2 =	sld [smem:$0x3FAD]  }
0x29: {  	s4 =	sld [smem:$0x3FAF]  }
0x2a: {  	p0 =	seq.s32 s5, $0x0;
	s5 =	sld [smem:$0x3FB0]  }
0x2b: {  	s6 =	sld [smem:$0x3FB1]  }
0x2c: {  	s7 =	sld [smem:$0x3FB2]  }
0x2d: {  	s3 =	simm.s32 $0x108;
	s8 =	sld [smem:$0x3FB3]  }
0x2e: {  	s3 =	simm.s32 @!p0 $0x1082;
	s9 =	sld [smem:$0x3FB4]  }
0x2f: {  	lr =	sadd.s32 s0, s3;
	s0 =	sld [smem:$0x3FAB]  }
0x30: {  	s3 =	sld [smem:$0x3FAE]  }
0x31: {  	[smem:$0x3FB7] =	sst s10  }
0x32: {  	s10 =	sld [smem:$0x3FB5];
	_ =	sdelay $0x3  }
0x33: {  	p0 =	seq.s32 s10, $0x1;
	s10 =	sld [smem:$0x3FB7];
	_ =	sdelay $0x3  }
0x34: {  	[smem:$0x3FB7] =	sst s10  }
0x35: {  	s10 =	sld [smem:$0x3FB6];
	_ =	sdelay $0x3  }
0x36: {  	p1 =	seq.s32 s10, $0x1;
	s10 =	sld [smem:$0x3FB7];
	_ =	sdelay $0x3  }
0x37: {  	[smem:$0x3FB7] =	sst s10  }
0x38: {  	s10 =	sld [smem:$0x3FB8]  }
0x39: {  	_ = 	snop;
	(pc) =	sbr.ind lr, $3  }
0x3a: {  	_ = 	snop  }
0x3b: {  	_ = 	snop  }
0x3c: {  	p2 =	seq.s32 s10, $0x1;
	s10 =	sld [smem:$0x3FB7]  }
0x3d: {  	_ =	shalt  }
0x3e: {  	_ =	shalt  }
0x3f: {  	_ =	shalt  }
0x40: {  	_ =	shalt  }
0x41: {  	_ =	shalt  }
0x42: {  	_ =	shalt  }
0x43: {  	_ =	shalt  }
0x44: {  	_ =	shalt  }
0x45: {  	_ =	shalt  }
0x46: {  	_ =	shalt  }
0x47: {  	_ =	shalt  }
0x48: {  	_ =	shalt  }
0x49: {  	_ =	shalt  }
0x4a: {  	_ =	shalt  }
0x4b: {  	_ =	shalt  }
0x4c: {  	_ =	shalt  }
0x4d: {  	_ =	shalt  }
0x4e: {  	_ =	shalt  }
0x4f: {  	_ =	shalt  }
0x50: {  	_ =	shalt  }
0x51: {  	_ =	shalt  }
0x52: {  	_ =	shalt  }
0x53: {  	_ =	shalt  }
0x54: {  	_ =	shalt  }
0x55: {  	_ =	shalt  }
0x56: {  	_ =	shalt  }
0x57: {  	_ =	shalt  }
0x58: {  	_ =	shalt  }
0x59: {  	_ =	shalt  }
0x5a: {  	_ =	shalt  }
0x5b: {  	_ =	shalt  }
0x5c: {  	_ =	shalt  }
0x5d: {  	_ =	shalt  }
0x5e: {  	_ =	shalt  }
0x5f: {  	_ =	shalt  }
0x60: {  	_ =	shalt  }
0x61: {  	_ =	shalt  }
0x62: {  	_ =	shalt  }
0x63: {  	_ =	shalt  }
0x64: {  	_ =	shalt  }
0x65: {  	_ =	shalt  }
0x66: {  	_ =	shalt  }
0x67: {  	_ =	shalt  }
0x68: {  	_ =	shalt  }
0x69: {  	_ =	shalt  }
0x6a: {  	_ =	shalt  }
0x6b: {  	_ =	shalt  }
0x6c: {  	_ =	shalt  }
0x6d: {  	_ =	shalt  }
0x6e: {  	_ =	shalt  }
0x6f: {  	_ =	shalt  }
0x70: {  	_ =	shalt  }
0x71: {  	_ =	shalt  }
0x72: {  	_ =	shalt  }
0x73: {  	_ =	shalt  }
0x74: {  	_ =	shalt  }
0x75: {  	_ =	shalt  }
0x76: {  	_ =	shalt  }
0x77: {  	_ =	shalt  }
0x78: {  	_ =	shalt  }
0x79: {  	_ =	shalt  }
0x7a: {  	_ =	shalt  }
0x7b: {  	_ =	shalt  }
0x7c: {  	_ =	shalt  }
0x7d: {  	_ =	shalt  }
0x7e: {  	_ =	shalt  }
0x7f: {  	_ =	shalt  }
0x80: {  	_ =	shalt  }
0x81: {  	_ =	shalt  }
0x82: {  	_ =	shalt  }
0x83: {  	_ =	shalt  }
0x84: {  	_ =	shalt  }
0x85: {  	_ =	shalt  }
0x86: {  	_ =	shalt  }
0x87: {  	_ =	shalt  }
.Lfunc_end0:
.L_simem_size_0:
called_computation.6_lowered:
.L_overlay_start_0:
0x88: {  	s2 =	sld [smem:$0x3FD9]  }
0x89: {  	s3 =	sld [smem:$0x3FFE];
	_ =	sdelay $0x1  }
0x8a: {  	s1 =	srdreg.scid  }
0x8b: {  	s0 =	sand.u32 $0x1, s1  }
0x8c: {  	s17 =	sshll.u32 s0, $0xA;
	s2 =	sadd.s32 s3, s2  }
0x8d: {  	s2 =	sadd.s32 s2, s17  }
0x8e: {  	[smem:$0x3FC3] =	sst s2  }
0x8f: {  	_ = 	snop  }
0x90: {  	s2 =	sld [smem:$0x3FC9];
	(tm) =	ssettm $0x1  }
0x91: {  	s18 =	sld [smem:$0x3FFB];
	_ =	sdelay $0x3  }
0x92: {  	_ =	strace s18  }
0x93: {  	s3 =	sld [smem:$0x3FFC];
	_ =	sdelay $0x3  }
0x94: {  	_ =	strace s3  }
0x95: {  	s3 =	sld [smem:$0x3FFD];
	_ =	sdelay $0x3  }
0x96: {  	_ =	strace s3  }
0x97: {  	_ =	strace $0x8FFFFFFF  }
0x98: {  	s19 =	sld [smem:$0x3FDB];
	_ =	sdelay $0x1  }
0x99: {  	s4 =	simm.s32 $_scs_section_size  }
0x9a: {  	s5 =	simm.s32 $_size__tile_overlayer_lowered;
	s6 =	simm.s32 $_tile_overlayer_lowered  }
0x9b: {  	s22 =	simm.s32 $0x1BFF;
	s21 =	sshll.u32 s6, $0x1;
	s3 =	sadd.s32 s4, s19  }
0x9c: {  	s7 =	simm.s32 $0x0;
	s20 =	sshll.u32 s5, $0x1;
	s5 =	sadd.s32 s21, s3  }
0x9d: {  	[timem:s7], [sflag:s22] =	dma.local [hbm:s5], s20  }
0x9e: {  	_ =	swait.ge [sflag:s22], s20  }
0x9f: {  	s4 =	ssub.s32 $0x0, s20;
	[sflag:s22] =	ssyncset.done $0x0  }
0xa0: {  	[sflag:s22] =	ssyncadd.s32 s4;
	_ =	sdelay $0x1  }
0xa1: {  	s23 =	simm.s32 $0x1B8B  }
0xa2: {  	_ =	swait.ge [sflag:s23], $0x1  }
0xa3: {  	[sflag:s23] =	ssyncset.done $0x0  }
0xa4: {  	s25 =	simm.s32 $0x1B8E;
	s24 =	sld [smem:$0x3FFE];
	[sflag:s23] =	ssyncadd.s32 $0xFFFFFFFF  }
0xa5: {  	s26 =	simm.s32 $execute0_lowered;
	[smem:$0x3FD2] =	sst s25  }
0xa6: {  	s5 =	sshll.u32 s26, $0x1;
	_ =	strace $0x80000055;
	[dreg:$0x1] =	wrdreg $0xFFFFFFFF  }
0xa7: {  	s28 =	simm.s32 $_size_execute0_lowered;
	s3 =	sadd.s32 s3, s5;
	[dreg:$0x0] =	wrdreg $0x0  }
0xa8: {  	s5 =	sshll.u32 s28, $0x1;
	[dreg:$0x2] =	wrdreg s3  }
0xa9: {  	[dreg:$0x3] =	wrdreg s5  }
0xaa: {  	[dreg:$0x4] =	wrdreg $0xC0  }
0xab: {  	_ =	task [dreg:s7], $0x5FFFF  }
0xac: {  	[dreg:$0x1] =	wrdreg $0xFFFFFFFF  }
0xad: {  	[dreg:$0x0] =	wrdreg $0x60  }
0xae: {  	[dreg:$0x2] =	wrdreg s2  }
0xaf: {  	[dreg:$0x3] =	wrdreg s24  }
0xb0: {  	[dreg:$0x4] =	wrdreg $0x9  }
0xb1: {  	_ =	task.clear_ibuf [dreg:s7], $0x5FFFF;
	_ =	strace $0x90000055  }
0xb2: {  	s29 =	simm.s32 $0x9;
	_ =	strace $0x80000057  }
0xb3: {  	_ =	swait.ge [sflag:s29], $0x1  }
0xb4: {  	[sflag:s29] =	ssyncadd.s32 $0xFFFFFFFF  }
0xb5: {  	_ =	strace $0x90000057  }
0xb6: {  	_ =	sfence  }
0xb7: {  	s30 =	sld [smem:$0x0];
	_ =	sdelay $0x2  }
0xb8: {  	s31 =	sshll.u32 s1, $0xD;
	s1 =	sshrl.u32 s1, $0x2  }
0xb9: {  	s3 =	sand.u32 $0x4000, s31;
	s1 =	sadd.s32 s1, s30  }
0xba: {  	s0 =	sor.u32 s3, s0;
	s1 =	sshll.u32 s1, $0x11  }
0xbb: {  	s0 =	sor.u32 s1, s0  }
0xbc: {  	s0 =	sadd.s32 $0x8F2B, s0  }
0xbd: {  	[sflag:s0] =	ssyncadd.remote.s32 $0x1  }
0xbe: {  	_ =	sfence.sel $0xFFFF  }
0xbf: {  	[dreg:$0x0] =	wrdreg $0xFFFFFFFF;
	(pc) =	sbr.abs _section_cstart, $3  }
0xc0: {  	[dreg:$0x1] =	wrdreg $0xFFFFFFFF  }
0xc1: {  	_ =	task.clear_ibuf [dreg:s7], $0x2FFFF;
	_ =	strace $0x9FFFFFFF  }
0xc2: {  	(tm) =	ssettm $0x7FFFFFFF  }
0xc3: {  	_ =	shalt  }
tec
execute0_lowered:
.L_overlay_start_1:
0x0: {  	(tag) =	ssettag $0x1  }
0x1: {  	s1 =	srdreg.scid;
	s2 =	rddreg [dreg:$0x0]  }
0x2: {  	s0 =	stileid.u32;
	s5 =	rddreg [dreg:$0x1];
	s6 =	simm.s32 $0x1  }
0x3: {  	s9 =	simm.s32 $0x1;
	s10 =	simm.s32 $0x3;
	s1 =	sshll.u32 s1, $0x7  }
0x4: {  	s13 =	simm.s32 $0x0;
	s3 =	sshll.u32 s0, $0x8;
	s4 =	sand.u32 $0x80, s1  }
0x5: {  	s12 =	simm.s32 $0x0;
	s1 =	rddreg [dreg:$0x2];
	s3 =	sor.u32 s3, s4  }
0x6: {  	_ =	strace $0x80000056;
	s4 =	sadd.s32 $0x1000, s5;
	s8 =	ssub.s32 $0x2000, s3  }
.Ltmp0:
0x7: {  	s5 =	sadd.s32 $0x1E00, s5;
	s7 =	sand.u32 $0xF80, s8;
	(pc) =	sbr.rel .LBB2_1-.Ltmp0, $4  }
0x8: {  	[sflag:s6] =	ssyncpa.u1 $0x0;
	s11 =	smov.u32 s3;
	p0 =	sne.s32 s7, $0x0  }
0x9: {  	s8 =	sshrl.u32 s8, $0xC;
	s7 =	simm.s32 $0x2;
	s9 =	simm.s32 @!p0 $0x0  }
0xa: {  	[sflag:s7] =	ssyncpa.u1 $0x0;
	p0 =	por $0x0, $0x0;
	s8 =	sadd.s32 s9, s8  }
0xb: {  	vm0 =	vmmov $0xffff;
	[sflag:s10] =	ssyncpa.u1 $0x0;
	s10 =	simm.s32 $0x0;
	s9 =	sadd.s32 $0x1, s8  }
.LBB2_4:
0xc: {  	v5 =	vld.msk [tilespmem:s18+$0x0 ss:$0x1], $0xffff  }
0xd: {  	v6 =	vand.u32 $0x3, v1;
	v7 =	vshrl.u32 v1, $0x2  }
0xe: {  	v3 =	vor.u32 v4, v3;
	vm1 =	veq.s32 v1, $0x80000000;
	v53 =	vand.u32 $0x7FF, v7  }
0xf: {  	v2 =	vor.u32 v2, v3;
	v54 =	vsel vm1, $0xFFFFFFFF, v6;
	v1 =	vsel vm1, $0xFFFFFFFF, v53  }
0x10: {  	v6 =	vshll.u32 v54, $0x7;
	v3 =	vand.u32 $0xFFFFE000, v54;
	v55 =	vand.u32 $0x7F, v1  }
0x11: {  	v1 =	vshll.u32 v1, $0x2;
	v6 =	vand.u32 $0x180, v6;
	v56 =	vshrl.u32 v5, $0x2  }
0x12: {  	v1 =	vand.u32 $0xFFFFFE00, v1;
	vm1 =	veq.s32 v5, $0x80000000;
	v57 =	vand.u32 $0x7FF, v56  }
0x13: {  	v1 =	vadd.s32 v3, v1;
	v5 =	vand.u32 $0x3, v5;
	v3 =	vsel vm1, $0xFFFFFFFF, v57  }
0x14: {  	v1 =	vor.u32 v6, v1;
	v5 =	vsel vm1, $0xFFFFFFFF, v5;
	v58 =	vshll.u32 v3, $0x2  }
0x15: {  	v59 =	vshll.u32 v5, $0x7;
	v5 =	vand.u32 $0xFFFFE000, v5;
	v6 =	vand.u32 $0xFFFFFE00, v58  }
0x16: {  	v1 =	vor.u32 v55, v1;
	v61 =	vand.u32 $0x180, v59;
	v60 =	vadd.s32 v5, v6  }
0x17: {  	[tilespmem:s16], [sflag:$0x1] =	stream.indirect_vreg.gather [hbm4b:s2+s10], $0x1, v0, vm0, $0x4038;
	v62 =	vand.u32 $0x7F, v3;
	v63 =	vor.u32 v61, v60;
	[tilespmem:$0x200] =	vst v63  }
0x18: {  	(ifvalue) =	ssetifvalue $0x7FFFFFFF;
	v0 =	vor.u32 v62, v63  }
0x19: {  	[tilespmem:s15], [sflag:$0x1] =	stream.indirect_vreg.gather [hbm4b:s2+s10], $0x1, v2, vm0, $0x4038;
	[tilespmem:$0x200] =	vst v63  }
0x1a: {  	s29 =	sadd.s32 $0x10, s15;
	(ifvalue) =	ssetifvalue $0x7FFFFFFF  }
0x1b: {  	[tilespmem:s29], [sflag:$0x1] =	stream.indirect_vreg.gather [hbm4b:s2+s10], $0x1, v1, vm0, $0x4038;
	[tilespmem:$0x200] =	vst v63  }
0x1c: {  	s15 =	sadd.s32 $0x10, s29;
	(ifvalue) =	ssetifvalue $0x7FFFFFFF  }
0x1d: {  	[tilespmem:s15], [sflag:$0x1] =	stream.indirect_vreg.gather [hbm4b:s2+s10], $0x1, v0, vm0, $0x4038;
	[tilespmem:$0x200] =	vst v63  }
0x1e: {  	_ =	swait.ge [sflag:s6], $0x80  }
0x1f: {  	s30 =	sshrl.u32 s13, $0x3;
	[sflag:s6] =	ssyncset.done $0x0  }
0x20: {  	s31 =	sand.u32 $0x7, s13;
	s15 =	sadd.s32 s5, s30;
	[sflag:s6] =	ssyncadd.s32 $0xFFFFFF80  }
0x21: {  	[hbm4b:s15+s31] =	stream.linear.scatter [tilespmem:s14], [sflag:$0x3], $0x80, $0x38;
	[tilespmem:$0x200] =	vst v63  }
.LBB2_5:
0x22: {  	s15 =	sadd.s32 $0x1000, s11  }
0x23: {  	p2 =	sgt.s32 s15, $0x1FFF  }
0x24: {  	s15 =	smov.u32 @p2 s3;
	p2 =	sne.s32 s12, s9  }
.Ltmp1:
0x25: {  	p1 =	slt.u32 s12, $0x2;
	(pc) =	sbr.rel @!p2 .LBB2_6-.Ltmp1, $4  }
0x26: {  	s14 =	simm.s32 @!p1 $0x3  }
0x27: {  	s16 =	sadd.s32 $0x1, s12;
	_ =	swait.ge @!p1 [sflag:s14], $0x80  }
0x28: {  	s13 =	smov.u32 s11;
	p0 =	por !p0, !p0;
	[sflag:s14] =	ssyncset.done @!p1 $0x0  }
0x29: {  	s12 =	smov.u32 s16;
	s11 =	smov.u32 s15;
	[sflag:s14] =	ssyncadd.s32 @!p1 $0xFFFFFF80  }
.LBB2_1:
0x2a: {  	p1 =	sge.u32 s12, s8  }
0x2b: {  	s14 =	sxor.u32 @!p1 $0xFFFFFFFF, s12  }
0x2c: {  	s31 =	sadd.s32 $0xFFFFFFFF, s12;
	s15 =	sshrl.u32 @!p1 s11, $0x3;
	s14 =	sshll.u32 @!p1 s14, $0x7  }
0x2d: {  	s16 =	sand.u32 @!p1 $0x7, s11;
	s15 =	sadd.s32 @!p1 s4, s15;
	s14 =	sand.u32 @!p1 $0x80, s14  }
0x2e: {  	[tilespmem:s14], [sflag:$0x2] =	stream.linear.gather @!p1 [hbm4b:s15+s16], $0x80, $0x38;
	[tilespmem:$0x200] =	vst v63  }
0x2f: {  	p1 =	sge.u32 s31, s8  }
.Ltmp2:
0x30: {  	_ = 	snop;
	(pc) =	sbr.rel @p1 .LBB2_5-.Ltmp2, $1  }
0x31: {  	_ =	sdelay $0x3  }
0x32: {  	s14 =	simm.s32 $0x1  }
0x33: {  	_ =	swait.ge [sflag:s7], $0x80;
	s14 =	simm.s32 @!p0 $0x0  }
0x34: {  	[sflag:s7] =	ssyncset.done $0x0;
	s14 =	sshll.u32 s14, $0x7  }
0x35: {  	[sflag:s7] =	ssyncadd.s32 $0xFFFFFF80;
	(ifvalue) =	ssetifvalue $0x7FFFFFFF;
	v0 =	vld.msk [tilespmem:s14+$0x0 ss:$0x1], $0xffff;
	_ =	sdelay $0x4  }
0x36: {  	s15 =	sadd.s32 $0x10, s14;
	v2 =	vshrl.u32 v0, $0x2  }
0x37: {  	v1 =	vld.msk [tilespmem:s15+$0x0 ss:$0x1], $0xffff;
	vm1 =	veq.s32 v0, $0x80000000;
	v2 =	vand.u32 $0x7FF, v2  }
0x38: {  	v0 =	vand.u32 $0x3, v0;
	v2 =	vsel vm1, $0xFFFFFFFF, v2  }
0x39: {  	v0 =	vsel vm1, $0xFFFFFFFF, v0;
	v3 =	vshll.u32 v2, $0x2  }
0x3a: {  	v4 =	vand.u32 $0xFFFFE000, v0;
	v0 =	vshll.u32 v0, $0x7;
	v3 =	vand.u32 $0xFFFFFE00, v3  }
0x3b: {  	v0 =	vand.u32 $0x180, v0;
	v3 =	vadd.s32 v4, v3  }
0x3c: {  	v2 =	vand.u32 $0x7F, v2;
	v4 =	vshrl.u32 v1, $0x2;
	v0 =	vor.u32 v0, v3  }
0x3d: {  	vm1 =	veq.s32 v1, $0x80000000;
	v4 =	vand.u32 $0x7FF, v4;
	v0 =	vor.u32 v2, v0  }
0x3e: {  	s16 =	sshll.u32 s12, $0x7;
	s15 =	sadd.s32 $0x10, s15;
	v1 =	vand.u32 $0x3, v1;
	v3 =	vsel vm1, $0xFFFFFFFF, v4  }
0x3f: {  	s17 =	sand.u32 $0x80, s16;
	v2 =	vsel vm1, $0xFFFFFFFF, v1;
	v1 =	vld.msk [tilespmem:s15+$0x0 ss:$0x1], $0xffff;
	v4 =	vshll.u32 v3, $0x2  }
0x40: {  	s16 =	sor.u32 $0x100, s14;
	s14 =	sor.u32 $0x100, s17;
	s17 =	simm.s32 $0x30;
	v5 =	vshll.u32 v2, $0x7;
	v6 =	vand.u32 $0xFFFFE000, v2;
	v4 =	vand.u32 $0xFFFFFE00, v4  }
0x41: {  	s18 =	sadd.s32 $0x10, s15;
	(ifvalue) =	ssetifvalue $0x7FFFFFFF;
	s15 =	sadd.s32 $0x10, s16;
	v2 =	vand.u32 $0x7F, v3;
	v3 =	vadd.s32 v6, v4;
	v4 =	vand.u32 $0x180, v5  }
.LBB2_3:
0x42: {  	[tilespmem:s16], [sflag:$0x1] =	stream.indirect_vreg.gather [hbm4b:s2+s10], $0x1, v0, vm0, $0x4038;
	[tilespmem:$0x200] =	vst v63  }
0x43: {  	s17 =	sadd.s32 $0x10, s17  }
0x44: {  	v5 =	vand.u32 $0x3, v1;
	v6 =	vshrl.u32 v1, $0x2;
	v3 =	vor.u32 v4, v3;
	v0 =	vmovc v1;
	v1 =	vld.msk [tilespmem:s18+$0x0 ss:$0x1], $0xffff;
	p1 =	slt.u32 s17, $0x70  }
.Ltmp3:
0x45: {  	s16 =	smov.u32 s15;
	vm1 =	veq.s32 v0, $0x80000000;
	v4 =	vand.u32 $0x7FF, v6;
	v0 =	vor.u32 v2, v3;
	(pc) =	sbr.rel @p1 .LBB2_3-.Ltmp3, $4  }
0x46: {  	v3 =	vsel vm1, $0xFFFFFFFF, v5;
	v4 =	vsel vm1, $0xFFFFFFFF, v4  }
0x47: {  	v2 =	vand.u32 $0x7F, v4;
	v4 =	vshll.u32 v4, $0x2;
	v5 =	vshll.u32 v3, $0x7  }
0x48: {  	v3 =	vand.u32 $0xFFFFE000, v3;
	v4 =	vand.u32 $0xFFFFFE00, v4  }
0x49: {  	s18 =	sadd.s32 $0x10, s18;
	s15 =	sadd.s32 $0x10, s15;
	v3 =	vadd.s32 v3, v4;
	v4 =	vand.u32 $0x180, v5;
	(ifvalue) =	ssetifvalue $0x7FFFFFFF  }
.Ltmp4:
0x4a: {  	_ = 	snop;
	(pc) =	sbr.rel .LBB2_4-.Ltmp4, $1  }
0x4b: {  	_ =	sdelay $0x3  }
.LBB2_6:
0x4c: {  	_ =	sfence.sel $0x180000  }
0x4d: {  	s2 =	simm.s32 $0x2;
	[bflag:$0x0] =	sbarrier.arrive $0xFFFF  }
0x4e: {  	s30 =	simm.s32 $0x3;
	[sflag:s2] =	ssyncpa.u1 $0x1  }
0x4f: {  	s31 =	simm.s32 $0x1;
	[sflag:s30] =	ssyncpa.u1 $0x1  }
0x50: {  	[sflag:s31] =	ssyncpa.u1 $0x1  }
0x51: {  	p0 =	sne.s32 s0, $0x0;
	_ =	strace $0x90000056  }
0x52: {  	s0 =	sadd.s32 @!p0 $0x100000, s1;
	[bflag:$0x2] =	sbarrier.arrive $0xFFFF  }
0x53: {  	[sflag:s0] =	ssyncadd.tile.s32 @!p0 $0x1;
	_ =	shalt  }
.Lfunc_end2:
_tile_overlayer_lowered:
.L_overlay_start_2:
0x54: {  	(tag) =	ssettag $0x2  }
0x55: {  	s0 =	rddreg [dreg:$0x0];
	s2 =	stileid.u32  }
0x56: {  	s1 =	rddreg [dreg:$0x1];
	p0 =	sne.s32 s2, $0x0  }
0x57: {  	s3 =	rddreg [dreg:$0x2];
	[bflag:$0x3] =	sbarrier.arrive $0xFFFF;
	s2 =	simm.s32 @!p0 $0x1C01  }
0x58: {  	[timem:s3], [sflag:s2] =	dma.local @!p0 [hbm:s0], s1  }
0x59: {  	s0 =	simm.s32 @!p0 $0x1  }
0x5a: {  	_ =	swait.ge @!p0 [sflag:s0], s1  }
0x5b: {  	s1 =	ssub.s32 @!p0 $0x0, s1;
	[sflag:s0] =	ssyncset.done @!p0 $0x0  }
0x5c: {  	[sflag:s0] =	ssyncadd.s32 @!p0 s1  }
0x5d: {  	[bflag:$0x3] =	sbarrier.arrive $0xFFFF  }
0x5e: {  	_ =	shalt  }

// kernel: gather_offload_async_start.7
scs
__scs_entry_jumppad:
0x0: {  	(pc) =	sbr.rel $0x88, $3  }
0x1: {  	(tag) =	ssettag $0x0;
	lr =	simm.s32 $0x1  }
0x2: {  	[smem:$0x3F9C] =	sst lr;
	_ =	strace $0xD0000000  }
0x3: {  	_ = 	snop  }
0x4: {  	_ = 	snop  }
0x5: {  	_ = 	snop  }
0x6: {  	_ = 	snop  }
0x7: {  	_ = 	snop  }
__scs_overlays_trampoline_lowered:
0x8: {  	[smem:$0x3FAB] =	sst s0  }
0x9: {  	[smem:$0x3FAC] =	sst s1  }
0xa: {  	[smem:$0x3FAD] =	sst s2  }
0xb: {  	[smem:$0x3FAE] =	sst s3  }
0xc: {  	[smem:$0x3FAF] =	sst s4  }
0xd: {  	[smem:$0x3FB0] =	sst s5  }
0xe: {  	[smem:$0x3FB1] =	sst s6  }
0xf: {  	[smem:$0x3FB2] =	sst s7  }
0x10: {  	[smem:$0x3FB3] =	sst s8  }
0x11: {  	[smem:$0x3FB4] =	sst s9;
	s0 =	simm.s32 @!p0 $0x0  }
0x12: {  	s1 =	sld [smem:$0x3F9A];
	s0 =	simm.s32 @p0 $0x1  }
0x13: {  	[smem:$0x3FB5] =	sst s0;
	s0 =	simm.s32 @!p1 $0x0  }
0x14: {  	s2 =	sld [smem:$0x3F99];
	s0 =	simm.s32 @p1 $0x1  }
0x15: {  	[smem:$0x3FB6] =	sst s0;
	s0 =	simm.s32 @!p2 $0x0  }
0x16: {  	s3 =	sld [smem:$0x3FDB];
	s0 =	simm.s32 @p2 $0x1  }
0x17: {  	s4 =	simm.s32 $0x1BF5;
	[smem:$0x3FB8] =	sst s0  }
0x18: {  	s0 =	sld [smem:$0x3F9B];
	_ =	swait.ge [sflag:s4], $0x0  }
0x19: {  	s7 =	sld [smem:$0x3F9C]  }
0x1a: {  	s8 =	sadd.s32 $0xFFFFE003, lr  }
0x1b: {  	s9 =	sadd.s32 $0xFFFFFEF7, lr;
	s5 =	simm.s32 $0xFFFFFFFF;
	p2 =	slt.u32 s8, $0xFFFFF086  }
0x1c: {  	p1 =	slt.u32 s9, $0xF7A;
	s5 =	simm.s32 @!p2 $0x0  }
0x1d: {  	s5 =	simm.s32 @p1 $0x1;
	p0 =	seq.s32 s7, s2  }
0x1e: {  	s7 =	smul.u32 @!p0 $0xF7A, s2;
	p2 =	seq.s32 @!p0 s5, $0x0  }
0x1f: {  	s9 =	smul.u32 $0xF7A, s1;
	s8 =	simm.s32 @!p0 $0x1BF5;
	p2 =	por !p2, p0  }
0x20: {  	[sflag:s8] =	ssyncset.s32 @!p0 $0xFFFFF086;
	s6 =	sadd.s32 @!p0 s3, s7;
	s7 =	simm.s32 @!p0 $0x108  }
0x21: {  	s3 =	sadd.s32 s3, s9;
	s6 =	sadd.s32 @!p0 $0x88, s6;
	s7 =	simm.s32 @p2 $0x1082  }
0x22: {  	[simem:s7], [sflag:s8] =	dma.local @!p0 [hbm:s6], $0xF7A  }
0x23: {  	s9 =	sor.u32 $0xD0000000, s2;
	s6 =	simm.s32 $0x108;
	_ =	swait.ge @!p0 [sflag:s8], $0x0  }
0x24: {  	s3 =	sadd.s32 $0x88, s3;
	s6 =	simm.s32 @!p1 $0x1082;
	[sflag:s4] =	ssyncset.s32 $0xFFFFF086  }
0x25: {  	[simem:s6], [sflag:s4] =	dma.local [hbm:s3], $0xF7A  }
0x26: {  	[smem:$0x3F9C] =	sst s1;
	(tag) =	ssettag s2;
	_ =	strace s9  }
0x27: {  	s1 =	sld [smem:$0x3FAC]  }
0x28: {  	s2 =	sld [smem:$0x3FAD]  }
0x29: {  	s4 =	sld [smem:$0x3FAF]  }
0x2a: {  	p0 =	seq.s32 s5, $0x0;
	s5 =	sld [smem:$0x3FB0]  }
0x2b: {  	s6 =	sld [smem:$0x3FB1]  }
0x2c: {  	s7 =	sld [smem:$0x3FB2]  }
0x2d: {  	s3 =	simm.s32 $0x108;
	s8 =	sld [smem:$0x3FB3]  }
0x2e: {  	s3 =	simm.s32 @!p0 $0x1082;
	s9 =	sld [smem:$0x3FB4]  }
0x2f: {  	lr =	sadd.s32 s0, s3;
	s0 =	sld [smem:$0x3FAB]  }
0x30: {  	s3 =	sld [smem:$0x3FAE]  }
0x31: {  	[smem:$0x3FB7] =	sst s10  }
0x32: {  	s10 =	sld [smem:$0x3FB5];
	_ =	sdelay $0x3  }
0x33: {  	p0 =	seq.s32 s10, $0x1;
	s10 =	sld [smem:$0x3FB7];
	_ =	sdelay $0x3  }
0x34: {  	[smem:$0x3FB7] =	sst s10  }
0x35: {  	s10 =	sld [smem:$0x3FB6];
	_ =	sdelay $0x3  }
0x36: {  	p1 =	seq.s32 s10, $0x1;
	s10 =	sld [smem:$0x3FB7];
	_ =	sdelay $0x3  }
0x37: {  	[smem:$0x3FB7] =	sst s10  }
0x38: {  	s10 =	sld [smem:$0x3FB8]  }
0x39: {  	_ = 	snop;
	(pc) =	sbr.ind lr, $3  }
0x3a: {  	_ = 	snop  }
0x3b: {  	_ = 	snop  }
0x3c: {  	p2 =	seq.s32 s10, $0x1;
	s10 =	sld [smem:$0x3FB7]  }
0x3d: {  	_ =	shalt  }
0x3e: {  	_ =	shalt  }
0x3f: {  	_ =	shalt  }
0x40: {  	_ =	shalt  }
0x41: {  	_ =	shalt  }
0x42: {  	_ =	shalt  }
0x43: {  	_ =	shalt  }
0x44: {  	_ =	shalt  }
0x45: {  	_ =	shalt  }
0x46: {  	_ =	shalt  }
0x47: {  	_ =	shalt  }
0x48: {  	_ =	shalt  }
0x49: {  	_ =	shalt  }
0x4a: {  	_ =	shalt  }
0x4b: {  	_ =	shalt  }
0x4c: {  	_ =	shalt  }
0x4d: {  	_ =	shalt  }
0x4e: {  	_ =	shalt  }
0x4f: {  	_ =	shalt  }
0x50: {  	_ =	shalt  }
0x51: {  	_ =	shalt  }
0x52: {  	_ =	shalt  }
0x53: {  	_ =	shalt  }
0x54: {  	_ =	shalt  }
0x55: {  	_ =	shalt  }
0x56: {  	_ =	shalt  }
0x57: {  	_ =	shalt  }
0x58: {  	_ =	shalt  }
0x59: {  	_ =	shalt  }
0x5a: {  	_ =	shalt  }
0x5b: {  	_ =	shalt  }
0x5c: {  	_ =	shalt  }
0x5d: {  	_ =	shalt  }
0x5e: {  	_ =	shalt  }
0x5f: {  	_ =	shalt  }
0x60: {  	_ =	shalt  }
0x61: {  	_ =	shalt  }
0x62: {  	_ =	shalt  }
0x63: {  	_ =	shalt  }
0x64: {  	_ =	shalt  }
0x65: {  	_ =	shalt  }
0x66: {  	_ =	shalt  }
0x67: {  	_ =	shalt  }
0x68: {  	_ =	shalt  }
0x69: {  	_ =	shalt  }
0x6a: {  	_ =	shalt  }
0x6b: {  	_ =	shalt  }
0x6c: {  	_ =	shalt  }
0x6d: {  	_ =	shalt  }
0x6e: {  	_ =	shalt  }
0x6f: {  	_ =	shalt  }
0x70: {  	_ =	shalt  }
0x71: {  	_ =	shalt  }
0x72: {  	_ =	shalt  }
0x73: {  	_ =	shalt  }
0x74: {  	_ =	shalt  }
0x75: {  	_ =	shalt  }
0x76: {  	_ =	shalt  }
0x77: {  	_ =	shalt  }
0x78: {  	_ =	shalt  }
0x79: {  	_ =	shalt  }
0x7a: {  	_ =	shalt  }
0x7b: {  	_ =	shalt  }
0x7c: {  	_ =	shalt  }
0x7d: {  	_ =	shalt  }
0x7e: {  	_ =	shalt  }
0x7f: {  	_ =	shalt  }
0x80: {  	_ =	shalt  }
0x81: {  	_ =	shalt  }
0x82: {  	_ =	shalt  }
0x83: {  	_ =	shalt  }
0x84: {  	_ =	shalt  }
0x85: {  	_ =	shalt  }
0x86: {  	_ =	shalt  }
0x87: {  	_ =	shalt  }
.Lfunc_end0:
.L_simem_size_0:
called_computation.7_lowered:
.L_overlay_start_0:
0x88: {  	s2 =	sld [smem:$0x3FD9]  }
0x89: {  	s3 =	sld [smem:$0x3FFE];
	_ =	sdelay $0x1  }
0x8a: {  	s1 =	srdreg.scid  }
0x8b: {  	s0 =	sand.u32 $0x1, s1  }
0x8c: {  	s17 =	sshll.u32 s0, $0xA;
	s2 =	sadd.s32 s3, s2  }
0x8d: {  	s2 =	sadd.s32 s2, s17  }
0x8e: {  	[smem:$0x3FC3] =	sst s2  }
0x8f: {  	_ = 	snop  }
0x90: {  	s18 =	sld [smem:$0x3FD0];
	(tm) =	ssettm $0x1  }
0x91: {  	s19 =	sld [smem:$0x3FFB];
	_ =	sdelay $0x3  }
0x92: {  	_ =	strace s19  }
0x93: {  	s2 =	sld [smem:$0x3FFC];
	_ =	sdelay $0x3  }
0x94: {  	_ =	strace s2  }
0x95: {  	s2 =	sld [smem:$0x3FFD];
	_ =	sdelay $0x3  }
0x96: {  	_ =	strace s2  }
0x97: {  	_ =	strace $0x8FFFFFFF  }
0x98: {  	s20 =	sld [smem:$0x3FDB];
	_ =	sdelay $0x1  }
0x99: {  	s4 =	simm.s32 $_scs_section_size  }
0x9a: {  	s5 =	simm.s32 $_size__tile_overlayer_lowered;
	s6 =	simm.s32 $_tile_overlayer_lowered  }
0x9b: {  	s7 =	simm.s32 $0x1BFF;
	s21 =	sshll.u32 s6, $0x1;
	s4 =	sadd.s32 s4, s20  }
0x9c: {  	s22 =	simm.s32 $0x0;
	s5 =	sshll.u32 s5, $0x1;
	s6 =	sadd.s32 s21, s4  }
0x9d: {  	[timem:s22], [sflag:s7] =	dma.local [hbm:s6], s5  }
0x9e: {  	_ =	swait.ge [sflag:s7], s5  }
0x9f: {  	s5 =	ssub.s32 $0x0, s5;
	[sflag:s7] =	ssyncset.done $0x0  }
0xa0: {  	[sflag:s7] =	ssyncadd.s32 s5;
	_ =	sdelay $0x1  }
0xa1: {  	s23 =	simm.s32 $0x1B8B  }
0xa2: {  	_ =	swait.ge [sflag:s23], $0x1  }
0xa3: {  	[sflag:s23] =	ssyncset.done $0x0  }
0xa4: {  	[sflag:s23] =	ssyncadd.s32 $0xFFFFFFFF  }
0xa5: {  	s5 =	sld [smem:$0x0]  }
0xa6: {  	s6 =	sand.u32 $0xFFFFFFFE, s1  }
0xa7: {  	p0 =	sne.s32 s1, s6  }
0xa8: {  	s6 =	sshll.u32 @p0 s6, $0xE  }
0xa9: {  	s6 =	sadd.s32 @p0 $0x11B8D, s6;
	s7 =	sshll.u32 @p0 s5, $0x11  }
0xaa: {  	s6 =	sor.u32 @p0 s7, s6  }
0xab: {  	[sflag:s6] =	ssyncadd.remote.s32 @p0 $0x1;
	_ =	sdelay $0x1  }
0xac: {  	s6 =	simm.s32 @p0 $0x1B8D  }
0xad: {  	_ =	swait.eq @p0 [sflag:s6], $0x1  }
0xae: {  	[sflag:s6] =	ssyncadd.s32 @p0 $0xFFFFFFFF  }
0xaf: {  	s7 =	sshll.u32 @!p0 s1, $0xE  }
0xb0: {  	s7 =	sor.u32 @!p0 $0x4000, s7;
	s6 =	simm.s32 @!p0 $0x1B8D  }
0xb1: {  	s5 =	sshll.u32 @!p0 s5, $0x11;
	s7 =	sadd.s32 @!p0 $0x11B8D, s7;
	_ =	swait.eq @!p0 [sflag:s6], $0x1  }
0xb2: {  	s5 =	sor.u32 @!p0 s5, s7;
	[sflag:s6] =	ssyncadd.s32 @!p0 $0xFFFFFFFF  }
0xb3: {  	s25 =	simm.s32 $0x1B8E;
	s24 =	sld [smem:$0x3FFE];
	[sflag:s5] =	ssyncadd.remote.s32 @!p0 $0x1  }
0xb4: {  	s26 =	simm.s32 $execute0_lowered;
	[smem:$0x3FD2] =	sst s25  }
0xb5: {  	s6 =	sshll.u32 s26, $0x1;
	_ =	strace $0x8000005E;
	[dreg:$0x1] =	wrdreg $0xFFFFFFFF  }
0xb6: {  	s28 =	simm.s32 $_size_execute0_lowered;
	s4 =	sadd.s32 s4, s6;
	[dreg:$0x0] =	wrdreg $0x0  }
0xb7: {  	s6 =	sshll.u32 s28, $0x1;
	[dreg:$0x2] =	wrdreg s4  }
0xb8: {  	[dreg:$0x3] =	wrdreg s6  }
0xb9: {  	[dreg:$0x4] =	wrdreg $0xC0  }
0xba: {  	_ =	task [dreg:s22], $0x5FFFF  }
0xbb: {  	[dreg:$0x1] =	wrdreg $0xFFFFFFFF  }
0xbc: {  	[dreg:$0x0] =	wrdreg $0x60  }
0xbd: {  	[dreg:$0x2] =	wrdreg s24  }
0xbe: {  	[dreg:$0x3] =	wrdreg s18  }
0xbf: {  	[dreg:$0x4] =	wrdreg $0xA  }
0xc0: {  	_ =	task.clear_ibuf [dreg:s22], $0x5FFFF;
	_ =	strace $0x9000005E  }
0xc1: {  	s29 =	simm.s32 $0xA;
	_ =	strace $0x80000060  }
0xc2: {  	_ =	swait.ge [sflag:s29], $0x1  }
0xc3: {  	[sflag:s29] =	ssyncadd.s32 $0xFFFFFFFF  }
0xc4: {  	_ =	strace $0x90000060  }
0xc5: {  	_ =	sfence  }
0xc6: {  	s30 =	sld [smem:$0x0];
	_ =	sdelay $0x2  }
0xc7: {  	s31 =	sshll.u32 s1, $0xD;
	s1 =	sshrl.u32 s1, $0x2  }
0xc8: {  	s4 =	sand.u32 $0x4000, s31;
	s1 =	sadd.s32 s1, s30  }
0xc9: {  	s0 =	sor.u32 s4, s0;
	s1 =	sshll.u32 s1, $0x11  }
0xca: {  	s0 =	sor.u32 s1, s0  }
0xcb: {  	s0 =	sadd.s32 $0x8F2B, s0  }
0xcc: {  	[sflag:s0] =	ssyncadd.remote.s32 $0x1  }
0xcd: {  	_ =	sfence.sel $0xFFFF  }
0xce: {  	[dreg:$0x0] =	wrdreg $0xFFFFFFFF;
	(pc) =	sbr.abs _section_cstart, $3  }
0xcf: {  	[dreg:$0x1] =	wrdreg $0xFFFFFFFF  }
0xd0: {  	_ =	task.clear_ibuf [dreg:s22], $0x2FFFF;
	_ =	strace $0x9FFFFFFF  }
0xd1: {  	(tm) =	ssettm $0x7FFFFFFF  }
tec
execute0_lowered:
.L_overlay_start_1:
0x0: {  	(tag) =	ssettag $0x1  }
0x1: {  	s1 =	srdreg.scid;
	s5 =	rddreg [dreg:$0x0]  }
0x2: {  	s0 =	stileid.u32;
	s2 =	rddreg [dreg:$0x1];
	s6 =	simm.s32 $0x1  }
0x3: {  	s9 =	simm.s32 $0x1;
	s10 =	simm.s32 $0x3;
	s1 =	sshll.u32 s1, $0x7  }
0x4: {  	s13 =	simm.s32 $0x0;
	s3 =	sshll.u32 s0, $0x8;
	s4 =	sand.u32 $0x80, s1  }
0x5: {  	s12 =	simm.s32 $0x0;
	s1 =	rddreg [dreg:$0x2];
	s3 =	sor.u32 s3, s4  }
0x6: {  	_ =	strace $0x8000005F;
	s4 =	sadd.s32 $0xC00, s5;
	s8 =	ssub.s32 $0x2000, s3  }
.Ltmp0:
0x7: {  	s5 =	sadd.s32 $0x1000, s5;
	s7 =	sand.u32 $0xF80, s8;
	(pc) =	sbr.rel .LBB2_1-.Ltmp0, $4  }
0x8: {  	[sflag:s6] =	ssyncpa.u1 $0x0;
	s11 =	smov.u32 s3;
	p0 =	sne.s32 s7, $0x0  }
0x9: {  	s8 =	sshrl.u32 s8, $0xC;
	s7 =	simm.s32 $0x2;
	s9 =	simm.s32 @!p0 $0x0  }
0xa: {  	[sflag:s7] =	ssyncpa.u1 $0x0;
	p0 =	por $0x0, $0x0;
	s8 =	sadd.s32 s9, s8  }
0xb: {  	vm0 =	vmmov $0xffff;
	[sflag:s10] =	ssyncpa.u1 $0x0;
	s10 =	simm.s32 $0x0;
	s9 =	sadd.s32 $0x1, s8  }
.LBB2_4:
0xc: {  	v5 =	vld.msk [tilespmem:s18+$0x0 ss:$0x1], $0xffff  }
0xd: {  	v6 =	vand.u32 $0x3, v1;
	v7 =	vshrl.u32 v1, $0x2  }
0xe: {  	v3 =	vor.u32 v4, v3;
	vm1 =	veq.s32 v1, $0x80000000;
	v53 =	vand.u32 $0x7FF, v7  }
0xf: {  	v2 =	vor.u32 v2, v3;
	v54 =	vsel vm1, $0xFFFFFFFF, v6;
	v1 =	vsel vm1, $0xFFFFFFFF, v53  }
0x10: {  	v6 =	vshll.u32 v54, $0x7;
	v3 =	vand.u32 $0xFFFFE000, v54;
	v55 =	vand.u32 $0x7F, v1  }
0x11: {  	v1 =	vshll.u32 v1, $0x2;
	v6 =	vand.u32 $0x180, v6;
	v56 =	vshrl.u32 v5, $0x2  }
0x12: {  	v1 =	vand.u32 $0xFFFFFE00, v1;
	vm1 =	veq.s32 v5, $0x80000000;
	v57 =	vand.u32 $0x7FF, v56  }
0x13: {  	v1 =	vadd.s32 v3, v1;
	v5 =	vand.u32 $0x3, v5;
	v3 =	vsel vm1, $0xFFFFFFFF, v57  }
0x14: {  	v1 =	vor.u32 v6, v1;
	v5 =	vsel vm1, $0xFFFFFFFF, v5;
	v58 =	vshll.u32 v3, $0x2  }
0x15: {  	v59 =	vshll.u32 v5, $0x7;
	v5 =	vand.u32 $0xFFFFE000, v5;
	v6 =	vand.u32 $0xFFFFFE00, v58  }
0x16: {  	v1 =	vor.u32 v55, v1;
	v61 =	vand.u32 $0x180, v59;
	v60 =	vadd.s32 v5, v6  }
0x17: {  	[tilespmem:s16], [sflag:$0x1] =	stream.indirect_vreg.gather [hbm4b:s4+s10], $0x1, v0, vm0, $0x4038;
	v62 =	vand.u32 $0x7F, v3;
	v63 =	vor.u32 v61, v60;
	[tilespmem:$0x200] =	vst v63  }
0x18: {  	(ifvalue) =	ssetifvalue $0x7FFFFFFF;
	v0 =	vor.u32 v62, v63  }
0x19: {  	[tilespmem:s15], [sflag:$0x1] =	stream.indirect_vreg.gather [hbm4b:s4+s10], $0x1, v2, vm0, $0x4038;
	[tilespmem:$0x200] =	vst v63  }
0x1a: {  	s29 =	sadd.s32 $0x10, s15;
	(ifvalue) =	ssetifvalue $0x7FFFFFFF  }
0x1b: {  	[tilespmem:s29], [sflag:$0x1] =	stream.indirect_vreg.gather [hbm4b:s4+s10], $0x1, v1, vm0, $0x4038;
	[tilespmem:$0x200] =	vst v63  }
0x1c: {  	s15 =	sadd.s32 $0x10, s29;
	(ifvalue) =	ssetifvalue $0x7FFFFFFF  }
0x1d: {  	[tilespmem:s15], [sflag:$0x1] =	stream.indirect_vreg.gather [hbm4b:s4+s10], $0x1, v0, vm0, $0x4038;
	[tilespmem:$0x200] =	vst v63  }
0x1e: {  	_ =	swait.ge [sflag:s6], $0x80  }
0x1f: {  	s30 =	sshrl.u32 s13, $0x3;
	[sflag:s6] =	ssyncset.done $0x0  }
0x20: {  	s31 =	sand.u32 $0x7, s13;
	s15 =	sadd.s32 s2, s30;
	[sflag:s6] =	ssyncadd.s32 $0xFFFFFF80  }
0x21: {  	[hbm4b:s15+s31] =	stream.linear.scatter [tilespmem:s14], [sflag:$0x3], $0x80, $0x38;
	[tilespmem:$0x200] =	vst v63  }
.LBB2_5:
0x22: {  	s15 =	sadd.s32 $0x1000, s11  }
0x23: {  	p2 =	sgt.s32 s15, $0x1FFF  }
0x24: {  	s15 =	smov.u32 @p2 s3;
	p2 =	sne.s32 s12, s9  }
.Ltmp1:
0x25: {  	p1 =	slt.u32 s12, $0x2;
	(pc) =	sbr.rel @!p2 .LBB2_6-.Ltmp1, $4  }
0x26: {  	s14 =	simm.s32 @!p1 $0x3  }
0x27: {  	s16 =	sadd.s32 $0x1, s12;
	_ =	swait.ge @!p1 [sflag:s14], $0x80  }
0x28: {  	s13 =	smov.u32 s11;
	p0 =	por !p0, !p0;
	[sflag:s14] =	ssyncset.done @!p1 $0x0  }
0x29: {  	s12 =	smov.u32 s16;
	s11 =	smov.u32 s15;
	[sflag:s14] =	ssyncadd.s32 @!p1 $0xFFFFFF80  }
.LBB2_1:
0x2a: {  	p1 =	sge.u32 s12, s8  }
0x2b: {  	s14 =	sxor.u32 @!p1 $0xFFFFFFFF, s12  }
0x2c: {  	s31 =	sadd.s32 $0xFFFFFFFF, s12;
	s15 =	sshrl.u32 @!p1 s11, $0x3;
	s14 =	sshll.u32 @!p1 s14, $0x7  }
0x2d: {  	s16 =	sand.u32 @!p1 $0x7, s11;
	s15 =	sadd.s32 @!p1 s5, s15;
	s14 =	sand.u32 @!p1 $0x80, s14  }
0x2e: {  	[tilespmem:s14], [sflag:$0x2] =	stream.linear.gather @!p1 [hbm4b:s15+s16], $0x80, $0x38;
	[tilespmem:$0x200] =	vst v63  }
0x2f: {  	p1 =	sge.u32 s31, s8  }
.Ltmp2:
0x30: {  	_ = 	snop;
	(pc) =	sbr.rel @p1 .LBB2_5-.Ltmp2, $1  }
0x31: {  	_ =	sdelay $0x3  }
0x32: {  	s14 =	simm.s32 $0x1  }
0x33: {  	_ =	swait.ge [sflag:s7], $0x80;
	s14 =	simm.s32 @!p0 $0x0  }
0x34: {  	[sflag:s7] =	ssyncset.done $0x0;
	s14 =	sshll.u32 s14, $0x7  }
0x35: {  	[sflag:s7] =	ssyncadd.s32 $0xFFFFFF80;
	(ifvalue) =	ssetifvalue $0x7FFFFFFF;
	v0 =	vld.msk [tilespmem:s14+$0x0 ss:$0x1], $0xffff;
	_ =	sdelay $0x4  }
0x36: {  	s15 =	sadd.s32 $0x10, s14;
	v2 =	vshrl.u32 v0, $0x2  }
0x37: {  	v1 =	vld.msk [tilespmem:s15+$0x0 ss:$0x1], $0xffff;
	vm1 =	veq.s32 v0, $0x80000000;
	v2 =	vand.u32 $0x7FF, v2  }
0x38: {  	v0 =	vand.u32 $0x3, v0;
	v2 =	vsel vm1, $0xFFFFFFFF, v2  }
0x39: {  	v0 =	vsel vm1, $0xFFFFFFFF, v0;
	v3 =	vshll.u32 v2, $0x2  }
0x3a: {  	v4 =	vand.u32 $0xFFFFE000, v0;
	v0 =	vshll.u32 v0, $0x7;
	v3 =	vand.u32 $0xFFFFFE00, v3  }
0x3b: {  	v0 =	vand.u32 $0x180, v0;
	v3 =	vadd.s32 v4, v3  }
0x3c: {  	v2 =	vand.u32 $0x7F, v2;
	v4 =	vshrl.u32 v1, $0x2;
	v0 =	vor.u32 v0, v3  }
0x3d: {  	vm1 =	veq.s32 v1, $0x80000000;
	v4 =	vand.u32 $0x7FF, v4;
	v0 =	vor.u32 v2, v0  }
0x3e: {  	s16 =	sshll.u32 s12, $0x7;
	s15 =	sadd.s32 $0x10, s15;
	v1 =	vand.u32 $0x3, v1;
	v3 =	vsel vm1, $0xFFFFFFFF, v4  }
0x3f: {  	s17 =	sand.u32 $0x80, s16;
	v2 =	vsel vm1, $0xFFFFFFFF, v1;
	v1 =	vld.msk [tilespmem:s15+$0x0 ss:$0x1], $0xffff;
	v4 =	vshll.u32 v3, $0x2  }
0x40: {  	s16 =	sor.u32 $0x100, s14;
	s14 =	sor.u32 $0x100, s17;
	s17 =	simm.s32 $0x30;
	v5 =	vshll.u32 v2, $0x7;
	v6 =	vand.u32 $0xFFFFE000, v2;
	v4 =	vand.u32 $0xFFFFFE00, v4  }
0x41: {  	s18 =	sadd.s32 $0x10, s15;
	(ifvalue) =	ssetifvalue $0x7FFFFFFF;
	s15 =	sadd.s32 $0x10, s16;
	v2 =	vand.u32 $0x7F, v3;
	v3 =	vadd.s32 v6, v4;
	v4 =	vand.u32 $0x180, v5  }
.LBB2_3:
0x42: {  	[tilespmem:s16], [sflag:$0x1] =	stream.indirect_vreg.gather [hbm4b:s4+s10], $0x1, v0, vm0, $0x4038;
	[tilespmem:$0x200] =	vst v63  }
0x43: {  	s17 =	sadd.s32 $0x10, s17  }
0x44: {  	v5 =	vand.u32 $0x3, v1;
	v6 =	vshrl.u32 v1, $0x2;
	v3 =	vor.u32 v4, v3;
	v0 =	vmovc v1;
	v1 =	vld.msk [tilespmem:s18+$0x0 ss:$0x1], $0xffff;
	p1 =	slt.u32 s17, $0x70  }
.Ltmp3:
0x45: {  	s16 =	smov.u32 s15;
	vm1 =	veq.s32 v0, $0x80000000;
	v4 =	vand.u32 $0x7FF, v6;
	v0 =	vor.u32 v2, v3;
	(pc) =	sbr.rel @p1 .LBB2_3-.Ltmp3, $4  }
0x46: {  	v3 =	vsel vm1, $0xFFFFFFFF, v5;
	v4 =	vsel vm1, $0xFFFFFFFF, v4  }
0x47: {  	v2 =	vand.u32 $0x7F, v4;
	v4 =	vshll.u32 v4, $0x2;
	v5 =	vshll.u32 v3, $0x7  }
0x48: {  	v3 =	vand.u32 $0xFFFFE000, v3;
	v4 =	vand.u32 $0xFFFFFE00, v4  }
0x49: {  	s18 =	sadd.s32 $0x10, s18;
	s15 =	sadd.s32 $0x10, s15;
	v3 =	vadd.s32 v3, v4;
	v4 =	vand.u32 $0x180, v5;
	(ifvalue) =	ssetifvalue $0x7FFFFFFF  }
.Ltmp4:
0x4a: {  	_ = 	snop;
	(pc) =	sbr.rel .LBB2_4-.Ltmp4, $1  }
0x4b: {  	_ =	sdelay $0x3  }
.LBB2_6:
0x4c: {  	_ =	sfence.sel $0x180000  }
0x4d: {  	s2 =	simm.s32 $0x2;
	[bflag:$0x0] =	sbarrier.arrive $0xFFFF  }
0x4e: {  	s30 =	simm.s32 $0x3;
	[sflag:s2] =	ssyncpa.u1 $0x1  }
0x4f: {  	s31 =	simm.s32 $0x1;
	[sflag:s30] =	ssyncpa.u1 $0x1  }
0x50: {  	[sflag:s31] =	ssyncpa.u1 $0x1  }
0x51: {  	p0 =	sne.s32 s0, $0x0;
	_ =	strace $0x9000005F  }
0x52: {  	s0 =	sadd.s32 @!p0 $0x100000, s1;
	[bflag:$0x2] =	sbarrier.arrive $0xFFFF  }
0x53: {  	[sflag:s0] =	ssyncadd.tile.s32 @!p0 $0x1;
	_ =	shalt  }
.Lfunc_end2:
_tile_overlayer_lowered:
.L_overlay_start_2:
0x54: {  	(tag) =	ssettag $0x2  }
0x55: {  	s0 =	rddreg [dreg:$0x0];
	s2 =	stileid.u32  }
0x56: {  	s1 =	rddreg [dreg:$0x1];
	p0 =	sne.s32 s2, $0x0  }
0x57: {  	s3 =	rddreg [dreg:$0x2];
	[bflag:$0x3] =	sbarrier.arrive $0xFFFF;
	s2 =	simm.s32 @!p0 $0x1C01  }
0x58: {  	[timem:s3], [sflag:s2] =	dma.local @!p0 [hbm:s0], s1  }
0x59: {  	s0 =	simm.s32 @!p0 $0x1  }
0x5a: {  	_ =	swait.ge @!p0 [sflag:s0], s1  }
0x5b: {  	s1 =	ssub.s32 @!p0 $0x0, s1;
	[sflag:s0] =	ssyncset.done @!p0 $0x0  }
0x5c: {  	[sflag:s0] =	ssyncadd.s32 @!p0 s1  }
0x5d: {  	[bflag:$0x3] =	sbarrier.arrive $0xFFFF  }
0x5e: {  	_ =	shalt  }

// kernel: gather_offload_async_start.8
scs
__scs_entry_jumppad:
0x0: {  	(pc) =	sbr.rel $0x88, $3  }
0x1: {  	(tag) =	ssettag $0x0;
	lr =	simm.s32 $0x1  }
0x2: {  	[smem:$0x3F9C] =	sst lr;
	_ =	strace $0xD0000000  }
0x3: {  	_ = 	snop  }
0x4: {  	_ = 	snop  }
0x5: {  	_ = 	snop  }
0x6: {  	_ = 	snop  }
0x7: {  	_ = 	snop  }
__scs_overlays_trampoline_lowered:
0x8: {  	[smem:$0x3FAB] =	sst s0  }
0x9: {  	[smem:$0x3FAC] =	sst s1  }
0xa: {  	[smem:$0x3FAD] =	sst s2  }
0xb: {  	[smem:$0x3FAE] =	sst s3  }
0xc: {  	[smem:$0x3FAF] =	sst s4  }
0xd: {  	[smem:$0x3FB0] =	sst s5  }
0xe: {  	[smem:$0x3FB1] =	sst s6  }
0xf: {  	[smem:$0x3FB2] =	sst s7  }
0x10: {  	[smem:$0x3FB3] =	sst s8  }
0x11: {  	[smem:$0x3FB4] =	sst s9;
	s0 =	simm.s32 @!p0 $0x0  }
0x12: {  	s1 =	sld [smem:$0x3F9A];
	s0 =	simm.s32 @p0 $0x1  }
0x13: {  	[smem:$0x3FB5] =	sst s0;
	s0 =	simm.s32 @!p1 $0x0  }
0x14: {  	s2 =	sld [smem:$0x3F99];
	s0 =	simm.s32 @p1 $0x1  }
0x15: {  	[smem:$0x3FB6] =	sst s0;
	s0 =	simm.s32 @!p2 $0x0  }
0x16: {  	s3 =	sld [smem:$0x3FDB];
	s0 =	simm.s32 @p2 $0x1  }
0x17: {  	s4 =	simm.s32 $0x1BF5;
	[smem:$0x3FB8] =	sst s0  }
0x18: {  	s0 =	sld [smem:$0x3F9B];
	_ =	swait.ge [sflag:s4], $0x0  }
0x19: {  	s7 =	sld [smem:$0x3F9C]  }
0x1a: {  	s8 =	sadd.s32 $0xFFFFE003, lr  }
0x1b: {  	s9 =	sadd.s32 $0xFFFFFEF7, lr;
	s5 =	simm.s32 $0xFFFFFFFF;
	p2 =	slt.u32 s8, $0xFFFFF086  }
0x1c: {  	p1 =	slt.u32 s9, $0xF7A;
	s5 =	simm.s32 @!p2 $0x0  }
0x1d: {  	s5 =	simm.s32 @p1 $0x1;
	p0 =	seq.s32 s7, s2  }
0x1e: {  	s7 =	smul.u32 @!p0 $0xF7A, s2;
	p2 =	seq.s32 @!p0 s5, $0x0  }
0x1f: {  	s9 =	smul.u32 $0xF7A, s1;
	s8 =	simm.s32 @!p0 $0x1BF5;
	p2 =	por !p2, p0  }
0x20: {  	[sflag:s8] =	ssyncset.s32 @!p0 $0xFFFFF086;
	s6 =	sadd.s32 @!p0 s3, s7;
	s7 =	simm.s32 @!p0 $0x108  }
0x21: {  	s3 =	sadd.s32 s3, s9;
	s6 =	sadd.s32 @!p0 $0x88, s6;
	s7 =	simm.s32 @p2 $0x1082  }
0x22: {  	[simem:s7], [sflag:s8] =	dma.local @!p0 [hbm:s6], $0xF7A  }
0x23: {  	s9 =	sor.u32 $0xD0000000, s2;
	s6 =	simm.s32 $0x108;
	_ =	swait.ge @!p0 [sflag:s8], $0x0  }
0x24: {  	s3 =	sadd.s32 $0x88, s3;
	s6 =	simm.s32 @!p1 $0x1082;
	[sflag:s4] =	ssyncset.s32 $0xFFFFF086  }
0x25: {  	[simem:s6], [sflag:s4] =	dma.local [hbm:s3], $0xF7A  }
0x26: {  	[smem:$0x3F9C] =	sst s1;
	(tag) =	ssettag s2;
	_ =	strace s9  }
0x27: {  	s1 =	sld [smem:$0x3FAC]  }
0x28: {  	s2 =	sld [smem:$0x3FAD]  }
0x29: {  	s4 =	sld [smem:$0x3FAF]  }
0x2a: {  	p0 =	seq.s32 s5, $0x0;
	s5 =	sld [smem:$0x3FB0]  }
0x2b: {  	s6 =	sld [smem:$0x3FB1]  }
0x2c: {  	s7 =	sld [smem:$0x3FB2]  }
0x2d: {  	s3 =	simm.s32 $0x108;
	s8 =	sld [smem:$0x3FB3]  }
0x2e: {  	s3 =	simm.s32 @!p0 $0x1082;
	s9 =	sld [smem:$0x3FB4]  }
0x2f: {  	lr =	sadd.s32 s0, s3;
	s0 =	sld [smem:$0x3FAB]  }
0x30: {  	s3 =	sld [smem:$0x3FAE]  }
0x31: {  	[smem:$0x3FB7] =	sst s10  }
0x32: {  	s10 =	sld [smem:$0x3FB5];
	_ =	sdelay $0x3  }
0x33: {  	p0 =	seq.s32 s10, $0x1;
	s10 =	sld [smem:$0x3FB7];
	_ =	sdelay $0x3  }
0x34: {  	[smem:$0x3FB7] =	sst s10  }
0x35: {  	s10 =	sld [smem:$0x3FB6];
	_ =	sdelay $0x3  }
0x36: {  	p1 =	seq.s32 s10, $0x1;
	s10 =	sld [smem:$0x3FB7];
	_ =	sdelay $0x3  }
0x37: {  	[smem:$0x3FB7] =	sst s10  }
0x38: {  	s10 =	sld [smem:$0x3FB8]  }
0x39: {  	_ = 	snop;
	(pc) =	sbr.ind lr, $3  }
0x3a: {  	_ = 	snop  }
0x3b: {  	_ = 	snop  }
0x3c: {  	p2 =	seq.s32 s10, $0x1;
	s10 =	sld [smem:$0x3FB7]  }
0x3d: {  	_ =	shalt  }
0x3e: {  	_ =	shalt  }
0x3f: {  	_ =	shalt  }
0x40: {  	_ =	shalt  }
0x41: {  	_ =	shalt  }
0x42: {  	_ =	shalt  }
0x43: {  	_ =	shalt  }
0x44: {  	_ =	shalt  }
0x45: {  	_ =	shalt  }
0x46: {  	_ =	shalt  }
0x47: {  	_ =	shalt  }
0x48: {  	_ =	shalt  }
0x49: {  	_ =	shalt  }
0x4a: {  	_ =	shalt  }
0x4b: {  	_ =	shalt  }
0x4c: {  	_ =	shalt  }
0x4d: {  	_ =	shalt  }
0x4e: {  	_ =	shalt  }
0x4f: {  	_ =	shalt  }
0x50: {  	_ =	shalt  }
0x51: {  	_ =	shalt  }
0x52: {  	_ =	shalt  }
0x53: {  	_ =	shalt  }
0x54: {  	_ =	shalt  }
0x55: {  	_ =	shalt  }
0x56: {  	_ =	shalt  }
0x57: {  	_ =	shalt  }
0x58: {  	_ =	shalt  }
0x59: {  	_ =	shalt  }
0x5a: {  	_ =	shalt  }
0x5b: {  	_ =	shalt  }
0x5c: {  	_ =	shalt  }
0x5d: {  	_ =	shalt  }
0x5e: {  	_ =	shalt  }
0x5f: {  	_ =	shalt  }
0x60: {  	_ =	shalt  }
0x61: {  	_ =	shalt  }
0x62: {  	_ =	shalt  }
0x63: {  	_ =	shalt  }
0x64: {  	_ =	shalt  }
0x65: {  	_ =	shalt  }
0x66: {  	_ =	shalt  }
0x67: {  	_ =	shalt  }
0x68: {  	_ =	shalt  }
0x69: {  	_ =	shalt  }
0x6a: {  	_ =	shalt  }
0x6b: {  	_ =	shalt  }
0x6c: {  	_ =	shalt  }
0x6d: {  	_ =	shalt  }
0x6e: {  	_ =	shalt  }
0x6f: {  	_ =	shalt  }
0x70: {  	_ =	shalt  }
0x71: {  	_ =	shalt  }
0x72: {  	_ =	shalt  }
0x73: {  	_ =	shalt  }
0x74: {  	_ =	shalt  }
0x75: {  	_ =	shalt  }
0x76: {  	_ =	shalt  }
0x77: {  	_ =	shalt  }
0x78: {  	_ =	shalt  }
0x79: {  	_ =	shalt  }
0x7a: {  	_ =	shalt  }
0x7b: {  	_ =	shalt  }
0x7c: {  	_ =	shalt  }
0x7d: {  	_ =	shalt  }
0x7e: {  	_ =	shalt  }
0x7f: {  	_ =	shalt  }
0x80: {  	_ =	shalt  }
0x81: {  	_ =	shalt  }
0x82: {  	_ =	shalt  }
0x83: {  	_ =	shalt  }
0x84: {  	_ =	shalt  }
0x85: {  	_ =	shalt  }
0x86: {  	_ =	shalt  }
0x87: {  	_ =	shalt  }
.Lfunc_end0:
.L_simem_size_0:
called_computation.8_lowered:
.L_overlay_start_0:
0x88: {  	s2 =	sld [smem:$0x3FD9]  }
0x89: {  	s3 =	sld [smem:$0x3FFE];
	_ =	sdelay $0x1  }
0x8a: {  	s1 =	srdreg.scid  }
0x8b: {  	s0 =	sand.u32 $0x1, s1  }
0x8c: {  	s17 =	sshll.u32 s0, $0xA;
	s2 =	sadd.s32 s3, s2  }
0x8d: {  	s2 =	sadd.s32 s2, s17  }
0x8e: {  	[smem:$0x3FC3] =	sst s2  }
0x8f: {  	_ = 	snop  }
0x90: {  	(tm) =	ssettm $0x1  }
0x91: {  	s18 =	sld [smem:$0x3FFB];
	_ =	sdelay $0x3  }
0x92: {  	_ =	strace s18  }
0x93: {  	s2 =	sld [smem:$0x3FFC];
	_ =	sdelay $0x3  }
0x94: {  	_ =	strace s2  }
0x95: {  	s2 =	sld [smem:$0x3FFD];
	_ =	sdelay $0x3  }
0x96: {  	_ =	strace s2  }
0x97: {  	_ =	strace $0x8FFFFFFF  }
0x98: {  	s19 =	sld [smem:$0x3FDB];
	_ =	sdelay $0x1  }
0x99: {  	s20 =	simm.s32 $_scs_section_size  }
0x9a: {  	s4 =	simm.s32 $_size__tile_overlayer_lowered;
	s5 =	simm.s32 $_tile_overlayer_lowered  }
0x9b: {  	s6 =	simm.s32 $0x1BFF;
	s21 =	sshll.u32 s5, $0x1;
	s3 =	sadd.s32 s20, s19  }
0x9c: {  	s22 =	simm.s32 $0x0;
	s4 =	sshll.u32 s4, $0x1;
	s5 =	sadd.s32 s21, s3  }
0x9d: {  	[timem:s22], [sflag:s6] =	dma.local [hbm:s5], s4  }
0x9e: {  	_ =	swait.ge [sflag:s6], s4  }
0x9f: {  	s4 =	ssub.s32 $0x0, s4;
	[sflag:s6] =	ssyncset.done $0x0  }
0xa0: {  	[sflag:s6] =	ssyncadd.s32 s4;
	_ =	sdelay $0x1  }
0xa1: {  	s23 =	simm.s32 $0x1B8B  }
0xa2: {  	_ =	swait.ge [sflag:s23], $0x1  }
0xa3: {  	[sflag:s23] =	ssyncset.done $0x0  }
0xa4: {  	[sflag:s23] =	ssyncadd.s32 $0xFFFFFFFF  }
0xa5: {  	s4 =	sld [smem:$0x0]  }
0xa6: {  	s5 =	sand.u32 $0xFFFFFFFE, s1  }
0xa7: {  	p0 =	sne.s32 s1, s5  }
0xa8: {  	s5 =	sshll.u32 @p0 s5, $0xE  }
0xa9: {  	s5 =	sadd.s32 @p0 $0x11B8D, s5;
	s6 =	sshll.u32 @p0 s4, $0x11  }
0xaa: {  	s5 =	sor.u32 @p0 s6, s5  }
0xab: {  	[sflag:s5] =	ssyncadd.remote.s32 @p0 $0x1;
	_ =	sdelay $0x1  }
0xac: {  	s5 =	simm.s32 @p0 $0x1B8D  }
0xad: {  	_ =	swait.eq @p0 [sflag:s5], $0x1  }
0xae: {  	[sflag:s5] =	ssyncadd.s32 @p0 $0xFFFFFFFF  }
0xaf: {  	s6 =	sshll.u32 @!p0 s1, $0xE  }
0xb0: {  	s6 =	sor.u32 @!p0 $0x4000, s6;
	s5 =	simm.s32 @!p0 $0x1B8D  }
0xb1: {  	s4 =	sshll.u32 @!p0 s4, $0x11;
	s6 =	sadd.s32 @!p0 $0x11B8D, s6;
	_ =	swait.eq @!p0 [sflag:s5], $0x1  }
0xb2: {  	s4 =	sor.u32 @!p0 s4, s6;
	[sflag:s5] =	ssyncadd.s32 @!p0 $0xFFFFFFFF  }
0xb3: {  	s25 =	simm.s32 $0x1B8E;
	s24 =	sld [smem:$0x3FFE];
	[sflag:s4] =	ssyncadd.remote.s32 @!p0 $0x1  }
0xb4: {  	s26 =	simm.s32 $execute0_lowered;
	[smem:$0x3FD2] =	sst s25  }
0xb5: {  	s5 =	sshll.u32 s26, $0x1;
	_ =	strace $0x8000005B;
	[dreg:$0x1] =	wrdreg $0xFFFFFFFF  }
0xb6: {  	s28 =	simm.s32 $_size_execute0_lowered;
	s3 =	sadd.s32 s3, s5;
	[dreg:$0x0] =	wrdreg $0x0  }
0xb7: {  	s5 =	sshll.u32 s28, $0x1;
	[dreg:$0x2] =	wrdreg s3  }
0xb8: {  	[dreg:$0x3] =	wrdreg s5  }
0xb9: {  	[dreg:$0x4] =	wrdreg $0xC0  }
0xba: {  	_ =	task [dreg:s22], $0x5FFFF  }
0xbb: {  	[dreg:$0x1] =	wrdreg $0xFFFFFFFF  }
0xbc: {  	[dreg:$0x0] =	wrdreg $0x60  }
0xbd: {  	[dreg:$0x2] =	wrdreg s24  }
0xbe: {  	[dreg:$0x3] =	wrdreg $0x9  }
0xbf: {  	_ =	task.clear_ibuf [dreg:s22], $0x4FFFF;
	_ =	strace $0x9000005B  }
0xc0: {  	s29 =	simm.s32 $0x9;
	_ =	strace $0x8000005D  }
0xc1: {  	_ =	swait.ge [sflag:s29], $0x1  }
0xc2: {  	[sflag:s29] =	ssyncadd.s32 $0xFFFFFFFF  }
0xc3: {  	_ =	strace $0x9000005D  }
0xc4: {  	_ =	sfence  }
0xc5: {  	s30 =	sld [smem:$0x0];
	_ =	sdelay $0x2  }
0xc6: {  	s31 =	sshll.u32 s1, $0xD;
	s1 =	sshrl.u32 s1, $0x2  }
0xc7: {  	s4 =	sand.u32 $0x4000, s31;
	s1 =	sadd.s32 s1, s30  }
0xc8: {  	s0 =	sor.u32 s4, s0;
	s1 =	sshll.u32 s1, $0x11  }
0xc9: {  	s0 =	sor.u32 s1, s0  }
0xca: {  	s0 =	sadd.s32 $0x8F2B, s0  }
0xcb: {  	[sflag:s0] =	ssyncadd.remote.s32 $0x1  }
0xcc: {  	_ =	sfence.sel $0xFFFF  }
0xcd: {  	[dreg:$0x0] =	wrdreg $0xFFFFFFFF;
	(pc) =	sbr.abs _section_cstart, $3  }
0xce: {  	[dreg:$0x1] =	wrdreg $0xFFFFFFFF  }
0xcf: {  	_ =	task.clear_ibuf [dreg:s22], $0x2FFFF;
	_ =	strace $0x9FFFFFFF  }
0xd0: {  	(tm) =	ssettm $0x7FFFFFFF  }
0xd1: {  	_ =	shalt  }
tec
execute0_lowered:
.L_overlay_start_1:
0x0: {  	(tag) =	ssettag $0x1  }
0x1: {  	s0 =	srdreg.scid;
	s5 =	rddreg [dreg:$0x0]  }
0x2: {  	s1 =	stileid.u32;
	s6 =	simm.s32 $0x1;
	s9 =	simm.s32 $0x1  }
0x3: {  	s10 =	simm.s32 $0x3;
	s13 =	simm.s32 $0x0;
	s2 =	sshll.u32 s0, $0x7  }
0x4: {  	s12 =	simm.s32 $0x0;
	s3 =	sshll.u32 s1, $0x8;
	s2 =	sand.u32 $0x80, s2  }
0x5: {  	s0 =	rddreg [dreg:$0x1];
	_ =	strace $0x8000005C;
	s2 =	sor.u32 s3, s2  }
0x6: {  	s4 =	sadd.s32 $0x1000, s5;
	[sflag:s6] =	ssyncpa.u1 $0x0;
	s8 =	ssub.s32 $0x2000, s2  }
.Ltmp0:
0x7: {  	s3 =	sadd.s32 $0x800, s5;
	s7 =	sand.u32 $0xF80, s8;
	(pc) =	sbr.rel .LBB2_1-.Ltmp0, $4  }
0x8: {  	s5 =	sadd.s32 $0x2600, s5;
	s11 =	smov.u32 s2;
	p0 =	sne.s32 s7, $0x0  }
0x9: {  	s8 =	sshrl.u32 s8, $0xC;
	s7 =	simm.s32 $0x2;
	s9 =	simm.s32 @!p0 $0x0  }
0xa: {  	[sflag:s7] =	ssyncpa.u1 $0x0;
	p0 =	por $0x0, $0x0;
	s8 =	sadd.s32 s9, s8  }
0xb: {  	vm0 =	vmmov $0xffff;
	[sflag:s10] =	ssyncpa.u1 $0x0;
	s10 =	simm.s32 $0x0;
	s9 =	sadd.s32 $0x1, s8  }
.LBB2_4:
0xc: {  	v5 =	vld.msk [tilespmem:s18+$0x0 ss:$0x1], $0xffff  }
0xd: {  	v6 =	vand.u32 $0x3, v1;
	v7 =	vshrl.u32 v1, $0x2  }
0xe: {  	v3 =	vor.u32 v4, v3;
	vm1 =	veq.s32 v1, $0x80000000;
	v53 =	vand.u32 $0x7FF, v7  }
0xf: {  	v2 =	vor.u32 v2, v3;
	v54 =	vsel vm1, $0xFFFFFFFF, v6;
	v1 =	vsel vm1, $0xFFFFFFFF, v53  }
0x10: {  	v6 =	vshll.u32 v54, $0x7;
	v3 =	vand.u32 $0xFFFFE000, v54;
	v55 =	vand.u32 $0x7F, v1  }
0x11: {  	v1 =	vshll.u32 v1, $0x2;
	v6 =	vand.u32 $0x180, v6;
	v56 =	vshrl.u32 v5, $0x2  }
0x12: {  	v1 =	vand.u32 $0xFFFFFE00, v1;
	vm1 =	veq.s32 v5, $0x80000000;
	v57 =	vand.u32 $0x7FF, v56  }
0x13: {  	v1 =	vadd.s32 v3, v1;
	v5 =	vand.u32 $0x3, v5;
	v3 =	vsel vm1, $0xFFFFFFFF, v57  }
0x14: {  	v1 =	vor.u32 v6, v1;
	v5 =	vsel vm1, $0xFFFFFFFF, v5;
	v58 =	vshll.u32 v3, $0x2  }
0x15: {  	v59 =	vshll.u32 v5, $0x7;
	v5 =	vand.u32 $0xFFFFE000, v5;
	v6 =	vand.u32 $0xFFFFFE00, v58  }
0x16: {  	v1 =	vor.u32 v55, v1;
	v61 =	vand.u32 $0x180, v59;
	v60 =	vadd.s32 v5, v6  }
0x17: {  	[tilespmem:s16], [sflag:$0x1] =	stream.indirect_vreg.gather [hbm4b:s3+s10], $0x1, v0, vm0, $0x4038;
	v62 =	vand.u32 $0x7F, v3;
	v63 =	vor.u32 v61, v60;
	[tilespmem:$0x200] =	vst v63  }
0x18: {  	(ifvalue) =	ssetifvalue $0x7FFFFFFF;
	v0 =	vor.u32 v62, v63  }
0x19: {  	[tilespmem:s15], [sflag:$0x1] =	stream.indirect_vreg.gather [hbm4b:s3+s10], $0x1, v2, vm0, $0x4038;
	[tilespmem:$0x200] =	vst v63  }
0x1a: {  	s29 =	sadd.s32 $0x10, s15;
	(ifvalue) =	ssetifvalue $0x7FFFFFFF  }
0x1b: {  	[tilespmem:s29], [sflag:$0x1] =	stream.indirect_vreg.gather [hbm4b:s3+s10], $0x1, v1, vm0, $0x4038;
	[tilespmem:$0x200] =	vst v63  }
0x1c: {  	s15 =	sadd.s32 $0x10, s29;
	(ifvalue) =	ssetifvalue $0x7FFFFFFF  }
0x1d: {  	[tilespmem:s15], [sflag:$0x1] =	stream.indirect_vreg.gather [hbm4b:s3+s10], $0x1, v0, vm0, $0x4038;
	[tilespmem:$0x200] =	vst v63  }
0x1e: {  	_ =	swait.ge [sflag:s6], $0x80  }
0x1f: {  	s30 =	sshrl.u32 s13, $0x3;
	[sflag:s6] =	ssyncset.done $0x0  }
0x20: {  	s31 =	sand.u32 $0x7, s13;
	s15 =	sadd.s32 s5, s30;
	[sflag:s6] =	ssyncadd.s32 $0xFFFFFF80  }
0x21: {  	[hbm4b:s15+s31] =	stream.linear.scatter [tilespmem:s14], [sflag:$0x3], $0x80, $0x38;
	[tilespmem:$0x200] =	vst v63  }
.LBB2_5:
0x22: {  	s15 =	sadd.s32 $0x1000, s11  }
0x23: {  	p2 =	sgt.s32 s15, $0x1FFF  }
0x24: {  	s15 =	smov.u32 @p2 s2;
	p2 =	sne.s32 s12, s9  }
.Ltmp1:
0x25: {  	p1 =	slt.u32 s12, $0x2;
	(pc) =	sbr.rel @!p2 .LBB2_6-.Ltmp1, $4  }
0x26: {  	s14 =	simm.s32 @!p1 $0x3  }
0x27: {  	s16 =	sadd.s32 $0x1, s12;
	_ =	swait.ge @!p1 [sflag:s14], $0x80  }
0x28: {  	s13 =	smov.u32 s11;
	p0 =	por !p0, !p0;
	[sflag:s14] =	ssyncset.done @!p1 $0x0  }
0x29: {  	s12 =	smov.u32 s16;
	s11 =	smov.u32 s15;
	[sflag:s14] =	ssyncadd.s32 @!p1 $0xFFFFFF80  }
.LBB2_1:
0x2a: {  	p1 =	sge.u32 s12, s8  }
0x2b: {  	s14 =	sxor.u32 @!p1 $0xFFFFFFFF, s12  }
0x2c: {  	s31 =	sadd.s32 $0xFFFFFFFF, s12;
	s15 =	sshrl.u32 @!p1 s11, $0x3;
	s14 =	sshll.u32 @!p1 s14, $0x7  }
0x2d: {  	s16 =	sand.u32 @!p1 $0x7, s11;
	s15 =	sadd.s32 @!p1 s4, s15;
	s14 =	sand.u32 @!p1 $0x80, s14  }
0x2e: {  	[tilespmem:s14], [sflag:$0x2] =	stream.linear.gather @!p1 [hbm4b:s15+s16], $0x80, $0x38;
	[tilespmem:$0x200] =	vst v63  }
0x2f: {  	p1 =	sge.u32 s31, s8  }
.Ltmp2:
0x30: {  	_ = 	snop;
	(pc) =	sbr.rel @p1 .LBB2_5-.Ltmp2, $1  }
0x31: {  	_ =	sdelay $0x3  }
0x32: {  	s14 =	simm.s32 $0x1  }
0x33: {  	_ =	swait.ge [sflag:s7], $0x80;
	s14 =	simm.s32 @!p0 $0x0  }
0x34: {  	[sflag:s7] =	ssyncset.done $0x0;
	s14 =	sshll.u32 s14, $0x7  }
0x35: {  	[sflag:s7] =	ssyncadd.s32 $0xFFFFFF80;
	(ifvalue) =	ssetifvalue $0x7FFFFFFF;
	v0 =	vld.msk [tilespmem:s14+$0x0 ss:$0x1], $0xffff;
	_ =	sdelay $0x4  }
0x36: {  	s15 =	sadd.s32 $0x10, s14;
	v2 =	vshrl.u32 v0, $0x2  }
0x37: {  	v1 =	vld.msk [tilespmem:s15+$0x0 ss:$0x1], $0xffff;
	vm1 =	veq.s32 v0, $0x80000000;
	v2 =	vand.u32 $0x7FF, v2  }
0x38: {  	v0 =	vand.u32 $0x3, v0;
	v2 =	vsel vm1, $0xFFFFFFFF, v2  }
0x39: {  	v0 =	vsel vm1, $0xFFFFFFFF, v0;
	v3 =	vshll.u32 v2, $0x2  }
0x3a: {  	v4 =	vand.u32 $0xFFFFE000, v0;
	v0 =	vshll.u32 v0, $0x7;
	v3 =	vand.u32 $0xFFFFFE00, v3  }
0x3b: {  	v0 =	vand.u32 $0x180, v0;
	v3 =	vadd.s32 v4, v3  }
0x3c: {  	v2 =	vand.u32 $0x7F, v2;
	v4 =	vshrl.u32 v1, $0x2;
	v0 =	vor.u32 v0, v3  }
0x3d: {  	vm1 =	veq.s32 v1, $0x80000000;
	v4 =	vand.u32 $0x7FF, v4;
	v0 =	vor.u32 v2, v0  }
0x3e: {  	s16 =	sshll.u32 s12, $0x7;
	s15 =	sadd.s32 $0x10, s15;
	v1 =	vand.u32 $0x3, v1;
	v3 =	vsel vm1, $0xFFFFFFFF, v4  }
0x3f: {  	s17 =	sand.u32 $0x80, s16;
	v2 =	vsel vm1, $0xFFFFFFFF, v1;
	v1 =	vld.msk [tilespmem:s15+$0x0 ss:$0x1], $0xffff;
	v4 =	vshll.u32 v3, $0x2  }
0x40: {  	s16 =	sor.u32 $0x100, s14;
	s14 =	sor.u32 $0x100, s17;
	s17 =	simm.s32 $0x30;
	v5 =	vshll.u32 v2, $0x7;
	v6 =	vand.u32 $0xFFFFE000, v2;
	v4 =	vand.u32 $0xFFFFFE00, v4  }
0x41: {  	s18 =	sadd.s32 $0x10, s15;
	(ifvalue) =	ssetifvalue $0x7FFFFFFF;
	s15 =	sadd.s32 $0x10, s16;
	v2 =	vand.u32 $0x7F, v3;
	v3 =	vadd.s32 v6, v4;
	v4 =	vand.u32 $0x180, v5  }
.LBB2_3:
0x42: {  	[tilespmem:s16], [sflag:$0x1] =	stream.indirect_vreg.gather [hbm4b:s3+s10], $0x1, v0, vm0, $0x4038;
	[tilespmem:$0x200] =	vst v63  }
0x43: {  	s17 =	sadd.s32 $0x10, s17  }
0x44: {  	v5 =	vand.u32 $0x3, v1;
	v6 =	vshrl.u32 v1, $0x2;
	v3 =	vor.u32 v4, v3;
	v0 =	vmovc v1;
	v1 =	vld.msk [tilespmem:s18+$0x0 ss:$0x1], $0xffff;
	p1 =	slt.u32 s17, $0x70  }
.Ltmp3:
0x45: {  	s16 =	smov.u32 s15;
	vm1 =	veq.s32 v0, $0x80000000;
	v4 =	vand.u32 $0x7FF, v6;
	v0 =	vor.u32 v2, v3;
	(pc) =	sbr.rel @p1 .LBB2_3-.Ltmp3, $4  }
0x46: {  	v3 =	vsel vm1, $0xFFFFFFFF, v5;
	v4 =	vsel vm1, $0xFFFFFFFF, v4  }
0x47: {  	v2 =	vand.u32 $0x7F, v4;
	v4 =	vshll.u32 v4, $0x2;
	v5 =	vshll.u32 v3, $0x7  }
0x48: {  	v3 =	vand.u32 $0xFFFFE000, v3;
	v4 =	vand.u32 $0xFFFFFE00, v4  }
0x49: {  	s18 =	sadd.s32 $0x10, s18;
	s15 =	sadd.s32 $0x10, s15;
	v3 =	vadd.s32 v3, v4;
	v4 =	vand.u32 $0x180, v5;
	(ifvalue) =	ssetifvalue $0x7FFFFFFF  }
.Ltmp4:
0x4a: {  	_ = 	snop;
	(pc) =	sbr.rel .LBB2_4-.Ltmp4, $1  }
0x4b: {  	_ =	sdelay $0x3  }
.LBB2_6:
0x4c: {  	_ =	sfence.sel $0x180000  }
0x4d: {  	s2 =	simm.s32 $0x2;
	[bflag:$0x0] =	sbarrier.arrive $0xFFFF  }
0x4e: {  	s30 =	simm.s32 $0x3;
	[sflag:s2] =	ssyncpa.u1 $0x1  }
0x4f: {  	s31 =	simm.s32 $0x1;
	[sflag:s30] =	ssyncpa.u1 $0x1  }
0x50: {  	[sflag:s31] =	ssyncpa.u1 $0x1  }
0x51: {  	p0 =	sne.s32 s1, $0x0;
	_ =	strace $0x9000005C  }
0x52: {  	s0 =	sadd.s32 @!p0 $0x100000, s0;
	[bflag:$0x2] =	sbarrier.arrive $0xFFFF  }
0x53: {  	[sflag:s0] =	ssyncadd.tile.s32 @!p0 $0x1;
	_ =	shalt  }
.Lfunc_end2:
_tile_overlayer_lowered:
.L_overlay_start_2:
0x54: {  	(tag) =	ssettag $0x2  }
0x55: {  	s0 =	rddreg [dreg:$0x0];
	s2 =	stileid.u32  }
0x56: {  	s1 =	rddreg [dreg:$0x1];
	p0 =	sne.s32 s2, $0x0  }
0x57: {  	s3 =	rddreg [dreg:$0x2];
	[bflag:$0x3] =	sbarrier.arrive $0xFFFF;
	s2 =	simm.s32 @!p0 $0x1C01  }
0x58: {  	[timem:s3], [sflag:s2] =	dma.local @!p0 [hbm:s0], s1  }
0x59: {  	s0 =	simm.s32 @!p0 $0x1  }
0x5a: {  	_ =	swait.ge @!p0 [sflag:s0], s1  }
0x5b: {  	s1 =	ssub.s32 @!p0 $0x0, s1;
	[sflag:s0] =	ssyncset.done @!p0 $0x0  }
0x5c: {  	[sflag:s0] =	ssyncadd.s32 @!p0 s1  }
0x5d: {  	[bflag:$0x3] =	sbarrier.arrive $0xFFFF  }
0x5e: {  	_ =	shalt  }

// kernel: gather_offload_async_start.9
scs
__scs_entry_jumppad:
0x0: {  	(pc) =	sbr.rel $0x88, $3  }
0x1: {  	(tag) =	ssettag $0x0;
	lr =	simm.s32 $0x1  }
0x2: {  	[smem:$0x3F9C] =	sst lr;
	_ =	strace $0xD0000000  }
0x3: {  	_ = 	snop  }
0x4: {  	_ = 	snop  }
0x5: {  	_ = 	snop  }
0x6: {  	_ = 	snop  }
0x7: {  	_ = 	snop  }
__scs_overlays_trampoline_lowered:
0x8: {  	[smem:$0x3FAB] =	sst s0  }
0x9: {  	[smem:$0x3FAC] =	sst s1  }
0xa: {  	[smem:$0x3FAD] =	sst s2  }
0xb: {  	[smem:$0x3FAE] =	sst s3  }
0xc: {  	[smem:$0x3FAF] =	sst s4  }
0xd: {  	[smem:$0x3FB0] =	sst s5  }
0xe: {  	[smem:$0x3FB1] =	sst s6  }
0xf: {  	[smem:$0x3FB2] =	sst s7  }
0x10: {  	[smem:$0x3FB3] =	sst s8  }
0x11: {  	[smem:$0x3FB4] =	sst s9;
	s0 =	simm.s32 @!p0 $0x0  }
0x12: {  	s1 =	sld [smem:$0x3F9A];
	s0 =	simm.s32 @p0 $0x1  }
0x13: {  	[smem:$0x3FB5] =	sst s0;
	s0 =	simm.s32 @!p1 $0x0  }
0x14: {  	s2 =	sld [smem:$0x3F99];
	s0 =	simm.s32 @p1 $0x1  }
0x15: {  	[smem:$0x3FB6] =	sst s0;
	s0 =	simm.s32 @!p2 $0x0  }
0x16: {  	s3 =	sld [smem:$0x3FDB];
	s0 =	simm.s32 @p2 $0x1  }
0x17: {  	s4 =	simm.s32 $0x1BF5;
	[smem:$0x3FB8] =	sst s0  }
0x18: {  	s0 =	sld [smem:$0x3F9B];
	_ =	swait.ge [sflag:s4], $0x0  }
0x19: {  	s7 =	sld [smem:$0x3F9C]  }
0x1a: {  	s8 =	sadd.s32 $0xFFFFE003, lr  }
0x1b: {  	s9 =	sadd.s32 $0xFFFFFEF7, lr;
	s5 =	simm.s32 $0xFFFFFFFF;
	p2 =	slt.u32 s8, $0xFFFFF086  }
0x1c: {  	p1 =	slt.u32 s9, $0xF7A;
	s5 =	simm.s32 @!p2 $0x0  }
0x1d: {  	s5 =	simm.s32 @p1 $0x1;
	p0 =	seq.s32 s7, s2  }
0x1e: {  	s7 =	smul.u32 @!p0 $0xF7A, s2;
	p2 =	seq.s32 @!p0 s5, $0x0  }
0x1f: {  	s9 =	smul.u32 $0xF7A, s1;
	s8 =	simm.s32 @!p0 $0x1BF5;
	p2 =	por !p2, p0  }
0x20: {  	[sflag:s8] =	ssyncset.s32 @!p0 $0xFFFFF086;
	s6 =	sadd.s32 @!p0 s3, s7;
	s7 =	simm.s32 @!p0 $0x108  }
0x21: {  	s3 =	sadd.s32 s3, s9;
	s6 =	sadd.s32 @!p0 $0x88, s6;
	s7 =	simm.s32 @p2 $0x1082  }
0x22: {  	[simem:s7], [sflag:s8] =	dma.local @!p0 [hbm:s6], $0xF7A  }
0x23: {  	s9 =	sor.u32 $0xD0000000, s2;
	s6 =	simm.s32 $0x108;
	_ =	swait.ge @!p0 [sflag:s8], $0x0  }
0x24: {  	s3 =	sadd.s32 $0x88, s3;
	s6 =	simm.s32 @!p1 $0x1082;
	[sflag:s4] =	ssyncset.s32 $0xFFFFF086  }
0x25: {  	[simem:s6], [sflag:s4] =	dma.local [hbm:s3], $0xF7A  }
0x26: {  	[smem:$0x3F9C] =	sst s1;
	(tag) =	ssettag s2;
	_ =	strace s9  }
0x27: {  	s1 =	sld [smem:$0x3FAC]  }
0x28: {  	s2 =	sld [smem:$0x3FAD]  }
0x29: {  	s4 =	sld [smem:$0x3FAF]  }
0x2a: {  	p0 =	seq.s32 s5, $0x0;
	s5 =	sld [smem:$0x3FB0]  }
0x2b: {  	s6 =	sld [smem:$0x3FB1]  }
0x2c: {  	s7 =	sld [smem:$0x3FB2]  }
0x2d: {  	s3 =	simm.s32 $0x108;
	s8 =	sld [smem:$0x3FB3]  }
0x2e: {  	s3 =	simm.s32 @!p0 $0x1082;
	s9 =	sld [smem:$0x3FB4]  }
0x2f: {  	lr =	sadd.s32 s0, s3;
	s0 =	sld [smem:$0x3FAB]  }
0x30: {  	s3 =	sld [smem:$0x3FAE]  }
0x31: {  	[smem:$0x3FB7] =	sst s10  }
0x32: {  	s10 =	sld [smem:$0x3FB5];
	_ =	sdelay $0x3  }
0x33: {  	p0 =	seq.s32 s10, $0x1;
	s10 =	sld [smem:$0x3FB7];
	_ =	sdelay $0x3  }
0x34: {  	[smem:$0x3FB7] =	sst s10  }
0x35: {  	s10 =	sld [smem:$0x3FB6];
	_ =	sdelay $0x3  }
0x36: {  	p1 =	seq.s32 s10, $0x1;
	s10 =	sld [smem:$0x3FB7];
	_ =	sdelay $0x3  }
0x37: {  	[smem:$0x3FB7] =	sst s10  }
0x38: {  	s10 =	sld [smem:$0x3FB8]  }
0x39: {  	_ = 	snop;
	(pc) =	sbr.ind lr, $3  }
0x3a: {  	_ = 	snop  }
0x3b: {  	_ = 	snop  }
0x3c: {  	p2 =	seq.s32 s10, $0x1;
	s10 =	sld [smem:$0x3FB7]  }
0x3d: {  	_ =	shalt  }
0x3e: {  	_ =	shalt  }
0x3f: {  	_ =	shalt  }
0x40: {  	_ =	shalt  }
0x41: {  	_ =	shalt  }
0x42: {  	_ =	shalt  }
0x43: {  	_ =	shalt  }
0x44: {  	_ =	shalt  }
0x45: {  	_ =	shalt  }
0x46: {  	_ =	shalt  }
0x47: {  	_ =	shalt  }
0x48: {  	_ =	shalt  }
0x49: {  	_ =	shalt  }
0x4a: {  	_ =	shalt  }
0x4b: {  	_ =	shalt  }
0x4c: {  	_ =	shalt  }
0x4d: {  	_ =	shalt  }
0x4e: {  	_ =	shalt  }
0x4f: {  	_ =	shalt  }
0x50: {  	_ =	shalt  }
0x51: {  	_ =	shalt  }
0x52: {  	_ =	shalt  }
0x53: {  	_ =	shalt  }
0x54: {  	_ =	shalt  }
0x55: {  	_ =	shalt  }
0x56: {  	_ =	shalt  }
0x57: {  	_ =	shalt  }
0x58: {  	_ =	shalt  }
0x59: {  	_ =	shalt  }
0x5a: {  	_ =	shalt  }
0x5b: {  	_ =	shalt  }
0x5c: {  	_ =	shalt  }
0x5d: {  	_ =	shalt  }
0x5e: {  	_ =	shalt  }
0x5f: {  	_ =	shalt  }
0x60: {  	_ =	shalt  }
0x61: {  	_ =	shalt  }
0x62: {  	_ =	shalt  }
0x63: {  	_ =	shalt  }
0x64: {  	_ =	shalt  }
0x65: {  	_ =	shalt  }
0x66: {  	_ =	shalt  }
0x67: {  	_ =	shalt  }
0x68: {  	_ =	shalt  }
0x69: {  	_ =	shalt  }
0x6a: {  	_ =	shalt  }
0x6b: {  	_ =	shalt  }
0x6c: {  	_ =	shalt  }
0x6d: {  	_ =	shalt  }
0x6e: {  	_ =	shalt  }
0x6f: {  	_ =	shalt  }
0x70: {  	_ =	shalt  }
0x71: {  	_ =	shalt  }
0x72: {  	_ =	shalt  }
0x73: {  	_ =	shalt  }
0x74: {  	_ =	shalt  }
0x75: {  	_ =	shalt  }
0x76: {  	_ =	shalt  }
0x77: {  	_ =	shalt  }
0x78: {  	_ =	shalt  }
0x79: {  	_ =	shalt  }
0x7a: {  	_ =	shalt  }
0x7b: {  	_ =	shalt  }
0x7c: {  	_ =	shalt  }
0x7d: {  	_ =	shalt  }
0x7e: {  	_ =	shalt  }
0x7f: {  	_ =	shalt  }
0x80: {  	_ =	shalt  }
0x81: {  	_ =	shalt  }
0x82: {  	_ =	shalt  }
0x83: {  	_ =	shalt  }
0x84: {  	_ =	shalt  }
0x85: {  	_ =	shalt  }
0x86: {  	_ =	shalt  }
0x87: {  	_ =	shalt  }
.Lfunc_end0:
.L_simem_size_0:
called_computation.9_lowered:
.L_overlay_start_0:
0x88: {  	s2 =	sld [smem:$0x3FD9]  }
0x89: {  	s3 =	sld [smem:$0x3FFE];
	_ =	sdelay $0x1  }
0x8a: {  	s1 =	srdreg.scid  }
0x8b: {  	s0 =	sand.u32 $0x1, s1  }
0x8c: {  	s17 =	sshll.u32 s0, $0xA;
	s2 =	sadd.s32 s3, s2  }
0x8d: {  	s2 =	sadd.s32 s2, s17  }
0x8e: {  	[smem:$0x3FC3] =	sst s2  }
0x8f: {  	_ = 	snop  }
0x90: {  	s2 =	sld [smem:$0x3FD0];
	(tm) =	ssettm $0x1  }
0x91: {  	s18 =	sld [smem:$0x3FFB];
	_ =	sdelay $0x3  }
0x92: {  	_ =	strace s18  }
0x93: {  	s3 =	sld [smem:$0x3FFC];
	_ =	sdelay $0x3  }
0x94: {  	_ =	strace s3  }
0x95: {  	s3 =	sld [smem:$0x3FFD];
	_ =	sdelay $0x3  }
0x96: {  	_ =	strace s3  }
0x97: {  	_ =	strace $0x8FFFFFFF  }
0x98: {  	s19 =	sld [smem:$0x3FDB];
	_ =	sdelay $0x1  }
0x99: {  	s4 =	simm.s32 $_scs_section_size  }
0x9a: {  	s5 =	simm.s32 $_size__tile_overlayer_lowered;
	s6 =	simm.s32 $_tile_overlayer_lowered  }
0x9b: {  	s22 =	simm.s32 $0x1BFF;
	s21 =	sshll.u32 s6, $0x1;
	s3 =	sadd.s32 s4, s19  }
0x9c: {  	s7 =	simm.s32 $0x0;
	s20 =	sshll.u32 s5, $0x1;
	s5 =	sadd.s32 s21, s3  }
0x9d: {  	[timem:s7], [sflag:s22] =	dma.local [hbm:s5], s20  }
0x9e: {  	_ =	swait.ge [sflag:s22], s20  }
0x9f: {  	s4 =	ssub.s32 $0x0, s20;
	[sflag:s22] =	ssyncset.done $0x0  }
0xa0: {  	[sflag:s22] =	ssyncadd.s32 s4;
	_ =	sdelay $0x1  }
0xa1: {  	s23 =	simm.s32 $0x1B8B  }
0xa2: {  	_ =	swait.ge [sflag:s23], $0x1  }
0xa3: {  	[sflag:s23] =	ssyncset.done $0x0  }
0xa4: {  	s25 =	simm.s32 $0x1B8E;
	s24 =	sld [smem:$0x3FFE];
	[sflag:s23] =	ssyncadd.s32 $0xFFFFFFFF  }
0xa5: {  	s26 =	simm.s32 $execute0_lowered;
	[smem:$0x3FD2] =	sst s25  }
0xa6: {  	s5 =	sshll.u32 s26, $0x1;
	_ =	strace $0x80000058;
	[dreg:$0x1] =	wrdreg $0xFFFFFFFF  }
0xa7: {  	s28 =	simm.s32 $_size_execute0_lowered;
	s3 =	sadd.s32 s3, s5;
	[dreg:$0x0] =	wrdreg $0x0  }
0xa8: {  	s5 =	sshll.u32 s28, $0x1;
	[dreg:$0x2] =	wrdreg s3  }
0xa9: {  	[dreg:$0x3] =	wrdreg s5  }
0xaa: {  	[dreg:$0x4] =	wrdreg $0xC0  }
0xab: {  	_ =	task [dreg:s7], $0x5FFFF  }
0xac: {  	[dreg:$0x1] =	wrdreg $0xFFFFFFFF  }
0xad: {  	[dreg:$0x0] =	wrdreg $0x60  }
0xae: {  	[dreg:$0x2] =	wrdreg s2  }
0xaf: {  	[dreg:$0x3] =	wrdreg s24  }
0xb0: {  	[dreg:$0x4] =	wrdreg $0xA  }
0xb1: {  	_ =	task.clear_ibuf [dreg:s7], $0x5FFFF;
	_ =	strace $0x90000058  }
0xb2: {  	s29 =	simm.s32 $0xA;
	_ =	strace $0x8000005A  }
0xb3: {  	_ =	swait.ge [sflag:s29], $0x1  }
0xb4: {  	[sflag:s29] =	ssyncadd.s32 $0xFFFFFFFF  }
0xb5: {  	_ =	strace $0x9000005A  }
0xb6: {  	_ =	sfence  }
0xb7: {  	s30 =	sld [smem:$0x0];
	_ =	sdelay $0x2  }
0xb8: {  	s31 =	sshll.u32 s1, $0xD;
	s1 =	sshrl.u32 s1, $0x2  }
0xb9: {  	s3 =	sand.u32 $0x4000, s31;
	s1 =	sadd.s32 s1, s30  }
0xba: {  	s0 =	sor.u32 s3, s0;
	s1 =	sshll.u32 s1, $0x11  }
0xbb: {  	s0 =	sor.u32 s1, s0  }
0xbc: {  	s0 =	sadd.s32 $0x8F2B, s0  }
0xbd: {  	[sflag:s0] =	ssyncadd.remote.s32 $0x1  }
0xbe: {  	_ =	sfence.sel $0xFFFF  }
0xbf: {  	[dreg:$0x0] =	wrdreg $0xFFFFFFFF;
	(pc) =	sbr.abs _section_cstart, $3  }
0xc0: {  	[dreg:$0x1] =	wrdreg $0xFFFFFFFF  }
0xc1: {  	_ =	task.clear_ibuf [dreg:s7], $0x2FFFF;
	_ =	strace $0x9FFFFFFF  }
0xc2: {  	(tm) =	ssettm $0x7FFFFFFF  }
0xc3: {  	_ =	shalt  }
tec
execute0_lowered:
.L_overlay_start_1:
0x0: {  	(tag) =	ssettag $0x1  }
0x1: {  	s1 =	srdreg.scid;
	s2 =	rddreg [dreg:$0x0]  }
0x2: {  	s0 =	stileid.u32;
	s5 =	rddreg [dreg:$0x1];
	s6 =	simm.s32 $0x1  }
0x3: {  	s9 =	simm.s32 $0x1;
	s10 =	simm.s32 $0x3;
	s1 =	sshll.u32 s1, $0x7  }
0x4: {  	s13 =	simm.s32 $0x0;
	s3 =	sshll.u32 s0, $0x8;
	s4 =	sand.u32 $0x80, s1  }
0x5: {  	s12 =	simm.s32 $0x0;
	s1 =	rddreg [dreg:$0x2];
	s3 =	sor.u32 s3, s4  }
0x6: {  	_ =	strace $0x80000059;
	s4 =	sadd.s32 $0x1000, s5;
	s8 =	ssub.s32 $0x2000, s3  }
.Ltmp0:
0x7: {  	s5 =	sadd.s32 $0x1E00, s5;
	s7 =	sand.u32 $0xF80, s8;
	(pc) =	sbr.rel .LBB2_1-.Ltmp0, $4  }
0x8: {  	[sflag:s6] =	ssyncpa.u1 $0x0;
	s11 =	smov.u32 s3;
	p0 =	sne.s32 s7, $0x0  }
0x9: {  	s8 =	sshrl.u32 s8, $0xC;
	s7 =	simm.s32 $0x2;
	s9 =	simm.s32 @!p0 $0x0  }
0xa: {  	[sflag:s7] =	ssyncpa.u1 $0x0;
	p0 =	por $0x0, $0x0;
	s8 =	sadd.s32 s9, s8  }
0xb: {  	vm0 =	vmmov $0xffff;
	[sflag:s10] =	ssyncpa.u1 $0x0;
	s10 =	simm.s32 $0x0;
	s9 =	sadd.s32 $0x1, s8  }
.LBB2_4:
0xc: {  	v5 =	vld.msk [tilespmem:s18+$0x0 ss:$0x1], $0xffff  }
0xd: {  	v6 =	vand.u32 $0x3, v1;
	v7 =	vshrl.u32 v1, $0x2  }
0xe: {  	v3 =	vor.u32 v4, v3;
	vm1 =	veq.s32 v1, $0x80000000;
	v53 =	vand.u32 $0x7FF, v7  }
0xf: {  	v2 =	vor.u32 v2, v3;
	v54 =	vsel vm1, $0xFFFFFFFF, v6;
	v1 =	vsel vm1, $0xFFFFFFFF, v53  }
0x10: {  	v6 =	vshll.u32 v54, $0x7;
	v3 =	vand.u32 $0xFFFFE000, v54;
	v55 =	vand.u32 $0x7F, v1  }
0x11: {  	v1 =	vshll.u32 v1, $0x2;
	v6 =	vand.u32 $0x180, v6;
	v56 =	vshrl.u32 v5, $0x2  }
0x12: {  	v1 =	vand.u32 $0xFFFFFE00, v1;
	vm1 =	veq.s32 v5, $0x80000000;
	v57 =	vand.u32 $0x7FF, v56  }
0x13: {  	v1 =	vadd.s32 v3, v1;
	v5 =	vand.u32 $0x3, v5;
	v3 =	vsel vm1, $0xFFFFFFFF, v57  }
0x14: {  	v1 =	vor.u32 v6, v1;
	v5 =	vsel vm1, $0xFFFFFFFF, v5;
	v58 =	vshll.u32 v3, $0x2  }
0x15: {  	v59 =	vshll.u32 v5, $0x7;
	v5 =	vand.u32 $0xFFFFE000, v5;
	v6 =	vand.u32 $0xFFFFFE00, v58  }
0x16: {  	v1 =	vor.u32 v55, v1;
	v61 =	vand.u32 $0x180, v59;
	v60 =	vadd.s32 v5, v6  }
0x17: {  	[tilespmem:s16], [sflag:$0x1] =	stream.indirect_vreg.gather [hbm4b:s2+s10], $0x1, v0, vm0, $0x4038;
	v62 =	vand.u32 $0x7F, v3;
	v63 =	vor.u32 v61, v60;
	[tilespmem:$0x200] =	vst v63  }
0x18: {  	(ifvalue) =	ssetifvalue $0x7FFFFFFF;
	v0 =	vor.u32 v62, v63  }
0x19: {  	[tilespmem:s15], [sflag:$0x1] =	stream.indirect_vreg.gather [hbm4b:s2+s10], $0x1, v2, vm0, $0x4038;
	[tilespmem:$0x200] =	vst v63  }
0x1a: {  	s29 =	sadd.s32 $0x10, s15;
	(ifvalue) =	ssetifvalue $0x7FFFFFFF  }
0x1b: {  	[tilespmem:s29], [sflag:$0x1] =	stream.indirect_vreg.gather [hbm4b:s2+s10], $0x1, v1, vm0, $0x4038;
	[tilespmem:$0x200] =	vst v63  }
0x1c: {  	s15 =	sadd.s32 $0x10, s29;
	(ifvalue) =	ssetifvalue $0x7FFFFFFF  }
0x1d: {  	[tilespmem:s15], [sflag:$0x1] =	stream.indirect_vreg.gather [hbm4b:s2+s10], $0x1, v0, vm0, $0x4038;
	[tilespmem:$0x200] =	vst v63  }
0x1e: {  	_ =	swait.ge [sflag:s6], $0x80  }
0x1f: {  	s30 =	sshrl.u32 s13, $0x3;
	[sflag:s6] =	ssyncset.done $0x0  }
0x20: {  	s31 =	sand.u32 $0x7, s13;
	s15 =	sadd.s32 s5, s30;
	[sflag:s6] =	ssyncadd.s32 $0xFFFFFF80  }
0x21: {  	[hbm4b:s15+s31] =	stream.linear.scatter [tilespmem:s14], [sflag:$0x3], $0x80, $0x38;
	[tilespmem:$0x200] =	vst v63  }
.LBB2_5:
0x22: {  	s15 =	sadd.s32 $0x1000, s11  }
0x23: {  	p2 =	sgt.s32 s15, $0x1FFF  }
0x24: {  	s15 =	smov.u32 @p2 s3;
	p2 =	sne.s32 s12, s9  }
.Ltmp1:
0x25: {  	p1 =	slt.u32 s12, $0x2;
	(pc) =	sbr.rel @!p2 .LBB2_6-.Ltmp1, $4  }
0x26: {  	s14 =	simm.s32 @!p1 $0x3  }
0x27: {  	s16 =	sadd.s32 $0x1, s12;
	_ =	swait.ge @!p1 [sflag:s14], $0x80  }
0x28: {  	s13 =	smov.u32 s11;
	p0 =	por !p0, !p0;
	[sflag:s14] =	ssyncset.done @!p1 $0x0  }
0x29: {  	s12 =	smov.u32 s16;
	s11 =	smov.u32 s15;
	[sflag:s14] =	ssyncadd.s32 @!p1 $0xFFFFFF80  }
.LBB2_1:
0x2a: {  	p1 =	sge.u32 s12, s8  }
0x2b: {  	s14 =	sxor.u32 @!p1 $0xFFFFFFFF, s12  }
0x2c: {  	s31 =	sadd.s32 $0xFFFFFFFF, s12;
	s15 =	sshrl.u32 @!p1 s11, $0x3;
	s14 =	sshll.u32 @!p1 s14, $0x7  }
0x2d: {  	s16 =	sand.u32 @!p1 $0x7, s11;
	s15 =	sadd.s32 @!p1 s4, s15;
	s14 =	sand.u32 @!p1 $0x80, s14  }
0x2e: {  	[tilespmem:s14], [sflag:$0x2] =	stream.linear.gather @!p1 [hbm4b:s15+s16], $0x80, $0x38;
	[tilespmem:$0x200] =	vst v63  }
0x2f: {  	p1 =	sge.u32 s31, s8  }
.Ltmp2:
0x30: {  	_ = 	snop;
	(pc) =	sbr.rel @p1 .LBB2_5-.Ltmp2, $1  }
0x31: {  	_ =	sdelay $0x3  }
0x32: {  	s14 =	simm.s32 $0x1  }
0x33: {  	_ =	swait.ge [sflag:s7], $0x80;
	s14 =	simm.s32 @!p0 $0x0  }
0x34: {  	[sflag:s7] =	ssyncset.done $0x0;
	s14 =	sshll.u32 s14, $0x7  }
0x35: {  	[sflag:s7] =	ssyncadd.s32 $0xFFFFFF80;
	(ifvalue) =	ssetifvalue $0x7FFFFFFF;
	v0 =	vld.msk [tilespmem:s14+$0x0 ss:$0x1], $0xffff;
	_ =	sdelay $0x4  }
0x36: {  	s15 =	sadd.s32 $0x10, s14;
	v2 =	vshrl.u32 v0, $0x2  }
0x37: {  	v1 =	vld.msk [tilespmem:s15+$0x0 ss:$0x1], $0xffff;
	vm1 =	veq.s32 v0, $0x80000000;
	v2 =	vand.u32 $0x7FF, v2  }
0x38: {  	v0 =	vand.u32 $0x3, v0;
	v2 =	vsel vm1, $0xFFFFFFFF, v2  }
0x39: {  	v0 =	vsel vm1, $0xFFFFFFFF, v0;
	v3 =	vshll.u32 v2, $0x2  }
0x3a: {  	v4 =	vand.u32 $0xFFFFE000, v0;
	v0 =	vshll.u32 v0, $0x7;
	v3 =	vand.u32 $0xFFFFFE00, v3  }
0x3b: {  	v0 =	vand.u32 $0x180, v0;
	v3 =	vadd.s32 v4, v3  }
0x3c: {  	v2 =	vand.u32 $0x7F, v2;
	v4 =	vshrl.u32 v1, $0x2;
	v0 =	vor.u32 v0, v3  }
0x3d: {  	vm1 =	veq.s32 v1, $0x80000000;
	v4 =	vand.u32 $0x7FF, v4;
	v0 =	vor.u32 v2, v0  }
0x3e: {  	s16 =	sshll.u32 s12, $0x7;
	s15 =	sadd.s32 $0x10, s15;
	v1 =	vand.u32 $0x3, v1;
	v3 =	vsel vm1, $0xFFFFFFFF, v4  }
0x3f: {  	s17 =	sand.u32 $0x80, s16;
	v2 =	vsel vm1, $0xFFFFFFFF, v1;
	v1 =	vld.msk [tilespmem:s15+$0x0 ss:$0x1], $0xffff;
	v4 =	vshll.u32 v3, $0x2  }
0x40: {  	s16 =	sor.u32 $0x100, s14;
	s14 =	sor.u32 $0x100, s17;
	s17 =	simm.s32 $0x30;
	v5 =	vshll.u32 v2, $0x7;
	v6 =	vand.u32 $0xFFFFE000, v2;
	v4 =	vand.u32 $0xFFFFFE00, v4  }
0x41: {  	s18 =	sadd.s32 $0x10, s15;
	(ifvalue) =	ssetifvalue $0x7FFFFFFF;
	s15 =	sadd.s32 $0x10, s16;
	v2 =	vand.u32 $0x7F, v3;
	v3 =	vadd.s32 v6, v4;
	v4 =	vand.u32 $0x180, v5  }
.LBB2_3:
0x42: {  	[tilespmem:s16], [sflag:$0x1] =	stream.indirect_vreg.gather [hbm4b:s2+s10], $0x1, v0, vm0, $0x4038;
	[tilespmem:$0x200] =	vst v63  }
0x43: {  	s17 =	sadd.s32 $0x10, s17  }
0x44: {  	v5 =	vand.u32 $0x3, v1;
	v6 =	vshrl.u32 v1, $0x2;
	v3 =	vor.u32 v4, v3;
	v0 =	vmovc v1;
	v1 =	vld.msk [tilespmem:s18+$0x0 ss:$0x1], $0xffff;
	p1 =	slt.u32 s17, $0x70  }
.Ltmp3:
0x45: {  	s16 =	smov.u32 s15;
	vm1 =	veq.s32 v0, $0x80000000;
	v4 =	vand.u32 $0x7FF, v6;
	v0 =	vor.u32 v2, v3;
	(pc) =	sbr.rel @p1 .LBB2_3-.Ltmp3, $4  }
0x46: {  	v3 =	vsel vm1, $0xFFFFFFFF, v5;
	v4 =	vsel vm1, $0xFFFFFFFF, v4  }
0x47: {  	v2 =	vand.u32 $0x7F, v4;
	v4 =	vshll.u32 v4, $0x2;
	v5 =	vshll.u32 v3, $0x7  }
0x48: {  	v3 =	vand.u32 $0xFFFFE000, v3;
	v4 =	vand.u32 $0xFFFFFE00, v4  }
0x49: {  	s18 =	sadd.s32 $0x10, s18;
	s15 =	sadd.s32 $0x10, s15;
	v3 =	vadd.s32 v3, v4;
	v4 =	vand.u32 $0x180, v5;
	(ifvalue) =	ssetifvalue $0x7FFFFFFF  }
.Ltmp4:
0x4a: {  	_ = 	snop;
	(pc) =	sbr.rel .LBB2_4-.Ltmp4, $1  }
0x4b: {  	_ =	sdelay $0x3  }
.LBB2_6:
0x4c: {  	_ =	sfence.sel $0x180000  }
0x4d: {  	s2 =	simm.s32 $0x2;
	[bflag:$0x0] =	sbarrier.arrive $0xFFFF  }
0x4e: {  	s30 =	simm.s32 $0x3;
	[sflag:s2] =	ssyncpa.u1 $0x1  }
0x4f: {  	s31 =	simm.s32 $0x1;
	[sflag:s30] =	ssyncpa.u1 $0x1  }
0x50: {  	[sflag:s31] =	ssyncpa.u1 $0x1  }
0x51: {  	p0 =	sne.s32 s0, $0x0;
	_ =	strace $0x90000059  }
0x52: {  	s0 =	sadd.s32 @!p0 $0x100000, s1;
	[bflag:$0x2] =	sbarrier.arrive $0xFFFF  }
0x53: {  	[sflag:s0] =	ssyncadd.tile.s32 @!p0 $0x1;
	_ =	shalt  }
.Lfunc_end2:
_tile_overlayer_lowered:
.L_overlay_start_2:
0x54: {  	(tag) =	ssettag $0x2  }
0x55: {  	s0 =	rddreg [dreg:$0x0];
	s2 =	stileid.u32  }
0x56: {  	s1 =	rddreg [dreg:$0x1];
	p0 =	sne.s32 s2, $0x0  }
0x57: {  	s3 =	rddreg [dreg:$0x2];
	[bflag:$0x3] =	sbarrier.arrive $0xFFFF;
	s2 =	simm.s32 @!p0 $0x1C01  }
0x58: {  	[timem:s3], [sflag:s2] =	dma.local @!p0 [hbm:s0], s1  }
0x59: {  	s0 =	simm.s32 @!p0 $0x1  }
0x5a: {  	_ =	swait.ge @!p0 [sflag:s0], s1  }
0x5b: {  	s1 =	ssub.s32 @!p0 $0x0, s1;
	[sflag:s0] =	ssyncset.done @!p0 $0x0  }
0x5c: {  	[sflag:s0] =	ssyncadd.s32 @!p0 s1  }
0x5d: {  	[bflag:$0x3] =	sbarrier.arrive $0xFFFF  }
0x5e: {  	_ =	shalt  }

// kernel: gather_offload_async_start
scs
__scs_entry_jumppad:
0x0: {  	(pc) =	sbr.rel $0x88, $3  }
0x1: {  	(tag) =	ssettag $0x0;
	lr =	simm.s32 $0x1  }
0x2: {  	[smem:$0x3F9C] =	sst lr;
	_ =	strace $0xD0000000  }
0x3: {  	_ = 	snop  }
0x4: {  	_ = 	snop  }
0x5: {  	_ = 	snop  }
0x6: {  	_ = 	snop  }
0x7: {  	_ = 	snop  }
__scs_overlays_trampoline_lowered:
0x8: {  	[smem:$0x3FAB] =	sst s0  }
0x9: {  	[smem:$0x3FAC] =	sst s1  }
0xa: {  	[smem:$0x3FAD] =	sst s2  }
0xb: {  	[smem:$0x3FAE] =	sst s3  }
0xc: {  	[smem:$0x3FAF] =	sst s4  }
0xd: {  	[smem:$0x3FB0] =	sst s5  }
0xe: {  	[smem:$0x3FB1] =	sst s6  }
0xf: {  	[smem:$0x3FB2] =	sst s7  }
0x10: {  	[smem:$0x3FB3] =	sst s8  }
0x11: {  	[smem:$0x3FB4] =	sst s9;
	s0 =	simm.s32 @!p0 $0x0  }
0x12: {  	s1 =	sld [smem:$0x3F9A];
	s0 =	simm.s32 @p0 $0x1  }
0x13: {  	[smem:$0x3FB5] =	sst s0;
	s0 =	simm.s32 @!p1 $0x0  }
0x14: {  	s2 =	sld [smem:$0x3F99];
	s0 =	simm.s32 @p1 $0x1  }
0x15: {  	[smem:$0x3FB6] =	sst s0;
	s0 =	simm.s32 @!p2 $0x0  }
0x16: {  	s3 =	sld [smem:$0x3FDB];
	s0 =	simm.s32 @p2 $0x1  }
0x17: {  	s4 =	simm.s32 $0x1BF5;
	[smem:$0x3FB8] =	sst s0  }
0x18: {  	s0 =	sld [smem:$0x3F9B];
	_ =	swait.ge [sflag:s4], $0x0  }
0x19: {  	s7 =	sld [smem:$0x3F9C]  }
0x1a: {  	s8 =	sadd.s32 $0xFFFFE003, lr  }
0x1b: {  	s9 =	sadd.s32 $0xFFFFFEF7, lr;
	s5 =	simm.s32 $0xFFFFFFFF;
	p2 =	slt.u32 s8, $0xFFFFF086  }
0x1c: {  	p1 =	slt.u32 s9, $0xF7A;
	s5 =	simm.s32 @!p2 $0x0  }
0x1d: {  	s5 =	simm.s32 @p1 $0x1;
	p0 =	seq.s32 s7, s2  }
0x1e: {  	s7 =	smul.u32 @!p0 $0xF7A, s2;
	p2 =	seq.s32 @!p0 s5, $0x0  }
0x1f: {  	s9 =	smul.u32 $0xF7A, s1;
	s8 =	simm.s32 @!p0 $0x1BF5;
	p2 =	por !p2, p0  }
0x20: {  	[sflag:s8] =	ssyncset.s32 @!p0 $0xFFFFF086;
	s6 =	sadd.s32 @!p0 s3, s7;
	s7 =	simm.s32 @!p0 $0x108  }
0x21: {  	s3 =	sadd.s32 s3, s9;
	s6 =	sadd.s32 @!p0 $0x88, s6;
	s7 =	simm.s32 @p2 $0x1082  }
0x22: {  	[simem:s7], [sflag:s8] =	dma.local @!p0 [hbm:s6], $0xF7A  }
0x23: {  	s9 =	sor.u32 $0xD0000000, s2;
	s6 =	simm.s32 $0x108;
	_ =	swait.ge @!p0 [sflag:s8], $0x0  }
0x24: {  	s3 =	sadd.s32 $0x88, s3;
	s6 =	simm.s32 @!p1 $0x1082;
	[sflag:s4] =	ssyncset.s32 $0xFFFFF086  }
0x25: {  	[simem:s6], [sflag:s4] =	dma.local [hbm:s3], $0xF7A  }
0x26: {  	[smem:$0x3F9C] =	sst s1;
	(tag) =	ssettag s2;
	_ =	strace s9  }
0x27: {  	s1 =	sld [smem:$0x3FAC]  }
0x28: {  	s2 =	sld [smem:$0x3FAD]  }
0x29: {  	s4 =	sld [smem:$0x3FAF]  }
0x2a: {  	p0 =	seq.s32 s5, $0x0;
	s5 =	sld [smem:$0x3FB0]  }
0x2b: {  	s6 =	sld [smem:$0x3FB1]  }
0x2c: {  	s7 =	sld [smem:$0x3FB2]  }
0x2d: {  	s3 =	simm.s32 $0x108;
	s8 =	sld [smem:$0x3FB3]  }
0x2e: {  	s3 =	simm.s32 @!p0 $0x1082;
	s9 =	sld [smem:$0x3FB4]  }
0x2f: {  	lr =	sadd.s32 s0, s3;
	s0 =	sld [smem:$0x3FAB]  }
0x30: {  	s3 =	sld [smem:$0x3FAE]  }
0x31: {  	[smem:$0x3FB7] =	sst s10  }
0x32: {  	s10 =	sld [smem:$0x3FB5];
	_ =	sdelay $0x3  }
0x33: {  	p0 =	seq.s32 s10, $0x1;
	s10 =	sld [smem:$0x3FB7];
	_ =	sdelay $0x3  }
0x34: {  	[smem:$0x3FB7] =	sst s10  }
0x35: {  	s10 =	sld [smem:$0x3FB6];
	_ =	sdelay $0x3  }
0x36: {  	p1 =	seq.s32 s10, $0x1;
	s10 =	sld [smem:$0x3FB7];
	_ =	sdelay $0x3  }
0x37: {  	[smem:$0x3FB7] =	sst s10  }
0x38: {  	s10 =	sld [smem:$0x3FB8]  }
0x39: {  	_ = 	snop;
	(pc) =	sbr.ind lr, $3  }
0x3a: {  	_ = 	snop  }
0x3b: {  	_ = 	snop  }
0x3c: {  	p2 =	seq.s32 s10, $0x1;
	s10 =	sld [smem:$0x3FB7]  }
0x3d: {  	_ =	shalt  }
0x3e: {  	_ =	shalt  }
0x3f: {  	_ =	shalt  }
0x40: {  	_ =	shalt  }
0x41: {  	_ =	shalt  }
0x42: {  	_ =	shalt  }
0x43: {  	_ =	shalt  }
0x44: {  	_ =	shalt  }
0x45: {  	_ =	shalt  }
0x46: {  	_ =	shalt  }
0x47: {  	_ =	shalt  }
0x48: {  	_ =	shalt  }
0x49: {  	_ =	shalt  }
0x4a: {  	_ =	shalt  }
0x4b: {  	_ =	shalt  }
0x4c: {  	_ =	shalt  }
0x4d: {  	_ =	shalt  }
0x4e: {  	_ =	shalt  }
0x4f: {  	_ =	shalt  }
0x50: {  	_ =	shalt  }
0x51: {  	_ =	shalt  }
0x52: {  	_ =	shalt  }
0x53: {  	_ =	shalt  }
0x54: {  	_ =	shalt  }
0x55: {  	_ =	shalt  }
0x56: {  	_ =	shalt  }
0x57: {  	_ =	shalt  }
0x58: {  	_ =	shalt  }
0x59: {  	_ =	shalt  }
0x5a: {  	_ =	shalt  }
0x5b: {  	_ =	shalt  }
0x5c: {  	_ =	shalt  }
0x5d: {  	_ =	shalt  }
0x5e: {  	_ =	shalt  }
0x5f: {  	_ =	shalt  }
0x60: {  	_ =	shalt  }
0x61: {  	_ =	shalt  }
0x62: {  	_ =	shalt  }
0x63: {  	_ =	shalt  }
0x64: {  	_ =	shalt  }
0x65: {  	_ =	shalt  }
0x66: {  	_ =	shalt  }
0x67: {  	_ =	shalt  }
0x68: {  	_ =	shalt  }
0x69: {  	_ =	shalt  }
0x6a: {  	_ =	shalt  }
0x6b: {  	_ =	shalt  }
0x6c: {  	_ =	shalt  }
0x6d: {  	_ =	shalt  }
0x6e: {  	_ =	shalt  }
0x6f: {  	_ =	shalt  }
0x70: {  	_ =	shalt  }
0x71: {  	_ =	shalt  }
0x72: {  	_ =	shalt  }
0x73: {  	_ =	shalt  }
0x74: {  	_ =	shalt  }
0x75: {  	_ =	shalt  }
0x76: {  	_ =	shalt  }
0x77: {  	_ =	shalt  }
0x78: {  	_ =	shalt  }
0x79: {  	_ =	shalt  }
0x7a: {  	_ =	shalt  }
0x7b: {  	_ =	shalt  }
0x7c: {  	_ =	shalt  }
0x7d: {  	_ =	shalt  }
0x7e: {  	_ =	shalt  }
0x7f: {  	_ =	shalt  }
0x80: {  	_ =	shalt  }
0x81: {  	_ =	shalt  }
0x82: {  	_ =	shalt  }
0x83: {  	_ =	shalt  }
0x84: {  	_ =	shalt  }
0x85: {  	_ =	shalt  }
0x86: {  	_ =	shalt  }
0x87: {  	_ =	shalt  }
.Lfunc_end0:
.L_simem_size_0:
called_computation_lowered:
.L_overlay_start_0:
0x88: {  	s2 =	sld [smem:$0x3FD9]  }
0x89: {  	s3 =	sld [smem:$0x3FFE];
	_ =	sdelay $0x1  }
0x8a: {  	s1 =	srdreg.scid  }
0x8b: {  	s0 =	sand.u32 $0x1, s1  }
0x8c: {  	s16 =	sshll.u32 s0, $0xA;
	s2 =	sadd.s32 s3, s2  }
0x8d: {  	s2 =	sadd.s32 s2, s16  }
0x8e: {  	[smem:$0x3FC3] =	sst s2  }
0x8f: {  	_ = 	snop  }
0x90: {  	(tm) =	ssettm $0x1  }
0x91: {  	s17 =	sld [smem:$0x3FFB];
	_ =	sdelay $0x3  }
0x92: {  	_ =	strace s17  }
0x93: {  	s2 =	sld [smem:$0x3FFC];
	_ =	sdelay $0x3  }
0x94: {  	_ =	strace s2  }
0x95: {  	s2 =	sld [smem:$0x3FFD];
	_ =	sdelay $0x3  }
0x96: {  	_ =	strace s2  }
0x97: {  	_ =	strace $0x8FFFFFFF  }
0x98: {  	s18 =	sld [smem:$0x3FDB];
	_ =	sdelay $0x1  }
0x99: {  	s19 =	simm.s32 $_scs_section_size  }
0x9a: {  	s4 =	simm.s32 $_size__tile_overlayer_lowered;
	s5 =	simm.s32 $_tile_overlayer_lowered  }
0x9b: {  	s22 =	simm.s32 $0x1BFF;
	s21 =	sshll.u32 s5, $0x1;
	s2 =	sadd.s32 s19, s18  }
0x9c: {  	s6 =	simm.s32 $0x0;
	s20 =	sshll.u32 s4, $0x1;
	s4 =	sadd.s32 s21, s2  }
0x9d: {  	[timem:s6], [sflag:s22] =	dma.local [hbm:s4], s20  }
0x9e: {  	_ =	swait.ge [sflag:s22], s20  }
0x9f: {  	s3 =	ssub.s32 $0x0, s20;
	[sflag:s22] =	ssyncset.done $0x0  }
0xa0: {  	[sflag:s22] =	ssyncadd.s32 s3;
	_ =	sdelay $0x1  }
0xa1: {  	s23 =	simm.s32 $0x1B8B  }
0xa2: {  	_ =	swait.ge [sflag:s23], $0x1  }
0xa3: {  	[sflag:s23] =	ssyncset.done $0x0  }
0xa4: {  	s25 =	simm.s32 $0x1B8E;
	s24 =	sld [smem:$0x3FFE];
	[sflag:s23] =	ssyncadd.s32 $0xFFFFFFFF  }
0xa5: {  	s26 =	simm.s32 $execute0_lowered;
	[smem:$0x3FD2] =	sst s25  }
0xa6: {  	s4 =	sshll.u32 s26, $0x1;
	_ =	strace $0x80000061;
	[dreg:$0x1] =	wrdreg $0xFFFFFFFF  }
0xa7: {  	s28 =	simm.s32 $_size_execute0_lowered;
	s2 =	sadd.s32 s2, s4;
	[dreg:$0x0] =	wrdreg $0x0  }
0xa8: {  	s4 =	sshll.u32 s28, $0x1;
	[dreg:$0x2] =	wrdreg s2  }
0xa9: {  	[dreg:$0x3] =	wrdreg s4  }
0xaa: {  	[dreg:$0x4] =	wrdreg $0xC0  }
0xab: {  	_ =	task [dreg:s6], $0x5FFFF  }
0xac: {  	[dreg:$0x1] =	wrdreg $0xFFFFFFFF  }
0xad: {  	[dreg:$0x0] =	wrdreg $0x60  }
0xae: {  	[dreg:$0x2] =	wrdreg s24  }
0xaf: {  	[dreg:$0x3] =	wrdreg $0x9  }
0xb0: {  	_ =	task.clear_ibuf [dreg:s6], $0x4FFFF;
	_ =	strace $0x90000061  }
0xb1: {  	s29 =	simm.s32 $0x9;
	_ =	strace $0x80000063  }
0xb2: {  	_ =	swait.ge [sflag:s29], $0x1  }
0xb3: {  	[sflag:s29] =	ssyncadd.s32 $0xFFFFFFFF  }
0xb4: {  	_ =	strace $0x90000063  }
0xb5: {  	_ =	sfence  }
0xb6: {  	s30 =	sld [smem:$0x0];
	_ =	sdelay $0x2  }
0xb7: {  	s31 =	sshll.u32 s1, $0xD;
	s1 =	sshrl.u32 s1, $0x2  }
0xb8: {  	s3 =	sand.u32 $0x4000, s31;
	s1 =	sadd.s32 s1, s30  }
0xb9: {  	s0 =	sor.u32 s3, s0;
	s1 =	sshll.u32 s1, $0x11  }
0xba: {  	s0 =	sor.u32 s1, s0  }
0xbb: {  	s0 =	sadd.s32 $0x8F2B, s0  }
0xbc: {  	[sflag:s0] =	ssyncadd.remote.s32 $0x1  }
0xbd: {  	_ =	sfence.sel $0xFFFF  }
0xbe: {  	[dreg:$0x0] =	wrdreg $0xFFFFFFFF;
	(pc) =	sbr.abs _section_cstart, $3  }
0xbf: {  	[dreg:$0x1] =	wrdreg $0xFFFFFFFF  }
0xc0: {  	_ =	task.clear_ibuf [dreg:s6], $0x2FFFF;
	_ =	strace $0x9FFFFFFF  }
0xc1: {  	(tm) =	ssettm $0x7FFFFFFF  }
tec
execute0_lowered:
.L_overlay_start_1:
0x0: {  	(tag) =	ssettag $0x1  }
0x1: {  	s7 =	rddreg [dreg:$0x0]  }
0x2: {  	s0 =	rddreg [dreg:$0x1];
	_ =	strace $0x80000062  }
0x3: {  	s1 =	srdreg.scid;
	s4 =	simm.s32 $0x1;
	s9 =	simm.s32 $0x3  }
0x4: {  	s12 =	simm.s32 $0x0;
	s10 =	simm.s32 $0x0;
	s5 =	sshll.u32 s1, $0x4  }
.Ltmp0:
0x5: {  	s1 =	stileid.u32;
	s5 =	sand.u32 $0x10, s5;
	(pc) =	sbr.rel .LBB2_1-.Ltmp0, $4  }
0x6: {  	s2 =	sadd.s32 $0x2600, s7;
	s3 =	sadd.s32 $0x2200, s7;
	s6 =	sor.u32 s1, s5  }
0x7: {  	[sflag:s4] =	ssyncpa.u1 $0x0;
	s5 =	simm.s32 $0x2;
	s6 =	sshll.u32 s6, $0x8  }
0x8: {  	s7 =	sadd.s32 $0x22600, s7;
	[sflag:s5] =	ssyncpa.u1 $0x0;
	s8 =	sadd.s32 $0x100, s6  }
0x9: {  	vm0 =	vmmov $0xff;
	vm1 =	vcmask $0x3F20;
	[sflag:s9] =	ssyncpa.u1 $0x0;
	s9 =	simm.s32 $0x100;
	s11 =	smov.u32 s6  }
.LBB2_9:
0xa: {  	p0 =	seq.s32 s10, $0x2  }
.Ltmp1:
0xb: {  	_ = 	snop;
	(pc) =	sbr.rel @p0 .LBB2_11-.Ltmp1, $1  }
0xc: {  	_ =	sdelay $0x3  }
.LBB2_10:
0xd: {  	s12 =	sadd.s32 $0x100, s11  }
0xe: {  	s13 =	smov.u32 s6;
	p0 =	slt.s32 s12, s8  }
0xf: {  	s13 =	smov.u32 @p0 s12  }
0x10: {  	s10 =	sadd.s32 $0x1, s10;
	s12 =	smov.u32 s11;
	s11 =	smov.u32 s13  }
.LBB2_1:
0x11: {  	p0 =	sne.s32 s10, $0x0  }
.Ltmp2:
0x12: {  	_ = 	snop;
	(pc) =	sbr.rel @!p0 .LBB2_2-.Ltmp2, $1  }
0x13: {  	_ =	sdelay $0x3  }
0x14: {  	s13 =	sand.u32 $0x1, s10  }
0x15: {  	p0 =	seq.s32 s13, $0x0  }
.Ltmp3:
0x16: {  	_ = 	snop;
	(pc) =	sbr.rel @p0 .LBB2_9-.Ltmp3, $1  }
0x17: {  	_ =	sdelay $0x3  }
0x18: {  	_ =	swait.ge [sflag:s5], $0x100  }
0x19: {  	[sflag:s5] =	ssyncset.done $0x0  }
0x1a: {  	s13 =	simm.s32 $0x0;
	[sflag:s5] =	ssyncadd.s32 $0xFFFFFF00  }
0x1b: {  	v0 =	vld.msk [tilespmem:s13+$0x100 ss:$0x1], $0xffff;
	_ =	sdelay $0x4  }
0x1c: {  	v1 =	vshll.u32 v0, $0x5  }
0x1d: {  	vm2 =	veq.s32 v0, $0x80000000;
	v0 =	vshll.u32 v0, $0x12;
	v1 =	vand.u32 $0x3FF80, v1  }
0x1e: {  	v0 =	vand.u32 $0xC0000, v0;
	v1 =	vsel vm2, $0xFFFFFF80, v1  }
0x1f: {  	v0 =	vsel vm2, $0xFFFC0000, v0;
	v2 =	vand.u32 $0xFFFFFC00, v1  }
0x20: {  	v1 =	vand.u32 $0x380, v1;
	v0 =	vadd.s32 v0, v2  }
0x21: {  	v0 =	vor.u32 v1, v0  }
0x22: {  	v0 =	vshrl.u32 v0, $0x3;
	_ =	sdelay $0x3  }
0x23: {  	s13 =	simm.s32 $0x8200  }
0x24: {  	[tilespmem:s13], [sflag:$0x1] =	stream.indirect_vreg.gather [hbm:s2], $0x80, v0, vm0, $0x38;
	[tilespmem:$0x10200] =	vst v63  }
0x25: {  	s14 =	simm.s32 $0x8600;
	s31 =	simm.s32 $0x10  }
0x26: {  	[tilespmem:s14], [sflag:$0x1] =	stream.indirect_vreg.gather [hbm:s2], $0x80, v0, vm1, $0x38;
	[tilespmem:$0x10200] =	vst v63  }
0x27: {  	s14 =	simm.s32 $0x80;
	v0 =	vld.msk [tilespmem:s31+$0x100 ss:$0x1], $0xffff  }
.LBB2_5:
0x28: {  	p0 =	sne.s32 s14, $0x3C0;
	_ =	sdelay $0x4  }
0x29: {  	v1 =	vshll.u32 v0, $0x5  }
0x2a: {  	vm2 =	veq.s32 v0, $0x80000000;
	v0 =	vshll.u32 v0, $0x12;
	v1 =	vand.u32 $0x3FF80, v1  }
0x2b: {  	v0 =	vand.u32 $0xC0000, v0;
	v1 =	vsel vm2, $0xFFFFFF80, v1  }
0x2c: {  	v0 =	vsel vm2, $0xFFFC0000, v0;
	v2 =	vand.u32 $0xFFFFFC00, v1  }
0x2d: {  	v1 =	vand.u32 $0x380, v1;
	v0 =	vadd.s32 v0, v2  }
0x2e: {  	v0 =	vor.u32 v1, v0  }
0x2f: {  	v0 =	vshrl.u32 v0, $0x3;
	_ =	sdelay $0x3  }
.Ltmp4:
0x30: {  	s13 =	sadd.s32 $0x800, s13;
	(pc) =	sbr.rel @p0 .LBB2_5-.Ltmp4, $4  }
0x31: {  	[tilespmem:s13], [sflag:$0x1] =	stream.indirect_vreg.gather [hbm:s2], $0x80, v0, vm0, $0x38;
	[tilespmem:$0x10200] =	vst v63  }
0x32: {  	s15 =	sshra.s32 s14, $0x2;
	s16 =	sadd.s32 $0x400, s13  }
0x33: {  	[tilespmem:s16], [sflag:$0x1] =	stream.indirect_vreg.gather [hbm:s2], $0x80, v0, vm1, $0x38;
	[tilespmem:$0x10200] =	vst v63  }
0x34: {  	s14 =	sadd.s32 $0x40, s14;
	v0 =	vld.msk [tilespmem:s15+$0x100 ss:$0x1], $0xffff  }
0x35: {  	_ =	sdelay $0x3  }
0x36: {  	v1 =	vshll.u32 v0, $0x5  }
0x37: {  	vm2 =	veq.s32 v0, $0x80000000;
	v63 =	vshll.u32 v0, $0x12;
	v1 =	vand.u32 $0x3FF80, v1  }
0x38: {  	v0 =	vand.u32 $0xC0000, v63;
	v1 =	vsel vm2, $0xFFFFFF80, v1  }
0x39: {  	v0 =	vsel vm2, $0xFFFC0000, v0;
	v2 =	vand.u32 $0xFFFFFC00, v1  }
0x3a: {  	v1 =	vand.u32 $0x380, v1;
	v0 =	vadd.s32 v0, v2  }
0x3b: {  	v0 =	vor.u32 v1, v0  }
0x3c: {  	v0 =	vshrl.u32 v0, $0x3;
	_ =	sdelay $0x3  }
0x3d: {  	s13 =	sadd.s32 $0x800, s13  }
0x3e: {  	[tilespmem:s13], [sflag:$0x1] =	stream.indirect_vreg.gather [hbm:s2], $0x80, v0, vm0, $0x38;
	[tilespmem:$0x10200] =	vst v63  }
0x3f: {  	s13 =	sadd.s32 $0x400, s13  }
0x40: {  	[tilespmem:s13], [sflag:$0x1] =	stream.indirect_vreg.gather [hbm:s2], $0x80, v0, vm1, $0x38;
	[tilespmem:$0x10200] =	vst v63  }
0x41: {  	s12 =	sshll.u32 s12, $0x4;
	s14 =	simm.s32 $0x80;
	_ =	swait.ge [sflag:s4], $0x8000  }
0x42: {  	s15 =	simm.s32 $0x8600;
	s12 =	sadd.s32 s12, s7;
	[sflag:s4] =	ssyncset.done $0x0  }
0x43: {  	s16 =	sadd.s32 $0x0, s12;
	s13 =	simm.s32 $0x8200;
	[sflag:s4] =	ssyncadd.s32 $0xFFFF8000  }
.LBB2_7:
0x44: {  	[hbm:s16] =	stream.linear.scatter [tilespmem:s13], [sflag:$0x3], $0x400, $0x38;
	[tilespmem:$0x10200] =	vst v63  }
0x45: {  	s16 =	smov.u32 s14;
	s13 =	smov.u32 s15;
	p0 =	sne.s32 s14, $0xF80  }
.Ltmp5:
0x46: {  	s14 =	sadd.s32 $0x80, s14;
	(pc) =	sbr.rel @p0 .LBB2_7-.Ltmp5, $2  }
0x47: {  	_ =	sdelay $0x2  }
0x48: {  	s15 =	sadd.s32 $0x400, s15;
	s16 =	sadd.s32 s16, s12  }
.Ltmp6:
0x49: {  	(pc) =	sbr.rel .LBB2_9-.Ltmp6, $2  }
0x4a: {  	_ =	sdelay $0x2  }
0x4b: {  	[hbm:s16] =	stream.linear.scatter [tilespmem:s13], [sflag:$0x3], $0x400, $0x38;
	[tilespmem:$0x10200] =	vst v63  }
.LBB2_2:
.Ltmp7:
0x4c: {  	(pc) =	sbr.rel .LBB2_10-.Ltmp7, $4  }
0x4d: {  	_ = 	snop  }
0x4e: {  	s12 =	sshrl.u32 s11, $0x3  }
0x4f: {  	s13 =	sand.u32 $0x7, s11;
	s12 =	sadd.s32 s3, s12  }
0x50: {  	[tilespmem:s9], [sflag:$0x2] =	stream.linear.gather [hbm4b:s12+s13], $0x100, $0x38;
	[tilespmem:$0x10200] =	vst v63  }
.LBB2_11:
0x51: {  	s2 =	simm.s32 $0x3  }
0x52: {  	_ =	swait.ge [sflag:s2], $0x8000  }
0x53: {  	[sflag:s2] =	ssyncset.done $0x0  }
0x54: {  	[sflag:s2] =	ssyncadd.s32 $0xFFFF8000  }
0x55: {  	_ =	sfence.sel $0x180000  }
0x56: {  	s3 =	simm.s32 $0x2;
	[bflag:$0x0] =	sbarrier.arrive $0xFFFF  }
0x57: {  	[sflag:s3] =	ssyncpa.u1 $0x1  }
0x58: {  	s31 =	simm.s32 $0x1;
	[sflag:s2] =	ssyncpa.u1 $0x1  }
0x59: {  	[sflag:s31] =	ssyncpa.u1 $0x1  }
0x5a: {  	p0 =	sne.s32 s1, $0x0;
	_ =	strace $0x90000062  }
0x5b: {  	s0 =	sadd.s32 @!p0 $0x100000, s0;
	[bflag:$0x2] =	sbarrier.arrive $0xFFFF  }
0x5c: {  	[sflag:s0] =	ssyncadd.tile.s32 @!p0 $0x1;
	_ =	shalt  }
.Lfunc_end2:
_tile_overlayer_lowered:
.L_overlay_start_2:
0x5d: {  	(tag) =	ssettag $0x2  }
0x5e: {  	s0 =	rddreg [dreg:$0x0];
	s2 =	stileid.u32  }
0x5f: {  	s1 =	rddreg [dreg:$0x1];
	p0 =	sne.s32 s2, $0x0  }
0x60: {  	s3 =	rddreg [dreg:$0x2];
	[bflag:$0x3] =	sbarrier.arrive $0xFFFF;
	s2 =	simm.s32 @!p0 $0x1C01  }
0x61: {  	[timem:s3], [sflag:s2] =	dma.local @!p0 [hbm:s0], s1  }
0x62: {  	s0 =	simm.s32 @!p0 $0x1  }
0x63: {  	_ =	swait.ge @!p0 [sflag:s0], s1  }
0x64: {  	s1 =	ssub.s32 @!p0 $0x0, s1;
	[sflag:s0] =	ssyncset.done @!p0 $0x0  }
0x65: {  	[sflag:s0] =	ssyncadd.s32 @!p0 s1  }
0x66: {  	[bflag:$0x3] =	sbarrier.arrive $0xFFFF  }
0x67: {  	_ =	shalt  }

</sc_bundles>
